<compile_context>
chip_gen: v7x
topology: tpu7x:2x2x1
jax: 0.10.2.dev20260603
libtpu: 0.0.44.dev20260713+nightly
codegen_flags: <defaults>
</compile_context>

<pallas_src>
import functools

import jax
import jax.numpy as jnp
from jax import lax
from jax.experimental import pallas as pl
from jax.experimental.pallas import tpu as pltpu
from jax.experimental.pallas import tpu_sc as plsc

N = 10000
E = 5000
NNZ = 320000
D = 128
HALF = 64
NC = 2
NS = 16
XPAD = 10112
EPAD = 5120
CHUNK = 216
NCH = 93
NNZP = NS * NCH * CHUNK
XROWS = XPAD // NS
EROWS = EPAD // NS

_mesh = plsc.VectorSubcoreMesh(core_axis_name="c", subcore_axis_name="s")


def _sc_body(x_hbm, dv_hbm, de_hbm, pidx_hbm, xn_hbm, hx_hbm, out_hbm,
             acc, xbuf, sbuf, idx0, idx1, rows0, rows1, sc_v,
             gsem0, gsem1, isem0, isem1):
    c = lax.axis_index("c")
    s = lax.axis_index("s")

    for r_off, sz in ((0, 320), (320, 312)):
        r0 = s * XROWS + r_off
        pltpu.sync_copy(x_hbm.at[pl.ds(r0, sz), pl.ds(c * HALF, HALF)],
                        xbuf.at[pl.ds(0, sz)])
        pltpu.sync_copy(dv_hbm.at[pl.ds(r0, sz)], sc_v.at[pl.ds(0, sz)])

        def scale_grp(g, carry):
            dvv = sc_v[pl.ds(g * 16, 16)]
            for j in range(16):
                r = g * 16 + j
                dvr = dvv[j]
                for k in range(4):
                    sbuf[r, pl.ds(k * 16, 16)] = (
                        xbuf[r, pl.ds(k * 16, 16)] * dvr)
            return carry

        lax.fori_loop(0, (sz + 15) // 16, scale_grp, 0)
        pltpu.sync_copy(sbuf.at[pl.ds(0, sz)], xn_hbm.at[c, pl.ds(r0, sz)])

    def zero_row(r, carry):
        for k in range(4):
            sbuf[r, pl.ds(k * 16, 16)] = jnp.zeros((16,), jnp.float32)
        return carry

    lax.fori_loop(0, 320, zero_row, 0)
    pltpu.sync_copy(sbuf, acc.at[pl.ds(s * EROWS, 320)])

    def agg(src_at, dst, grow, srow):
        idxs, rows = (idx0, idx1), (rows0, rows1)
        gsems, isems = (gsem0, gsem1), (isem0, isem1)
        pltpu.async_copy(pidx_hbm.at[s, 0], idx0, isem0)
        pltpu.async_copy(pidx_hbm.at[s, 1], idx1, isem1)
        pltpu.make_async_copy(pidx_hbm.at[s, 0], idx0, isem0).wait()
        pltpu.async_copy(src_at(idx0.at[grow]), rows0, gsem0)

        def body(i2, carry):
            for p in range(2):
                a = i2 * 2 + p
                cur, nxt = idxs[p], idxs[1 - p]
                pltpu.make_async_copy(pidx_hbm.at[s, a + 1], nxt,
                                      isems[1 - p]).wait()
                pltpu.async_copy(src_at(nxt.at[grow]), rows[1 - p],
                                 gsems[1 - p])
                pltpu.make_async_copy(src_at(cur.at[grow]), rows[p],
                                      gsems[p]).wait()
                pltpu.sync_copy(rows[p], dst.at[cur.at[srow]], add=True)
                pltpu.async_copy(pidx_hbm.at[s, a + 2], cur, isems[p])
            return carry

        lax.fori_loop(0, (NCH - 1) // 2, body, 0)
        pltpu.make_async_copy(src_at(idx0.at[grow]), rows0, gsem0).wait()
        pltpu.sync_copy(rows0, dst.at[idx0.at[srow]], add=True)
        pltpu.make_async_copy(pidx_hbm.at[s, 0], idx1, isem1).wait()

    plsc.subcore_barrier()

    agg(lambda i: xn_hbm.at[c].at[i], acc, 0, 1)
    plsc.subcore_barrier()

    pltpu.sync_copy(de_hbm.at[pl.ds(s * EROWS, 320)], sc_v)
    pltpu.sync_copy(acc.at[pl.ds(s * EROWS, 320)], sbuf)

    def scale_hx(g, carry):
        dev = sc_v[pl.ds(g * 16, 16)]
        for j in range(16):
            r = g * 16 + j
            der = dev[j]
            for k in range(4):
                sl = pl.ds(k * 16, 16)
                sbuf[r, sl] = sbuf[r, sl] * der
        return carry

    lax.fori_loop(0, 20, scale_hx, 0)
    pltpu.sync_copy(sbuf, hx_hbm.at[c, pl.ds(s * EROWS, 320)])
    plsc.subcore_barrier()

    def zero_row2(r, carry):
        for k in range(4):
            sbuf[r, pl.ds(k * 16, 16)] = jnp.zeros((16,), jnp.float32)
        return carry

    lax.fori_loop(0, 320, zero_row2, 0)
    pltpu.sync_copy(sbuf, acc.at[pl.ds(s * XROWS, 320)])
    pltpu.sync_copy(sbuf.at[pl.ds(0, 312)], acc.at[pl.ds(s * XROWS + 320, 312)])
    plsc.subcore_barrier()

    agg(lambda i: hx_hbm.at[c].at[i], acc, 1, 0)
    plsc.subcore_barrier()

    pltpu.sync_copy(acc.at[pl.ds(s * XROWS, XROWS)],
                    out_hbm.at[c, pl.ds(s * XROWS, XROWS)])


_sc_call = functools.partial(
    pl.kernel,
    out_type=(pltpu.HBM((NC, XPAD, HALF), jnp.float32),
              pltpu.HBM((NC, EPAD, HALF), jnp.float32),
              pltpu.HBM((NC, XPAD, HALF), jnp.float32)),
    mesh=_mesh,
    compiler_params=pltpu.CompilerParams(use_tc_tiling_on_sc=False),
    scratch_types=[
        pltpu.VMEM_SHARED((XPAD, HALF), jnp.float32),
        pltpu.VMEM((320, HALF), jnp.float32),
        pltpu.VMEM((320, HALF), jnp.float32),
        pltpu.VMEM((2, CHUNK), jnp.int32),
        pltpu.VMEM((2, CHUNK), jnp.int32),
        pltpu.VMEM((CHUNK, HALF), jnp.float32),
        pltpu.VMEM((CHUNK, HALF), jnp.float32),
        pltpu.VMEM((320,), jnp.float32),
        pltpu.SemaphoreType.DMA,
        pltpu.SemaphoreType.DMA,
        pltpu.SemaphoreType.DMA,
        pltpu.SemaphoreType.DMA,
    ],
)(_sc_body)


def _fin_body(raw_ref, dv_ref, w_ref, b_ref, out_ref):
    r = raw_ref[...]
    x = jnp.concatenate([r[0], r[1]], axis=-1) * dv_ref[...]
    out_ref[...] = lax.dot_general(
        x, w_ref[...], (((1,), (1,)), ((), ())),
        preferred_element_type=jnp.float32) + b_ref[...]


_BN = 2000
_fin_call = pl.pallas_call(
    _fin_body,
    grid=(N // _BN,),
    in_specs=[
        pl.BlockSpec((NC, _BN, HALF), lambda i: (0, i, 0)),
        pl.BlockSpec((_BN, 1), lambda i: (i, 0)),
        pl.BlockSpec((D, D), lambda i: (0, 0)),
        pl.BlockSpec((1, D), lambda i: (0, 0)),
    ],
    out_specs=pl.BlockSpec((_BN, D), lambda i: (i, 0)),
    out_shape=jax.ShapeDtypeStruct((N, D), jnp.float32),
)


def kernel(X, H_node_idx, H_edge_idx, H_values, DV_inv_sqrt, DE_inv, W, b):
    del H_values
    Xp = jnp.pad(X, ((0, XPAD - N), (0, 0)))
    DVp = jnp.pad(DV_inv_sqrt, (0, XPAD - N))
    DEp = jnp.pad(DE_inv, (0, EPAD - E))
    nidx = jnp.pad(H_node_idx, (0, NNZP - NNZ),
                   constant_values=N).reshape(NS, NCH, CHUNK)
    eidx = jnp.pad(H_edge_idx, (0, NNZP - NNZ),
                   constant_values=E).reshape(NS, NCH, CHUNK)
    pidx = jnp.pad(jnp.stack([nidx, eidx], axis=2),
                   ((0, 0), (0, 2), (0, 0), (0, 0)))
    raw = _sc_call(Xp, DVp, DEp, pidx)[2]
    return _fin_call(raw, DV_inv_sqrt.reshape(N, 1), W, b.reshape(1, D))

# --- scband reference (transcript-rebuilt; emitter-appended) ---
"""Pipeline reference for scband-hgnnlayer-43559558316711 (READ-ONLY COPY).

The authoritative reference and input builder live on the scoring server;
editing this copy changes nothing except your own understanding.
"""

import jax, jax.numpy as jnp
import numpy as np

N = 10000
E = 5000
NNZ = 320000
D = 128


def setup_inputs(seed: int = 0) -> dict:
    key = jax.random.key(seed)
    ks = jax.random.split(key, 8)
    X = jax.random.normal(ks[0], (N, D), dtype=jnp.float32)
    H_node_idx = jax.random.randint(ks[1], (NNZ,), 0, N, dtype=jnp.int32)
    H_edge_idx = jax.random.randint(ks[2], (NNZ,), 0, E, dtype=jnp.int32)
    H_values = jnp.ones((NNZ,), dtype=jnp.float32)
    DV_inv_sqrt = jax.random.uniform(ks[3], (N,), dtype=jnp.float32)
    DE_inv = jax.random.uniform(ks[4], (E,), dtype=jnp.float32)
    # nn.Linear(dim, dim) parameters
    bound = 1.0 / np.sqrt(D)
    W = jax.random.uniform(ks[5], (D, D), dtype=jnp.float32, minval=-bound, maxval=bound)
    b = jax.random.uniform(ks[6], (D,), dtype=jnp.float32, minval=-bound, maxval=bound)
    return {"X": X, "H_node_idx": H_node_idx, "H_edge_idx": H_edge_idx,
            "H_values": H_values, "DV_inv_sqrt": DV_inv_sqrt, "DE_inv": DE_inv,
            "W": W, "b": b}


def reference(X, H_node_idx, H_edge_idx, H_values, DV_inv_sqrt, DE_inv, W, b):
    # X: [N, D]; sparse incidence H: [N, E] in COO form (H_node_idx, H_edge_idx, H_values)
    n_edges = DE_inv.shape[0]
    X_norm = X * DV_inv_sqrt[:, None]
    # HX = H^T @ X_norm : gather node rows, scatter-add into hyperedge rows
    gathered = H_values[:, None] * jnp.take(X_norm, H_node_idx, axis=0)
    HX = jnp.zeros((n_edges, X.shape[1]), dtype=X.dtype).at[H_edge_idx].add(gathered)
    HX = HX * DE_inv[:, None]
    # X_out = H @ HX : gather hyperedge rows, scatter-add into node rows
    back = H_values[:, None] * jnp.take(HX, H_edge_idx, axis=0)
    X_out = jnp.zeros_like(X).at[H_node_idx].add(back)
    X_out = X_out * DV_inv_sqrt[:, None]
    X_out = X_out @ W.T + b
    return X_out

if __name__ == "__main__":
    import jax
    _d = setup_inputs()
    print(jax.jit(kernel)(*tuple(_d.values())))

</pallas_src>

<mosaic_0001>
#map = affine_map<(d0, d1) -> (0, 0)>
#map1 = affine_map<(d0, d1) -> (0)>
#map2 = affine_map<(d0, d1) -> (0, 0, 0, 0)>
#map3 = affine_map<(d0, d1) -> (0, 0, 0)>
module attributes {stable_mosaic.version = 14 : i64} {
  func.func @_sc_body(%arg0: i32, %arg1: i32, %arg2: memref<10112x128xf32, #tpu.memory_space<hbm>>, %arg3: memref<10112xf32, #tpu.memory_space<hbm>>, %arg4: memref<5120xf32, #tpu.memory_space<hbm>>, %arg5: memref<16x95x2x216xi32, #tpu.memory_space<hbm>>, %arg6: memref<2x10112x64xf32, #tpu.memory_space<hbm>>, %arg7: memref<2x5120x64xf32, #tpu.memory_space<hbm>>, %arg8: memref<2x10112x64xf32, #tpu.memory_space<hbm>>, %arg9: memref<10112x64xf32, #tpu.memory_space<vmem_shared>>, %arg10: memref<320x64xf32, #tpu.memory_space<vmem>>, %arg11: memref<320x64xf32, #tpu.memory_space<vmem>>, %arg12: memref<2x216xi32, #tpu.memory_space<vmem>>, %arg13: memref<2x216xi32, #tpu.memory_space<vmem>>, %arg14: memref<216x64xf32, #tpu.memory_space<vmem>>, %arg15: memref<216x64xf32, #tpu.memory_space<vmem>>, %arg16: memref<320xf32, #tpu.memory_space<vmem>>, %arg17: memref<!tpu.dma_semaphore, #tpu.memory_space<semaphore_mem>>, %arg18: memref<!tpu.dma_semaphore, #tpu.memory_space<semaphore_mem>>, %arg19: memref<!tpu.dma_semaphore, #tpu.memory_space<semaphore_mem>>, %arg20: memref<!tpu.dma_semaphore, #tpu.memory_space<semaphore_mem>>) attributes {dimension_semantics = [#tpu.dimension_semantics<core_parallel>, #tpu.dimension_semantics<subcore_parallel>], iteration_bounds = array<i64: 2, 16>, scalar_prefetch = 0 : i64, scratch_operands = 12 : i64, tpu.core_type = #tpu.core_type<sc_vector_subcore>, window_params = [{transform_indices = #map}, {transform_indices = #map1}, {transform_indices = #map1}, {transform_indices = #map2}, {transform_indices = #map3}, {transform_indices = #map3}, {transform_indices = #map3}]} {
    %mul3A = arith.constant 632 : i32
    %mul3A_0 = arith.muli %arg1, %mul3A : i32
    %add3A = arith.constant 0 : i32
    %add3A_1 = arith.addi %mul3A_0, %add3A : i32
    %mul3A_2 = arith.constant 64 : i32
    %mul3A_3 = arith.muli %arg0, %mul3A_2 : i32
    "tpu.region"() ({
      %run_scoped3A_188 = tpu.sem_alloc : memref<!tpu.dma_semaphore, #tpu.memory_space<semaphore_mem>>
      %dma_start3A_189 = arith.constant 0 : i32
      %dma_start3A_190 = arith.constant 0 : i32
      %dma_start3A_191 = tpu.memref_slice %arg10[%dma_start3A_189, %dma_start3A_190] : memref<320x64xf32, #tpu.memory_space<vmem>> -> memref<320x64xf32, #tpu.memory_space<vmem>>
      %dma_start3A_192 = tpu.memref_slice %arg2[%add3A_1, %mul3A_3] : memref<10112x128xf32, #tpu.memory_space<hbm>> -> memref<320x64xf32, #tpu.memory_space<hbm>>
      %dma_start3A_193 = arith.constant 0 : i32
      %dma_start3A_194 = arith.constant 0 : i32
      %dma_start3A_195 = tpu.memref_slice %arg10[%dma_start3A_193, %dma_start3A_194] : memref<320x64xf32, #tpu.memory_space<vmem>> -> memref<320x64xf32, #tpu.memory_space<vmem>>
      %dma_start3A_196 = tpu.memref_slice %arg2[%add3A_1, %mul3A_3] : memref<10112x128xf32, #tpu.memory_space<hbm>> -> memref<320x64xf32, #tpu.memory_space<hbm>>
      tpu.enqueue_dma source(%dma_start3A_196 : memref<320x64xf32, #tpu.memory_space<hbm>>) target(%dma_start3A_195 : memref<320x64xf32, #tpu.memory_space<vmem>>) target_semaphore(%run_scoped3A_188 : memref<!tpu.dma_semaphore, #tpu.memory_space<semaphore_mem>>)
      %dma_wait3A_197 = arith.constant 0 : i32
      %dma_wait3A_198 = arith.constant 0 : i32
      %dma_wait3A_199 = tpu.memref_slice %arg10[%dma_wait3A_197, %dma_wait3A_198] : memref<320x64xf32, #tpu.memory_space<vmem>> -> memref<320x64xf32, #tpu.memory_space<vmem>>
      %dma_wait3A_200 = tpu.memref_slice %arg2[%add3A_1, %mul3A_3] : memref<10112x128xf32, #tpu.memory_space<hbm>> -> memref<320x64xf32, #tpu.memory_space<hbm>>
      %dma_wait3A_201 = arith.constant 0 : i32
      %dma_wait3A_202 = arith.constant 0 : i32
      %dma_wait3A_203 = tpu.memref_slice %arg10[%dma_wait3A_201, %dma_wait3A_202] : memref<320x64xf32, #tpu.memory_space<vmem>> -> memref<320x64xf32, #tpu.memory_space<vmem>>
      %dma_wait3A_204 = tpu.memref_slice %arg2[%add3A_1, %mul3A_3] : memref<10112x128xf32, #tpu.memory_space<hbm>> -> memref<320x64xf32, #tpu.memory_space<hbm>>
      tpu.wait_dma2 semaphore(%run_scoped3A_188 : memref<!tpu.dma_semaphore, #tpu.memory_space<semaphore_mem>>) src(%dma_wait3A_204 : memref<320x64xf32, #tpu.memory_space<hbm>>) dst(%dma_wait3A_203 : memref<320x64xf32, #tpu.memory_space<vmem>>)
      tpu.yield
    }) : () -> ()
    "tpu.region"() ({
      %run_scoped3A_188 = tpu.sem_alloc : memref<!tpu.dma_semaphore, #tpu.memory_space<semaphore_mem>>
      %dma_start3A_189 = arith.constant 0 : i32
      %dma_start3A_190 = tpu.memref_slice %arg16[%dma_start3A_189] : memref<320xf32, #tpu.memory_space<vmem>> -> memref<320xf32, #tpu.memory_space<vmem>>
      %dma_start3A_191 = tpu.memref_slice %arg3[%add3A_1] : memref<10112xf32, #tpu.memory_space<hbm>> -> memref<320xf32, #tpu.memory_space<hbm>>
      %dma_start3A_192 = arith.constant 0 : i32
      %dma_start3A_193 = tpu.memref_slice %arg16[%dma_start3A_192] : memref<320xf32, #tpu.memory_space<vmem>> -> memref<320xf32, #tpu.memory_space<vmem>>
      %dma_start3A_194 = tpu.memref_slice %arg3[%add3A_1] : memref<10112xf32, #tpu.memory_space<hbm>> -> memref<320xf32, #tpu.memory_space<hbm>>
      tpu.enqueue_dma source(%dma_start3A_194 : memref<320xf32, #tpu.memory_space<hbm>>) target(%dma_start3A_193 : memref<320xf32, #tpu.memory_space<vmem>>) target_semaphore(%run_scoped3A_188 : memref<!tpu.dma_semaphore, #tpu.memory_space<semaphore_mem>>)
      %dma_wait3A_195 = arith.constant 0 : i32
      %dma_wait3A_196 = tpu.memref_slice %arg16[%dma_wait3A_195] : memref<320xf32, #tpu.memory_space<vmem>> -> memref<320xf32, #tpu.memory_space<vmem>>
      %dma_wait3A_197 = tpu.memref_slice %arg3[%add3A_1] : memref<10112xf32, #tpu.memory_space<hbm>> -> memref<320xf32, #tpu.memory_space<hbm>>
      %dma_wait3A_198 = arith.constant 0 : i32
      %dma_wait3A_199 = tpu.memref_slice %arg16[%dma_wait3A_198] : memref<320xf32, #tpu.memory_space<vmem>> -> memref<320xf32, #tpu.memory_space<vmem>>
      %dma_wait3A_200 = tpu.memref_slice %arg3[%add3A_1] : memref<10112xf32, #tpu.memory_space<hbm>> -> memref<320xf32, #tpu.memory_space<hbm>>
      tpu.wait_dma2 semaphore(%run_scoped3A_188 : memref<!tpu.dma_semaphore, #tpu.memory_space<semaphore_mem>>) src(%dma_wait3A_200 : memref<320xf32, #tpu.memory_space<hbm>>) dst(%dma_wait3A_199 : memref<320xf32, #tpu.memory_space<vmem>>)
      tpu.yield
    }) : () -> ()
    %scan3A = arith.constant 0 : i32
    %scan3A_4 = arith.constant 0 : i32
    %scan3A_5 = arith.constant 20 : i32
    %scan3A_6 = arith.addi %scan3A_4, %scan3A_5 : i32
    %scan3A_7 = arith.constant 1 : i32
    scf.for %scan3A_188 = %scan3A_4 to %scan3A_6 step %scan3A_7  : i32 {
      %mul3A_189 = arith.constant 16 : i32
      %mul3A_190 = arith.muli %scan3A_188, %mul3A_189 : i32
      %get3A = arith.index_cast %mul3A_190 : i32 to index
      %get3A_191 = tpu.vector_load %arg16[%get3A] {strides = array<i32>} : memref<320xf32, #tpu.memory_space<vmem>>, vector<16xf32>,
      %get3A_192 = vector.shape_cast %get3A_191 : vector<16xf32> to vector<16xf32>
      %mul3A_193 = arith.constant 16 : i32
      %mul3A_194 = arith.muli %scan3A_188, %mul3A_193 : i32
      %add3A_195 = arith.constant 0 : i32
      %add3A_196 = arith.addi %mul3A_194, %add3A_195 : i32
      %slice3A = vector.extract_strided_slice %get3A_192 {offsets = [0], sizes = [1], strides = [1]} : vector<16xf32> to vector<1xf32>
      %squeeze3A = vector.extract %slice3A[0] : f32 from vector<1xf32>
      %get3A_197 = arith.index_cast %add3A_196 : i32 to index
      %get3A_198 = arith.constant 0 : index
      %get3A_199 = tpu.vector_load %arg10[%get3A_197, %get3A_198] {strides = array<i32>} : memref<320x64xf32, #tpu.memory_space<vmem>>, vector<1x16xf32>,
      %get3A_200 = vector.shape_cast %get3A_199 : vector<1x16xf32> to vector<16xf32>
      %mul3A_201 = vector.broadcast %squeeze3A : f32 to vector<16xf32>
      %mul3A_202 = arith.mulf %get3A_200, %mul3A_201 : vector<16xf32>
      %swap3A = arith.index_cast %add3A_196 : i32 to index
      %swap3A_203 = arith.constant 0 : index
      %swap3A_204 = tpu.vector_load %arg11[%swap3A, %swap3A_203] {strides = array<i32>} : memref<320x64xf32, #tpu.memory_space<vmem>>, vector<1x16xf32>,
      %swap3A_205 = vector.shape_cast %swap3A_204 : vector<1x16xf32> to vector<16xf32>
      %swap3A_206 = vector.shape_cast %mul3A_202 : vector<16xf32> to vector<1x16xf32>
      tpu.vector_store %arg11[%swap3A, %swap3A_203], %swap3A_206 {strides = array<i32>} : memref<320x64xf32, #tpu.memory_space<vmem>>, vector<1x16xf32>,
      %get3A_207 = arith.index_cast %add3A_196 : i32 to index
      %get3A_208 = arith.constant 16 : index
      %get3A_209 = tpu.vector_load %arg10[%get3A_207, %get3A_208] {strides = array<i32>} : memref<320x64xf32, #tpu.memory_space<vmem>>, vector<1x16xf32>,
      %get3A_210 = vector.shape_cast %get3A_209 : vector<1x16xf32> to vector<16xf32>
      %mul3A_211 = vector.broadcast %squeeze3A : f32 to vector<16xf32>
      %mul3A_212 = arith.mulf %get3A_210, %mul3A_211 : vector<16xf32>
      %swap3A_213 = arith.index_cast %add3A_196 : i32 to index
      %swap3A_214 = arith.constant 16 : index
      %swap3A_215 = tpu.vector_load %arg11[%swap3A_213, %swap3A_214] {strides = array<i32>} : memref<320x64xf32, #tpu.memory_space<vmem>>, vector<1x16xf32>,
      %swap3A_216 = vector.shape_cast %swap3A_215 : vector<1x16xf32> to vector<16xf32>
      %swap3A_217 = vector.shape_cast %mul3A_212 : vector<16xf32> to vector<1x16xf32>
      tpu.vector_store %arg11[%swap3A_213, %swap3A_214], %swap3A_217 {strides = array<i32>} : memref<320x64xf32, #tpu.memory_space<vmem>>, vector<1x16xf32>,
      %get3A_218 = arith.index_cast %add3A_196 : i32 to index
      %get3A_219 = arith.constant 32 : index
      %get3A_220 = tpu.vector_load %arg10[%get3A_218, %get3A_219] {strides = array<i32>} : memref<320x64xf32, #tpu.memory_space<vmem>>, vector<1x16xf32>,
      %get3A_221 = vector.shape_cast %get3A_220 : vector<1x16xf32> to vector<16xf32>
      %mul3A_222 = vector.broadcast %squeeze3A : f32 to vector<16xf32>
      %mul3A_223 = arith.mulf %get3A_221, %mul3A_222 : vector<16xf32>
      %swap3A_224 = arith.index_cast %add3A_196 : i32 to index
      %swap3A_225 = arith.constant 32 : index
      %swap3A_226 = tpu.vector_load %arg11[%swap3A_224, %swap3A_225] {strides = array<i32>} : memref<320x64xf32, #tpu.memory_space<vmem>>, vector<1x16xf32>,
      %swap3A_227 = vector.shape_cast %swap3A_226 : vector<1x16xf32> to vector<16xf32>
      %swap3A_228 = vector.shape_cast %mul3A_223 : vector<16xf32> to vector<1x16xf32>
      tpu.vector_store %arg11[%swap3A_224, %swap3A_225], %swap3A_228 {strides = array<i32>} : memref<320x64xf32, #tpu.memory_space<vmem>>, vector<1x16xf32>,
      %get3A_229 = arith.index_cast %add3A_196 : i32 to index
      %get3A_230 = arith.constant 48 : index
      %get3A_231 = tpu.vector_load %arg10[%get3A_229, %get3A_230] {strides = array<i32>} : memref<320x64xf32, #tpu.memory_space<vmem>>, vector<1x16xf32>,
      %get3A_232 = vector.shape_cast %get3A_231 : vector<1x16xf32> to vector<16xf32>
      %mul3A_233 = vector.broadcast %squeeze3A : f32 to vector<16xf32>
      %mul3A_234 = arith.mulf %get3A_232, %mul3A_233 : vector<16xf32>
      %swap3A_235 = arith.index_cast %add3A_196 : i32 to index
      %swap3A_236 = arith.constant 48 : index
      %swap3A_237 = tpu.vector_load %arg11[%swap3A_235, %swap3A_236] {strides = array<i32>} : memref<320x64xf32, #tpu.memory_space<vmem>>, vector<1x16xf32>,
      %swap3A_238 = vector.shape_cast %swap3A_237 : vector<1x16xf32> to vector<16xf32>
      %swap3A_239 = vector.shape_cast %mul3A_234 : vector<16xf32> to vector<1x16xf32>
      tpu.vector_store %arg11[%swap3A_235, %swap3A_236], %swap3A_239 {strides = array<i32>} : memref<320x64xf32, #tpu.memory_space<vmem>>, vector<1x16xf32>,
      %mul3A_240 = arith.constant 16 : i32
      %mul3A_241 = arith.muli %scan3A_188, %mul3A_240 : i32
      %add3A_242 = arith.constant 1 : i32
      %add3A_243 = arith.addi %mul3A_241, %add3A_242 : i32
      %slice3A_244 = vector.extract_strided_slice %get3A_192 {offsets = [1], sizes = [1], strides = [1]} : vector<16xf32> to vector<1xf32>
      %squeeze3A_245 = vector.extract %slice3A_244[0] : f32 from vector<1xf32>
      %get3A_246 = arith.index_cast %add3A_243 : i32 to index
      %get3A_247 = arith.constant 0 : index
      %get3A_248 = tpu.vector_load %arg10[%get3A_246, %get3A_247] {strides = array<i32>} : memref<320x64xf32, #tpu.memory_space<vmem>>, vector<1x16xf32>,
      %get3A_249 = vector.shape_cast %get3A_248 : vector<1x16xf32> to vector<16xf32>
      %mul3A_250 = vector.broadcast %squeeze3A_245 : f32 to vector<16xf32>
      %mul3A_251 = arith.mulf %get3A_249, %mul3A_250 : vector<16xf32>
      %swap3A_252 = arith.index_cast %add3A_243 : i32 to index
      %swap3A_253 = arith.constant 0 : index
      %swap3A_254 = tpu.vector_load %arg11[%swap3A_252, %swap3A_253] {strides = array<i32>} : memref<320x64xf32, #tpu.memory_space<vmem>>, vector<1x16xf32>,
      %swap3A_255 = vector.shape_cast %swap3A_254 : vector<1x16xf32> to vector<16xf32>
      %swap3A_256 = vector.shape_cast %mul3A_251 : vector<16xf32> to vector<1x16xf32>
      tpu.vector_store %arg11[%swap3A_252, %swap3A_253], %swap3A_256 {strides = array<i32>} : memref<320x64xf32, #tpu.memory_space<vmem>>, vector<1x16xf32>,
      %get3A_257 = arith.index_cast %add3A_243 : i32 to index
      %get3A_258 = arith.constant 16 : index
      %get3A_259 = tpu.vector_load %arg10[%get3A_257, %get3A_258] {strides = array<i32>} : memref<320x64xf32, #tpu.memory_space<vmem>>, vector<1x16xf32>,
      %get3A_260 = vector.shape_cast %get3A_259 : vector<1x16xf32> to vector<16xf32>
      %mul3A_261 = vector.broadcast %squeeze3A_245 : f32 to vector<16xf32>
      %mul3A_262 = arith.mulf %get3A_260, %mul3A_261 : vector<16xf32>
      %swap3A_263 = arith.index_cast %add3A_243 : i32 to index
      %swap3A_264 = arith.constant 16 : index
      %swap3A_265 = tpu.vector_load %arg11[%swap3A_263, %swap3A_264] {strides = array<i32>} : memref<320x64xf32, #tpu.memory_space<vmem>>, vector<1x16xf32>,
      %swap3A_266 = vector.shape_cast %swap3A_265 : vector<1x16xf32> to vector<16xf32>
      %swap3A_267 = vector.shape_cast %mul3A_262 : vector<16xf32> to vector<1x16xf32>
      tpu.vector_store %arg11[%swap3A_263, %swap3A_264], %swap3A_267 {strides = array<i32>} : memref<320x64xf32, #tpu.memory_space<vmem>>, vector<1x16xf32>,
      %get3A_268 = arith.index_cast %add3A_243 : i32 to index
      %get3A_269 = arith.constant 32 : index
      %get3A_270 = tpu.vector_load %arg10[%get3A_268, %get3A_269] {strides = array<i32>} : memref<320x64xf32, #tpu.memory_space<vmem>>, vector<1x16xf32>,
      %get3A_271 = vector.shape_cast %get3A_270 : vector<1x16xf32> to vector<16xf32>
      %mul3A_272 = vector.broadcast %squeeze3A_245 : f32 to vector<16xf32>
      %mul3A_273 = arith.mulf %get3A_271, %mul3A_272 : vector<16xf32>
      %swap3A_274 = arith.index_cast %add3A_243 : i32 to index
      %swap3A_275 = arith.constant 32 : index
      %swap3A_276 = tpu.vector_load %arg11[%swap3A_274, %swap3A_275] {strides = array<i32>} : memref<320x64xf32, #tpu.memory_space<vmem>>, vector<1x16xf32>,
      %swap3A_277 = vector.shape_cast %swap3A_276 : vector<1x16xf32> to vector<16xf32>
      %swap3A_278 = vector.shape_cast %mul3A_273 : vector<16xf32> to vector<1x16xf32>
      tpu.vector_store %arg11[%swap3A_274, %swap3A_275], %swap3A_278 {strides = array<i32>} : memref<320x64xf32, #tpu.memory_space<vmem>>, vector<1x16xf32>,
      %get3A_279 = arith.index_cast %add3A_243 : i32 to index
      %get3A_280 = arith.constant 48 : index
      %get3A_281 = tpu.vector_load %arg10[%get3A_279, %get3A_280] {strides = array<i32>} : memref<320x64xf32, #tpu.memory_space<vmem>>, vector<1x16xf32>,
      %get3A_282 = vector.shape_cast %get3A_281 : vector<1x16xf32> to vector<16xf32>
      %mul3A_283 = vector.broadcast %squeeze3A_245 : f32 to vector<16xf32>
      %mul3A_284 = arith.mulf %get3A_282, %mul3A_283 : vector<16xf32>
      %swap3A_285 = arith.index_cast %add3A_243 : i32 to index
      %swap3A_286 = arith.constant 48 : index
      %swap3A_287 = tpu.vector_load %arg11[%swap3A_285, %swap3A_286] {strides = array<i32>} : memref<320x64xf32, #tpu.memory_space<vmem>>, vector<1x16xf32>,
      %swap3A_288 = vector.shape_cast %swap3A_287 : vector<1x16xf32> to vector<16xf32>
      %swap3A_289 = vector.shape_cast %mul3A_284 : vector<16xf32> to vector<1x16xf32>
      tpu.vector_store %arg11[%swap3A_285, %swap3A_286], %swap3A_289 {strides = array<i32>} : memref<320x64xf32, #tpu.memory_space<vmem>>, vector<1x16xf32>,
      %mul3A_290 = arith.constant 16 : i32
      %mul3A_291 = arith.muli %scan3A_188, %mul3A_290 : i32
      %add3A_292 = arith.constant 2 : i32
      %add3A_293 = arith.addi %mul3A_291, %add3A_292 : i32
      %slice3A_294 = vector.extract_strided_slice %get3A_192 {offsets = [2], sizes = [1], strides = [1]} : vector<16xf32> to vector<1xf32>
      %squeeze3A_295 = vector.extract %slice3A_294[0] : f32 from vector<1xf32>
      %get3A_296 = arith.index_cast %add3A_293 : i32 to index
      %get3A_297 = arith.constant 0 : index
      %get3A_298 = tpu.vector_load %arg10[%get3A_296, %get3A_297] {strides = array<i32>} : memref<320x64xf32, #tpu.memory_space<vmem>>, vector<1x16xf32>,
      %get3A_299 = vector.shape_cast %get3A_298 : vector<1x16xf32> to vector<16xf32>
      %mul3A_300 = vector.broadcast %squeeze3A_295 : f32 to vector<16xf32>
      %mul3A_301 = arith.mulf %get3A_299, %mul3A_300 : vector<16xf32>
      %swap3A_302 = arith.index_cast %add3A_293 : i32 to index
      %swap3A_303 = arith.constant 0 : index
      %swap3A_304 = tpu.vector_load %arg11[%swap3A_302, %swap3A_303] {strides = array<i32>} : memref<320x64xf32, #tpu.memory_space<vmem>>, vector<1x16xf32>,
      %swap3A_305 = vector.shape_cast %swap3A_304 : vector<1x16xf32> to vector<16xf32>
      %swap3A_306 = vector.shape_cast %mul3A_301 : vector<16xf32> to vector<1x16xf32>
      tpu.vector_store %arg11[%swap3A_302, %swap3A_303], %swap3A_306 {strides = array<i32>} : memref<320x64xf32, #tpu.memory_space<vmem>>, vector<1x16xf32>,
      %get3A_307 = arith.index_cast %add3A_293 : i32 to index
      %get3A_308 = arith.constant 16 : index
      %get3A_309 = tpu.vector_load %arg10[%get3A_307, %get3A_308] {strides = array<i32>} : memref<320x64xf32, #tpu.memory_space<vmem>>, vector<1x16xf32>,
      %get3A_310 = vector.shape_cast %get3A_309 : vector<1x16xf32> to vector<16xf32>
      %mul3A_311 = vector.broadcast %squeeze3A_295 : f32 to vector<16xf32>
      %mul3A_312 = arith.mulf %get3A_310, %mul3A_311 : vector<16xf32>
      %swap3A_313 = arith.index_cast %add3A_293 : i32 to index
      %swap3A_314 = arith.constant 16 : index
      %swap3A_315 = tpu.vector_load %arg11[%swap3A_313, %swap3A_314] {strides = array<i32>} : memref<320x64xf32, #tpu.memory_space<vmem>>, vector<1x16xf32>,
      %swap3A_316 = vector.shape_cast %swap3A_315 : vector<1x16xf32> to vector<16xf32>
      %swap3A_317 = vector.shape_cast %mul3A_312 : vector<16xf32> to vector<1x16xf32>
      tpu.vector_store %arg11[%swap3A_313, %swap3A_314], %swap3A_317 {strides = array<i32>} : memref<320x64xf32, #tpu.memory_space<vmem>>, vector<1x16xf32>,
      %get3A_318 = arith.index_cast %add3A_293 : i32 to index
      %get3A_319 = arith.constant 32 : index
      %get3A_320 = tpu.vector_load %arg10[%get3A_318, %get3A_319] {strides = array<i32>} : memref<320x64xf32, #tpu.memory_space<vmem>>, vector<1x16xf32>,
      %get3A_321 = vector.shape_cast %get3A_320 : vector<1x16xf32> to vector<16xf32>
      %mul3A_322 = vector.broadcast %squeeze3A_295 : f32 to vector<16xf32>
      %mul3A_323 = arith.mulf %get3A_321, %mul3A_322 : vector<16xf32>
      %swap3A_324 = arith.index_cast %add3A_293 : i32 to index
      %swap3A_325 = arith.constant 32 : index
      %swap3A_326 = tpu.vector_load %arg11[%swap3A_324, %swap3A_325] {strides = array<i32>} : memref<320x64xf32, #tpu.memory_space<vmem>>, vector<1x16xf32>,
      %swap3A_327 = vector.shape_cast %swap3A_326 : vector<1x16xf32> to vector<16xf32>
      %swap3A_328 = vector.shape_cast %mul3A_323 : vector<16xf32> to vector<1x16xf32>
      tpu.vector_store %arg11[%swap3A_324, %swap3A_325], %swap3A_328 {strides = array<i32>} : memref<320x64xf32, #tpu.memory_space<vmem>>, vector<1x16xf32>,
      %get3A_329 = arith.index_cast %add3A_293 : i32 to index
      %get3A_330 = arith.constant 48 : index
      %get3A_331 = tpu.vector_load %arg10[%get3A_329, %get3A_330] {strides = array<i32>} : memref<320x64xf32, #tpu.memory_space<vmem>>, vector<1x16xf32>,
      %get3A_332 = vector.shape_cast %get3A_331 : vector<1x16xf32> to vector<16xf32>
      %mul3A_333 = vector.broadcast %squeeze3A_295 : f32 to vector<16xf32>
      %mul3A_334 = arith.mulf %get3A_332, %mul3A_333 : vector<16xf32>
      %swap3A_335 = arith.index_cast %add3A_293 : i32 to index
      %swap3A_336 = arith.constant 48 : index
      %swap3A_337 = tpu.vector_load %arg11[%swap3A_335, %swap3A_336] {strides = array<i32>} : memref<320x64xf32, #tpu.memory_space<vmem>>, vector<1x16xf32>,
      %swap3A_338 = vector.shape_cast %swap3A_337 : vector<1x16xf32> to vector<16xf32>
      %swap3A_339 = vector.shape_cast %mul3A_334 : vector<16xf32> to vector<1x16xf32>
      tpu.vector_store %arg11[%swap3A_335, %swap3A_336], %swap3A_339 {strides = array<i32>} : memref<320x64xf32, #tpu.memory_space<vmem>>, vector<1x16xf32>,
      %mul3A_340 = arith.constant 16 : i32
      %mul3A_341 = arith.muli %scan3A_188, %mul3A_340 : i32
      %add3A_342 = arith.constant 3 : i32
      %add3A_343 = arith.addi %mul3A_341, %add3A_342 : i32
      %slice3A_344 = vector.extract_strided_slice %get3A_192 {offsets = [3], sizes = [1], strides = [1]} : vector<16xf32> to vector<1xf32>
      %squeeze3A_345 = vector.extract %slice3A_344[0] : f32 from vector<1xf32>
      %get3A_346 = arith.index_cast %add3A_343 : i32 to index
      %get3A_347 = arith.constant 0 : index
      %get3A_348 = tpu.vector_load %arg10[%get3A_346, %get3A_347] {strides = array<i32>} : memref<320x64xf32, #tpu.memory_space<vmem>>, vector<1x16xf32>,
      %get3A_349 = vector.shape_cast %get3A_348 : vector<1x16xf32> to vector<16xf32>
      %mul3A_350 = vector.broadcast %squeeze3A_345 : f32 to vector<16xf32>
      %mul3A_351 = arith.mulf %get3A_349, %mul3A_350 : vector<16xf32>
      %swap3A_352 = arith.index_cast %add3A_343 : i32 to index
      %swap3A_353 = arith.constant 0 : index
      %swap3A_354 = tpu.vector_load %arg11[%swap3A_352, %swap3A_353] {strides = array<i32>} : memref<320x64xf32, #tpu.memory_space<vmem>>, vector<1x16xf32>,
      %swap3A_355 = vector.shape_cast %swap3A_354 : vector<1x16xf32> to vector<16xf32>
      %swap3A_356 = vector.shape_cast %mul3A_351 : vector<16xf32> to vector<1x16xf32>
      tpu.vector_store %arg11[%swap3A_352, %swap3A_353], %swap3A_356 {strides = array<i32>} : memref<320x64xf32, #tpu.memory_space<vmem>>, vector<1x16xf32>,
      %get3A_357 = arith.index_cast %add3A_343 : i32 to index
      %get3A_358 = arith.constant 16 : index
      %get3A_359 = tpu.vector_load %arg10[%get3A_357, %get3A_358] {strides = array<i32>} : memref<320x64xf32, #tpu.memory_space<vmem>>, vector<1x16xf32>,
      %get3A_360 = vector.shape_cast %get3A_359 : vector<1x16xf32> to vector<16xf32>
      %mul3A_361 = vector.broadcast %squeeze3A_345 : f32 to vector<16xf32>
      %mul3A_362 = arith.mulf %get3A_360, %mul3A_361 : vector<16xf32>
      %swap3A_363 = arith.index_cast %add3A_343 : i32 to index
      %swap3A_364 = arith.constant 16 : index
      %swap3A_365 = tpu.vector_load %arg11[%swap3A_363, %swap3A_364] {strides = array<i32>} : memref<320x64xf32, #tpu.memory_space<vmem>>, vector<1x16xf32>,
      %swap3A_366 = vector.shape_cast %swap3A_365 : vector<1x16xf32> to vector<16xf32>
      %swap3A_367 = vector.shape_cast %mul3A_362 : vector<16xf32> to vector<1x16xf32>
      tpu.vector_store %arg11[%swap3A_363, %swap3A_364], %swap3A_367 {strides = array<i32>} : memref<320x64xf32, #tpu.memory_space<vmem>>, vector<1x16xf32>,
      %get3A_368 = arith.index_cast %add3A_343 : i32 to index
      %get3A_369 = arith.constant 32 : index
      %get3A_370 = tpu.vector_load %arg10[%get3A_368, %get3A_369] {strides = array<i32>} : memref<320x64xf32, #tpu.memory_space<vmem>>, vector<1x16xf32>,
      %get3A_371 = vector.shape_cast %get3A_370 : vector<1x16xf32> to vector<16xf32>
      %mul3A_372 = vector.broadcast %squeeze3A_345 : f32 to vector<16xf32>
      %mul3A_373 = arith.mulf %get3A_371, %mul3A_372 : vector<16xf32>
      %swap3A_374 = arith.index_cast %add3A_343 : i32 to index
      %swap3A_375 = arith.constant 32 : index
      %swap3A_376 = tpu.vector_load %arg11[%swap3A_374, %swap3A_375] {strides = array<i32>} : memref<320x64xf32, #tpu.memory_space<vmem>>, vector<1x16xf32>,
      %swap3A_377 = vector.shape_cast %swap3A_376 : vector<1x16xf32> to vector<16xf32>
      %swap3A_378 = vector.shape_cast %mul3A_373 : vector<16xf32> to vector<1x16xf32>
      tpu.vector_store %arg11[%swap3A_374, %swap3A_375], %swap3A_378 {strides = array<i32>} : memref<320x64xf32, #tpu.memory_space<vmem>>, vector<1x16xf32>,
      %get3A_379 = arith.index_cast %add3A_343 : i32 to index
      %get3A_380 = arith.constant 48 : index
      %get3A_381 = tpu.vector_load %arg10[%get3A_379, %get3A_380] {strides = array<i32>} : memref<320x64xf32, #tpu.memory_space<vmem>>, vector<1x16xf32>,
      %get3A_382 = vector.shape_cast %get3A_381 : vector<1x16xf32> to vector<16xf32>
      %mul3A_383 = vector.broadcast %squeeze3A_345 : f32 to vector<16xf32>
      %mul3A_384 = arith.mulf %get3A_382, %mul3A_383 : vector<16xf32>
      %swap3A_385 = arith.index_cast %add3A_343 : i32 to index
      %swap3A_386 = arith.constant 48 : index
      %swap3A_387 = tpu.vector_load %arg11[%swap3A_385, %swap3A_386] {strides = array<i32>} : memref<320x64xf32, #tpu.memory_space<vmem>>, vector<1x16xf32>,
      %swap3A_388 = vector.shape_cast %swap3A_387 : vector<1x16xf32> to vector<16xf32>
      %swap3A_389 = vector.shape_cast %mul3A_384 : vector<16xf32> to vector<1x16xf32>
      tpu.vector_store %arg11[%swap3A_385, %swap3A_386], %swap3A_389 {strides = array<i32>} : memref<320x64xf32, #tpu.memory_space<vmem>>, vector<1x16xf32>,
      %mul3A_390 = arith.constant 16 : i32
      %mul3A_391 = arith.muli %scan3A_188, %mul3A_390 : i32
      %add3A_392 = arith.constant 4 : i32
      %add3A_393 = arith.addi %mul3A_391, %add3A_392 : i32
      %slice3A_394 = vector.extract_strided_slice %get3A_192 {offsets = [4], sizes = [1], strides = [1]} : vector<16xf32> to vector<1xf32>
      %squeeze3A_395 = vector.extract %slice3A_394[0] : f32 from vector<1xf32>
      %get3A_396 = arith.index_cast %add3A_393 : i32 to index
      %get3A_397 = arith.constant 0 : index
      %get3A_398 = tpu.vector_load %arg10[%get3A_396, %get3A_397] {strides = array<i32>} : memref<320x64xf32, #tpu.memory_space<vmem>>, vector<1x16xf32>,
      %get3A_399 = vector.shape_cast %get3A_398 : vector<1x16xf32> to vector<16xf32>
      %mul3A_400 = vector.broadcast %squeeze3A_395 : f32 to vector<16xf32>
      %mul3A_401 = arith.mulf %get3A_399, %mul3A_400 : vector<16xf32>
      %swap3A_402 = arith.index_cast %add3A_393 : i32 to index
      %swap3A_403 = arith.constant 0 : index
      %swap3A_404 = tpu.vector_load %arg11[%swap3A_402, %swap3A_403] {strides = array<i32>} : memref<320x64xf32, #tpu.memory_space<vmem>>, vector<1x16xf32>,
      %swap3A_405 = vector.shape_cast %swap3A_404 : vector<1x16xf32> to vector<16xf32>
      %swap3A_406 = vector.shape_cast %mul3A_401 : vector<16xf32> to vector<1x16xf32>
      tpu.vector_store %arg11[%swap3A_402, %swap3A_403], %swap3A_406 {strides = array<i32>} : memref<320x64xf32, #tpu.memory_space<vmem>>, vector<1x16xf32>,
      %get3A_407 = arith.index_cast %add3A_393 : i32 to index
      %get3A_408 = arith.constant 16 : index
      %get3A_409 = tpu.vector_load %arg10[%get3A_407, %get3A_408] {strides = array<i32>} : memref<320x64xf32, #tpu.memory_space<vmem>>, vector<1x16xf32>,
      %get3A_410 = vector.shape_cast %get3A_409 : vector<1x16xf32> to vector<16xf32>
      %mul3A_411 = vector.broadcast %squeeze3A_395 : f32 to vector<16xf32>
      %mul3A_412 = arith.mulf %get3A_410, %mul3A_411 : vector<16xf32>
      %swap3A_413 = arith.index_cast %add3A_393 : i32 to index
      %swap3A_414 = arith.constant 16 : index
      %swap3A_415 = tpu.vector_load %arg11[%swap3A_413, %swap3A_414] {strides = array<i32>} : memref<320x64xf32, #tpu.memory_space<vmem>>, vector<1x16xf32>,
      %swap3A_416 = vector.shape_cast %swap3A_415 : vector<1x16xf32> to vector<16xf32>
      %swap3A_417 = vector.shape_cast %mul3A_412 : vector<16xf32> to vector<1x16xf32>
      tpu.vector_store %arg11[%swap3A_413, %swap3A_414], %swap3A_417 {strides = array<i32>} : memref<320x64xf32, #tpu.memory_space<vmem>>, vector<1x16xf32>,
      %get3A_418 = arith.index_cast %add3A_393 : i32 to index
      %get3A_419 = arith.constant 32 : index
      %get3A_420 = tpu.vector_load %arg10[%get3A_418, %get3A_419] {strides = array<i32>} : memref<320x64xf32, #tpu.memory_space<vmem>>, vector<1x16xf32>,
      %get3A_421 = vector.shape_cast %get3A_420 : vector<1x16xf32> to vector<16xf32>
      %mul3A_422 = vector.broadcast %squeeze3A_395 : f32 to vector<16xf32>
      %mul3A_423 = arith.mulf %get3A_421, %mul3A_422 : vector<16xf32>
      %swap3A_424 = arith.index_cast %add3A_393 : i32 to index
      %swap3A_425 = arith.constant 32 : index
      %swap3A_426 = tpu.vector_load %arg11[%swap3A_424, %swap3A_425] {strides = array<i32>} : memref<320x64xf32, #tpu.memory_space<vmem>>, vector<1x16xf32>,
      %swap3A_427 = vector.shape_cast %swap3A_426 : vector<1x16xf32> to vector<16xf32>
      %swap3A_428 = vector.shape_cast %mul3A_423 : vector<16xf32> to vector<1x16xf32>
      tpu.vector_store %arg11[%swap3A_424, %swap3A_425], %swap3A_428 {strides = array<i32>} : memref<320x64xf32, #tpu.memory_space<vmem>>, vector<1x16xf32>,
      %get3A_429 = arith.index_cast %add3A_393 : i32 to index
      %get3A_430 = arith.constant 48 : index
      %get3A_431 = tpu.vector_load %arg10[%get3A_429, %get3A_430] {strides = array<i32>} : memref<320x64xf32, #tpu.memory_space<vmem>>, vector<1x16xf32>,
      %get3A_432 = vector.shape_cast %get3A_431 : vector<1x16xf32> to vector<16xf32>
      %mul3A_433 = vector.broadcast %squeeze3A_395 : f32 to vector<16xf32>
      %mul3A_434 = arith.mulf %get3A_432, %mul3A_433 : vector<16xf32>
      %swap3A_435 = arith.index_cast %add3A_393 : i32 to index
      %swap3A_436 = arith.constant 48 : index
      %swap3A_437 = tpu.vector_load %arg11[%swap3A_435, %swap3A_436] {strides = array<i32>} : memref<320x64xf32, #tpu.memory_space<vmem>>, vector<1x16xf32>,
      %swap3A_438 = vector.shape_cast %swap3A_437 : vector<1x16xf32> to vector<16xf32>
      %swap3A_439 = vector.shape_cast %mul3A_434 : vector<16xf32> to vector<1x16xf32>
      tpu.vector_store %arg11[%swap3A_435, %swap3A_436], %swap3A_439 {strides = array<i32>} : memref<320x64xf32, #tpu.memory_space<vmem>>, vector<1x16xf32>,
      %mul3A_440 = arith.constant 16 : i32
      %mul3A_441 = arith.muli %scan3A_188, %mul3A_440 : i32
      %add3A_442 = arith.constant 5 : i32
      %add3A_443 = arith.addi %mul3A_441, %add3A_442 : i32
      %slice3A_444 = vector.extract_strided_slice %get3A_192 {offsets = [5], sizes = [1], strides = [1]} : vector<16xf32> to vector<1xf32>
      %squeeze3A_445 = vector.extract %slice3A_444[0] : f32 from vector<1xf32>
      %get3A_446 = arith.index_cast %add3A_443 : i32 to index
      %get3A_447 = arith.constant 0 : index
      %get3A_448 = tpu.vector_load %arg10[%get3A_446, %get3A_447] {strides = array<i32>} : memref<320x64xf32, #tpu.memory_space<vmem>>, vector<1x16xf32>,
      %get3A_449 = vector.shape_cast %get3A_448 : vector<1x16xf32> to vector<16xf32>
      %mul3A_450 = vector.broadcast %squeeze3A_445 : f32 to vector<16xf32>
      %mul3A_451 = arith.mulf %get3A_449, %mul3A_450 : vector<16xf32>
      %swap3A_452 = arith.index_cast %add3A_443 : i32 to index
      %swap3A_453 = arith.constant 0 : index
      %swap3A_454 = tpu.vector_load %arg11[%swap3A_452, %swap3A_453] {strides = array<i32>} : memref<320x64xf32, #tpu.memory_space<vmem>>, vector<1x16xf32>,
      %swap3A_455 = vector.shape_cast %swap3A_454 : vector<1x16xf32> to vector<16xf32>
      %swap3A_456 = vector.shape_cast %mul3A_451 : vector<16xf32> to vector<1x16xf32>
      tpu.vector_store %arg11[%swap3A_452, %swap3A_453], %swap3A_456 {strides = array<i32>} : memref<320x64xf32, #tpu.memory_space<vmem>>, vector<1x16xf32>,
      %get3A_457 = arith.index_cast %add3A_443 : i32 to index
      %get3A_458 = arith.constant 16 : index
      %get3A_459 = tpu.vector_load %arg10[%get3A_457, %get3A_458] {strides = array<i32>} : memref<320x64xf32, #tpu.memory_space<vmem>>, vector<1x16xf32>,
      %get3A_460 = vector.shape_cast %get3A_459 : vector<1x16xf32> to vector<16xf32>
      %mul3A_461 = vector.broadcast %squeeze3A_445 : f32 to vector<16xf32>
      %mul3A_462 = arith.mulf %get3A_460, %mul3A_461 : vector<16xf32>
      %swap3A_463 = arith.index_cast %add3A_443 : i32 to index
      %swap3A_464 = arith.constant 16 : index
      %swap3A_465 = tpu.vector_load %arg11[%swap3A_463, %swap3A_464] {strides = array<i32>} : memref<320x64xf32, #tpu.memory_space<vmem>>, vector<1x16xf32>,
      %swap3A_466 = vector.shape_cast %swap3A_465 : vector<1x16xf32> to vector<16xf32>
      %swap3A_467 = vector.shape_cast %mul3A_462 : vector<16xf32> to vector<1x16xf32>
      tpu.vector_store %arg11[%swap3A_463, %swap3A_464], %swap3A_467 {strides = array<i32>} : memref<320x64xf32, #tpu.memory_space<vmem>>, vector<1x16xf32>,
      %get3A_468 = arith.index_cast %add3A_443 : i32 to index
      %get3A_469 = arith.constant 32 : index
      %get3A_470 = tpu.vector_load %arg10[%get3A_468, %get3A_469] {strides = array<i32>} : memref<320x64xf32, #tpu.memory_space<vmem>>, vector<1x16xf32>,
      %get3A_471 = vector.shape_cast %get3A_470 : vector<1x16xf32> to vector<16xf32>
      %mul3A_472 = vector.broadcast %squeeze3A_445 : f32 to vector<16xf32>
      %mul3A_473 = arith.mulf %get3A_471, %mul3A_472 : vector<16xf32>
      %swap3A_474 = arith.index_cast %add3A_443 : i32 to index
      %swap3A_475 = arith.constant 32 : index
      %swap3A_476 = tpu.vector_load %arg11[%swap3A_474, %swap3A_475] {strides = array<i32>} : memref<320x64xf32, #tpu.memory_space<vmem>>, vector<1x16xf32>,
      %swap3A_477 = vector.shape_cast %swap3A_476 : vector<1x16xf32> to vector<16xf32>
      %swap3A_478 = vector.shape_cast %mul3A_473 : vector<16xf32> to vector<1x16xf32>
      tpu.vector_store %arg11[%swap3A_474, %swap3A_475], %swap3A_478 {strides = array<i32>} : memref<320x64xf32, #tpu.memory_space<vmem>>, vector<1x16xf32>,
      %get3A_479 = arith.index_cast %add3A_443 : i32 to index
      %get3A_480 = arith.constant 48 : index
      %get3A_481 = tpu.vector_load %arg10[%get3A_479, %get3A_480] {strides = array<i32>} : memref<320x64xf32, #tpu.memory_space<vmem>>, vector<1x16xf32>,
      %get3A_482 = vector.shape_cast %get3A_481 : vector<1x16xf32> to vector<16xf32>
      %mul3A_483 = vector.broadcast %squeeze3A_445 : f32 to vector<16xf32>
      %mul3A_484 = arith.mulf %get3A_482, %mul3A_483 : vector<16xf32>
      %swap3A_485 = arith.index_cast %add3A_443 : i32 to index
      %swap3A_486 = arith.constant 48 : index
      %swap3A_487 = tpu.vector_load %arg11[%swap3A_485, %swap3A_486] {strides = array<i32>} : memref<320x64xf32, #tpu.memory_space<vmem>>, vector<1x16xf32>,
      %swap3A_488 = vector.shape_cast %swap3A_487 : vector<1x16xf32> to vector<16xf32>
      %swap3A_489 = vector.shape_cast %mul3A_484 : vector<16xf32> to vector<1x16xf32>
      tpu.vector_store %arg11[%swap3A_485, %swap3A_486], %swap3A_489 {strides = array<i32>} : memref<320x64xf32, #tpu.memory_space<vmem>>, vector<1x16xf32>,
      %mul3A_490 = arith.constant 16 : i32
      %mul3A_491 = arith.muli %scan3A_188, %mul3A_490 : i32
      %add3A_492 = arith.constant 6 : i32
      %add3A_493 = arith.addi %mul3A_491, %add3A_492 : i32
      %slice3A_494 = vector.extract_strided_slice %get3A_192 {offsets = [6], sizes = [1], strides = [1]} : vector<16xf32> to vector<1xf32>
      %squeeze3A_495 = vector.extract %slice3A_494[0] : f32 from vector<1xf32>
      %get3A_496 = arith.index_cast %add3A_493 : i32 to index
      %get3A_497 = arith.constant 0 : index
      %get3A_498 = tpu.vector_load %arg10[%get3A_496, %get3A_497] {strides = array<i32>} : memref<320x64xf32, #tpu.memory_space<vmem>>, vector<1x16xf32>,
      %get3A_499 = vector.shape_cast %get3A_498 : vector<1x16xf32> to vector<16xf32>
      %mul3A_500 = vector.broadcast %squeeze3A_495 : f32 to vector<16xf32>
      %mul3A_501 = arith.mulf %get3A_499, %mul3A_500 : vector<16xf32>
      %swap3A_502 = arith.index_cast %add3A_493 : i32 to index
      %swap3A_503 = arith.constant 0 : index
      %swap3A_504 = tpu.vector_load %arg11[%swap3A_502, %swap3A_503] {strides = array<i32>} : memref<320x64xf32, #tpu.memory_space<vmem>>, vector<1x16xf32>,
      %swap3A_505 = vector.shape_cast %swap3A_504 : vector<1x16xf32> to vector<16xf32>
      %swap3A_506 = vector.shape_cast %mul3A_501 : vector<16xf32> to vector<1x16xf32>
      tpu.vector_store %arg11[%swap3A_502, %swap3A_503], %swap3A_506 {strides = array<i32>} : memref<320x64xf32, #tpu.memory_space<vmem>>, vector<1x16xf32>,
      %get3A_507 = arith.index_cast %add3A_493 : i32 to index
      %get3A_508 = arith.constant 16 : index
      %get3A_509 = tpu.vector_load %arg10[%get3A_507, %get3A_508] {strides = array<i32>} : memref<320x64xf32, #tpu.memory_space<vmem>>, vector<1x16xf32>,
      %get3A_510 = vector.shape_cast %get3A_509 : vector<1x16xf32> to vector<16xf32>
      %mul3A_511 = vector.broadcast %squeeze3A_495 : f32 to vector<16xf32>
      %mul3A_512 = arith.mulf %get3A_510, %mul3A_511 : vector<16xf32>
      %swap3A_513 = arith.index_cast %add3A_493 : i32 to index
      %swap3A_514 = arith.constant 16 : index
      %swap3A_515 = tpu.vector_load %arg11[%swap3A_513, %swap3A_514] {strides = array<i32>} : memref<320x64xf32, #tpu.memory_space<vmem>>, vector<1x16xf32>,
      %swap3A_516 = vector.shape_cast %swap3A_515 : vector<1x16xf32> to vector<16xf32>
      %swap3A_517 = vector.shape_cast %mul3A_512 : vector<16xf32> to vector<1x16xf32>
      tpu.vector_store %arg11[%swap3A_513, %swap3A_514], %swap3A_517 {strides = array<i32>} : memref<320x64xf32, #tpu.memory_space<vmem>>, vector<1x16xf32>,
      %get3A_518 = arith.index_cast %add3A_493 : i32 to index
      %get3A_519 = arith.constant 32 : index
      %get3A_520 = tpu.vector_load %arg10[%get3A_518, %get3A_519] {strides = array<i32>} : memref<320x64xf32, #tpu.memory_space<vmem>>, vector<1x16xf32>,
      %get3A_521 = vector.shape_cast %get3A_520 : vector<1x16xf32> to vector<16xf32>
      %mul3A_522 = vector.broadcast %squeeze3A_495 : f32 to vector<16xf32>
      %mul3A_523 = arith.mulf %get3A_521, %mul3A_522 : vector<16xf32>
      %swap3A_524 = arith.index_cast %add3A_493 : i32 to index
      %swap3A_525 = arith.constant 32 : index
      %swap3A_526 = tpu.vector_load %arg11[%swap3A_524, %swap3A_525] {strides = array<i32>} : memref<320x64xf32, #tpu.memory_space<vmem>>, vector<1x16xf32>,
      %swap3A_527 = vector.shape_cast %swap3A_526 : vector<1x16xf32> to vector<16xf32>
      %swap3A_528 = vector.shape_cast %mul3A_523 : vector<16xf32> to vector<1x16xf32>
      tpu.vector_store %arg11[%swap3A_524, %swap3A_525], %swap3A_528 {strides = array<i32>} : memref<320x64xf32, #tpu.memory_space<vmem>>, vector<1x16xf32>,
      %get3A_529 = arith.index_cast %add3A_493 : i32 to index
      %get3A_530 = arith.constant 48 : index
      %get3A_531 = tpu.vector_load %arg10[%get3A_529, %get3A_530] {strides = array<i32>} : memref<320x64xf32, #tpu.memory_space<vmem>>, vector<1x16xf32>,
      %get3A_532 = vector.shape_cast %get3A_531 : vector<1x16xf32> to vector<16xf32>
      %mul3A_533 = vector.broadcast %squeeze3A_495 : f32 to vector<16xf32>
      %mul3A_534 = arith.mulf %get3A_532, %mul3A_533 : vector<16xf32>
      %swap3A_535 = arith.index_cast %add3A_493 : i32 to index
      %swap3A_536 = arith.constant 48 : index
      %swap3A_537 = tpu.vector_load %arg11[%swap3A_535, %swap3A_536] {strides = array<i32>} : memref<320x64xf32, #tpu.memory_space<vmem>>, vector<1x16xf32>,
      %swap3A_538 = vector.shape_cast %swap3A_537 : vector<1x16xf32> to vector<16xf32>
      %swap3A_539 = vector.shape_cast %mul3A_534 : vector<16xf32> to vector<1x16xf32>
      tpu.vector_store %arg11[%swap3A_535, %swap3A_536], %swap3A_539 {strides = array<i32>} : memref<320x64xf32, #tpu.memory_space<vmem>>, vector<1x16xf32>,
      %mul3A_540 = arith.constant 16 : i32
      %mul3A_541 = arith.muli %scan3A_188, %mul3A_540 : i32
      %add3A_542 = arith.constant 7 : i32
      %add3A_543 = arith.addi %mul3A_541, %add3A_542 : i32
      %slice3A_544 = vector.extract_strided_slice %get3A_192 {offsets = [7], sizes = [1], strides = [1]} : vector<16xf32> to vector<1xf32>
      %squeeze3A_545 = vector.extract %slice3A_544[0] : f32 from vector<1xf32>
      %get3A_546 = arith.index_cast %add3A_543 : i32 to index
      %get3A_547 = arith.constant 0 : index
      %get3A_548 = tpu.vector_load %arg10[%get3A_546, %get3A_547] {strides = array<i32>} : memref<320x64xf32, #tpu.memory_space<vmem>>, vector<1x16xf32>,
      %get3A_549 = vector.shape_cast %get3A_548 : vector<1x16xf32> to vector<16xf32>
      %mul3A_550 = vector.broadcast %squeeze3A_545 : f32 to vector<16xf32>
      %mul3A_551 = arith.mulf %get3A_549, %mul3A_550 : vector<16xf32>
      %swap3A_552 = arith.index_cast %add3A_543 : i32 to index
      %swap3A_553 = arith.constant 0 : index
      %swap3A_554 = tpu.vector_load %arg11[%swap3A_552, %swap3A_553] {strides = array<i32>} : memref<320x64xf32, #tpu.memory_space<vmem>>, vector<1x16xf32>,
      %swap3A_555 = vector.shape_cast %swap3A_554 : vector<1x16xf32> to vector<16xf32>
      %swap3A_556 = vector.shape_cast %mul3A_551 : vector<16xf32> to vector<1x16xf32>
      tpu.vector_store %arg11[%swap3A_552, %swap3A_553], %swap3A_556 {strides = array<i32>} : memref<320x64xf32, #tpu.memory_space<vmem>>, vector<1x16xf32>,
      %get3A_557 = arith.index_cast %add3A_543 : i32 to index
      %get3A_558 = arith.constant 16 : index
      %get3A_559 = tpu.vector_load %arg10[%get3A_557, %get3A_558] {strides = array<i32>} : memref<320x64xf32, #tpu.memory_space<vmem>>, vector<1x16xf32>,
      %get3A_560 = vector.shape_cast %get3A_559 : vector<1x16xf32> to vector<16xf32>
      %mul3A_561 = vector.broadcast %squeeze3A_545 : f32 to vector<16xf32>
      %mul3A_562 = arith.mulf %get3A_560, %mul3A_561 : vector<16xf32>
      %swap3A_563 = arith.index_cast %add3A_543 : i32 to index
      %swap3A_564 = arith.constant 16 : index
      %swap3A_565 = tpu.vector_load %arg11[%swap3A_563, %swap3A_564] {strides = array<i32>} : memref<320x64xf32, #tpu.memory_space<vmem>>, vector<1x16xf32>,
      %swap3A_566 = vector.shape_cast %swap3A_565 : vector<1x16xf32> to vector<16xf32>
      %swap3A_567 = vector.shape_cast %mul3A_562 : vector<16xf32> to vector<1x16xf32>
      tpu.vector_store %arg11[%swap3A_563, %swap3A_564], %swap3A_567 {strides = array<i32>} : memref<320x64xf32, #tpu.memory_space<vmem>>, vector<1x16xf32>,
      %get3A_568 = arith.index_cast %add3A_543 : i32 to index
      %get3A_569 = arith.constant 32 : index
      %get3A_570 = tpu.vector_load %arg10[%get3A_568, %get3A_569] {strides = array<i32>} : memref<320x64xf32, #tpu.memory_space<vmem>>, vector<1x16xf32>,
      %get3A_571 = vector.shape_cast %get3A_570 : vector<1x16xf32> to vector<16xf32>
      %mul3A_572 = vector.broadcast %squeeze3A_545 : f32 to vector<16xf32>
      %mul3A_573 = arith.mulf %get3A_571, %mul3A_572 : vector<16xf32>
      %swap3A_574 = arith.index_cast %add3A_543 : i32 to index
      %swap3A_575 = arith.constant 32 : index
      %swap3A_576 = tpu.vector_load %arg11[%swap3A_574, %swap3A_575] {strides = array<i32>} : memref<320x64xf32, #tpu.memory_space<vmem>>, vector<1x16xf32>,
      %swap3A_577 = vector.shape_cast %swap3A_576 : vector<1x16xf32> to vector<16xf32>
      %swap3A_578 = vector.shape_cast %mul3A_573 : vector<16xf32> to vector<1x16xf32>
      tpu.vector_store %arg11[%swap3A_574, %swap3A_575], %swap3A_578 {strides = array<i32>} : memref<320x64xf32, #tpu.memory_space<vmem>>, vector<1x16xf32>,
      %get3A_579 = arith.index_cast %add3A_543 : i32 to index
      %get3A_580 = arith.constant 48 : index
      %get3A_581 = tpu.vector_load %arg10[%get3A_579, %get3A_580] {strides = array<i32>} : memref<320x64xf32, #tpu.memory_space<vmem>>, vector<1x16xf32>,
      %get3A_582 = vector.shape_cast %get3A_581 : vector<1x16xf32> to vector<16xf32>
      %mul3A_583 = vector.broadcast %squeeze3A_545 : f32 to vector<16xf32>
      %mul3A_584 = arith.mulf %get3A_582, %mul3A_583 : vector<16xf32>
      %swap3A_585 = arith.index_cast %add3A_543 : i32 to index
      %swap3A_586 = arith.constant 48 : index
      %swap3A_587 = tpu.vector_load %arg11[%swap3A_585, %swap3A_586] {strides = array<i32>} : memref<320x64xf32, #tpu.memory_space<vmem>>, vector<1x16xf32>,
      %swap3A_588 = vector.shape_cast %swap3A_587 : vector<1x16xf32> to vector<16xf32>
      %swap3A_589 = vector.shape_cast %mul3A_584 : vector<16xf32> to vector<1x16xf32>
      tpu.vector_store %arg11[%swap3A_585, %swap3A_586], %swap3A_589 {strides = array<i32>} : memref<320x64xf32, #tpu.memory_space<vmem>>, vector<1x16xf32>,
      %mul3A_590 = arith.constant 16 : i32
      %mul3A_591 = arith.muli %scan3A_188, %mul3A_590 : i32
      %add3A_592 = arith.constant 8 : i32
      %add3A_593 = arith.addi %mul3A_591, %add3A_592 : i32
      %slice3A_594 = vector.extract_strided_slice %get3A_192 {offsets = [8], sizes = [1], strides = [1]} : vector<16xf32> to vector<1xf32>
      %squeeze3A_595 = vector.extract %slice3A_594[0] : f32 from vector<1xf32>
      %get3A_596 = arith.index_cast %add3A_593 : i32 to index
      %get3A_597 = arith.constant 0 : index
      %get3A_598 = tpu.vector_load %arg10[%get3A_596, %get3A_597] {strides = array<i32>} : memref<320x64xf32, #tpu.memory_space<vmem>>, vector<1x16xf32>,
      %get3A_599 = vector.shape_cast %get3A_598 : vector<1x16xf32> to vector<16xf32>
      %mul3A_600 = vector.broadcast %squeeze3A_595 : f32 to vector<16xf32>
      %mul3A_601 = arith.mulf %get3A_599, %mul3A_600 : vector<16xf32>
      %swap3A_602 = arith.index_cast %add3A_593 : i32 to index
      %swap3A_603 = arith.constant 0 : index
      %swap3A_604 = tpu.vector_load %arg11[%swap3A_602, %swap3A_603] {strides = array<i32>} : memref<320x64xf32, #tpu.memory_space<vmem>>, vector<1x16xf32>,
      %swap3A_605 = vector.shape_cast %swap3A_604 : vector<1x16xf32> to vector<16xf32>
      %swap3A_606 = vector.shape_cast %mul3A_601 : vector<16xf32> to vector<1x16xf32>
      tpu.vector_store %arg11[%swap3A_602, %swap3A_603], %swap3A_606 {strides = array<i32>} : memref<320x64xf32, #tpu.memory_space<vmem>>, vector<1x16xf32>,
      %get3A_607 = arith.index_cast %add3A_593 : i32 to index
      %get3A_608 = arith.constant 16 : index
      %get3A_609 = tpu.vector_load %arg10[%get3A_607, %get3A_608] {strides = array<i32>} : memref<320x64xf32, #tpu.memory_space<vmem>>, vector<1x16xf32>,
      %get3A_610 = vector.shape_cast %get3A_609 : vector<1x16xf32> to vector<16xf32>
      %mul3A_611 = vector.broadcast %squeeze3A_595 : f32 to vector<16xf32>
      %mul3A_612 = arith.mulf %get3A_610, %mul3A_611 : vector<16xf32>
      %swap3A_613 = arith.index_cast %add3A_593 : i32 to index
      %swap3A_614 = arith.constant 16 : index
      %swap3A_615 = tpu.vector_load %arg11[%swap3A_613, %swap3A_614] {strides = array<i32>} : memref<320x64xf32, #tpu.memory_space<vmem>>, vector<1x16xf32>,
      %swap3A_616 = vector.shape_cast %swap3A_615 : vector<1x16xf32> to vector<16xf32>
      %swap3A_617 = vector.shape_cast %mul3A_612 : vector<16xf32> to vector<1x16xf32>
      tpu.vector_store %arg11[%swap3A_613, %swap3A_614], %swap3A_617 {strides = array<i32>} : memref<320x64xf32, #tpu.memory_space<vmem>>, vector<1x16xf32>,
      %get3A_618 = arith.index_cast %add3A_593 : i32 to index
      %get3A_619 = arith.constant 32 : index
      %get3A_620 = tpu.vector_load %arg10[%get3A_618, %get3A_619] {strides = array<i32>} : memref<320x64xf32, #tpu.memory_space<vmem>>, vector<1x16xf32>,
      %get3A_621 = vector.shape_cast %get3A_620 : vector<1x16xf32> to vector<16xf32>
      %mul3A_622 = vector.broadcast %squeeze3A_595 : f32 to vector<16xf32>
      %mul3A_623 = arith.mulf %get3A_621, %mul3A_622 : vector<16xf32>
      %swap3A_624 = arith.index_cast %add3A_593 : i32 to index
      %swap3A_625 = arith.constant 32 : index
      %swap3A_626 = tpu.vector_load %arg11[%swap3A_624, %swap3A_625] {strides = array<i32>} : memref<320x64xf32, #tpu.memory_space<vmem>>, vector<1x16xf32>,
      %swap3A_627 = vector.shape_cast %swap3A_626 : vector<1x16xf32> to vector<16xf32>
      %swap3A_628 = vector.shape_cast %mul3A_623 : vector<16xf32> to vector<1x16xf32>
      tpu.vector_store %arg11[%swap3A_624, %swap3A_625], %swap3A_628 {strides = array<i32>} : memref<320x64xf32, #tpu.memory_space<vmem>>, vector<1x16xf32>,
      %get3A_629 = arith.index_cast %add3A_593 : i32 to index
      %get3A_630 = arith.constant 48 : index
      %get3A_631 = tpu.vector_load %arg10[%get3A_629, %get3A_630] {strides = array<i32>} : memref<320x64xf32, #tpu.memory_space<vmem>>, vector<1x16xf32>,
      %get3A_632 = vector.shape_cast %get3A_631 : vector<1x16xf32> to vector<16xf32>
      %mul3A_633 = vector.broadcast %squeeze3A_595 : f32 to vector<16xf32>
      %mul3A_634 = arith.mulf %get3A_632, %mul3A_633 : vector<16xf32>
      %swap3A_635 = arith.index_cast %add3A_593 : i32 to index
      %swap3A_636 = arith.constant 48 : index
      %swap3A_637 = tpu.vector_load %arg11[%swap3A_635, %swap3A_636] {strides = array<i32>} : memref<320x64xf32, #tpu.memory_space<vmem>>, vector<1x16xf32>,
      %swap3A_638 = vector.shape_cast %swap3A_637 : vector<1x16xf32> to vector<16xf32>
      %swap3A_639 = vector.shape_cast %mul3A_634 : vector<16xf32> to vector<1x16xf32>
      tpu.vector_store %arg11[%swap3A_635, %swap3A_636], %swap3A_639 {strides = array<i32>} : memref<320x64xf32, #tpu.memory_space<vmem>>, vector<1x16xf32>,
      %mul3A_640 = arith.constant 16 : i32
      %mul3A_641 = arith.muli %scan3A_188, %mul3A_640 : i32
      %add3A_642 = arith.constant 9 : i32
      %add3A_643 = arith.addi %mul3A_641, %add3A_642 : i32
      %slice3A_644 = vector.extract_strided_slice %get3A_192 {offsets = [9], sizes = [1], strides = [1]} : vector<16xf32> to vector<1xf32>
      %squeeze3A_645 = vector.extract %slice3A_644[0] : f32 from vector<1xf32>
      %get3A_646 = arith.index_cast %add3A_643 : i32 to index
      %get3A_647 = arith.constant 0 : index
      %get3A_648 = tpu.vector_load %arg10[%get3A_646, %get3A_647] {strides = array<i32>} : memref<320x64xf32, #tpu.memory_space<vmem>>, vector<1x16xf32>,
      %get3A_649 = vector.shape_cast %get3A_648 : vector<1x16xf32> to vector<16xf32>
      %mul3A_650 = vector.broadcast %squeeze3A_645 : f32 to vector<16xf32>
      %mul3A_651 = arith.mulf %get3A_649, %mul3A_650 : vector<16xf32>
      %swap3A_652 = arith.index_cast %add3A_643 : i32 to index
      %swap3A_653 = arith.constant 0 : index
      %swap3A_654 = tpu.vector_load %arg11[%swap3A_652, %swap3A_653] {strides = array<i32>} : memref<320x64xf32, #tpu.memory_space<vmem>>, vector<1x16xf32>,
      %swap3A_655 = vector.shape_cast %swap3A_654 : vector<1x16xf32> to vector<16xf32>
      %swap3A_656 = vector.shape_cast %mul3A_651 : vector<16xf32> to vector<1x16xf32>
      tpu.vector_store %arg11[%swap3A_652, %swap3A_653], %swap3A_656 {strides = array<i32>} : memref<320x64xf32, #tpu.memory_space<vmem>>, vector<1x16xf32>,
      %get3A_657 = arith.index_cast %add3A_643 : i32 to index
      %get3A_658 = arith.constant 16 : index
      %get3A_659 = tpu.vector_load %arg10[%get3A_657, %get3A_658] {strides = array<i32>} : memref<320x64xf32, #tpu.memory_space<vmem>>, vector<1x16xf32>,
      %get3A_660 = vector.shape_cast %get3A_659 : vector<1x16xf32> to vector<16xf32>
      %mul3A_661 = vector.broadcast %squeeze3A_645 : f32 to vector<16xf32>
      %mul3A_662 = arith.mulf %get3A_660, %mul3A_661 : vector<16xf32>
      %swap3A_663 = arith.index_cast %add3A_643 : i32 to index
      %swap3A_664 = arith.constant 16 : index
      %swap3A_665 = tpu.vector_load %arg11[%swap3A_663, %swap3A_664] {strides = array<i32>} : memref<320x64xf32, #tpu.memory_space<vmem>>, vector<1x16xf32>,
      %swap3A_666 = vector.shape_cast %swap3A_665 : vector<1x16xf32> to vector<16xf32>
      %swap3A_667 = vector.shape_cast %mul3A_662 : vector<16xf32> to vector<1x16xf32>
      tpu.vector_store %arg11[%swap3A_663, %swap3A_664], %swap3A_667 {strides = array<i32>} : memref<320x64xf32, #tpu.memory_space<vmem>>, vector<1x16xf32>,
      %get3A_668 = arith.index_cast %add3A_643 : i32 to index
      %get3A_669 = arith.constant 32 : index
      %get3A_670 = tpu.vector_load %arg10[%get3A_668, %get3A_669] {strides = array<i32>} : memref<320x64xf32, #tpu.memory_space<vmem>>, vector<1x16xf32>,
      %get3A_671 = vector.shape_cast %get3A_670 : vector<1x16xf32> to vector<16xf32>
      %mul3A_672 = vector.broadcast %squeeze3A_645 : f32 to vector<16xf32>
      %mul3A_673 = arith.mulf %get3A_671, %mul3A_672 : vector<16xf32>
      %swap3A_674 = arith.index_cast %add3A_643 : i32 to index
      %swap3A_675 = arith.constant 32 : index
      %swap3A_676 = tpu.vector_load %arg11[%swap3A_674, %swap3A_675] {strides = array<i32>} : memref<320x64xf32, #tpu.memory_space<vmem>>, vector<1x16xf32>,
      %swap3A_677 = vector.shape_cast %swap3A_676 : vector<1x16xf32> to vector<16xf32>
      %swap3A_678 = vector.shape_cast %mul3A_673 : vector<16xf32> to vector<1x16xf32>
      tpu.vector_store %arg11[%swap3A_674, %swap3A_675], %swap3A_678 {strides = array<i32>} : memref<320x64xf32, #tpu.memory_space<vmem>>, vector<1x16xf32>,
      %get3A_679 = arith.index_cast %add3A_643 : i32 to index
      %get3A_680 = arith.constant 48 : index
      %get3A_681 = tpu.vector_load %arg10[%get3A_679, %get3A_680] {strides = array<i32>} : memref<320x64xf32, #tpu.memory_space<vmem>>, vector<1x16xf32>,
      %get3A_682 = vector.shape_cast %get3A_681 : vector<1x16xf32> to vector<16xf32>
      %mul3A_683 = vector.broadcast %squeeze3A_645 : f32 to vector<16xf32>
      %mul3A_684 = arith.mulf %get3A_682, %mul3A_683 : vector<16xf32>
      %swap3A_685 = arith.index_cast %add3A_643 : i32 to index
      %swap3A_686 = arith.constant 48 : index
      %swap3A_687 = tpu.vector_load %arg11[%swap3A_685, %swap3A_686] {strides = array<i32>} : memref<320x64xf32, #tpu.memory_space<vmem>>, vector<1x16xf32>,
      %swap3A_688 = vector.shape_cast %swap3A_687 : vector<1x16xf32> to vector<16xf32>
      %swap3A_689 = vector.shape_cast %mul3A_684 : vector<16xf32> to vector<1x16xf32>
      tpu.vector_store %arg11[%swap3A_685, %swap3A_686], %swap3A_689 {strides = array<i32>} : memref<320x64xf32, #tpu.memory_space<vmem>>, vector<1x16xf32>,
      %mul3A_690 = arith.constant 16 : i32
      %mul3A_691 = arith.muli %scan3A_188, %mul3A_690 : i32
      %add3A_692 = arith.constant 10 : i32
      %add3A_693 = arith.addi %mul3A_691, %add3A_692 : i32
      %slice3A_694 = vector.extract_strided_slice %get3A_192 {offsets = [10], sizes = [1], strides = [1]} : vector<16xf32> to vector<1xf32>
      %squeeze3A_695 = vector.extract %slice3A_694[0] : f32 from vector<1xf32>
      %get3A_696 = arith.index_cast %add3A_693 : i32 to index
      %get3A_697 = arith.constant 0 : index
      %get3A_698 = tpu.vector_load %arg10[%get3A_696, %get3A_697] {strides = array<i32>} : memref<320x64xf32, #tpu.memory_space<vmem>>, vector<1x16xf32>,
      %get3A_699 = vector.shape_cast %get3A_698 : vector<1x16xf32> to vector<16xf32>
      %mul3A_700 = vector.broadcast %squeeze3A_695 : f32 to vector<16xf32>
      %mul3A_701 = arith.mulf %get3A_699, %mul3A_700 : vector<16xf32>
      %swap3A_702 = arith.index_cast %add3A_693 : i32 to index
      %swap3A_703 = arith.constant 0 : index
      %swap3A_704 = tpu.vector_load %arg11[%swap3A_702, %swap3A_703] {strides = array<i32>} : memref<320x64xf32, #tpu.memory_space<vmem>>, vector<1x16xf32>,
      %swap3A_705 = vector.shape_cast %swap3A_704 : vector<1x16xf32> to vector<16xf32>
      %swap3A_706 = vector.shape_cast %mul3A_701 : vector<16xf32> to vector<1x16xf32>
      tpu.vector_store %arg11[%swap3A_702, %swap3A_703], %swap3A_706 {strides = array<i32>} : memref<320x64xf32, #tpu.memory_space<vmem>>, vector<1x16xf32>,
      %get3A_707 = arith.index_cast %add3A_693 : i32 to index
      %get3A_708 = arith.constant 16 : index
      %get3A_709 = tpu.vector_load %arg10[%get3A_707, %get3A_708] {strides = array<i32>} : memref<320x64xf32, #tpu.memory_space<vmem>>, vector<1x16xf32>,
      %get3A_710 = vector.shape_cast %get3A_709 : vector<1x16xf32> to vector<16xf32>
      %mul3A_711 = vector.broadcast %squeeze3A_695 : f32 to vector<16xf32>
      %mul3A_712 = arith.mulf %get3A_710, %mul3A_711 : vector<16xf32>
      %swap3A_713 = arith.index_cast %add3A_693 : i32 to index
      %swap3A_714 = arith.constant 16 : index
      %swap3A_715 = tpu.vector_load %arg11[%swap3A_713, %swap3A_714] {strides = array<i32>} : memref<320x64xf32, #tpu.memory_space<vmem>>, vector<1x16xf32>,
      %swap3A_716 = vector.shape_cast %swap3A_715 : vector<1x16xf32> to vector<16xf32>
      %swap3A_717 = vector.shape_cast %mul3A_712 : vector<16xf32> to vector<1x16xf32>
      tpu.vector_store %arg11[%swap3A_713, %swap3A_714], %swap3A_717 {strides = array<i32>} : memref<320x64xf32, #tpu.memory_space<vmem>>, vector<1x16xf32>,
      %get3A_718 = arith.index_cast %add3A_693 : i32 to index
      %get3A_719 = arith.constant 32 : index
      %get3A_720 = tpu.vector_load %arg10[%get3A_718, %get3A_719] {strides = array<i32>} : memref<320x64xf32, #tpu.memory_space<vmem>>, vector<1x16xf32>,
      %get3A_721 = vector.shape_cast %get3A_720 : vector<1x16xf32> to vector<16xf32>
      %mul3A_722 = vector.broadcast %squeeze3A_695 : f32 to vector<16xf32>
      %mul3A_723 = arith.mulf %get3A_721, %mul3A_722 : vector<16xf32>
      %swap3A_724 = arith.index_cast %add3A_693 : i32 to index
      %swap3A_725 = arith.constant 32 : index
      %swap3A_726 = tpu.vector_load %arg11[%swap3A_724, %swap3A_725] {strides = array<i32>} : memref<320x64xf32, #tpu.memory_space<vmem>>, vector<1x16xf32>,
      %swap3A_727 = vector.shape_cast %swap3A_726 : vector<1x16xf32> to vector<16xf32>
      %swap3A_728 = vector.shape_cast %mul3A_723 : vector<16xf32> to vector<1x16xf32>
      tpu.vector_store %arg11[%swap3A_724, %swap3A_725], %swap3A_728 {strides = array<i32>} : memref<320x64xf32, #tpu.memory_space<vmem>>, vector<1x16xf32>,
      %get3A_729 = arith.index_cast %add3A_693 : i32 to index
      %get3A_730 = arith.constant 48 : index
      %get3A_731 = tpu.vector_load %arg10[%get3A_729, %get3A_730] {strides = array<i32>} : memref<320x64xf32, #tpu.memory_space<vmem>>, vector<1x16xf32>,
      %get3A_732 = vector.shape_cast %get3A_731 : vector<1x16xf32> to vector<16xf32>
      %mul3A_733 = vector.broadcast %squeeze3A_695 : f32 to vector<16xf32>
      %mul3A_734 = arith.mulf %get3A_732, %mul3A_733 : vector<16xf32>
      %swap3A_735 = arith.index_cast %add3A_693 : i32 to index
      %swap3A_736 = arith.constant 48 : index
      %swap3A_737 = tpu.vector_load %arg11[%swap3A_735, %swap3A_736] {strides = array<i32>} : memref<320x64xf32, #tpu.memory_space<vmem>>, vector<1x16xf32>,
      %swap3A_738 = vector.shape_cast %swap3A_737 : vector<1x16xf32> to vector<16xf32>
      %swap3A_739 = vector.shape_cast %mul3A_734 : vector<16xf32> to vector<1x16xf32>
      tpu.vector_store %arg11[%swap3A_735, %swap3A_736], %swap3A_739 {strides = array<i32>} : memref<320x64xf32, #tpu.memory_space<vmem>>, vector<1x16xf32>,
      %mul3A_740 = arith.constant 16 : i32
      %mul3A_741 = arith.muli %scan3A_188, %mul3A_740 : i32
      %add3A_742 = arith.constant 11 : i32
      %add3A_743 = arith.addi %mul3A_741, %add3A_742 : i32
      %slice3A_744 = vector.extract_strided_slice %get3A_192 {offsets = [11], sizes = [1], strides = [1]} : vector<16xf32> to vector<1xf32>
      %squeeze3A_745 = vector.extract %slice3A_744[0] : f32 from vector<1xf32>
      %get3A_746 = arith.index_cast %add3A_743 : i32 to index
      %get3A_747 = arith.constant 0 : index
      %get3A_748 = tpu.vector_load %arg10[%get3A_746, %get3A_747] {strides = array<i32>} : memref<320x64xf32, #tpu.memory_space<vmem>>, vector<1x16xf32>,
      %get3A_749 = vector.shape_cast %get3A_748 : vector<1x16xf32> to vector<16xf32>
      %mul3A_750 = vector.broadcast %squeeze3A_745 : f32 to vector<16xf32>
      %mul3A_751 = arith.mulf %get3A_749, %mul3A_750 : vector<16xf32>
      %swap3A_752 = arith.index_cast %add3A_743 : i32 to index
      %swap3A_753 = arith.constant 0 : index
      %swap3A_754 = tpu.vector_load %arg11[%swap3A_752, %swap3A_753] {strides = array<i32>} : memref<320x64xf32, #tpu.memory_space<vmem>>, vector<1x16xf32>,
      %swap3A_755 = vector.shape_cast %swap3A_754 : vector<1x16xf32> to vector<16xf32>
      %swap3A_756 = vector.shape_cast %mul3A_751 : vector<16xf32> to vector<1x16xf32>
      tpu.vector_store %arg11[%swap3A_752, %swap3A_753], %swap3A_756 {strides = array<i32>} : memref<320x64xf32, #tpu.memory_space<vmem>>, vector<1x16xf32>,
      %get3A_757 = arith.index_cast %add3A_743 : i32 to index
      %get3A_758 = arith.constant 16 : index
      %get3A_759 = tpu.vector_load %arg10[%get3A_757, %get3A_758] {strides = array<i32>} : memref<320x64xf32, #tpu.memory_space<vmem>>, vector<1x16xf32>,
      %get3A_760 = vector.shape_cast %get3A_759 : vector<1x16xf32> to vector<16xf32>
      %mul3A_761 = vector.broadcast %squeeze3A_745 : f32 to vector<16xf32>
      %mul3A_762 = arith.mulf %get3A_760, %mul3A_761 : vector<16xf32>
      %swap3A_763 = arith.index_cast %add3A_743 : i32 to index
      %swap3A_764 = arith.constant 16 : index
      %swap3A_765 = tpu.vector_load %arg11[%swap3A_763, %swap3A_764] {strides = array<i32>} : memref<320x64xf32, #tpu.memory_space<vmem>>, vector<1x16xf32>,
      %swap3A_766 = vector.shape_cast %swap3A_765 : vector<1x16xf32> to vector<16xf32>
      %swap3A_767 = vector.shape_cast %mul3A_762 : vector<16xf32> to vector<1x16xf32>
      tpu.vector_store %arg11[%swap3A_763, %swap3A_764], %swap3A_767 {strides = array<i32>} : memref<320x64xf32, #tpu.memory_space<vmem>>, vector<1x16xf32>,
      %get3A_768 = arith.index_cast %add3A_743 : i32 to index
      %get3A_769 = arith.constant 32 : index
      %get3A_770 = tpu.vector_load %arg10[%get3A_768, %get3A_769] {strides = array<i32>} : memref<320x64xf32, #tpu.memory_space<vmem>>, vector<1x16xf32>,
      %get3A_771 = vector.shape_cast %get3A_770 : vector<1x16xf32> to vector<16xf32>
      %mul3A_772 = vector.broadcast %squeeze3A_745 : f32 to vector<16xf32>
      %mul3A_773 = arith.mulf %get3A_771, %mul3A_772 : vector<16xf32>
      %swap3A_774 = arith.index_cast %add3A_743 : i32 to index
      %swap3A_775 = arith.constant 32 : index
      %swap3A_776 = tpu.vector_load %arg11[%swap3A_774, %swap3A_775] {strides = array<i32>} : memref<320x64xf32, #tpu.memory_space<vmem>>, vector<1x16xf32>,
      %swap3A_777 = vector.shape_cast %swap3A_776 : vector<1x16xf32> to vector<16xf32>
      %swap3A_778 = vector.shape_cast %mul3A_773 : vector<16xf32> to vector<1x16xf32>
      tpu.vector_store %arg11[%swap3A_774, %swap3A_775], %swap3A_778 {strides = array<i32>} : memref<320x64xf32, #tpu.memory_space<vmem>>, vector<1x16xf32>,
      %get3A_779 = arith.index_cast %add3A_743 : i32 to index
      %get3A_780 = arith.constant 48 : index
      %get3A_781 = tpu.vector_load %arg10[%get3A_779, %get3A_780] {strides = array<i32>} : memref<320x64xf32, #tpu.memory_space<vmem>>, vector<1x16xf32>,
      %get3A_782 = vector.shape_cast %get3A_781 : vector<1x16xf32> to vector<16xf32>
      %mul3A_783 = vector.broadcast %squeeze3A_745 : f32 to vector<16xf32>
      %mul3A_784 = arith.mulf %get3A_782, %mul3A_783 : vector<16xf32>
      %swap3A_785 = arith.index_cast %add3A_743 : i32 to index
      %swap3A_786 = arith.constant 48 : index
      %swap3A_787 = tpu.vector_load %arg11[%swap3A_785, %swap3A_786] {strides = array<i32>} : memref<320x64xf32, #tpu.memory_space<vmem>>, vector<1x16xf32>,
      %swap3A_788 = vector.shape_cast %swap3A_787 : vector<1x16xf32> to vector<16xf32>
      %swap3A_789 = vector.shape_cast %mul3A_784 : vector<16xf32> to vector<1x16xf32>
      tpu.vector_store %arg11[%swap3A_785, %swap3A_786], %swap3A_789 {strides = array<i32>} : memref<320x64xf32, #tpu.memory_space<vmem>>, vector<1x16xf32>,
      %mul3A_790 = arith.constant 16 : i32
      %mul3A_791 = arith.muli %scan3A_188, %mul3A_790 : i32
      %add3A_792 = arith.constant 12 : i32
      %add3A_793 = arith.addi %mul3A_791, %add3A_792 : i32
      %slice3A_794 = vector.extract_strided_slice %get3A_192 {offsets = [12], sizes = [1], strides = [1]} : vector<16xf32> to vector<1xf32>
      %squeeze3A_795 = vector.extract %slice3A_794[0] : f32 from vector<1xf32>
      %get3A_796 = arith.index_cast %add3A_793 : i32 to index
      %get3A_797 = arith.constant 0 : index
      %get3A_798 = tpu.vector_load %arg10[%get3A_796, %get3A_797] {strides = array<i32>} : memref<320x64xf32, #tpu.memory_space<vmem>>, vector<1x16xf32>,
      %get3A_799 = vector.shape_cast %get3A_798 : vector<1x16xf32> to vector<16xf32>
      %mul3A_800 = vector.broadcast %squeeze3A_795 : f32 to vector<16xf32>
      %mul3A_801 = arith.mulf %get3A_799, %mul3A_800 : vector<16xf32>
      %swap3A_802 = arith.index_cast %add3A_793 : i32 to index
      %swap3A_803 = arith.constant 0 : index
      %swap3A_804 = tpu.vector_load %arg11[%swap3A_802, %swap3A_803] {strides = array<i32>} : memref<320x64xf32, #tpu.memory_space<vmem>>, vector<1x16xf32>,
      %swap3A_805 = vector.shape_cast %swap3A_804 : vector<1x16xf32> to vector<16xf32>
      %swap3A_806 = vector.shape_cast %mul3A_801 : vector<16xf32> to vector<1x16xf32>
      tpu.vector_store %arg11[%swap3A_802, %swap3A_803], %swap3A_806 {strides = array<i32>} : memref<320x64xf32, #tpu.memory_space<vmem>>, vector<1x16xf32>,
      %get3A_807 = arith.index_cast %add3A_793 : i32 to index
      %get3A_808 = arith.constant 16 : index
      %get3A_809 = tpu.vector_load %arg10[%get3A_807, %get3A_808] {strides = array<i32>} : memref<320x64xf32, #tpu.memory_space<vmem>>, vector<1x16xf32>,
      %get3A_810 = vector.shape_cast %get3A_809 : vector<1x16xf32> to vector<16xf32>
      %mul3A_811 = vector.broadcast %squeeze3A_795 : f32 to vector<16xf32>
      %mul3A_812 = arith.mulf %get3A_810, %mul3A_811 : vector<16xf32>
      %swap3A_813 = arith.index_cast %add3A_793 : i32 to index
      %swap3A_814 = arith.constant 16 : index
      %swap3A_815 = tpu.vector_load %arg11[%swap3A_813, %swap3A_814] {strides = array<i32>} : memref<320x64xf32, #tpu.memory_space<vmem>>, vector<1x16xf32>,
      %swap3A_816 = vector.shape_cast %swap3A_815 : vector<1x16xf32> to vector<16xf32>
      %swap3A_817 = vector.shape_cast %mul3A_812 : vector<16xf32> to vector<1x16xf32>
      tpu.vector_store %arg11[%swap3A_813, %swap3A_814], %swap3A_817 {strides = array<i32>} : memref<320x64xf32, #tpu.memory_space<vmem>>, vector<1x16xf32>,
      %get3A_818 = arith.index_cast %add3A_793 : i32 to index
      %get3A_819 = arith.constant 32 : index
      %get3A_820 = tpu.vector_load %arg10[%get3A_818, %get3A_819] {strides = array<i32>} : memref<320x64xf32, #tpu.memory_space<vmem>>, vector<1x16xf32>,
      %get3A_821 = vector.shape_cast %get3A_820 : vector<1x16xf32> to vector<16xf32>
      %mul3A_822 = vector.broadcast %squeeze3A_795 : f32 to vector<16xf32>
      %mul3A_823 = arith.mulf %get3A_821, %mul3A_822 : vector<16xf32>
      %swap3A_824 = arith.index_cast %add3A_793 : i32 to index
      %swap3A_825 = arith.constant 32 : index
      %swap3A_826 = tpu.vector_load %arg11[%swap3A_824, %swap3A_825] {strides = array<i32>} : memref<320x64xf32, #tpu.memory_space<vmem>>, vector<1x16xf32>,
      %swap3A_827 = vector.shape_cast %swap3A_826 : vector<1x16xf32> to vector<16xf32>
      %swap3A_828 = vector.shape_cast %mul3A_823 : vector<16xf32> to vector<1x16xf32>
      tpu.vector_store %arg11[%swap3A_824, %swap3A_825], %swap3A_828 {strides = array<i32>} : memref<320x64xf32, #tpu.memory_space<vmem>>, vector<1x16xf32>,
      %get3A_829 = arith.index_cast %add3A_793 : i32 to index
      %get3A_830 = arith.constant 48 : index
      %get3A_831 = tpu.vector_load %arg10[%get3A_829, %get3A_830] {strides = array<i32>} : memref<320x64xf32, #tpu.memory_space<vmem>>, vector<1x16xf32>,
      %get3A_832 = vector.shape_cast %get3A_831 : vector<1x16xf32> to vector<16xf32>
      %mul3A_833 = vector.broadcast %squeeze3A_795 : f32 to vector<16xf32>
      %mul3A_834 = arith.mulf %get3A_832, %mul3A_833 : vector<16xf32>
      %swap3A_835 = arith.index_cast %add3A_793 : i32 to index
      %swap3A_836 = arith.constant 48 : index
      %swap3A_837 = tpu.vector_load %arg11[%swap3A_835, %swap3A_836] {strides = array<i32>} : memref<320x64xf32, #tpu.memory_space<vmem>>, vector<1x16xf32>,
      %swap3A_838 = vector.shape_cast %swap3A_837 : vector<1x16xf32> to vector<16xf32>
      %swap3A_839 = vector.shape_cast %mul3A_834 : vector<16xf32> to vector<1x16xf32>
      tpu.vector_store %arg11[%swap3A_835, %swap3A_836], %swap3A_839 {strides = array<i32>} : memref<320x64xf32, #tpu.memory_space<vmem>>, vector<1x16xf32>,
      %mul3A_840 = arith.constant 16 : i32
      %mul3A_841 = arith.muli %scan3A_188, %mul3A_840 : i32
      %add3A_842 = arith.constant 13 : i32
      %add3A_843 = arith.addi %mul3A_841, %add3A_842 : i32
      %slice3A_844 = vector.extract_strided_slice %get3A_192 {offsets = [13], sizes = [1], strides = [1]} : vector<16xf32> to vector<1xf32>
      %squeeze3A_845 = vector.extract %slice3A_844[0] : f32 from vector<1xf32>
      %get3A_846 = arith.index_cast %add3A_843 : i32 to index
      %get3A_847 = arith.constant 0 : index
      %get3A_848 = tpu.vector_load %arg10[%get3A_846, %get3A_847] {strides = array<i32>} : memref<320x64xf32, #tpu.memory_space<vmem>>, vector<1x16xf32>,
      %get3A_849 = vector.shape_cast %get3A_848 : vector<1x16xf32> to vector<16xf32>
      %mul3A_850 = vector.broadcast %squeeze3A_845 : f32 to vector<16xf32>
      %mul3A_851 = arith.mulf %get3A_849, %mul3A_850 : vector<16xf32>
      %swap3A_852 = arith.index_cast %add3A_843 : i32 to index
      %swap3A_853 = arith.constant 0 : index
      %swap3A_854 = tpu.vector_load %arg11[%swap3A_852, %swap3A_853] {strides = array<i32>} : memref<320x64xf32, #tpu.memory_space<vmem>>, vector<1x16xf32>,
      %swap3A_855 = vector.shape_cast %swap3A_854 : vector<1x16xf32> to vector<16xf32>
      %swap3A_856 = vector.shape_cast %mul3A_851 : vector<16xf32> to vector<1x16xf32>
      tpu.vector_store %arg11[%swap3A_852, %swap3A_853], %swap3A_856 {strides = array<i32>} : memref<320x64xf32, #tpu.memory_space<vmem>>, vector<1x16xf32>,
      %get3A_857 = arith.index_cast %add3A_843 : i32 to index
      %get3A_858 = arith.constant 16 : index
      %get3A_859 = tpu.vector_load %arg10[%get3A_857, %get3A_858] {strides = array<i32>} : memref<320x64xf32, #tpu.memory_space<vmem>>, vector<1x16xf32>,
      %get3A_860 = vector.shape_cast %get3A_859 : vector<1x16xf32> to vector<16xf32>
      %mul3A_861 = vector.broadcast %squeeze3A_845 : f32 to vector<16xf32>
      %mul3A_862 = arith.mulf %get3A_860, %mul3A_861 : vector<16xf32>
      %swap3A_863 = arith.index_cast %add3A_843 : i32 to index
      %swap3A_864 = arith.constant 16 : index
      %swap3A_865 = tpu.vector_load %arg11[%swap3A_863, %swap3A_864] {strides = array<i32>} : memref<320x64xf32, #tpu.memory_space<vmem>>, vector<1x16xf32>,
      %swap3A_866 = vector.shape_cast %swap3A_865 : vector<1x16xf32> to vector<16xf32>
      %swap3A_867 = vector.shape_cast %mul3A_862 : vector<16xf32> to vector<1x16xf32>
      tpu.vector_store %arg11[%swap3A_863, %swap3A_864], %swap3A_867 {strides = array<i32>} : memref<320x64xf32, #tpu.memory_space<vmem>>, vector<1x16xf32>,
      %get3A_868 = arith.index_cast %add3A_843 : i32 to index
      %get3A_869 = arith.constant 32 : index
      %get3A_870 = tpu.vector_load %arg10[%get3A_868, %get3A_869] {strides = array<i32>} : memref<320x64xf32, #tpu.memory_space<vmem>>, vector<1x16xf32>,
      %get3A_871 = vector.shape_cast %get3A_870 : vector<1x16xf32> to vector<16xf32>
      %mul3A_872 = vector.broadcast %squeeze3A_845 : f32 to vector<16xf32>
      %mul3A_873 = arith.mulf %get3A_871, %mul3A_872 : vector<16xf32>
      %swap3A_874 = arith.index_cast %add3A_843 : i32 to index
      %swap3A_875 = arith.constant 32 : index
      %swap3A_876 = tpu.vector_load %arg11[%swap3A_874, %swap3A_875] {strides = array<i32>} : memref<320x64xf32, #tpu.memory_space<vmem>>, vector<1x16xf32>,
      %swap3A_877 = vector.shape_cast %swap3A_876 : vector<1x16xf32> to vector<16xf32>
      %swap3A_878 = vector.shape_cast %mul3A_873 : vector<16xf32> to vector<1x16xf32>
      tpu.vector_store %arg11[%swap3A_874, %swap3A_875], %swap3A_878 {strides = array<i32>} : memref<320x64xf32, #tpu.memory_space<vmem>>, vector<1x16xf32>,
      %get3A_879 = arith.index_cast %add3A_843 : i32 to index
      %get3A_880 = arith.constant 48 : index
      %get3A_881 = tpu.vector_load %arg10[%get3A_879, %get3A_880] {strides = array<i32>} : memref<320x64xf32, #tpu.memory_space<vmem>>, vector<1x16xf32>,
      %get3A_882 = vector.shape_cast %get3A_881 : vector<1x16xf32> to vector<16xf32>
      %mul3A_883 = vector.broadcast %squeeze3A_845 : f32 to vector<16xf32>
      %mul3A_884 = arith.mulf %get3A_882, %mul3A_883 : vector<16xf32>
      %swap3A_885 = arith.index_cast %add3A_843 : i32 to index
      %swap3A_886 = arith.constant 48 : index
      %swap3A_887 = tpu.vector_load %arg11[%swap3A_885, %swap3A_886] {strides = array<i32>} : memref<320x64xf32, #tpu.memory_space<vmem>>, vector<1x16xf32>,
      %swap3A_888 = vector.shape_cast %swap3A_887 : vector<1x16xf32> to vector<16xf32>
      %swap3A_889 = vector.shape_cast %mul3A_884 : vector<16xf32> to vector<1x16xf32>
      tpu.vector_store %arg11[%swap3A_885, %swap3A_886], %swap3A_889 {strides = array<i32>} : memref<320x64xf32, #tpu.memory_space<vmem>>, vector<1x16xf32>,
      %mul3A_890 = arith.constant 16 : i32
      %mul3A_891 = arith.muli %scan3A_188, %mul3A_890 : i32
      %add3A_892 = arith.constant 14 : i32
      %add3A_893 = arith.addi %mul3A_891, %add3A_892 : i32
      %slice3A_894 = vector.extract_strided_slice %get3A_192 {offsets = [14], sizes = [1], strides = [1]} : vector<16xf32> to vector<1xf32>
      %squeeze3A_895 = vector.extract %slice3A_894[0] : f32 from vector<1xf32>
      %get3A_896 = arith.index_cast %add3A_893 : i32 to index
      %get3A_897 = arith.constant 0 : index
      %get3A_898 = tpu.vector_load %arg10[%get3A_896, %get3A_897] {strides = array<i32>} : memref<320x64xf32, #tpu.memory_space<vmem>>, vector<1x16xf32>,
      %get3A_899 = vector.shape_cast %get3A_898 : vector<1x16xf32> to vector<16xf32>
      %mul3A_900 = vector.broadcast %squeeze3A_895 : f32 to vector<16xf32>
      %mul3A_901 = arith.mulf %get3A_899, %mul3A_900 : vector<16xf32>
      %swap3A_902 = arith.index_cast %add3A_893 : i32 to index
      %swap3A_903 = arith.constant 0 : index
      %swap3A_904 = tpu.vector_load %arg11[%swap3A_902, %swap3A_903] {strides = array<i32>} : memref<320x64xf32, #tpu.memory_space<vmem>>, vector<1x16xf32>,
      %swap3A_905 = vector.shape_cast %swap3A_904 : vector<1x16xf32> to vector<16xf32>
      %swap3A_906 = vector.shape_cast %mul3A_901 : vector<16xf32> to vector<1x16xf32>
      tpu.vector_store %arg11[%swap3A_902, %swap3A_903], %swap3A_906 {strides = array<i32>} : memref<320x64xf32, #tpu.memory_space<vmem>>, vector<1x16xf32>,
      %get3A_907 = arith.index_cast %add3A_893 : i32 to index
      %get3A_908 = arith.constant 16 : index
      %get3A_909 = tpu.vector_load %arg10[%get3A_907, %get3A_908] {strides = array<i32>} : memref<320x64xf32, #tpu.memory_space<vmem>>, vector<1x16xf32>,
      %get3A_910 = vector.shape_cast %get3A_909 : vector<1x16xf32> to vector<16xf32>
      %mul3A_911 = vector.broadcast %squeeze3A_895 : f32 to vector<16xf32>
      %mul3A_912 = arith.mulf %get3A_910, %mul3A_911 : vector<16xf32>
      %swap3A_913 = arith.index_cast %add3A_893 : i32 to index
      %swap3A_914 = arith.constant 16 : index
      %swap3A_915 = tpu.vector_load %arg11[%swap3A_913, %swap3A_914] {strides = array<i32>} : memref<320x64xf32, #tpu.memory_space<vmem>>, vector<1x16xf32>,
      %swap3A_916 = vector.shape_cast %swap3A_915 : vector<1x16xf32> to vector<16xf32>
      %swap3A_917 = vector.shape_cast %mul3A_912 : vector<16xf32> to vector<1x16xf32>
      tpu.vector_store %arg11[%swap3A_913, %swap3A_914], %swap3A_917 {strides = array<i32>} : memref<320x64xf32, #tpu.memory_space<vmem>>, vector<1x16xf32>,
      %get3A_918 = arith.index_cast %add3A_893 : i32 to index
      %get3A_919 = arith.constant 32 : index
      %get3A_920 = tpu.vector_load %arg10[%get3A_918, %get3A_919] {strides = array<i32>} : memref<320x64xf32, #tpu.memory_space<vmem>>, vector<1x16xf32>,
      %get3A_921 = vector.shape_cast %get3A_920 : vector<1x16xf32> to vector<16xf32>
      %mul3A_922 = vector.broadcast %squeeze3A_895 : f32 to vector<16xf32>
      %mul3A_923 = arith.mulf %get3A_921, %mul3A_922 : vector<16xf32>
      %swap3A_924 = arith.index_cast %add3A_893 : i32 to index
      %swap3A_925 = arith.constant 32 : index
      %swap3A_926 = tpu.vector_load %arg11[%swap3A_924, %swap3A_925] {strides = array<i32>} : memref<320x64xf32, #tpu.memory_space<vmem>>, vector<1x16xf32>,
      %swap3A_927 = vector.shape_cast %swap3A_926 : vector<1x16xf32> to vector<16xf32>
      %swap3A_928 = vector.shape_cast %mul3A_923 : vector<16xf32> to vector<1x16xf32>
      tpu.vector_store %arg11[%swap3A_924, %swap3A_925], %swap3A_928 {strides = array<i32>} : memref<320x64xf32, #tpu.memory_space<vmem>>, vector<1x16xf32>,
      %get3A_929 = arith.index_cast %add3A_893 : i32 to index
      %get3A_930 = arith.constant 48 : index
      %get3A_931 = tpu.vector_load %arg10[%get3A_929, %get3A_930] {strides = array<i32>} : memref<320x64xf32, #tpu.memory_space<vmem>>, vector<1x16xf32>,
      %get3A_932 = vector.shape_cast %get3A_931 : vector<1x16xf32> to vector<16xf32>
      %mul3A_933 = vector.broadcast %squeeze3A_895 : f32 to vector<16xf32>
      %mul3A_934 = arith.mulf %get3A_932, %mul3A_933 : vector<16xf32>
      %swap3A_935 = arith.index_cast %add3A_893 : i32 to index
      %swap3A_936 = arith.constant 48 : index
      %swap3A_937 = tpu.vector_load %arg11[%swap3A_935, %swap3A_936] {strides = array<i32>} : memref<320x64xf32, #tpu.memory_space<vmem>>, vector<1x16xf32>,
      %swap3A_938 = vector.shape_cast %swap3A_937 : vector<1x16xf32> to vector<16xf32>
      %swap3A_939 = vector.shape_cast %mul3A_934 : vector<16xf32> to vector<1x16xf32>
      tpu.vector_store %arg11[%swap3A_935, %swap3A_936], %swap3A_939 {strides = array<i32>} : memref<320x64xf32, #tpu.memory_space<vmem>>, vector<1x16xf32>,
      %mul3A_940 = arith.constant 16 : i32
      %mul3A_941 = arith.muli %scan3A_188, %mul3A_940 : i32
      %add3A_942 = arith.constant 15 : i32
      %add3A_943 = arith.addi %mul3A_941, %add3A_942 : i32
      %slice3A_944 = vector.extract_strided_slice %get3A_192 {offsets = [15], sizes = [1], strides = [1]} : vector<16xf32> to vector<1xf32>
      %squeeze3A_945 = vector.extract %slice3A_944[0] : f32 from vector<1xf32>
      %get3A_946 = arith.index_cast %add3A_943 : i32 to index
      %get3A_947 = arith.constant 0 : index
      %get3A_948 = tpu.vector_load %arg10[%get3A_946, %get3A_947] {strides = array<i32>} : memref<320x64xf32, #tpu.memory_space<vmem>>, vector<1x16xf32>,
      %get3A_949 = vector.shape_cast %get3A_948 : vector<1x16xf32> to vector<16xf32>
      %mul3A_950 = vector.broadcast %squeeze3A_945 : f32 to vector<16xf32>
      %mul3A_951 = arith.mulf %get3A_949, %mul3A_950 : vector<16xf32>
      %swap3A_952 = arith.index_cast %add3A_943 : i32 to index
      %swap3A_953 = arith.constant 0 : index
      %swap3A_954 = tpu.vector_load %arg11[%swap3A_952, %swap3A_953] {strides = array<i32>} : memref<320x64xf32, #tpu.memory_space<vmem>>, vector<1x16xf32>,
      %swap3A_955 = vector.shape_cast %swap3A_954 : vector<1x16xf32> to vector<16xf32>
      %swap3A_956 = vector.shape_cast %mul3A_951 : vector<16xf32> to vector<1x16xf32>
      tpu.vector_store %arg11[%swap3A_952, %swap3A_953], %swap3A_956 {strides = array<i32>} : memref<320x64xf32, #tpu.memory_space<vmem>>, vector<1x16xf32>,
      %get3A_957 = arith.index_cast %add3A_943 : i32 to index
      %get3A_958 = arith.constant 16 : index
      %get3A_959 = tpu.vector_load %arg10[%get3A_957, %get3A_958] {strides = array<i32>} : memref<320x64xf32, #tpu.memory_space<vmem>>, vector<1x16xf32>,
      %get3A_960 = vector.shape_cast %get3A_959 : vector<1x16xf32> to vector<16xf32>
      %mul3A_961 = vector.broadcast %squeeze3A_945 : f32 to vector<16xf32>
      %mul3A_962 = arith.mulf %get3A_960, %mul3A_961 : vector<16xf32>
      %swap3A_963 = arith.index_cast %add3A_943 : i32 to index
      %swap3A_964 = arith.constant 16 : index
      %swap3A_965 = tpu.vector_load %arg11[%swap3A_963, %swap3A_964] {strides = array<i32>} : memref<320x64xf32, #tpu.memory_space<vmem>>, vector<1x16xf32>,
      %swap3A_966 = vector.shape_cast %swap3A_965 : vector<1x16xf32> to vector<16xf32>
      %swap3A_967 = vector.shape_cast %mul3A_962 : vector<16xf32> to vector<1x16xf32>
      tpu.vector_store %arg11[%swap3A_963, %swap3A_964], %swap3A_967 {strides = array<i32>} : memref<320x64xf32, #tpu.memory_space<vmem>>, vector<1x16xf32>,
      %get3A_968 = arith.index_cast %add3A_943 : i32 to index
      %get3A_969 = arith.constant 32 : index
      %get3A_970 = tpu.vector_load %arg10[%get3A_968, %get3A_969] {strides = array<i32>} : memref<320x64xf32, #tpu.memory_space<vmem>>, vector<1x16xf32>,
      %get3A_971 = vector.shape_cast %get3A_970 : vector<1x16xf32> to vector<16xf32>
      %mul3A_972 = vector.broadcast %squeeze3A_945 : f32 to vector<16xf32>
      %mul3A_973 = arith.mulf %get3A_971, %mul3A_972 : vector<16xf32>
      %swap3A_974 = arith.index_cast %add3A_943 : i32 to index
      %swap3A_975 = arith.constant 32 : index
      %swap3A_976 = tpu.vector_load %arg11[%swap3A_974, %swap3A_975] {strides = array<i32>} : memref<320x64xf32, #tpu.memory_space<vmem>>, vector<1x16xf32>,
      %swap3A_977 = vector.shape_cast %swap3A_976 : vector<1x16xf32> to vector<16xf32>
      %swap3A_978 = vector.shape_cast %mul3A_973 : vector<16xf32> to vector<1x16xf32>
      tpu.vector_store %arg11[%swap3A_974, %swap3A_975], %swap3A_978 {strides = array<i32>} : memref<320x64xf32, #tpu.memory_space<vmem>>, vector<1x16xf32>,
      %get3A_979 = arith.index_cast %add3A_943 : i32 to index
      %get3A_980 = arith.constant 48 : index
      %get3A_981 = tpu.vector_load %arg10[%get3A_979, %get3A_980] {strides = array<i32>} : memref<320x64xf32, #tpu.memory_space<vmem>>, vector<1x16xf32>,
      %get3A_982 = vector.shape_cast %get3A_981 : vector<1x16xf32> to vector<16xf32>
      %mul3A_983 = vector.broadcast %squeeze3A_945 : f32 to vector<16xf32>
      %mul3A_984 = arith.mulf %get3A_982, %mul3A_983 : vector<16xf32>
      %swap3A_985 = arith.index_cast %add3A_943 : i32 to index
      %swap3A_986 = arith.constant 48 : index
      %swap3A_987 = tpu.vector_load %arg11[%swap3A_985, %swap3A_986] {strides = array<i32>} : memref<320x64xf32, #tpu.memory_space<vmem>>, vector<1x16xf32>,
      %swap3A_988 = vector.shape_cast %swap3A_987 : vector<1x16xf32> to vector<16xf32>
      %swap3A_989 = vector.shape_cast %mul3A_984 : vector<16xf32> to vector<1x16xf32>
      tpu.vector_store %arg11[%swap3A_985, %swap3A_986], %swap3A_989 {strides = array<i32>} : memref<320x64xf32, #tpu.memory_space<vmem>>, vector<1x16xf32>,
    }
    %scan3A_8 = arith.constant 20 : i32
    "tpu.region"() ({
      %run_scoped3A_188 = tpu.sem_alloc : memref<!tpu.dma_semaphore, #tpu.memory_space<semaphore_mem>>
      %dma_start3A_189 = arith.constant 0 : i32
      %dma_start3A_190 = arith.constant 0 : i32
      %dma_start3A_191 = tpu.memref_slice %arg11[%dma_start3A_189, %dma_start3A_190] : memref<320x64xf32, #tpu.memory_space<vmem>> -> memref<320x64xf32, #tpu.memory_space<vmem>>
      %dma_start3A_192 = arith.constant 0 : i32
      %dma_start3A_193 = tpu.memref_slice %arg6[%arg0, %add3A_1, %dma_start3A_192] : memref<2x10112x64xf32, #tpu.memory_space<hbm>> -> memref<1x320x64xf32, #tpu.memory_space<hbm>>
      %dma_start3A_194 = tpu.memref_squeeze %dma_start3A_193 : memref<1x320x64xf32, #tpu.memory_space<hbm>> -> memref<320x64xf32, #tpu.memory_space<hbm>>
      %dma_start3A_195 = arith.constant 0 : i32
      %dma_start3A_196 = tpu.memref_slice %arg6[%arg0, %add3A_1, %dma_start3A_195] : memref<2x10112x64xf32, #tpu.memory_space<hbm>> -> memref<1x320x64xf32, #tpu.memory_space<hbm>>
      %dma_start3A_197 = tpu.memref_squeeze %dma_start3A_196 : memref<1x320x64xf32, #tpu.memory_space<hbm>> -> memref<320x64xf32, #tpu.memory_space<hbm>>
      %dma_start3A_198 = arith.constant 0 : i32
      %dma_start3A_199 = arith.constant 0 : i32
      %dma_start3A_200 = tpu.memref_slice %arg11[%dma_start3A_198, %dma_start3A_199] : memref<320x64xf32, #tpu.memory_space<vmem>> -> memref<320x64xf32, #tpu.memory_space<vmem>>
      tpu.enqueue_dma source(%dma_start3A_200 : memref<320x64xf32, #tpu.memory_space<vmem>>) target(%dma_start3A_197 : memref<320x64xf32, #tpu.memory_space<hbm>>) target_semaphore(%run_scoped3A_188 : memref<!tpu.dma_semaphore, #tpu.memory_space<semaphore_mem>>)
      %dma_wait3A_201 = arith.constant 0 : i32
      %dma_wait3A_202 = arith.constant 0 : i32
      %dma_wait3A_203 = tpu.memref_slice %arg11[%dma_wait3A_201, %dma_wait3A_202] : memref<320x64xf32, #tpu.memory_space<vmem>> -> memref<320x64xf32, #tpu.memory_space<vmem>>
      %dma_wait3A_204 = arith.constant 0 : i32
      %dma_wait3A_205 = tpu.memref_slice %arg6[%arg0, %add3A_1, %dma_wait3A_204] : memref<2x10112x64xf32, #tpu.memory_space<hbm>> -> memref<1x320x64xf32, #tpu.memory_space<hbm>>
      %dma_wait3A_206 = tpu.memref_squeeze %dma_wait3A_205 : memref<1x320x64xf32, #tpu.memory_space<hbm>> -> memref<320x64xf32, #tpu.memory_space<hbm>>
      %dma_wait3A_207 = arith.constant 0 : i32
      %dma_wait3A_208 = tpu.memref_slice %arg6[%arg0, %add3A_1, %dma_wait3A_207] : memref<2x10112x64xf32, #tpu.memory_space<hbm>> -> memref<1x320x64xf32, #tpu.memory_space<hbm>>
      %dma_wait3A_209 = tpu.memref_squeeze %dma_wait3A_208 : memref<1x320x64xf32, #tpu.memory_space<hbm>> -> memref<320x64xf32, #tpu.memory_space<hbm>>
      %dma_wait3A_210 = arith.constant 0 : i32
      %dma_wait3A_211 = arith.constant 0 : i32
      %dma_wait3A_212 = tpu.memref_slice %arg11[%dma_wait3A_210, %dma_wait3A_211] : memref<320x64xf32, #tpu.memory_space<vmem>> -> memref<320x64xf32, #tpu.memory_space<vmem>>
      tpu.wait_dma2 semaphore(%run_scoped3A_188 : memref<!tpu.dma_semaphore, #tpu.memory_space<semaphore_mem>>) src(%dma_wait3A_212 : memref<320x64xf32, #tpu.memory_space<vmem>>) dst(%dma_wait3A_209 : memref<320x64xf32, #tpu.memory_space<hbm>>)
      tpu.yield
    }) : () -> ()
    %mul3A_9 = arith.constant 632 : i32
    %mul3A_10 = arith.muli %arg1, %mul3A_9 : i32
    %add3A_11 = arith.constant 320 : i32
    %add3A_12 = arith.addi %mul3A_10, %add3A_11 : i32
    %mul3A_13 = arith.constant 64 : i32
    %mul3A_14 = arith.muli %arg0, %mul3A_13 : i32
    "tpu.region"() ({
      %run_scoped3A_188 = tpu.sem_alloc : memref<!tpu.dma_semaphore, #tpu.memory_space<semaphore_mem>>
      %dma_start3A_189 = arith.constant 0 : i32
      %dma_start3A_190 = arith.constant 0 : i32
      %dma_start3A_191 = tpu.memref_slice %arg10[%dma_start3A_189, %dma_start3A_190] : memref<320x64xf32, #tpu.memory_space<vmem>> -> memref<312x64xf32, #tpu.memory_space<vmem>>
      %dma_start3A_192 = tpu.memref_slice %arg2[%add3A_12, %mul3A_14] : memref<10112x128xf32, #tpu.memory_space<hbm>> -> memref<312x64xf32, #tpu.memory_space<hbm>>
      %dma_start3A_193 = arith.constant 0 : i32
      %dma_start3A_194 = arith.constant 0 : i32
      %dma_start3A_195 = tpu.memref_slice %arg10[%dma_start3A_193, %dma_start3A_194] : memref<320x64xf32, #tpu.memory_space<vmem>> -> memref<312x64xf32, #tpu.memory_space<vmem>>
      %dma_start3A_196 = tpu.memref_slice %arg2[%add3A_12, %mul3A_14] : memref<10112x128xf32, #tpu.memory_space<hbm>> -> memref<312x64xf32, #tpu.memory_space<hbm>>
      tpu.enqueue_dma source(%dma_start3A_196 : memref<312x64xf32, #tpu.memory_space<hbm>>) target(%dma_start3A_195 : memref<312x64xf32, #tpu.memory_space<vmem>>) target_semaphore(%run_scoped3A_188 : memref<!tpu.dma_semaphore, #tpu.memory_space<semaphore_mem>>)
      %dma_wait3A_197 = arith.constant 0 : i32
      %dma_wait3A_198 = arith.constant 0 : i32
      %dma_wait3A_199 = tpu.memref_slice %arg10[%dma_wait3A_197, %dma_wait3A_198] : memref<320x64xf32, #tpu.memory_space<vmem>> -> memref<312x64xf32, #tpu.memory_space<vmem>>
      %dma_wait3A_200 = tpu.memref_slice %arg2[%add3A_12, %mul3A_14] : memref<10112x128xf32, #tpu.memory_space<hbm>> -> memref<312x64xf32, #tpu.memory_space<hbm>>
      %dma_wait3A_201 = arith.constant 0 : i32
      %dma_wait3A_202 = arith.constant 0 : i32
      %dma_wait3A_203 = tpu.memref_slice %arg10[%dma_wait3A_201, %dma_wait3A_202] : memref<320x64xf32, #tpu.memory_space<vmem>> -> memref<312x64xf32, #tpu.memory_space<vmem>>
      %dma_wait3A_204 = tpu.memref_slice %arg2[%add3A_12, %mul3A_14] : memref<10112x128xf32, #tpu.memory_space<hbm>> -> memref<312x64xf32, #tpu.memory_space<hbm>>
      tpu.wait_dma2 semaphore(%run_scoped3A_188 : memref<!tpu.dma_semaphore, #tpu.memory_space<semaphore_mem>>) src(%dma_wait3A_204 : memref<312x64xf32, #tpu.memory_space<hbm>>) dst(%dma_wait3A_203 : memref<312x64xf32, #tpu.memory_space<vmem>>)
      tpu.yield
    }) : () -> ()
    "tpu.region"() ({
      %run_scoped3A_188 = tpu.sem_alloc : memref<!tpu.dma_semaphore, #tpu.memory_space<semaphore_mem>>
      %dma_start3A_189 = arith.constant 0 : i32
      %dma_start3A_190 = tpu.memref_slice %arg16[%dma_start3A_189] : memref<320xf32, #tpu.memory_space<vmem>> -> memref<312xf32, #tpu.memory_space<vmem>>
      %dma_start3A_191 = tpu.memref_slice %arg3[%add3A_12] : memref<10112xf32, #tpu.memory_space<hbm>> -> memref<312xf32, #tpu.memory_space<hbm>>
      %dma_start3A_192 = arith.constant 0 : i32
      %dma_start3A_193 = tpu.memref_slice %arg16[%dma_start3A_192] : memref<320xf32, #tpu.memory_space<vmem>> -> memref<312xf32, #tpu.memory_space<vmem>>
      %dma_start3A_194 = tpu.memref_slice %arg3[%add3A_12] : memref<10112xf32, #tpu.memory_space<hbm>> -> memref<312xf32, #tpu.memory_space<hbm>>
      tpu.enqueue_dma source(%dma_start3A_194 : memref<312xf32, #tpu.memory_space<hbm>>) target(%dma_start3A_193 : memref<312xf32, #tpu.memory_space<vmem>>) target_semaphore(%run_scoped3A_188 : memref<!tpu.dma_semaphore, #tpu.memory_space<semaphore_mem>>)
      %dma_wait3A_195 = arith.constant 0 : i32
      %dma_wait3A_196 = tpu.memref_slice %arg16[%dma_wait3A_195] : memref<320xf32, #tpu.memory_space<vmem>> -> memref<312xf32, #tpu.memory_space<vmem>>
      %dma_wait3A_197 = tpu.memref_slice %arg3[%add3A_12] : memref<10112xf32, #tpu.memory_space<hbm>> -> memref<312xf32, #tpu.memory_space<hbm>>
      %dma_wait3A_198 = arith.constant 0 : i32
      %dma_wait3A_199 = tpu.memref_slice %arg16[%dma_wait3A_198] : memref<320xf32, #tpu.memory_space<vmem>> -> memref<312xf32, #tpu.memory_space<vmem>>
      %dma_wait3A_200 = tpu.memref_slice %arg3[%add3A_12] : memref<10112xf32, #tpu.memory_space<hbm>> -> memref<312xf32, #tpu.memory_space<hbm>>
      tpu.wait_dma2 semaphore(%run_scoped3A_188 : memref<!tpu.dma_semaphore, #tpu.memory_space<semaphore_mem>>) src(%dma_wait3A_200 : memref<312xf32, #tpu.memory_space<hbm>>) dst(%dma_wait3A_199 : memref<312xf32, #tpu.memory_space<vmem>>)
      tpu.yield
    }) : () -> ()
    %scan3A_15 = arith.constant 0 : i32
    %scan3A_16 = arith.constant 0 : i32
    %scan3A_17 = arith.constant 20 : i32
    %scan3A_18 = arith.addi %scan3A_16, %scan3A_17 : i32
    %scan3A_19 = arith.constant 1 : i32
    scf.for %scan3A_188 = %scan3A_16 to %scan3A_18 step %scan3A_19  : i32 {
      %mul3A_189 = arith.constant 16 : i32
      %mul3A_190 = arith.muli %scan3A_188, %mul3A_189 : i32
      %get3A = arith.index_cast %mul3A_190 : i32 to index
      %get3A_191 = tpu.vector_load %arg16[%get3A] {strides = array<i32>} : memref<320xf32, #tpu.memory_space<vmem>>, vector<16xf32>,
      %get3A_192 = vector.shape_cast %get3A_191 : vector<16xf32> to vector<16xf32>
      %mul3A_193 = arith.constant 16 : i32
      %mul3A_194 = arith.muli %scan3A_188, %mul3A_193 : i32
      %add3A_195 = arith.constant 0 : i32
      %add3A_196 = arith.addi %mul3A_194, %add3A_195 : i32
      %slice3A = vector.extract_strided_slice %get3A_192 {offsets = [0], sizes = [1], strides = [1]} : vector<16xf32> to vector<1xf32>
      %squeeze3A = vector.extract %slice3A[0] : f32 from vector<1xf32>
      %get3A_197 = arith.index_cast %add3A_196 : i32 to index
      %get3A_198 = arith.constant 0 : index
      %get3A_199 = tpu.vector_load %arg10[%get3A_197, %get3A_198] {strides = array<i32>} : memref<320x64xf32, #tpu.memory_space<vmem>>, vector<1x16xf32>,
      %get3A_200 = vector.shape_cast %get3A_199 : vector<1x16xf32> to vector<16xf32>
      %mul3A_201 = vector.broadcast %squeeze3A : f32 to vector<16xf32>
      %mul3A_202 = arith.mulf %get3A_200, %mul3A_201 : vector<16xf32>
      %swap3A = arith.index_cast %add3A_196 : i32 to index
      %swap3A_203 = arith.constant 0 : index
      %swap3A_204 = tpu.vector_load %arg11[%swap3A, %swap3A_203] {strides = array<i32>} : memref<320x64xf32, #tpu.memory_space<vmem>>, vector<1x16xf32>,
      %swap3A_205 = vector.shape_cast %swap3A_204 : vector<1x16xf32> to vector<16xf32>
      %swap3A_206 = vector.shape_cast %mul3A_202 : vector<16xf32> to vector<1x16xf32>
      tpu.vector_store %arg11[%swap3A, %swap3A_203], %swap3A_206 {strides = array<i32>} : memref<320x64xf32, #tpu.memory_space<vmem>>, vector<1x16xf32>,
      %get3A_207 = arith.index_cast %add3A_196 : i32 to index
      %get3A_208 = arith.constant 16 : index
      %get3A_209 = tpu.vector_load %arg10[%get3A_207, %get3A_208] {strides = array<i32>} : memref<320x64xf32, #tpu.memory_space<vmem>>, vector<1x16xf32>,
      %get3A_210 = vector.shape_cast %get3A_209 : vector<1x16xf32> to vector<16xf32>
      %mul3A_211 = vector.broadcast %squeeze3A : f32 to vector<16xf32>
      %mul3A_212 = arith.mulf %get3A_210, %mul3A_211 : vector<16xf32>
      %swap3A_213 = arith.index_cast %add3A_196 : i32 to index
      %swap3A_214 = arith.constant 16 : index
      %swap3A_215 = tpu.vector_load %arg11[%swap3A_213, %swap3A_214] {strides = array<i32>} : memref<320x64xf32, #tpu.memory_space<vmem>>, vector<1x16xf32>,
      %swap3A_216 = vector.shape_cast %swap3A_215 : vector<1x16xf32> to vector<16xf32>
      %swap3A_217 = vector.shape_cast %mul3A_212 : vector<16xf32> to vector<1x16xf32>
      tpu.vector_store %arg11[%swap3A_213, %swap3A_214], %swap3A_217 {strides = array<i32>} : memref<320x64xf32, #tpu.memory_space<vmem>>, vector<1x16xf32>,
      %get3A_218 = arith.index_cast %add3A_196 : i32 to index
      %get3A_219 = arith.constant 32 : index
      %get3A_220 = tpu.vector_load %arg10[%get3A_218, %get3A_219] {strides = array<i32>} : memref<320x64xf32, #tpu.memory_space<vmem>>, vector<1x16xf32>,
      %get3A_221 = vector.shape_cast %get3A_220 : vector<1x16xf32> to vector<16xf32>
      %mul3A_222 = vector.broadcast %squeeze3A : f32 to vector<16xf32>
      %mul3A_223 = arith.mulf %get3A_221, %mul3A_222 : vector<16xf32>
      %swap3A_224 = arith.index_cast %add3A_196 : i32 to index
      %swap3A_225 = arith.constant 32 : index
      %swap3A_226 = tpu.vector_load %arg11[%swap3A_224, %swap3A_225] {strides = array<i32>} : memref<320x64xf32, #tpu.memory_space<vmem>>, vector<1x16xf32>,
      %swap3A_227 = vector.shape_cast %swap3A_226 : vector<1x16xf32> to vector<16xf32>
      %swap3A_228 = vector.shape_cast %mul3A_223 : vector<16xf32> to vector<1x16xf32>
      tpu.vector_store %arg11[%swap3A_224, %swap3A_225], %swap3A_228 {strides = array<i32>} : memref<320x64xf32, #tpu.memory_space<vmem>>, vector<1x16xf32>,
      %get3A_229 = arith.index_cast %add3A_196 : i32 to index
      %get3A_230 = arith.constant 48 : index
      %get3A_231 = tpu.vector_load %arg10[%get3A_229, %get3A_230] {strides = array<i32>} : memref<320x64xf32, #tpu.memory_space<vmem>>, vector<1x16xf32>,
      %get3A_232 = vector.shape_cast %get3A_231 : vector<1x16xf32> to vector<16xf32>
      %mul3A_233 = vector.broadcast %squeeze3A : f32 to vector<16xf32>
      %mul3A_234 = arith.mulf %get3A_232, %mul3A_233 : vector<16xf32>
      %swap3A_235 = arith.index_cast %add3A_196 : i32 to index
      %swap3A_236 = arith.constant 48 : index
      %swap3A_237 = tpu.vector_load %arg11[%swap3A_235, %swap3A_236] {strides = array<i32>} : memref<320x64xf32, #tpu.memory_space<vmem>>, vector<1x16xf32>,
      %swap3A_238 = vector.shape_cast %swap3A_237 : vector<1x16xf32> to vector<16xf32>
      %swap3A_239 = vector.shape_cast %mul3A_234 : vector<16xf32> to vector<1x16xf32>
      tpu.vector_store %arg11[%swap3A_235, %swap3A_236], %swap3A_239 {strides = array<i32>} : memref<320x64xf32, #tpu.memory_space<vmem>>, vector<1x16xf32>,
      %mul3A_240 = arith.constant 16 : i32
      %mul3A_241 = arith.muli %scan3A_188, %mul3A_240 : i32
      %add3A_242 = arith.constant 1 : i32
      %add3A_243 = arith.addi %mul3A_241, %add3A_242 : i32
      %slice3A_244 = vector.extract_strided_slice %get3A_192 {offsets = [1], sizes = [1], strides = [1]} : vector<16xf32> to vector<1xf32>
      %squeeze3A_245 = vector.extract %slice3A_244[0] : f32 from vector<1xf32>
      %get3A_246 = arith.index_cast %add3A_243 : i32 to index
      %get3A_247 = arith.constant 0 : index
      %get3A_248 = tpu.vector_load %arg10[%get3A_246, %get3A_247] {strides = array<i32>} : memref<320x64xf32, #tpu.memory_space<vmem>>, vector<1x16xf32>,
      %get3A_249 = vector.shape_cast %get3A_248 : vector<1x16xf32> to vector<16xf32>
      %mul3A_250 = vector.broadcast %squeeze3A_245 : f32 to vector<16xf32>
      %mul3A_251 = arith.mulf %get3A_249, %mul3A_250 : vector<16xf32>
      %swap3A_252 = arith.index_cast %add3A_243 : i32 to index
      %swap3A_253 = arith.constant 0 : index
      %swap3A_254 = tpu.vector_load %arg11[%swap3A_252, %swap3A_253] {strides = array<i32>} : memref<320x64xf32, #tpu.memory_space<vmem>>, vector<1x16xf32>,
      %swap3A_255 = vector.shape_cast %swap3A_254 : vector<1x16xf32> to vector<16xf32>
      %swap3A_256 = vector.shape_cast %mul3A_251 : vector<16xf32> to vector<1x16xf32>
      tpu.vector_store %arg11[%swap3A_252, %swap3A_253], %swap3A_256 {strides = array<i32>} : memref<320x64xf32, #tpu.memory_space<vmem>>, vector<1x16xf32>,
      %get3A_257 = arith.index_cast %add3A_243 : i32 to index
      %get3A_258 = arith.constant 16 : index
      %get3A_259 = tpu.vector_load %arg10[%get3A_257, %get3A_258] {strides = array<i32>} : memref<320x64xf32, #tpu.memory_space<vmem>>, vector<1x16xf32>,
      %get3A_260 = vector.shape_cast %get3A_259 : vector<1x16xf32> to vector<16xf32>
      %mul3A_261 = vector.broadcast %squeeze3A_245 : f32 to vector<16xf32>
      %mul3A_262 = arith.mulf %get3A_260, %mul3A_261 : vector<16xf32>
      %swap3A_263 = arith.index_cast %add3A_243 : i32 to index
      %swap3A_264 = arith.constant 16 : index
      %swap3A_265 = tpu.vector_load %arg11[%swap3A_263, %swap3A_264] {strides = array<i32>} : memref<320x64xf32, #tpu.memory_space<vmem>>, vector<1x16xf32>,
      %swap3A_266 = vector.shape_cast %swap3A_265 : vector<1x16xf32> to vector<16xf32>
      %swap3A_267 = vector.shape_cast %mul3A_262 : vector<16xf32> to vector<1x16xf32>
      tpu.vector_store %arg11[%swap3A_263, %swap3A_264], %swap3A_267 {strides = array<i32>} : memref<320x64xf32, #tpu.memory_space<vmem>>, vector<1x16xf32>,
      %get3A_268 = arith.index_cast %add3A_243 : i32 to index
      %get3A_269 = arith.constant 32 : index
      %get3A_270 = tpu.vector_load %arg10[%get3A_268, %get3A_269] {strides = array<i32>} : memref<320x64xf32, #tpu.memory_space<vmem>>, vector<1x16xf32>,
      %get3A_271 = vector.shape_cast %get3A_270 : vector<1x16xf32> to vector<16xf32>
      %mul3A_272 = vector.broadcast %squeeze3A_245 : f32 to vector<16xf32>
      %mul3A_273 = arith.mulf %get3A_271, %mul3A_272 : vector<16xf32>
      %swap3A_274 = arith.index_cast %add3A_243 : i32 to index
      %swap3A_275 = arith.constant 32 : index
      %swap3A_276 = tpu.vector_load %arg11[%swap3A_274, %swap3A_275] {strides = array<i32>} : memref<320x64xf32, #tpu.memory_space<vmem>>, vector<1x16xf32>,
      %swap3A_277 = vector.shape_cast %swap3A_276 : vector<1x16xf32> to vector<16xf32>
      %swap3A_278 = vector.shape_cast %mul3A_273 : vector<16xf32> to vector<1x16xf32>
      tpu.vector_store %arg11[%swap3A_274, %swap3A_275], %swap3A_278 {strides = array<i32>} : memref<320x64xf32, #tpu.memory_space<vmem>>, vector<1x16xf32>,
      %get3A_279 = arith.index_cast %add3A_243 : i32 to index
      %get3A_280 = arith.constant 48 : index
      %get3A_281 = tpu.vector_load %arg10[%get3A_279, %get3A_280] {strides = array<i32>} : memref<320x64xf32, #tpu.memory_space<vmem>>, vector<1x16xf32>,
      %get3A_282 = vector.shape_cast %get3A_281 : vector<1x16xf32> to vector<16xf32>
      %mul3A_283 = vector.broadcast %squeeze3A_245 : f32 to vector<16xf32>
      %mul3A_284 = arith.mulf %get3A_282, %mul3A_283 : vector<16xf32>
      %swap3A_285 = arith.index_cast %add3A_243 : i32 to index
      %swap3A_286 = arith.constant 48 : index
      %swap3A_287 = tpu.vector_load %arg11[%swap3A_285, %swap3A_286] {strides = array<i32>} : memref<320x64xf32, #tpu.memory_space<vmem>>, vector<1x16xf32>,
      %swap3A_288 = vector.shape_cast %swap3A_287 : vector<1x16xf32> to vector<16xf32>
      %swap3A_289 = vector.shape_cast %mul3A_284 : vector<16xf32> to vector<1x16xf32>
      tpu.vector_store %arg11[%swap3A_285, %swap3A_286], %swap3A_289 {strides = array<i32>} : memref<320x64xf32, #tpu.memory_space<vmem>>, vector<1x16xf32>,
      %mul3A_290 = arith.constant 16 : i32
      %mul3A_291 = arith.muli %scan3A_188, %mul3A_290 : i32
      %add3A_292 = arith.constant 2 : i32
      %add3A_293 = arith.addi %mul3A_291, %add3A_292 : i32
      %slice3A_294 = vector.extract_strided_slice %get3A_192 {offsets = [2], sizes = [1], strides = [1]} : vector<16xf32> to vector<1xf32>
      %squeeze3A_295 = vector.extract %slice3A_294[0] : f32 from vector<1xf32>
      %get3A_296 = arith.index_cast %add3A_293 : i32 to index
      %get3A_297 = arith.constant 0 : index
      %get3A_298 = tpu.vector_load %arg10[%get3A_296, %get3A_297] {strides = array<i32>} : memref<320x64xf32, #tpu.memory_space<vmem>>, vector<1x16xf32>,
      %get3A_299 = vector.shape_cast %get3A_298 : vector<1x16xf32> to vector<16xf32>
      %mul3A_300 = vector.broadcast %squeeze3A_295 : f32 to vector<16xf32>
      %mul3A_301 = arith.mulf %get3A_299, %mul3A_300 : vector<16xf32>
      %swap3A_302 = arith.index_cast %add3A_293 : i32 to index
      %swap3A_303 = arith.constant 0 : index
      %swap3A_304 = tpu.vector_load %arg11[%swap3A_302, %swap3A_303] {strides = array<i32>} : memref<320x64xf32, #tpu.memory_space<vmem>>, vector<1x16xf32>,
      %swap3A_305 = vector.shape_cast %swap3A_304 : vector<1x16xf32> to vector<16xf32>
      %swap3A_306 = vector.shape_cast %mul3A_301 : vector<16xf32> to vector<1x16xf32>
      tpu.vector_store %arg11[%swap3A_302, %swap3A_303], %swap3A_306 {strides = array<i32>} : memref<320x64xf32, #tpu.memory_space<vmem>>, vector<1x16xf32>,
      %get3A_307 = arith.index_cast %add3A_293 : i32 to index
      %get3A_308 = arith.constant 16 : index
      %get3A_309 = tpu.vector_load %arg10[%get3A_307, %get3A_308] {strides = array<i32>} : memref<320x64xf32, #tpu.memory_space<vmem>>, vector<1x16xf32>,
      %get3A_310 = vector.shape_cast %get3A_309 : vector<1x16xf32> to vector<16xf32>
      %mul3A_311 = vector.broadcast %squeeze3A_295 : f32 to vector<16xf32>
      %mul3A_312 = arith.mulf %get3A_310, %mul3A_311 : vector<16xf32>
      %swap3A_313 = arith.index_cast %add3A_293 : i32 to index
      %swap3A_314 = arith.constant 16 : index
      %swap3A_315 = tpu.vector_load %arg11[%swap3A_313, %swap3A_314] {strides = array<i32>} : memref<320x64xf32, #tpu.memory_space<vmem>>, vector<1x16xf32>,
      %swap3A_316 = vector.shape_cast %swap3A_315 : vector<1x16xf32> to vector<16xf32>
      %swap3A_317 = vector.shape_cast %mul3A_312 : vector<16xf32> to vector<1x16xf32>
      tpu.vector_store %arg11[%swap3A_313, %swap3A_314], %swap3A_317 {strides = array<i32>} : memref<320x64xf32, #tpu.memory_space<vmem>>, vector<1x16xf32>,
      %get3A_318 = arith.index_cast %add3A_293 : i32 to index
      %get3A_319 = arith.constant 32 : index
      %get3A_320 = tpu.vector_load %arg10[%get3A_318, %get3A_319] {strides = array<i32>} : memref<320x64xf32, #tpu.memory_space<vmem>>, vector<1x16xf32>,
      %get3A_321 = vector.shape_cast %get3A_320 : vector<1x16xf32> to vector<16xf32>
      %mul3A_322 = vector.broadcast %squeeze3A_295 : f32 to vector<16xf32>
      %mul3A_323 = arith.mulf %get3A_321, %mul3A_322 : vector<16xf32>
      %swap3A_324 = arith.index_cast %add3A_293 : i32 to index
      %swap3A_325 = arith.constant 32 : index
      %swap3A_326 = tpu.vector_load %arg11[%swap3A_324, %swap3A_325] {strides = array<i32>} : memref<320x64xf32, #tpu.memory_space<vmem>>, vector<1x16xf32>,
      %swap3A_327 = vector.shape_cast %swap3A_326 : vector<1x16xf32> to vector<16xf32>
      %swap3A_328 = vector.shape_cast %mul3A_323 : vector<16xf32> to vector<1x16xf32>
      tpu.vector_store %arg11[%swap3A_324, %swap3A_325], %swap3A_328 {strides = array<i32>} : memref<320x64xf32, #tpu.memory_space<vmem>>, vector<1x16xf32>,
      %get3A_329 = arith.index_cast %add3A_293 : i32 to index
      %get3A_330 = arith.constant 48 : index
      %get3A_331 = tpu.vector_load %arg10[%get3A_329, %get3A_330] {strides = array<i32>} : memref<320x64xf32, #tpu.memory_space<vmem>>, vector<1x16xf32>,
      %get3A_332 = vector.shape_cast %get3A_331 : vector<1x16xf32> to vector<16xf32>
      %mul3A_333 = vector.broadcast %squeeze3A_295 : f32 to vector<16xf32>
      %mul3A_334 = arith.mulf %get3A_332, %mul3A_333 : vector<16xf32>
      %swap3A_335 = arith.index_cast %add3A_293 : i32 to index
      %swap3A_336 = arith.constant 48 : index
      %swap3A_337 = tpu.vector_load %arg11[%swap3A_335, %swap3A_336] {strides = array<i32>} : memref<320x64xf32, #tpu.memory_space<vmem>>, vector<1x16xf32>,
      %swap3A_338 = vector.shape_cast %swap3A_337 : vector<1x16xf32> to vector<16xf32>
      %swap3A_339 = vector.shape_cast %mul3A_334 : vector<16xf32> to vector<1x16xf32>
      tpu.vector_store %arg11[%swap3A_335, %swap3A_336], %swap3A_339 {strides = array<i32>} : memref<320x64xf32, #tpu.memory_space<vmem>>, vector<1x16xf32>,
      %mul3A_340 = arith.constant 16 : i32
      %mul3A_341 = arith.muli %scan3A_188, %mul3A_340 : i32
      %add3A_342 = arith.constant 3 : i32
      %add3A_343 = arith.addi %mul3A_341, %add3A_342 : i32
      %slice3A_344 = vector.extract_strided_slice %get3A_192 {offsets = [3], sizes = [1], strides = [1]} : vector<16xf32> to vector<1xf32>
      %squeeze3A_345 = vector.extract %slice3A_344[0] : f32 from vector<1xf32>
      %get3A_346 = arith.index_cast %add3A_343 : i32 to index
      %get3A_347 = arith.constant 0 : index
      %get3A_348 = tpu.vector_load %arg10[%get3A_346, %get3A_347] {strides = array<i32>} : memref<320x64xf32, #tpu.memory_space<vmem>>, vector<1x16xf32>,
      %get3A_349 = vector.shape_cast %get3A_348 : vector<1x16xf32> to vector<16xf32>
      %mul3A_350 = vector.broadcast %squeeze3A_345 : f32 to vector<16xf32>
      %mul3A_351 = arith.mulf %get3A_349, %mul3A_350 : vector<16xf32>
      %swap3A_352 = arith.index_cast %add3A_343 : i32 to index
      %swap3A_353 = arith.constant 0 : index
      %swap3A_354 = tpu.vector_load %arg11[%swap3A_352, %swap3A_353] {strides = array<i32>} : memref<320x64xf32, #tpu.memory_space<vmem>>, vector<1x16xf32>,
      %swap3A_355 = vector.shape_cast %swap3A_354 : vector<1x16xf32> to vector<16xf32>
      %swap3A_356 = vector.shape_cast %mul3A_351 : vector<16xf32> to vector<1x16xf32>
      tpu.vector_store %arg11[%swap3A_352, %swap3A_353], %swap3A_356 {strides = array<i32>} : memref<320x64xf32, #tpu.memory_space<vmem>>, vector<1x16xf32>,
      %get3A_357 = arith.index_cast %add3A_343 : i32 to index
      %get3A_358 = arith.constant 16 : index
      %get3A_359 = tpu.vector_load %arg10[%get3A_357, %get3A_358] {strides = array<i32>} : memref<320x64xf32, #tpu.memory_space<vmem>>, vector<1x16xf32>,
      %get3A_360 = vector.shape_cast %get3A_359 : vector<1x16xf32> to vector<16xf32>
      %mul3A_361 = vector.broadcast %squeeze3A_345 : f32 to vector<16xf32>
      %mul3A_362 = arith.mulf %get3A_360, %mul3A_361 : vector<16xf32>
      %swap3A_363 = arith.index_cast %add3A_343 : i32 to index
      %swap3A_364 = arith.constant 16 : index
      %swap3A_365 = tpu.vector_load %arg11[%swap3A_363, %swap3A_364] {strides = array<i32>} : memref<320x64xf32, #tpu.memory_space<vmem>>, vector<1x16xf32>,
      %swap3A_366 = vector.shape_cast %swap3A_365 : vector<1x16xf32> to vector<16xf32>
      %swap3A_367 = vector.shape_cast %mul3A_362 : vector<16xf32> to vector<1x16xf32>
      tpu.vector_store %arg11[%swap3A_363, %swap3A_364], %swap3A_367 {strides = array<i32>} : memref<320x64xf32, #tpu.memory_space<vmem>>, vector<1x16xf32>,
      %get3A_368 = arith.index_cast %add3A_343 : i32 to index
      %get3A_369 = arith.constant 32 : index
      %get3A_370 = tpu.vector_load %arg10[%get3A_368, %get3A_369] {strides = array<i32>} : memref<320x64xf32, #tpu.memory_space<vmem>>, vector<1x16xf32>,
      %get3A_371 = vector.shape_cast %get3A_370 : vector<1x16xf32> to vector<16xf32>
      %mul3A_372 = vector.broadcast %squeeze3A_345 : f32 to vector<16xf32>
      %mul3A_373 = arith.mulf %get3A_371, %mul3A_372 : vector<16xf32>
      %swap3A_374 = arith.index_cast %add3A_343 : i32 to index
      %swap3A_375 = arith.constant 32 : index
      %swap3A_376 = tpu.vector_load %arg11[%swap3A_374, %swap3A_375] {strides = array<i32>} : memref<320x64xf32, #tpu.memory_space<vmem>>, vector<1x16xf32>,
      %swap3A_377 = vector.shape_cast %swap3A_376 : vector<1x16xf32> to vector<16xf32>
      %swap3A_378 = vector.shape_cast %mul3A_373 : vector<16xf32> to vector<1x16xf32>
      tpu.vector_store %arg11[%swap3A_374, %swap3A_375], %swap3A_378 {strides = array<i32>} : memref<320x64xf32, #tpu.memory_space<vmem>>, vector<1x16xf32>,
      %get3A_379 = arith.index_cast %add3A_343 : i32 to index
      %get3A_380 = arith.constant 48 : index
      %get3A_381 = tpu.vector_load %arg10[%get3A_379, %get3A_380] {strides = array<i32>} : memref<320x64xf32, #tpu.memory_space<vmem>>, vector<1x16xf32>,
      %get3A_382 = vector.shape_cast %get3A_381 : vector<1x16xf32> to vector<16xf32>
      %mul3A_383 = vector.broadcast %squeeze3A_345 : f32 to vector<16xf32>
      %mul3A_384 = arith.mulf %get3A_382, %mul3A_383 : vector<16xf32>
      %swap3A_385 = arith.index_cast %add3A_343 : i32 to index
      %swap3A_386 = arith.constant 48 : index
      %swap3A_387 = tpu.vector_load %arg11[%swap3A_385, %swap3A_386] {strides = array<i32>} : memref<320x64xf32, #tpu.memory_space<vmem>>, vector<1x16xf32>,
      %swap3A_388 = vector.shape_cast %swap3A_387 : vector<1x16xf32> to vector<16xf32>
      %swap3A_389 = vector.shape_cast %mul3A_384 : vector<16xf32> to vector<1x16xf32>
      tpu.vector_store %arg11[%swap3A_385, %swap3A_386], %swap3A_389 {strides = array<i32>} : memref<320x64xf32, #tpu.memory_space<vmem>>, vector<1x16xf32>,
      %mul3A_390 = arith.constant 16 : i32
      %mul3A_391 = arith.muli %scan3A_188, %mul3A_390 : i32
      %add3A_392 = arith.constant 4 : i32
      %add3A_393 = arith.addi %mul3A_391, %add3A_392 : i32
      %slice3A_394 = vector.extract_strided_slice %get3A_192 {offsets = [4], sizes = [1], strides = [1]} : vector<16xf32> to vector<1xf32>
      %squeeze3A_395 = vector.extract %slice3A_394[0] : f32 from vector<1xf32>
      %get3A_396 = arith.index_cast %add3A_393 : i32 to index
      %get3A_397 = arith.constant 0 : index
      %get3A_398 = tpu.vector_load %arg10[%get3A_396, %get3A_397] {strides = array<i32>} : memref<320x64xf32, #tpu.memory_space<vmem>>, vector<1x16xf32>,
      %get3A_399 = vector.shape_cast %get3A_398 : vector<1x16xf32> to vector<16xf32>
      %mul3A_400 = vector.broadcast %squeeze3A_395 : f32 to vector<16xf32>
      %mul3A_401 = arith.mulf %get3A_399, %mul3A_400 : vector<16xf32>
      %swap3A_402 = arith.index_cast %add3A_393 : i32 to index
      %swap3A_403 = arith.constant 0 : index
      %swap3A_404 = tpu.vector_load %arg11[%swap3A_402, %swap3A_403] {strides = array<i32>} : memref<320x64xf32, #tpu.memory_space<vmem>>, vector<1x16xf32>,
      %swap3A_405 = vector.shape_cast %swap3A_404 : vector<1x16xf32> to vector<16xf32>
      %swap3A_406 = vector.shape_cast %mul3A_401 : vector<16xf32> to vector<1x16xf32>
      tpu.vector_store %arg11[%swap3A_402, %swap3A_403], %swap3A_406 {strides = array<i32>} : memref<320x64xf32, #tpu.memory_space<vmem>>, vector<1x16xf32>,
      %get3A_407 = arith.index_cast %add3A_393 : i32 to index
      %get3A_408 = arith.constant 16 : index
      %get3A_409 = tpu.vector_load %arg10[%get3A_407, %get3A_408] {strides = array<i32>} : memref<320x64xf32, #tpu.memory_space<vmem>>, vector<1x16xf32>,
      %get3A_410 = vector.shape_cast %get3A_409 : vector<1x16xf32> to vector<16xf32>
      %mul3A_411 = vector.broadcast %squeeze3A_395 : f32 to vector<16xf32>
      %mul3A_412 = arith.mulf %get3A_410, %mul3A_411 : vector<16xf32>
      %swap3A_413 = arith.index_cast %add3A_393 : i32 to index
      %swap3A_414 = arith.constant 16 : index
      %swap3A_415 = tpu.vector_load %arg11[%swap3A_413, %swap3A_414] {strides = array<i32>} : memref<320x64xf32, #tpu.memory_space<vmem>>, vector<1x16xf32>,
      %swap3A_416 = vector.shape_cast %swap3A_415 : vector<1x16xf32> to vector<16xf32>
      %swap3A_417 = vector.shape_cast %mul3A_412 : vector<16xf32> to vector<1x16xf32>
      tpu.vector_store %arg11[%swap3A_413, %swap3A_414], %swap3A_417 {strides = array<i32>} : memref<320x64xf32, #tpu.memory_space<vmem>>, vector<1x16xf32>,
      %get3A_418 = arith.index_cast %add3A_393 : i32 to index
      %get3A_419 = arith.constant 32 : index
      %get3A_420 = tpu.vector_load %arg10[%get3A_418, %get3A_419] {strides = array<i32>} : memref<320x64xf32, #tpu.memory_space<vmem>>, vector<1x16xf32>,
      %get3A_421 = vector.shape_cast %get3A_420 : vector<1x16xf32> to vector<16xf32>
      %mul3A_422 = vector.broadcast %squeeze3A_395 : f32 to vector<16xf32>
      %mul3A_423 = arith.mulf %get3A_421, %mul3A_422 : vector<16xf32>
      %swap3A_424 = arith.index_cast %add3A_393 : i32 to index
      %swap3A_425 = arith.constant 32 : index
      %swap3A_426 = tpu.vector_load %arg11[%swap3A_424, %swap3A_425] {strides = array<i32>} : memref<320x64xf32, #tpu.memory_space<vmem>>, vector<1x16xf32>,
      %swap3A_427 = vector.shape_cast %swap3A_426 : vector<1x16xf32> to vector<16xf32>
      %swap3A_428 = vector.shape_cast %mul3A_423 : vector<16xf32> to vector<1x16xf32>
      tpu.vector_store %arg11[%swap3A_424, %swap3A_425], %swap3A_428 {strides = array<i32>} : memref<320x64xf32, #tpu.memory_space<vmem>>, vector<1x16xf32>,
      %get3A_429 = arith.index_cast %add3A_393 : i32 to index
      %get3A_430 = arith.constant 48 : index
      %get3A_431 = tpu.vector_load %arg10[%get3A_429, %get3A_430] {strides = array<i32>} : memref<320x64xf32, #tpu.memory_space<vmem>>, vector<1x16xf32>,
      %get3A_432 = vector.shape_cast %get3A_431 : vector<1x16xf32> to vector<16xf32>
      %mul3A_433 = vector.broadcast %squeeze3A_395 : f32 to vector<16xf32>
      %mul3A_434 = arith.mulf %get3A_432, %mul3A_433 : vector<16xf32>
      %swap3A_435 = arith.index_cast %add3A_393 : i32 to index
      %swap3A_436 = arith.constant 48 : index
      %swap3A_437 = tpu.vector_load %arg11[%swap3A_435, %swap3A_436] {strides = array<i32>} : memref<320x64xf32, #tpu.memory_space<vmem>>, vector<1x16xf32>,
      %swap3A_438 = vector.shape_cast %swap3A_437 : vector<1x16xf32> to vector<16xf32>
      %swap3A_439 = vector.shape_cast %mul3A_434 : vector<16xf32> to vector<1x16xf32>
      tpu.vector_store %arg11[%swap3A_435, %swap3A_436], %swap3A_439 {strides = array<i32>} : memref<320x64xf32, #tpu.memory_space<vmem>>, vector<1x16xf32>,
      %mul3A_440 = arith.constant 16 : i32
      %mul3A_441 = arith.muli %scan3A_188, %mul3A_440 : i32
      %add3A_442 = arith.constant 5 : i32
      %add3A_443 = arith.addi %mul3A_441, %add3A_442 : i32
      %slice3A_444 = vector.extract_strided_slice %get3A_192 {offsets = [5], sizes = [1], strides = [1]} : vector<16xf32> to vector<1xf32>
      %squeeze3A_445 = vector.extract %slice3A_444[0] : f32 from vector<1xf32>
      %get3A_446 = arith.index_cast %add3A_443 : i32 to index
      %get3A_447 = arith.constant 0 : index
      %get3A_448 = tpu.vector_load %arg10[%get3A_446, %get3A_447] {strides = array<i32>} : memref<320x64xf32, #tpu.memory_space<vmem>>, vector<1x16xf32>,
      %get3A_449 = vector.shape_cast %get3A_448 : vector<1x16xf32> to vector<16xf32>
      %mul3A_450 = vector.broadcast %squeeze3A_445 : f32 to vector<16xf32>
      %mul3A_451 = arith.mulf %get3A_449, %mul3A_450 : vector<16xf32>
      %swap3A_452 = arith.index_cast %add3A_443 : i32 to index
      %swap3A_453 = arith.constant 0 : index
      %swap3A_454 = tpu.vector_load %arg11[%swap3A_452, %swap3A_453] {strides = array<i32>} : memref<320x64xf32, #tpu.memory_space<vmem>>, vector<1x16xf32>,
      %swap3A_455 = vector.shape_cast %swap3A_454 : vector<1x16xf32> to vector<16xf32>
      %swap3A_456 = vector.shape_cast %mul3A_451 : vector<16xf32> to vector<1x16xf32>
      tpu.vector_store %arg11[%swap3A_452, %swap3A_453], %swap3A_456 {strides = array<i32>} : memref<320x64xf32, #tpu.memory_space<vmem>>, vector<1x16xf32>,
      %get3A_457 = arith.index_cast %add3A_443 : i32 to index
      %get3A_458 = arith.constant 16 : index
      %get3A_459 = tpu.vector_load %arg10[%get3A_457, %get3A_458] {strides = array<i32>} : memref<320x64xf32, #tpu.memory_space<vmem>>, vector<1x16xf32>,
      %get3A_460 = vector.shape_cast %get3A_459 : vector<1x16xf32> to vector<16xf32>
      %mul3A_461 = vector.broadcast %squeeze3A_445 : f32 to vector<16xf32>
      %mul3A_462 = arith.mulf %get3A_460, %mul3A_461 : vector<16xf32>
      %swap3A_463 = arith.index_cast %add3A_443 : i32 to index
      %swap3A_464 = arith.constant 16 : index
      %swap3A_465 = tpu.vector_load %arg11[%swap3A_463, %swap3A_464] {strides = array<i32>} : memref<320x64xf32, #tpu.memory_space<vmem>>, vector<1x16xf32>,
      %swap3A_466 = vector.shape_cast %swap3A_465 : vector<1x16xf32> to vector<16xf32>
      %swap3A_467 = vector.shape_cast %mul3A_462 : vector<16xf32> to vector<1x16xf32>
      tpu.vector_store %arg11[%swap3A_463, %swap3A_464], %swap3A_467 {strides = array<i32>} : memref<320x64xf32, #tpu.memory_space<vmem>>, vector<1x16xf32>,
      %get3A_468 = arith.index_cast %add3A_443 : i32 to index
      %get3A_469 = arith.constant 32 : index
      %get3A_470 = tpu.vector_load %arg10[%get3A_468, %get3A_469] {strides = array<i32>} : memref<320x64xf32, #tpu.memory_space<vmem>>, vector<1x16xf32>,
      %get3A_471 = vector.shape_cast %get3A_470 : vector<1x16xf32> to vector<16xf32>
      %mul3A_472 = vector.broadcast %squeeze3A_445 : f32 to vector<16xf32>
      %mul3A_473 = arith.mulf %get3A_471, %mul3A_472 : vector<16xf32>
      %swap3A_474 = arith.index_cast %add3A_443 : i32 to index
      %swap3A_475 = arith.constant 32 : index
      %swap3A_476 = tpu.vector_load %arg11[%swap3A_474, %swap3A_475] {strides = array<i32>} : memref<320x64xf32, #tpu.memory_space<vmem>>, vector<1x16xf32>,
      %swap3A_477 = vector.shape_cast %swap3A_476 : vector<1x16xf32> to vector<16xf32>
      %swap3A_478 = vector.shape_cast %mul3A_473 : vector<16xf32> to vector<1x16xf32>
      tpu.vector_store %arg11[%swap3A_474, %swap3A_475], %swap3A_478 {strides = array<i32>} : memref<320x64xf32, #tpu.memory_space<vmem>>, vector<1x16xf32>,
      %get3A_479 = arith.index_cast %add3A_443 : i32 to index
      %get3A_480 = arith.constant 48 : index
      %get3A_481 = tpu.vector_load %arg10[%get3A_479, %get3A_480] {strides = array<i32>} : memref<320x64xf32, #tpu.memory_space<vmem>>, vector<1x16xf32>,
      %get3A_482 = vector.shape_cast %get3A_481 : vector<1x16xf32> to vector<16xf32>
      %mul3A_483 = vector.broadcast %squeeze3A_445 : f32 to vector<16xf32>
      %mul3A_484 = arith.mulf %get3A_482, %mul3A_483 : vector<16xf32>
      %swap3A_485 = arith.index_cast %add3A_443 : i32 to index
      %swap3A_486 = arith.constant 48 : index
      %swap3A_487 = tpu.vector_load %arg11[%swap3A_485, %swap3A_486] {strides = array<i32>} : memref<320x64xf32, #tpu.memory_space<vmem>>, vector<1x16xf32>,
      %swap3A_488 = vector.shape_cast %swap3A_487 : vector<1x16xf32> to vector<16xf32>
      %swap3A_489 = vector.shape_cast %mul3A_484 : vector<16xf32> to vector<1x16xf32>
      tpu.vector_store %arg11[%swap3A_485, %swap3A_486], %swap3A_489 {strides = array<i32>} : memref<320x64xf32, #tpu.memory_space<vmem>>, vector<1x16xf32>,
      %mul3A_490 = arith.constant 16 : i32
      %mul3A_491 = arith.muli %scan3A_188, %mul3A_490 : i32
      %add3A_492 = arith.constant 6 : i32
      %add3A_493 = arith.addi %mul3A_491, %add3A_492 : i32
      %slice3A_494 = vector.extract_strided_slice %get3A_192 {offsets = [6], sizes = [1], strides = [1]} : vector<16xf32> to vector<1xf32>
      %squeeze3A_495 = vector.extract %slice3A_494[0] : f32 from vector<1xf32>
      %get3A_496 = arith.index_cast %add3A_493 : i32 to index
      %get3A_497 = arith.constant 0 : index
      %get3A_498 = tpu.vector_load %arg10[%get3A_496, %get3A_497] {strides = array<i32>} : memref<320x64xf32, #tpu.memory_space<vmem>>, vector<1x16xf32>,
      %get3A_499 = vector.shape_cast %get3A_498 : vector<1x16xf32> to vector<16xf32>
      %mul3A_500 = vector.broadcast %squeeze3A_495 : f32 to vector<16xf32>
      %mul3A_501 = arith.mulf %get3A_499, %mul3A_500 : vector<16xf32>
      %swap3A_502 = arith.index_cast %add3A_493 : i32 to index
      %swap3A_503 = arith.constant 0 : index
      %swap3A_504 = tpu.vector_load %arg11[%swap3A_502, %swap3A_503] {strides = array<i32>} : memref<320x64xf32, #tpu.memory_space<vmem>>, vector<1x16xf32>,
      %swap3A_505 = vector.shape_cast %swap3A_504 : vector<1x16xf32> to vector<16xf32>
      %swap3A_506 = vector.shape_cast %mul3A_501 : vector<16xf32> to vector<1x16xf32>
      tpu.vector_store %arg11[%swap3A_502, %swap3A_503], %swap3A_506 {strides = array<i32>} : memref<320x64xf32, #tpu.memory_space<vmem>>, vector<1x16xf32>,
      %get3A_507 = arith.index_cast %add3A_493 : i32 to index
      %get3A_508 = arith.constant 16 : index
      %get3A_509 = tpu.vector_load %arg10[%get3A_507, %get3A_508] {strides = array<i32>} : memref<320x64xf32, #tpu.memory_space<vmem>>, vector<1x16xf32>,
      %get3A_510 = vector.shape_cast %get3A_509 : vector<1x16xf32> to vector<16xf32>
      %mul3A_511 = vector.broadcast %squeeze3A_495 : f32 to vector<16xf32>
      %mul3A_512 = arith.mulf %get3A_510, %mul3A_511 : vector<16xf32>
      %swap3A_513 = arith.index_cast %add3A_493 : i32 to index
      %swap3A_514 = arith.constant 16 : index
      %swap3A_515 = tpu.vector_load %arg11[%swap3A_513, %swap3A_514] {strides = array<i32>} : memref<320x64xf32, #tpu.memory_space<vmem>>, vector<1x16xf32>,
      %swap3A_516 = vector.shape_cast %swap3A_515 : vector<1x16xf32> to vector<16xf32>
      %swap3A_517 = vector.shape_cast %mul3A_512 : vector<16xf32> to vector<1x16xf32>
      tpu.vector_store %arg11[%swap3A_513, %swap3A_514], %swap3A_517 {strides = array<i32>} : memref<320x64xf32, #tpu.memory_space<vmem>>, vector<1x16xf32>,
      %get3A_518 = arith.index_cast %add3A_493 : i32 to index
      %get3A_519 = arith.constant 32 : index
      %get3A_520 = tpu.vector_load %arg10[%get3A_518, %get3A_519] {strides = array<i32>} : memref<320x64xf32, #tpu.memory_space<vmem>>, vector<1x16xf32>,
      %get3A_521 = vector.shape_cast %get3A_520 : vector<1x16xf32> to vector<16xf32>
      %mul3A_522 = vector.broadcast %squeeze3A_495 : f32 to vector<16xf32>
      %mul3A_523 = arith.mulf %get3A_521, %mul3A_522 : vector<16xf32>
      %swap3A_524 = arith.index_cast %add3A_493 : i32 to index
      %swap3A_525 = arith.constant 32 : index
      %swap3A_526 = tpu.vector_load %arg11[%swap3A_524, %swap3A_525] {strides = array<i32>} : memref<320x64xf32, #tpu.memory_space<vmem>>, vector<1x16xf32>,
      %swap3A_527 = vector.shape_cast %swap3A_526 : vector<1x16xf32> to vector<16xf32>
      %swap3A_528 = vector.shape_cast %mul3A_523 : vector<16xf32> to vector<1x16xf32>
      tpu.vector_store %arg11[%swap3A_524, %swap3A_525], %swap3A_528 {strides = array<i32>} : memref<320x64xf32, #tpu.memory_space<vmem>>, vector<1x16xf32>,
      %get3A_529 = arith.index_cast %add3A_493 : i32 to index
      %get3A_530 = arith.constant 48 : index
      %get3A_531 = tpu.vector_load %arg10[%get3A_529, %get3A_530] {strides = array<i32>} : memref<320x64xf32, #tpu.memory_space<vmem>>, vector<1x16xf32>,
      %get3A_532 = vector.shape_cast %get3A_531 : vector<1x16xf32> to vector<16xf32>
      %mul3A_533 = vector.broadcast %squeeze3A_495 : f32 to vector<16xf32>
      %mul3A_534 = arith.mulf %get3A_532, %mul3A_533 : vector<16xf32>
      %swap3A_535 = arith.index_cast %add3A_493 : i32 to index
      %swap3A_536 = arith.constant 48 : index
      %swap3A_537 = tpu.vector_load %arg11[%swap3A_535, %swap3A_536] {strides = array<i32>} : memref<320x64xf32, #tpu.memory_space<vmem>>, vector<1x16xf32>,
      %swap3A_538 = vector.shape_cast %swap3A_537 : vector<1x16xf32> to vector<16xf32>
      %swap3A_539 = vector.shape_cast %mul3A_534 : vector<16xf32> to vector<1x16xf32>
      tpu.vector_store %arg11[%swap3A_535, %swap3A_536], %swap3A_539 {strides = array<i32>} : memref<320x64xf32, #tpu.memory_space<vmem>>, vector<1x16xf32>,
      %mul3A_540 = arith.constant 16 : i32
      %mul3A_541 = arith.muli %scan3A_188, %mul3A_540 : i32
      %add3A_542 = arith.constant 7 : i32
      %add3A_543 = arith.addi %mul3A_541, %add3A_542 : i32
      %slice3A_544 = vector.extract_strided_slice %get3A_192 {offsets = [7], sizes = [1], strides = [1]} : vector<16xf32> to vector<1xf32>
      %squeeze3A_545 = vector.extract %slice3A_544[0] : f32 from vector<1xf32>
      %get3A_546 = arith.index_cast %add3A_543 : i32 to index
      %get3A_547 = arith.constant 0 : index
      %get3A_548 = tpu.vector_load %arg10[%get3A_546, %get3A_547] {strides = array<i32>} : memref<320x64xf32, #tpu.memory_space<vmem>>, vector<1x16xf32>,
      %get3A_549 = vector.shape_cast %get3A_548 : vector<1x16xf32> to vector<16xf32>
      %mul3A_550 = vector.broadcast %squeeze3A_545 : f32 to vector<16xf32>
      %mul3A_551 = arith.mulf %get3A_549, %mul3A_550 : vector<16xf32>
      %swap3A_552 = arith.index_cast %add3A_543 : i32 to index
      %swap3A_553 = arith.constant 0 : index
      %swap3A_554 = tpu.vector_load %arg11[%swap3A_552, %swap3A_553] {strides = array<i32>} : memref<320x64xf32, #tpu.memory_space<vmem>>, vector<1x16xf32>,
      %swap3A_555 = vector.shape_cast %swap3A_554 : vector<1x16xf32> to vector<16xf32>
      %swap3A_556 = vector.shape_cast %mul3A_551 : vector<16xf32> to vector<1x16xf32>
      tpu.vector_store %arg11[%swap3A_552, %swap3A_553], %swap3A_556 {strides = array<i32>} : memref<320x64xf32, #tpu.memory_space<vmem>>, vector<1x16xf32>,
      %get3A_557 = arith.index_cast %add3A_543 : i32 to index
      %get3A_558 = arith.constant 16 : index
      %get3A_559 = tpu.vector_load %arg10[%get3A_557, %get3A_558] {strides = array<i32>} : memref<320x64xf32, #tpu.memory_space<vmem>>, vector<1x16xf32>,
      %get3A_560 = vector.shape_cast %get3A_559 : vector<1x16xf32> to vector<16xf32>
      %mul3A_561 = vector.broadcast %squeeze3A_545 : f32 to vector<16xf32>
      %mul3A_562 = arith.mulf %get3A_560, %mul3A_561 : vector<16xf32>
      %swap3A_563 = arith.index_cast %add3A_543 : i32 to index
      %swap3A_564 = arith.constant 16 : index
      %swap3A_565 = tpu.vector_load %arg11[%swap3A_563, %swap3A_564] {strides = array<i32>} : memref<320x64xf32, #tpu.memory_space<vmem>>, vector<1x16xf32>,
      %swap3A_566 = vector.shape_cast %swap3A_565 : vector<1x16xf32> to vector<16xf32>
      %swap3A_567 = vector.shape_cast %mul3A_562 : vector<16xf32> to vector<1x16xf32>
      tpu.vector_store %arg11[%swap3A_563, %swap3A_564], %swap3A_567 {strides = array<i32>} : memref<320x64xf32, #tpu.memory_space<vmem>>, vector<1x16xf32>,
      %get3A_568 = arith.index_cast %add3A_543 : i32 to index
      %get3A_569 = arith.constant 32 : index
      %get3A_570 = tpu.vector_load %arg10[%get3A_568, %get3A_569] {strides = array<i32>} : memref<320x64xf32, #tpu.memory_space<vmem>>, vector<1x16xf32>,
      %get3A_571 = vector.shape_cast %get3A_570 : vector<1x16xf32> to vector<16xf32>
      %mul3A_572 = vector.broadcast %squeeze3A_545 : f32 to vector<16xf32>
      %mul3A_573 = arith.mulf %get3A_571, %mul3A_572 : vector<16xf32>
      %swap3A_574 = arith.index_cast %add3A_543 : i32 to index
      %swap3A_575 = arith.constant 32 : index
      %swap3A_576 = tpu.vector_load %arg11[%swap3A_574, %swap3A_575] {strides = array<i32>} : memref<320x64xf32, #tpu.memory_space<vmem>>, vector<1x16xf32>,
      %swap3A_577 = vector.shape_cast %swap3A_576 : vector<1x16xf32> to vector<16xf32>
      %swap3A_578 = vector.shape_cast %mul3A_573 : vector<16xf32> to vector<1x16xf32>
      tpu.vector_store %arg11[%swap3A_574, %swap3A_575], %swap3A_578 {strides = array<i32>} : memref<320x64xf32, #tpu.memory_space<vmem>>, vector<1x16xf32>,
      %get3A_579 = arith.index_cast %add3A_543 : i32 to index
      %get3A_580 = arith.constant 48 : index
      %get3A_581 = tpu.vector_load %arg10[%get3A_579, %get3A_580] {strides = array<i32>} : memref<320x64xf32, #tpu.memory_space<vmem>>, vector<1x16xf32>,
      %get3A_582 = vector.shape_cast %get3A_581 : vector<1x16xf32> to vector<16xf32>
      %mul3A_583 = vector.broadcast %squeeze3A_545 : f32 to vector<16xf32>
      %mul3A_584 = arith.mulf %get3A_582, %mul3A_583 : vector<16xf32>
      %swap3A_585 = arith.index_cast %add3A_543 : i32 to index
      %swap3A_586 = arith.constant 48 : index
      %swap3A_587 = tpu.vector_load %arg11[%swap3A_585, %swap3A_586] {strides = array<i32>} : memref<320x64xf32, #tpu.memory_space<vmem>>, vector<1x16xf32>,
      %swap3A_588 = vector.shape_cast %swap3A_587 : vector<1x16xf32> to vector<16xf32>
      %swap3A_589 = vector.shape_cast %mul3A_584 : vector<16xf32> to vector<1x16xf32>
      tpu.vector_store %arg11[%swap3A_585, %swap3A_586], %swap3A_589 {strides = array<i32>} : memref<320x64xf32, #tpu.memory_space<vmem>>, vector<1x16xf32>,
      %mul3A_590 = arith.constant 16 : i32
      %mul3A_591 = arith.muli %scan3A_188, %mul3A_590 : i32
      %add3A_592 = arith.constant 8 : i32
      %add3A_593 = arith.addi %mul3A_591, %add3A_592 : i32
      %slice3A_594 = vector.extract_strided_slice %get3A_192 {offsets = [8], sizes = [1], strides = [1]} : vector<16xf32> to vector<1xf32>
      %squeeze3A_595 = vector.extract %slice3A_594[0] : f32 from vector<1xf32>
      %get3A_596 = arith.index_cast %add3A_593 : i32 to index
      %get3A_597 = arith.constant 0 : index
      %get3A_598 = tpu.vector_load %arg10[%get3A_596, %get3A_597] {strides = array<i32>} : memref<320x64xf32, #tpu.memory_space<vmem>>, vector<1x16xf32>,
      %get3A_599 = vector.shape_cast %get3A_598 : vector<1x16xf32> to vector<16xf32>
      %mul3A_600 = vector.broadcast %squeeze3A_595 : f32 to vector<16xf32>
      %mul3A_601 = arith.mulf %get3A_599, %mul3A_600 : vector<16xf32>
      %swap3A_602 = arith.index_cast %add3A_593 : i32 to index
      %swap3A_603 = arith.constant 0 : index
      %swap3A_604 = tpu.vector_load %arg11[%swap3A_602, %swap3A_603] {strides = array<i32>} : memref<320x64xf32, #tpu.memory_space<vmem>>, vector<1x16xf32>,
      %swap3A_605 = vector.shape_cast %swap3A_604 : vector<1x16xf32> to vector<16xf32>
      %swap3A_606 = vector.shape_cast %mul3A_601 : vector<16xf32> to vector<1x16xf32>
      tpu.vector_store %arg11[%swap3A_602, %swap3A_603], %swap3A_606 {strides = array<i32>} : memref<320x64xf32, #tpu.memory_space<vmem>>, vector<1x16xf32>,
      %get3A_607 = arith.index_cast %add3A_593 : i32 to index
      %get3A_608 = arith.constant 16 : index
      %get3A_609 = tpu.vector_load %arg10[%get3A_607, %get3A_608] {strides = array<i32>} : memref<320x64xf32, #tpu.memory_space<vmem>>, vector<1x16xf32>,
      %get3A_610 = vector.shape_cast %get3A_609 : vector<1x16xf32> to vector<16xf32>
      %mul3A_611 = vector.broadcast %squeeze3A_595 : f32 to vector<16xf32>
      %mul3A_612 = arith.mulf %get3A_610, %mul3A_611 : vector<16xf32>
      %swap3A_613 = arith.index_cast %add3A_593 : i32 to index
      %swap3A_614 = arith.constant 16 : index
      %swap3A_615 = tpu.vector_load %arg11[%swap3A_613, %swap3A_614] {strides = array<i32>} : memref<320x64xf32, #tpu.memory_space<vmem>>, vector<1x16xf32>,
      %swap3A_616 = vector.shape_cast %swap3A_615 : vector<1x16xf32> to vector<16xf32>
      %swap3A_617 = vector.shape_cast %mul3A_612 : vector<16xf32> to vector<1x16xf32>
      tpu.vector_store %arg11[%swap3A_613, %swap3A_614], %swap3A_617 {strides = array<i32>} : memref<320x64xf32, #tpu.memory_space<vmem>>, vector<1x16xf32>,
      %get3A_618 = arith.index_cast %add3A_593 : i32 to index
      %get3A_619 = arith.constant 32 : index
      %get3A_620 = tpu.vector_load %arg10[%get3A_618, %get3A_619] {strides = array<i32>} : memref<320x64xf32, #tpu.memory_space<vmem>>, vector<1x16xf32>,
      %get3A_621 = vector.shape_cast %get3A_620 : vector<1x16xf32> to vector<16xf32>
      %mul3A_622 = vector.broadcast %squeeze3A_595 : f32 to vector<16xf32>
      %mul3A_623 = arith.mulf %get3A_621, %mul3A_622 : vector<16xf32>
      %swap3A_624 = arith.index_cast %add3A_593 : i32 to index
      %swap3A_625 = arith.constant 32 : index
      %swap3A_626 = tpu.vector_load %arg11[%swap3A_624, %swap3A_625] {strides = array<i32>} : memref<320x64xf32, #tpu.memory_space<vmem>>, vector<1x16xf32>,
      %swap3A_627 = vector.shape_cast %swap3A_626 : vector<1x16xf32> to vector<16xf32>
      %swap3A_628 = vector.shape_cast %mul3A_623 : vector<16xf32> to vector<1x16xf32>
      tpu.vector_store %arg11[%swap3A_624, %swap3A_625], %swap3A_628 {strides = array<i32>} : memref<320x64xf32, #tpu.memory_space<vmem>>, vector<1x16xf32>,
      %get3A_629 = arith.index_cast %add3A_593 : i32 to index
      %get3A_630 = arith.constant 48 : index
      %get3A_631 = tpu.vector_load %arg10[%get3A_629, %get3A_630] {strides = array<i32>} : memref<320x64xf32, #tpu.memory_space<vmem>>, vector<1x16xf32>,
      %get3A_632 = vector.shape_cast %get3A_631 : vector<1x16xf32> to vector<16xf32>
      %mul3A_633 = vector.broadcast %squeeze3A_595 : f32 to vector<16xf32>
      %mul3A_634 = arith.mulf %get3A_632, %mul3A_633 : vector<16xf32>
      %swap3A_635 = arith.index_cast %add3A_593 : i32 to index
      %swap3A_636 = arith.constant 48 : index
      %swap3A_637 = tpu.vector_load %arg11[%swap3A_635, %swap3A_636] {strides = array<i32>} : memref<320x64xf32, #tpu.memory_space<vmem>>, vector<1x16xf32>,
      %swap3A_638 = vector.shape_cast %swap3A_637 : vector<1x16xf32> to vector<16xf32>
      %swap3A_639 = vector.shape_cast %mul3A_634 : vector<16xf32> to vector<1x16xf32>
      tpu.vector_store %arg11[%swap3A_635, %swap3A_636], %swap3A_639 {strides = array<i32>} : memref<320x64xf32, #tpu.memory_space<vmem>>, vector<1x16xf32>,
      %mul3A_640 = arith.constant 16 : i32
      %mul3A_641 = arith.muli %scan3A_188, %mul3A_640 : i32
      %add3A_642 = arith.constant 9 : i32
      %add3A_643 = arith.addi %mul3A_641, %add3A_642 : i32
      %slice3A_644 = vector.extract_strided_slice %get3A_192 {offsets = [9], sizes = [1], strides = [1]} : vector<16xf32> to vector<1xf32>
      %squeeze3A_645 = vector.extract %slice3A_644[0] : f32 from vector<1xf32>
      %get3A_646 = arith.index_cast %add3A_643 : i32 to index
      %get3A_647 = arith.constant 0 : index
      %get3A_648 = tpu.vector_load %arg10[%get3A_646, %get3A_647] {strides = array<i32>} : memref<320x64xf32, #tpu.memory_space<vmem>>, vector<1x16xf32>,
      %get3A_649 = vector.shape_cast %get3A_648 : vector<1x16xf32> to vector<16xf32>
      %mul3A_650 = vector.broadcast %squeeze3A_645 : f32 to vector<16xf32>
      %mul3A_651 = arith.mulf %get3A_649, %mul3A_650 : vector<16xf32>
      %swap3A_652 = arith.index_cast %add3A_643 : i32 to index
      %swap3A_653 = arith.constant 0 : index
      %swap3A_654 = tpu.vector_load %arg11[%swap3A_652, %swap3A_653] {strides = array<i32>} : memref<320x64xf32, #tpu.memory_space<vmem>>, vector<1x16xf32>,
      %swap3A_655 = vector.shape_cast %swap3A_654 : vector<1x16xf32> to vector<16xf32>
      %swap3A_656 = vector.shape_cast %mul3A_651 : vector<16xf32> to vector<1x16xf32>
      tpu.vector_store %arg11[%swap3A_652, %swap3A_653], %swap3A_656 {strides = array<i32>} : memref<320x64xf32, #tpu.memory_space<vmem>>, vector<1x16xf32>,
      %get3A_657 = arith.index_cast %add3A_643 : i32 to index
      %get3A_658 = arith.constant 16 : index
      %get3A_659 = tpu.vector_load %arg10[%get3A_657, %get3A_658] {strides = array<i32>} : memref<320x64xf32, #tpu.memory_space<vmem>>, vector<1x16xf32>,
      %get3A_660 = vector.shape_cast %get3A_659 : vector<1x16xf32> to vector<16xf32>
      %mul3A_661 = vector.broadcast %squeeze3A_645 : f32 to vector<16xf32>
      %mul3A_662 = arith.mulf %get3A_660, %mul3A_661 : vector<16xf32>
      %swap3A_663 = arith.index_cast %add3A_643 : i32 to index
      %swap3A_664 = arith.constant 16 : index
      %swap3A_665 = tpu.vector_load %arg11[%swap3A_663, %swap3A_664] {strides = array<i32>} : memref<320x64xf32, #tpu.memory_space<vmem>>, vector<1x16xf32>,
      %swap3A_666 = vector.shape_cast %swap3A_665 : vector<1x16xf32> to vector<16xf32>
      %swap3A_667 = vector.shape_cast %mul3A_662 : vector<16xf32> to vector<1x16xf32>
      tpu.vector_store %arg11[%swap3A_663, %swap3A_664], %swap3A_667 {strides = array<i32>} : memref<320x64xf32, #tpu.memory_space<vmem>>, vector<1x16xf32>,
      %get3A_668 = arith.index_cast %add3A_643 : i32 to index
      %get3A_669 = arith.constant 32 : index
      %get3A_670 = tpu.vector_load %arg10[%get3A_668, %get3A_669] {strides = array<i32>} : memref<320x64xf32, #tpu.memory_space<vmem>>, vector<1x16xf32>,
      %get3A_671 = vector.shape_cast %get3A_670 : vector<1x16xf32> to vector<16xf32>
      %mul3A_672 = vector.broadcast %squeeze3A_645 : f32 to vector<16xf32>
      %mul3A_673 = arith.mulf %get3A_671, %mul3A_672 : vector<16xf32>
      %swap3A_674 = arith.index_cast %add3A_643 : i32 to index
      %swap3A_675 = arith.constant 32 : index
      %swap3A_676 = tpu.vector_load %arg11[%swap3A_674, %swap3A_675] {strides = array<i32>} : memref<320x64xf32, #tpu.memory_space<vmem>>, vector<1x16xf32>,
      %swap3A_677 = vector.shape_cast %swap3A_676 : vector<1x16xf32> to vector<16xf32>
      %swap3A_678 = vector.shape_cast %mul3A_673 : vector<16xf32> to vector<1x16xf32>
      tpu.vector_store %arg11[%swap3A_674, %swap3A_675], %swap3A_678 {strides = array<i32>} : memref<320x64xf32, #tpu.memory_space<vmem>>, vector<1x16xf32>,
      %get3A_679 = arith.index_cast %add3A_643 : i32 to index
      %get3A_680 = arith.constant 48 : index
      %get3A_681 = tpu.vector_load %arg10[%get3A_679, %get3A_680] {strides = array<i32>} : memref<320x64xf32, #tpu.memory_space<vmem>>, vector<1x16xf32>,
      %get3A_682 = vector.shape_cast %get3A_681 : vector<1x16xf32> to vector<16xf32>
      %mul3A_683 = vector.broadcast %squeeze3A_645 : f32 to vector<16xf32>
      %mul3A_684 = arith.mulf %get3A_682, %mul3A_683 : vector<16xf32>
      %swap3A_685 = arith.index_cast %add3A_643 : i32 to index
      %swap3A_686 = arith.constant 48 : index
      %swap3A_687 = tpu.vector_load %arg11[%swap3A_685, %swap3A_686] {strides = array<i32>} : memref<320x64xf32, #tpu.memory_space<vmem>>, vector<1x16xf32>,
      %swap3A_688 = vector.shape_cast %swap3A_687 : vector<1x16xf32> to vector<16xf32>
      %swap3A_689 = vector.shape_cast %mul3A_684 : vector<16xf32> to vector<1x16xf32>
      tpu.vector_store %arg11[%swap3A_685, %swap3A_686], %swap3A_689 {strides = array<i32>} : memref<320x64xf32, #tpu.memory_space<vmem>>, vector<1x16xf32>,
      %mul3A_690 = arith.constant 16 : i32
      %mul3A_691 = arith.muli %scan3A_188, %mul3A_690 : i32
      %add3A_692 = arith.constant 10 : i32
      %add3A_693 = arith.addi %mul3A_691, %add3A_692 : i32
      %slice3A_694 = vector.extract_strided_slice %get3A_192 {offsets = [10], sizes = [1], strides = [1]} : vector<16xf32> to vector<1xf32>
      %squeeze3A_695 = vector.extract %slice3A_694[0] : f32 from vector<1xf32>
      %get3A_696 = arith.index_cast %add3A_693 : i32 to index
      %get3A_697 = arith.constant 0 : index
      %get3A_698 = tpu.vector_load %arg10[%get3A_696, %get3A_697] {strides = array<i32>} : memref<320x64xf32, #tpu.memory_space<vmem>>, vector<1x16xf32>,
      %get3A_699 = vector.shape_cast %get3A_698 : vector<1x16xf32> to vector<16xf32>
      %mul3A_700 = vector.broadcast %squeeze3A_695 : f32 to vector<16xf32>
      %mul3A_701 = arith.mulf %get3A_699, %mul3A_700 : vector<16xf32>
      %swap3A_702 = arith.index_cast %add3A_693 : i32 to index
      %swap3A_703 = arith.constant 0 : index
      %swap3A_704 = tpu.vector_load %arg11[%swap3A_702, %swap3A_703] {strides = array<i32>} : memref<320x64xf32, #tpu.memory_space<vmem>>, vector<1x16xf32>,
      %swap3A_705 = vector.shape_cast %swap3A_704 : vector<1x16xf32> to vector<16xf32>
      %swap3A_706 = vector.shape_cast %mul3A_701 : vector<16xf32> to vector<1x16xf32>
      tpu.vector_store %arg11[%swap3A_702, %swap3A_703], %swap3A_706 {strides = array<i32>} : memref<320x64xf32, #tpu.memory_space<vmem>>, vector<1x16xf32>,
      %get3A_707 = arith.index_cast %add3A_693 : i32 to index
      %get3A_708 = arith.constant 16 : index
      %get3A_709 = tpu.vector_load %arg10[%get3A_707, %get3A_708] {strides = array<i32>} : memref<320x64xf32, #tpu.memory_space<vmem>>, vector<1x16xf32>,
      %get3A_710 = vector.shape_cast %get3A_709 : vector<1x16xf32> to vector<16xf32>
      %mul3A_711 = vector.broadcast %squeeze3A_695 : f32 to vector<16xf32>
      %mul3A_712 = arith.mulf %get3A_710, %mul3A_711 : vector<16xf32>
      %swap3A_713 = arith.index_cast %add3A_693 : i32 to index
      %swap3A_714 = arith.constant 16 : index
      %swap3A_715 = tpu.vector_load %arg11[%swap3A_713, %swap3A_714] {strides = array<i32>} : memref<320x64xf32, #tpu.memory_space<vmem>>, vector<1x16xf32>,
      %swap3A_716 = vector.shape_cast %swap3A_715 : vector<1x16xf32> to vector<16xf32>
      %swap3A_717 = vector.shape_cast %mul3A_712 : vector<16xf32> to vector<1x16xf32>
      tpu.vector_store %arg11[%swap3A_713, %swap3A_714], %swap3A_717 {strides = array<i32>} : memref<320x64xf32, #tpu.memory_space<vmem>>, vector<1x16xf32>,
      %get3A_718 = arith.index_cast %add3A_693 : i32 to index
      %get3A_719 = arith.constant 32 : index
      %get3A_720 = tpu.vector_load %arg10[%get3A_718, %get3A_719] {strides = array<i32>} : memref<320x64xf32, #tpu.memory_space<vmem>>, vector<1x16xf32>,
      %get3A_721 = vector.shape_cast %get3A_720 : vector<1x16xf32> to vector<16xf32>
      %mul3A_722 = vector.broadcast %squeeze3A_695 : f32 to vector<16xf32>
      %mul3A_723 = arith.mulf %get3A_721, %mul3A_722 : vector<16xf32>
      %swap3A_724 = arith.index_cast %add3A_693 : i32 to index
      %swap3A_725 = arith.constant 32 : index
      %swap3A_726 = tpu.vector_load %arg11[%swap3A_724, %swap3A_725] {strides = array<i32>} : memref<320x64xf32, #tpu.memory_space<vmem>>, vector<1x16xf32>,
      %swap3A_727 = vector.shape_cast %swap3A_726 : vector<1x16xf32> to vector<16xf32>
      %swap3A_728 = vector.shape_cast %mul3A_723 : vector<16xf32> to vector<1x16xf32>
      tpu.vector_store %arg11[%swap3A_724, %swap3A_725], %swap3A_728 {strides = array<i32>} : memref<320x64xf32, #tpu.memory_space<vmem>>, vector<1x16xf32>,
      %get3A_729 = arith.index_cast %add3A_693 : i32 to index
      %get3A_730 = arith.constant 48 : index
      %get3A_731 = tpu.vector_load %arg10[%get3A_729, %get3A_730] {strides = array<i32>} : memref<320x64xf32, #tpu.memory_space<vmem>>, vector<1x16xf32>,
      %get3A_732 = vector.shape_cast %get3A_731 : vector<1x16xf32> to vector<16xf32>
      %mul3A_733 = vector.broadcast %squeeze3A_695 : f32 to vector<16xf32>
      %mul3A_734 = arith.mulf %get3A_732, %mul3A_733 : vector<16xf32>
      %swap3A_735 = arith.index_cast %add3A_693 : i32 to index
      %swap3A_736 = arith.constant 48 : index
      %swap3A_737 = tpu.vector_load %arg11[%swap3A_735, %swap3A_736] {strides = array<i32>} : memref<320x64xf32, #tpu.memory_space<vmem>>, vector<1x16xf32>,
      %swap3A_738 = vector.shape_cast %swap3A_737 : vector<1x16xf32> to vector<16xf32>
      %swap3A_739 = vector.shape_cast %mul3A_734 : vector<16xf32> to vector<1x16xf32>
      tpu.vector_store %arg11[%swap3A_735, %swap3A_736], %swap3A_739 {strides = array<i32>} : memref<320x64xf32, #tpu.memory_space<vmem>>, vector<1x16xf32>,
      %mul3A_740 = arith.constant 16 : i32
      %mul3A_741 = arith.muli %scan3A_188, %mul3A_740 : i32
      %add3A_742 = arith.constant 11 : i32
      %add3A_743 = arith.addi %mul3A_741, %add3A_742 : i32
      %slice3A_744 = vector.extract_strided_slice %get3A_192 {offsets = [11], sizes = [1], strides = [1]} : vector<16xf32> to vector<1xf32>
      %squeeze3A_745 = vector.extract %slice3A_744[0] : f32 from vector<1xf32>
      %get3A_746 = arith.index_cast %add3A_743 : i32 to index
      %get3A_747 = arith.constant 0 : index
      %get3A_748 = tpu.vector_load %arg10[%get3A_746, %get3A_747] {strides = array<i32>} : memref<320x64xf32, #tpu.memory_space<vmem>>, vector<1x16xf32>,
      %get3A_749 = vector.shape_cast %get3A_748 : vector<1x16xf32> to vector<16xf32>
      %mul3A_750 = vector.broadcast %squeeze3A_745 : f32 to vector<16xf32>
      %mul3A_751 = arith.mulf %get3A_749, %mul3A_750 : vector<16xf32>
      %swap3A_752 = arith.index_cast %add3A_743 : i32 to index
      %swap3A_753 = arith.constant 0 : index
      %swap3A_754 = tpu.vector_load %arg11[%swap3A_752, %swap3A_753] {strides = array<i32>} : memref<320x64xf32, #tpu.memory_space<vmem>>, vector<1x16xf32>,
      %swap3A_755 = vector.shape_cast %swap3A_754 : vector<1x16xf32> to vector<16xf32>
      %swap3A_756 = vector.shape_cast %mul3A_751 : vector<16xf32> to vector<1x16xf32>
      tpu.vector_store %arg11[%swap3A_752, %swap3A_753], %swap3A_756 {strides = array<i32>} : memref<320x64xf32, #tpu.memory_space<vmem>>, vector<1x16xf32>,
      %get3A_757 = arith.index_cast %add3A_743 : i32 to index
      %get3A_758 = arith.constant 16 : index
      %get3A_759 = tpu.vector_load %arg10[%get3A_757, %get3A_758] {strides = array<i32>} : memref<320x64xf32, #tpu.memory_space<vmem>>, vector<1x16xf32>,
      %get3A_760 = vector.shape_cast %get3A_759 : vector<1x16xf32> to vector<16xf32>
      %mul3A_761 = vector.broadcast %squeeze3A_745 : f32 to vector<16xf32>
      %mul3A_762 = arith.mulf %get3A_760, %mul3A_761 : vector<16xf32>
      %swap3A_763 = arith.index_cast %add3A_743 : i32 to index
      %swap3A_764 = arith.constant 16 : index
      %swap3A_765 = tpu.vector_load %arg11[%swap3A_763, %swap3A_764] {strides = array<i32>} : memref<320x64xf32, #tpu.memory_space<vmem>>, vector<1x16xf32>,
      %swap3A_766 = vector.shape_cast %swap3A_765 : vector<1x16xf32> to vector<16xf32>
      %swap3A_767 = vector.shape_cast %mul3A_762 : vector<16xf32> to vector<1x16xf32>
      tpu.vector_store %arg11[%swap3A_763, %swap3A_764], %swap3A_767 {strides = array<i32>} : memref<320x64xf32, #tpu.memory_space<vmem>>, vector<1x16xf32>,
      %get3A_768 = arith.index_cast %add3A_743 : i32 to index
      %get3A_769 = arith.constant 32 : index
      %get3A_770 = tpu.vector_load %arg10[%get3A_768, %get3A_769] {strides = array<i32>} : memref<320x64xf32, #tpu.memory_space<vmem>>, vector<1x16xf32>,
      %get3A_771 = vector.shape_cast %get3A_770 : vector<1x16xf32> to vector<16xf32>
      %mul3A_772 = vector.broadcast %squeeze3A_745 : f32 to vector<16xf32>
      %mul3A_773 = arith.mulf %get3A_771, %mul3A_772 : vector<16xf32>
      %swap3A_774 = arith.index_cast %add3A_743 : i32 to index
      %swap3A_775 = arith.constant 32 : index
      %swap3A_776 = tpu.vector_load %arg11[%swap3A_774, %swap3A_775] {strides = array<i32>} : memref<320x64xf32, #tpu.memory_space<vmem>>, vector<1x16xf32>,
      %swap3A_777 = vector.shape_cast %swap3A_776 : vector<1x16xf32> to vector<16xf32>
      %swap3A_778 = vector.shape_cast %mul3A_773 : vector<16xf32> to vector<1x16xf32>
      tpu.vector_store %arg11[%swap3A_774, %swap3A_775], %swap3A_778 {strides = array<i32>} : memref<320x64xf32, #tpu.memory_space<vmem>>, vector<1x16xf32>,
      %get3A_779 = arith.index_cast %add3A_743 : i32 to index
      %get3A_780 = arith.constant 48 : index
      %get3A_781 = tpu.vector_load %arg10[%get3A_779, %get3A_780] {strides = array<i32>} : memref<320x64xf32, #tpu.memory_space<vmem>>, vector<1x16xf32>,
      %get3A_782 = vector.shape_cast %get3A_781 : vector<1x16xf32> to vector<16xf32>
      %mul3A_783 = vector.broadcast %squeeze3A_745 : f32 to vector<16xf32>
      %mul3A_784 = arith.mulf %get3A_782, %mul3A_783 : vector<16xf32>
      %swap3A_785 = arith.index_cast %add3A_743 : i32 to index
      %swap3A_786 = arith.constant 48 : index
      %swap3A_787 = tpu.vector_load %arg11[%swap3A_785, %swap3A_786] {strides = array<i32>} : memref<320x64xf32, #tpu.memory_space<vmem>>, vector<1x16xf32>,
      %swap3A_788 = vector.shape_cast %swap3A_787 : vector<1x16xf32> to vector<16xf32>
      %swap3A_789 = vector.shape_cast %mul3A_784 : vector<16xf32> to vector<1x16xf32>
      tpu.vector_store %arg11[%swap3A_785, %swap3A_786], %swap3A_789 {strides = array<i32>} : memref<320x64xf32, #tpu.memory_space<vmem>>, vector<1x16xf32>,
      %mul3A_790 = arith.constant 16 : i32
      %mul3A_791 = arith.muli %scan3A_188, %mul3A_790 : i32
      %add3A_792 = arith.constant 12 : i32
      %add3A_793 = arith.addi %mul3A_791, %add3A_792 : i32
      %slice3A_794 = vector.extract_strided_slice %get3A_192 {offsets = [12], sizes = [1], strides = [1]} : vector<16xf32> to vector<1xf32>
      %squeeze3A_795 = vector.extract %slice3A_794[0] : f32 from vector<1xf32>
      %get3A_796 = arith.index_cast %add3A_793 : i32 to index
      %get3A_797 = arith.constant 0 : index
      %get3A_798 = tpu.vector_load %arg10[%get3A_796, %get3A_797] {strides = array<i32>} : memref<320x64xf32, #tpu.memory_space<vmem>>, vector<1x16xf32>,
      %get3A_799 = vector.shape_cast %get3A_798 : vector<1x16xf32> to vector<16xf32>
      %mul3A_800 = vector.broadcast %squeeze3A_795 : f32 to vector<16xf32>
      %mul3A_801 = arith.mulf %get3A_799, %mul3A_800 : vector<16xf32>
      %swap3A_802 = arith.index_cast %add3A_793 : i32 to index
      %swap3A_803 = arith.constant 0 : index
      %swap3A_804 = tpu.vector_load %arg11[%swap3A_802, %swap3A_803] {strides = array<i32>} : memref<320x64xf32, #tpu.memory_space<vmem>>, vector<1x16xf32>,
      %swap3A_805 = vector.shape_cast %swap3A_804 : vector<1x16xf32> to vector<16xf32>
      %swap3A_806 = vector.shape_cast %mul3A_801 : vector<16xf32> to vector<1x16xf32>
      tpu.vector_store %arg11[%swap3A_802, %swap3A_803], %swap3A_806 {strides = array<i32>} : memref<320x64xf32, #tpu.memory_space<vmem>>, vector<1x16xf32>,
      %get3A_807 = arith.index_cast %add3A_793 : i32 to index
      %get3A_808 = arith.constant 16 : index
      %get3A_809 = tpu.vector_load %arg10[%get3A_807, %get3A_808] {strides = array<i32>} : memref<320x64xf32, #tpu.memory_space<vmem>>, vector<1x16xf32>,
      %get3A_810 = vector.shape_cast %get3A_809 : vector<1x16xf32> to vector<16xf32>
      %mul3A_811 = vector.broadcast %squeeze3A_795 : f32 to vector<16xf32>
      %mul3A_812 = arith.mulf %get3A_810, %mul3A_811 : vector<16xf32>
      %swap3A_813 = arith.index_cast %add3A_793 : i32 to index
      %swap3A_814 = arith.constant 16 : index
      %swap3A_815 = tpu.vector_load %arg11[%swap3A_813, %swap3A_814] {strides = array<i32>} : memref<320x64xf32, #tpu.memory_space<vmem>>, vector<1x16xf32>,
      %swap3A_816 = vector.shape_cast %swap3A_815 : vector<1x16xf32> to vector<16xf32>
      %swap3A_817 = vector.shape_cast %mul3A_812 : vector<16xf32> to vector<1x16xf32>
      tpu.vector_store %arg11[%swap3A_813, %swap3A_814], %swap3A_817 {strides = array<i32>} : memref<320x64xf32, #tpu.memory_space<vmem>>, vector<1x16xf32>,
      %get3A_818 = arith.index_cast %add3A_793 : i32 to index
      %get3A_819 = arith.constant 32 : index
      %get3A_820 = tpu.vector_load %arg10[%get3A_818, %get3A_819] {strides = array<i32>} : memref<320x64xf32, #tpu.memory_space<vmem>>, vector<1x16xf32>,
      %get3A_821 = vector.shape_cast %get3A_820 : vector<1x16xf32> to vector<16xf32>
      %mul3A_822 = vector.broadcast %squeeze3A_795 : f32 to vector<16xf32>
      %mul3A_823 = arith.mulf %get3A_821, %mul3A_822 : vector<16xf32>
      %swap3A_824 = arith.index_cast %add3A_793 : i32 to index
      %swap3A_825 = arith.constant 32 : index
      %swap3A_826 = tpu.vector_load %arg11[%swap3A_824, %swap3A_825] {strides = array<i32>} : memref<320x64xf32, #tpu.memory_space<vmem>>, vector<1x16xf32>,
      %swap3A_827 = vector.shape_cast %swap3A_826 : vector<1x16xf32> to vector<16xf32>
      %swap3A_828 = vector.shape_cast %mul3A_823 : vector<16xf32> to vector<1x16xf32>
      tpu.vector_store %arg11[%swap3A_824, %swap3A_825], %swap3A_828 {strides = array<i32>} : memref<320x64xf32, #tpu.memory_space<vmem>>, vector<1x16xf32>,
      %get3A_829 = arith.index_cast %add3A_793 : i32 to index
      %get3A_830 = arith.constant 48 : index
      %get3A_831 = tpu.vector_load %arg10[%get3A_829, %get3A_830] {strides = array<i32>} : memref<320x64xf32, #tpu.memory_space<vmem>>, vector<1x16xf32>,
      %get3A_832 = vector.shape_cast %get3A_831 : vector<1x16xf32> to vector<16xf32>
      %mul3A_833 = vector.broadcast %squeeze3A_795 : f32 to vector<16xf32>
      %mul3A_834 = arith.mulf %get3A_832, %mul3A_833 : vector<16xf32>
      %swap3A_835 = arith.index_cast %add3A_793 : i32 to index
      %swap3A_836 = arith.constant 48 : index
      %swap3A_837 = tpu.vector_load %arg11[%swap3A_835, %swap3A_836] {strides = array<i32>} : memref<320x64xf32, #tpu.memory_space<vmem>>, vector<1x16xf32>,
      %swap3A_838 = vector.shape_cast %swap3A_837 : vector<1x16xf32> to vector<16xf32>
      %swap3A_839 = vector.shape_cast %mul3A_834 : vector<16xf32> to vector<1x16xf32>
      tpu.vector_store %arg11[%swap3A_835, %swap3A_836], %swap3A_839 {strides = array<i32>} : memref<320x64xf32, #tpu.memory_space<vmem>>, vector<1x16xf32>,
      %mul3A_840 = arith.constant 16 : i32
      %mul3A_841 = arith.muli %scan3A_188, %mul3A_840 : i32
      %add3A_842 = arith.constant 13 : i32
      %add3A_843 = arith.addi %mul3A_841, %add3A_842 : i32
      %slice3A_844 = vector.extract_strided_slice %get3A_192 {offsets = [13], sizes = [1], strides = [1]} : vector<16xf32> to vector<1xf32>
      %squeeze3A_845 = vector.extract %slice3A_844[0] : f32 from vector<1xf32>
      %get3A_846 = arith.index_cast %add3A_843 : i32 to index
      %get3A_847 = arith.constant 0 : index
      %get3A_848 = tpu.vector_load %arg10[%get3A_846, %get3A_847] {strides = array<i32>} : memref<320x64xf32, #tpu.memory_space<vmem>>, vector<1x16xf32>,
      %get3A_849 = vector.shape_cast %get3A_848 : vector<1x16xf32> to vector<16xf32>
      %mul3A_850 = vector.broadcast %squeeze3A_845 : f32 to vector<16xf32>
      %mul3A_851 = arith.mulf %get3A_849, %mul3A_850 : vector<16xf32>
      %swap3A_852 = arith.index_cast %add3A_843 : i32 to index
      %swap3A_853 = arith.constant 0 : index
      %swap3A_854 = tpu.vector_load %arg11[%swap3A_852, %swap3A_853] {strides = array<i32>} : memref<320x64xf32, #tpu.memory_space<vmem>>, vector<1x16xf32>,
      %swap3A_855 = vector.shape_cast %swap3A_854 : vector<1x16xf32> to vector<16xf32>
      %swap3A_856 = vector.shape_cast %mul3A_851 : vector<16xf32> to vector<1x16xf32>
      tpu.vector_store %arg11[%swap3A_852, %swap3A_853], %swap3A_856 {strides = array<i32>} : memref<320x64xf32, #tpu.memory_space<vmem>>, vector<1x16xf32>,
      %get3A_857 = arith.index_cast %add3A_843 : i32 to index
      %get3A_858 = arith.constant 16 : index
      %get3A_859 = tpu.vector_load %arg10[%get3A_857, %get3A_858] {strides = array<i32>} : memref<320x64xf32, #tpu.memory_space<vmem>>, vector<1x16xf32>,
      %get3A_860 = vector.shape_cast %get3A_859 : vector<1x16xf32> to vector<16xf32>
      %mul3A_861 = vector.broadcast %squeeze3A_845 : f32 to vector<16xf32>
      %mul3A_862 = arith.mulf %get3A_860, %mul3A_861 : vector<16xf32>
      %swap3A_863 = arith.index_cast %add3A_843 : i32 to index
      %swap3A_864 = arith.constant 16 : index
      %swap3A_865 = tpu.vector_load %arg11[%swap3A_863, %swap3A_864] {strides = array<i32>} : memref<320x64xf32, #tpu.memory_space<vmem>>, vector<1x16xf32>,
      %swap3A_866 = vector.shape_cast %swap3A_865 : vector<1x16xf32> to vector<16xf32>
      %swap3A_867 = vector.shape_cast %mul3A_862 : vector<16xf32> to vector<1x16xf32>
      tpu.vector_store %arg11[%swap3A_863, %swap3A_864], %swap3A_867 {strides = array<i32>} : memref<320x64xf32, #tpu.memory_space<vmem>>, vector<1x16xf32>,
      %get3A_868 = arith.index_cast %add3A_843 : i32 to index
      %get3A_869 = arith.constant 32 : index
      %get3A_870 = tpu.vector_load %arg10[%get3A_868, %get3A_869] {strides = array<i32>} : memref<320x64xf32, #tpu.memory_space<vmem>>, vector<1x16xf32>,
      %get3A_871 = vector.shape_cast %get3A_870 : vector<1x16xf32> to vector<16xf32>
      %mul3A_872 = vector.broadcast %squeeze3A_845 : f32 to vector<16xf32>
      %mul3A_873 = arith.mulf %get3A_871, %mul3A_872 : vector<16xf32>
      %swap3A_874 = arith.index_cast %add3A_843 : i32 to index
      %swap3A_875 = arith.constant 32 : index
      %swap3A_876 = tpu.vector_load %arg11[%swap3A_874, %swap3A_875] {strides = array<i32>} : memref<320x64xf32, #tpu.memory_space<vmem>>, vector<1x16xf32>,
      %swap3A_877 = vector.shape_cast %swap3A_876 : vector<1x16xf32> to vector<16xf32>
      %swap3A_878 = vector.shape_cast %mul3A_873 : vector<16xf32> to vector<1x16xf32>
      tpu.vector_store %arg11[%swap3A_874, %swap3A_875], %swap3A_878 {strides = array<i32>} : memref<320x64xf32, #tpu.memory_space<vmem>>, vector<1x16xf32>,
      %get3A_879 = arith.index_cast %add3A_843 : i32 to index
      %get3A_880 = arith.constant 48 : index
      %get3A_881 = tpu.vector_load %arg10[%get3A_879, %get3A_880] {strides = array<i32>} : memref<320x64xf32, #tpu.memory_space<vmem>>, vector<1x16xf32>,
      %get3A_882 = vector.shape_cast %get3A_881 : vector<1x16xf32> to vector<16xf32>
      %mul3A_883 = vector.broadcast %squeeze3A_845 : f32 to vector<16xf32>
      %mul3A_884 = arith.mulf %get3A_882, %mul3A_883 : vector<16xf32>
      %swap3A_885 = arith.index_cast %add3A_843 : i32 to index
      %swap3A_886 = arith.constant 48 : index
      %swap3A_887 = tpu.vector_load %arg11[%swap3A_885, %swap3A_886] {strides = array<i32>} : memref<320x64xf32, #tpu.memory_space<vmem>>, vector<1x16xf32>,
      %swap3A_888 = vector.shape_cast %swap3A_887 : vector<1x16xf32> to vector<16xf32>
      %swap3A_889 = vector.shape_cast %mul3A_884 : vector<16xf32> to vector<1x16xf32>
      tpu.vector_store %arg11[%swap3A_885, %swap3A_886], %swap3A_889 {strides = array<i32>} : memref<320x64xf32, #tpu.memory_space<vmem>>, vector<1x16xf32>,
      %mul3A_890 = arith.constant 16 : i32
      %mul3A_891 = arith.muli %scan3A_188, %mul3A_890 : i32
      %add3A_892 = arith.constant 14 : i32
      %add3A_893 = arith.addi %mul3A_891, %add3A_892 : i32
      %slice3A_894 = vector.extract_strided_slice %get3A_192 {offsets = [14], sizes = [1], strides = [1]} : vector<16xf32> to vector<1xf32>
      %squeeze3A_895 = vector.extract %slice3A_894[0] : f32 from vector<1xf32>
      %get3A_896 = arith.index_cast %add3A_893 : i32 to index
      %get3A_897 = arith.constant 0 : index
      %get3A_898 = tpu.vector_load %arg10[%get3A_896, %get3A_897] {strides = array<i32>} : memref<320x64xf32, #tpu.memory_space<vmem>>, vector<1x16xf32>,
      %get3A_899 = vector.shape_cast %get3A_898 : vector<1x16xf32> to vector<16xf32>
      %mul3A_900 = vector.broadcast %squeeze3A_895 : f32 to vector<16xf32>
      %mul3A_901 = arith.mulf %get3A_899, %mul3A_900 : vector<16xf32>
      %swap3A_902 = arith.index_cast %add3A_893 : i32 to index
      %swap3A_903 = arith.constant 0 : index
      %swap3A_904 = tpu.vector_load %arg11[%swap3A_902, %swap3A_903] {strides = array<i32>} : memref<320x64xf32, #tpu.memory_space<vmem>>, vector<1x16xf32>,
      %swap3A_905 = vector.shape_cast %swap3A_904 : vector<1x16xf32> to vector<16xf32>
      %swap3A_906 = vector.shape_cast %mul3A_901 : vector<16xf32> to vector<1x16xf32>
      tpu.vector_store %arg11[%swap3A_902, %swap3A_903], %swap3A_906 {strides = array<i32>} : memref<320x64xf32, #tpu.memory_space<vmem>>, vector<1x16xf32>,
      %get3A_907 = arith.index_cast %add3A_893 : i32 to index
      %get3A_908 = arith.constant 16 : index
      %get3A_909 = tpu.vector_load %arg10[%get3A_907, %get3A_908] {strides = array<i32>} : memref<320x64xf32, #tpu.memory_space<vmem>>, vector<1x16xf32>,
      %get3A_910 = vector.shape_cast %get3A_909 : vector<1x16xf32> to vector<16xf32>
      %mul3A_911 = vector.broadcast %squeeze3A_895 : f32 to vector<16xf32>
      %mul3A_912 = arith.mulf %get3A_910, %mul3A_911 : vector<16xf32>
      %swap3A_913 = arith.index_cast %add3A_893 : i32 to index
      %swap3A_914 = arith.constant 16 : index
      %swap3A_915 = tpu.vector_load %arg11[%swap3A_913, %swap3A_914] {strides = array<i32>} : memref<320x64xf32, #tpu.memory_space<vmem>>, vector<1x16xf32>,
      %swap3A_916 = vector.shape_cast %swap3A_915 : vector<1x16xf32> to vector<16xf32>
      %swap3A_917 = vector.shape_cast %mul3A_912 : vector<16xf32> to vector<1x16xf32>
      tpu.vector_store %arg11[%swap3A_913, %swap3A_914], %swap3A_917 {strides = array<i32>} : memref<320x64xf32, #tpu.memory_space<vmem>>, vector<1x16xf32>,
      %get3A_918 = arith.index_cast %add3A_893 : i32 to index
      %get3A_919 = arith.constant 32 : index
      %get3A_920 = tpu.vector_load %arg10[%get3A_918, %get3A_919] {strides = array<i32>} : memref<320x64xf32, #tpu.memory_space<vmem>>, vector<1x16xf32>,
      %get3A_921 = vector.shape_cast %get3A_920 : vector<1x16xf32> to vector<16xf32>
      %mul3A_922 = vector.broadcast %squeeze3A_895 : f32 to vector<16xf32>
      %mul3A_923 = arith.mulf %get3A_921, %mul3A_922 : vector<16xf32>
      %swap3A_924 = arith.index_cast %add3A_893 : i32 to index
      %swap3A_925 = arith.constant 32 : index
      %swap3A_926 = tpu.vector_load %arg11[%swap3A_924, %swap3A_925] {strides = array<i32>} : memref<320x64xf32, #tpu.memory_space<vmem>>, vector<1x16xf32>,
      %swap3A_927 = vector.shape_cast %swap3A_926 : vector<1x16xf32> to vector<16xf32>
      %swap3A_928 = vector.shape_cast %mul3A_923 : vector<16xf32> to vector<1x16xf32>
      tpu.vector_store %arg11[%swap3A_924, %swap3A_925], %swap3A_928 {strides = array<i32>} : memref<320x64xf32, #tpu.memory_space<vmem>>, vector<1x16xf32>,
      %get3A_929 = arith.index_cast %add3A_893 : i32 to index
      %get3A_930 = arith.constant 48 : index
      %get3A_931 = tpu.vector_load %arg10[%get3A_929, %get3A_930] {strides = array<i32>} : memref<320x64xf32, #tpu.memory_space<vmem>>, vector<1x16xf32>,
      %get3A_932 = vector.shape_cast %get3A_931 : vector<1x16xf32> to vector<16xf32>
      %mul3A_933 = vector.broadcast %squeeze3A_895 : f32 to vector<16xf32>
      %mul3A_934 = arith.mulf %get3A_932, %mul3A_933 : vector<16xf32>
      %swap3A_935 = arith.index_cast %add3A_893 : i32 to index
      %swap3A_936 = arith.constant 48 : index
      %swap3A_937 = tpu.vector_load %arg11[%swap3A_935, %swap3A_936] {strides = array<i32>} : memref<320x64xf32, #tpu.memory_space<vmem>>, vector<1x16xf32>,
      %swap3A_938 = vector.shape_cast %swap3A_937 : vector<1x16xf32> to vector<16xf32>
      %swap3A_939 = vector.shape_cast %mul3A_934 : vector<16xf32> to vector<1x16xf32>
      tpu.vector_store %arg11[%swap3A_935, %swap3A_936], %swap3A_939 {strides = array<i32>} : memref<320x64xf32, #tpu.memory_space<vmem>>, vector<1x16xf32>,
      %mul3A_940 = arith.constant 16 : i32
      %mul3A_941 = arith.muli %scan3A_188, %mul3A_940 : i32
      %add3A_942 = arith.constant 15 : i32
      %add3A_943 = arith.addi %mul3A_941, %add3A_942 : i32
      %slice3A_944 = vector.extract_strided_slice %get3A_192 {offsets = [15], sizes = [1], strides = [1]} : vector<16xf32> to vector<1xf32>
      %squeeze3A_945 = vector.extract %slice3A_944[0] : f32 from vector<1xf32>
      %get3A_946 = arith.index_cast %add3A_943 : i32 to index
      %get3A_947 = arith.constant 0 : index
      %get3A_948 = tpu.vector_load %arg10[%get3A_946, %get3A_947] {strides = array<i32>} : memref<320x64xf32, #tpu.memory_space<vmem>>, vector<1x16xf32>,
      %get3A_949 = vector.shape_cast %get3A_948 : vector<1x16xf32> to vector<16xf32>
      %mul3A_950 = vector.broadcast %squeeze3A_945 : f32 to vector<16xf32>
      %mul3A_951 = arith.mulf %get3A_949, %mul3A_950 : vector<16xf32>
      %swap3A_952 = arith.index_cast %add3A_943 : i32 to index
      %swap3A_953 = arith.constant 0 : index
      %swap3A_954 = tpu.vector_load %arg11[%swap3A_952, %swap3A_953] {strides = array<i32>} : memref<320x64xf32, #tpu.memory_space<vmem>>, vector<1x16xf32>,
      %swap3A_955 = vector.shape_cast %swap3A_954 : vector<1x16xf32> to vector<16xf32>
      %swap3A_956 = vector.shape_cast %mul3A_951 : vector<16xf32> to vector<1x16xf32>
      tpu.vector_store %arg11[%swap3A_952, %swap3A_953], %swap3A_956 {strides = array<i32>} : memref<320x64xf32, #tpu.memory_space<vmem>>, vector<1x16xf32>,
      %get3A_957 = arith.index_cast %add3A_943 : i32 to index
      %get3A_958 = arith.constant 16 : index
      %get3A_959 = tpu.vector_load %arg10[%get3A_957, %get3A_958] {strides = array<i32>} : memref<320x64xf32, #tpu.memory_space<vmem>>, vector<1x16xf32>,
      %get3A_960 = vector.shape_cast %get3A_959 : vector<1x16xf32> to vector<16xf32>
      %mul3A_961 = vector.broadcast %squeeze3A_945 : f32 to vector<16xf32>
      %mul3A_962 = arith.mulf %get3A_960, %mul3A_961 : vector<16xf32>
      %swap3A_963 = arith.index_cast %add3A_943 : i32 to index
      %swap3A_964 = arith.constant 16 : index
      %swap3A_965 = tpu.vector_load %arg11[%swap3A_963, %swap3A_964] {strides = array<i32>} : memref<320x64xf32, #tpu.memory_space<vmem>>, vector<1x16xf32>,
      %swap3A_966 = vector.shape_cast %swap3A_965 : vector<1x16xf32> to vector<16xf32>
      %swap3A_967 = vector.shape_cast %mul3A_962 : vector<16xf32> to vector<1x16xf32>
      tpu.vector_store %arg11[%swap3A_963, %swap3A_964], %swap3A_967 {strides = array<i32>} : memref<320x64xf32, #tpu.memory_space<vmem>>, vector<1x16xf32>,
      %get3A_968 = arith.index_cast %add3A_943 : i32 to index
      %get3A_969 = arith.constant 32 : index
      %get3A_970 = tpu.vector_load %arg10[%get3A_968, %get3A_969] {strides = array<i32>} : memref<320x64xf32, #tpu.memory_space<vmem>>, vector<1x16xf32>,
      %get3A_971 = vector.shape_cast %get3A_970 : vector<1x16xf32> to vector<16xf32>
      %mul3A_972 = vector.broadcast %squeeze3A_945 : f32 to vector<16xf32>
      %mul3A_973 = arith.mulf %get3A_971, %mul3A_972 : vector<16xf32>
      %swap3A_974 = arith.index_cast %add3A_943 : i32 to index
      %swap3A_975 = arith.constant 32 : index
      %swap3A_976 = tpu.vector_load %arg11[%swap3A_974, %swap3A_975] {strides = array<i32>} : memref<320x64xf32, #tpu.memory_space<vmem>>, vector<1x16xf32>,
      %swap3A_977 = vector.shape_cast %swap3A_976 : vector<1x16xf32> to vector<16xf32>
      %swap3A_978 = vector.shape_cast %mul3A_973 : vector<16xf32> to vector<1x16xf32>
      tpu.vector_store %arg11[%swap3A_974, %swap3A_975], %swap3A_978 {strides = array<i32>} : memref<320x64xf32, #tpu.memory_space<vmem>>, vector<1x16xf32>,
      %get3A_979 = arith.index_cast %add3A_943 : i32 to index
      %get3A_980 = arith.constant 48 : index
      %get3A_981 = tpu.vector_load %arg10[%get3A_979, %get3A_980] {strides = array<i32>} : memref<320x64xf32, #tpu.memory_space<vmem>>, vector<1x16xf32>,
      %get3A_982 = vector.shape_cast %get3A_981 : vector<1x16xf32> to vector<16xf32>
      %mul3A_983 = vector.broadcast %squeeze3A_945 : f32 to vector<16xf32>
      %mul3A_984 = arith.mulf %get3A_982, %mul3A_983 : vector<16xf32>
      %swap3A_985 = arith.index_cast %add3A_943 : i32 to index
      %swap3A_986 = arith.constant 48 : index
      %swap3A_987 = tpu.vector_load %arg11[%swap3A_985, %swap3A_986] {strides = array<i32>} : memref<320x64xf32, #tpu.memory_space<vmem>>, vector<1x16xf32>,
      %swap3A_988 = vector.shape_cast %swap3A_987 : vector<1x16xf32> to vector<16xf32>
      %swap3A_989 = vector.shape_cast %mul3A_984 : vector<16xf32> to vector<1x16xf32>
      tpu.vector_store %arg11[%swap3A_985, %swap3A_986], %swap3A_989 {strides = array<i32>} : memref<320x64xf32, #tpu.memory_space<vmem>>, vector<1x16xf32>,
    }
    %scan3A_20 = arith.constant 20 : i32
    "tpu.region"() ({
      %run_scoped3A_188 = tpu.sem_alloc : memref<!tpu.dma_semaphore, #tpu.memory_space<semaphore_mem>>
      %dma_start3A_189 = arith.constant 0 : i32
      %dma_start3A_190 = arith.constant 0 : i32
      %dma_start3A_191 = tpu.memref_slice %arg11[%dma_start3A_189, %dma_start3A_190] : memref<320x64xf32, #tpu.memory_space<vmem>> -> memref<312x64xf32, #tpu.memory_space<vmem>>
      %dma_start3A_192 = arith.constant 0 : i32
      %dma_start3A_193 = tpu.memref_slice %arg6[%arg0, %add3A_12, %dma_start3A_192] : memref<2x10112x64xf32, #tpu.memory_space<hbm>> -> memref<1x312x64xf32, #tpu.memory_space<hbm>>
      %dma_start3A_194 = tpu.memref_squeeze %dma_start3A_193 : memref<1x312x64xf32, #tpu.memory_space<hbm>> -> memref<312x64xf32, #tpu.memory_space<hbm>>
      %dma_start3A_195 = arith.constant 0 : i32
      %dma_start3A_196 = tpu.memref_slice %arg6[%arg0, %add3A_12, %dma_start3A_195] : memref<2x10112x64xf32, #tpu.memory_space<hbm>> -> memref<1x312x64xf32, #tpu.memory_space<hbm>>
      %dma_start3A_197 = tpu.memref_squeeze %dma_start3A_196 : memref<1x312x64xf32, #tpu.memory_space<hbm>> -> memref<312x64xf32, #tpu.memory_space<hbm>>
      %dma_start3A_198 = arith.constant 0 : i32
      %dma_start3A_199 = arith.constant 0 : i32
      %dma_start3A_200 = tpu.memref_slice %arg11[%dma_start3A_198, %dma_start3A_199] : memref<320x64xf32, #tpu.memory_space<vmem>> -> memref<312x64xf32, #tpu.memory_space<vmem>>
      tpu.enqueue_dma source(%dma_start3A_200 : memref<312x64xf32, #tpu.memory_space<vmem>>) target(%dma_start3A_197 : memref<312x64xf32, #tpu.memory_space<hbm>>) target_semaphore(%run_scoped3A_188 : memref<!tpu.dma_semaphore, #tpu.memory_space<semaphore_mem>>)
      %dma_wait3A_201 = arith.constant 0 : i32
      %dma_wait3A_202 = arith.constant 0 : i32
      %dma_wait3A_203 = tpu.memref_slice %arg11[%dma_wait3A_201, %dma_wait3A_202] : memref<320x64xf32, #tpu.memory_space<vmem>> -> memref<312x64xf32, #tpu.memory_space<vmem>>
      %dma_wait3A_204 = arith.constant 0 : i32
      %dma_wait3A_205 = tpu.memref_slice %arg6[%arg0, %add3A_12, %dma_wait3A_204] : memref<2x10112x64xf32, #tpu.memory_space<hbm>> -> memref<1x312x64xf32, #tpu.memory_space<hbm>>
      %dma_wait3A_206 = tpu.memref_squeeze %dma_wait3A_205 : memref<1x312x64xf32, #tpu.memory_space<hbm>> -> memref<312x64xf32, #tpu.memory_space<hbm>>
      %dma_wait3A_207 = arith.constant 0 : i32
      %dma_wait3A_208 = tpu.memref_slice %arg6[%arg0, %add3A_12, %dma_wait3A_207] : memref<2x10112x64xf32, #tpu.memory_space<hbm>> -> memref<1x312x64xf32, #tpu.memory_space<hbm>>
      %dma_wait3A_209 = tpu.memref_squeeze %dma_wait3A_208 : memref<1x312x64xf32, #tpu.memory_space<hbm>> -> memref<312x64xf32, #tpu.memory_space<hbm>>
      %dma_wait3A_210 = arith.constant 0 : i32
      %dma_wait3A_211 = arith.constant 0 : i32
      %dma_wait3A_212 = tpu.memref_slice %arg11[%dma_wait3A_210, %dma_wait3A_211] : memref<320x64xf32, #tpu.memory_space<vmem>> -> memref<312x64xf32, #tpu.memory_space<vmem>>
      tpu.wait_dma2 semaphore(%run_scoped3A_188 : memref<!tpu.dma_semaphore, #tpu.memory_space<semaphore_mem>>) src(%dma_wait3A_212 : memref<312x64xf32, #tpu.memory_space<vmem>>) dst(%dma_wait3A_209 : memref<312x64xf32, #tpu.memory_space<hbm>>)
      tpu.yield
    }) : () -> ()
    %scan3A_21 = arith.constant 0 : i32
    %scan3A_22 = arith.constant 0 : i32
    %scan3A_23 = arith.constant 320 : i32
    %scan3A_24 = arith.addi %scan3A_22, %scan3A_23 : i32
    %scan3A_25 = arith.constant 1 : i32
    scf.for %scan3A_188 = %scan3A_22 to %scan3A_24 step %scan3A_25  : i32 {
      %broadcast_in_dim3A = arith.constant 0.000000e+00 : f32
      %broadcast_in_dim3A_189 = vector.broadcast %broadcast_in_dim3A : f32 to vector<16xf32>
      %swap3A = arith.index_cast %scan3A_188 : i32 to index
      %swap3A_190 = arith.constant 0 : index
      %swap3A_191 = tpu.vector_load %arg11[%swap3A, %swap3A_190] {strides = array<i32>} : memref<320x64xf32, #tpu.memory_space<vmem>>, vector<1x16xf32>,
      %swap3A_192 = vector.shape_cast %swap3A_191 : vector<1x16xf32> to vector<16xf32>
      %swap3A_193 = vector.shape_cast %broadcast_in_dim3A_189 : vector<16xf32> to vector<1x16xf32>
      tpu.vector_store %arg11[%swap3A, %swap3A_190], %swap3A_193 {strides = array<i32>} : memref<320x64xf32, #tpu.memory_space<vmem>>, vector<1x16xf32>,
      %broadcast_in_dim3A_194 = arith.constant 0.000000e+00 : f32
      %broadcast_in_dim3A_195 = vector.broadcast %broadcast_in_dim3A_194 : f32 to vector<16xf32>
      %swap3A_196 = arith.index_cast %scan3A_188 : i32 to index
      %swap3A_197 = arith.constant 16 : index
      %swap3A_198 = tpu.vector_load %arg11[%swap3A_196, %swap3A_197] {strides = array<i32>} : memref<320x64xf32, #tpu.memory_space<vmem>>, vector<1x16xf32>,
      %swap3A_199 = vector.shape_cast %swap3A_198 : vector<1x16xf32> to vector<16xf32>
      %swap3A_200 = vector.shape_cast %broadcast_in_dim3A_195 : vector<16xf32> to vector<1x16xf32>
      tpu.vector_store %arg11[%swap3A_196, %swap3A_197], %swap3A_200 {strides = array<i32>} : memref<320x64xf32, #tpu.memory_space<vmem>>, vector<1x16xf32>,
      %broadcast_in_dim3A_201 = arith.constant 0.000000e+00 : f32
      %broadcast_in_dim3A_202 = vector.broadcast %broadcast_in_dim3A_201 : f32 to vector<16xf32>
      %swap3A_203 = arith.index_cast %scan3A_188 : i32 to index
      %swap3A_204 = arith.constant 32 : index
      %swap3A_205 = tpu.vector_load %arg11[%swap3A_203, %swap3A_204] {strides = array<i32>} : memref<320x64xf32, #tpu.memory_space<vmem>>, vector<1x16xf32>,
      %swap3A_206 = vector.shape_cast %swap3A_205 : vector<1x16xf32> to vector<16xf32>
      %swap3A_207 = vector.shape_cast %broadcast_in_dim3A_202 : vector<16xf32> to vector<1x16xf32>
      tpu.vector_store %arg11[%swap3A_203, %swap3A_204], %swap3A_207 {strides = array<i32>} : memref<320x64xf32, #tpu.memory_space<vmem>>, vector<1x16xf32>,
      %broadcast_in_dim3A_208 = arith.constant 0.000000e+00 : f32
      %broadcast_in_dim3A_209 = vector.broadcast %broadcast_in_dim3A_208 : f32 to vector<16xf32>
      %swap3A_210 = arith.index_cast %scan3A_188 : i32 to index
      %swap3A_211 = arith.constant 48 : index
      %swap3A_212 = tpu.vector_load %arg11[%swap3A_210, %swap3A_211] {strides = array<i32>} : memref<320x64xf32, #tpu.memory_space<vmem>>, vector<1x16xf32>,
      %swap3A_213 = vector.shape_cast %swap3A_212 : vector<1x16xf32> to vector<16xf32>
      %swap3A_214 = vector.shape_cast %broadcast_in_dim3A_209 : vector<16xf32> to vector<1x16xf32>
      tpu.vector_store %arg11[%swap3A_210, %swap3A_211], %swap3A_214 {strides = array<i32>} : memref<320x64xf32, #tpu.memory_space<vmem>>, vector<1x16xf32>,
    }
    %scan3A_26 = arith.constant 320 : i32
    %mul3A_27 = arith.constant 320 : i32
    %mul3A_28 = arith.muli %arg1, %mul3A_27 : i32
    "tpu.region"() ({
      %run_scoped3A_188 = tpu.sem_alloc : memref<!tpu.dma_semaphore, #tpu.memory_space<semaphore_mem>>
      %dma_start3A_189 = arith.constant 0 : i32
      %dma_start3A_190 = tpu.memref_slice %arg9[%mul3A_28, %dma_start3A_189] : memref<10112x64xf32, #tpu.memory_space<vmem_shared>> -> memref<320x64xf32, #tpu.memory_space<vmem_shared>>
      %dma_start3A_191 = arith.constant 0 : i32
      %dma_start3A_192 = tpu.memref_slice %arg9[%mul3A_28, %dma_start3A_191] : memref<10112x64xf32, #tpu.memory_space<vmem_shared>> -> memref<320x64xf32, #tpu.memory_space<vmem_shared>>
      tpu.enqueue_dma source(%arg11 : memref<320x64xf32, #tpu.memory_space<vmem>>) target(%dma_start3A_192 : memref<320x64xf32, #tpu.memory_space<vmem_shared>>) target_semaphore(%run_scoped3A_188 : memref<!tpu.dma_semaphore, #tpu.memory_space<semaphore_mem>>)
      %dma_wait3A_193 = arith.constant 0 : i32
      %dma_wait3A_194 = tpu.memref_slice %arg9[%mul3A_28, %dma_wait3A_193] : memref<10112x64xf32, #tpu.memory_space<vmem_shared>> -> memref<320x64xf32, #tpu.memory_space<vmem_shared>>
      %dma_wait3A_195 = arith.constant 0 : i32
      %dma_wait3A_196 = tpu.memref_slice %arg9[%mul3A_28, %dma_wait3A_195] : memref<10112x64xf32, #tpu.memory_space<vmem_shared>> -> memref<320x64xf32, #tpu.memory_space<vmem_shared>>
      tpu.wait_dma2 semaphore(%run_scoped3A_188 : memref<!tpu.dma_semaphore, #tpu.memory_space<semaphore_mem>>) src(%arg11 : memref<320x64xf32, #tpu.memory_space<vmem>>) dst(%dma_wait3A_196 : memref<320x64xf32, #tpu.memory_space<vmem_shared>>)
      tpu.yield
    }) : () -> ()
    %barrier3A = arith.constant 0 : index
    tpu.barrier barrier_id(%barrier3A)
    %dma_start3A = arith.constant 0 : i32
    %dma_start3A_29 = arith.constant 0 : i32
    %dma_start3A_30 = arith.constant 0 : i32
    %dma_start3A_31 = tpu.memref_slice %arg5[%arg1, %dma_start3A, %dma_start3A_29, %dma_start3A_30] : memref<16x95x2x216xi32, #tpu.memory_space<hbm>> -> memref<1x1x2x216xi32, #tpu.memory_space<hbm>>
    %dma_start3A_32 = tpu.memref_squeeze %dma_start3A_31 : memref<1x1x2x216xi32, #tpu.memory_space<hbm>> -> memref<2x216xi32, #tpu.memory_space<hbm>>
    %dma_start3A_33 = arith.constant 0 : i32
    %dma_start3A_34 = arith.constant 0 : i32
    %dma_start3A_35 = tpu.memref_slice %arg5[%arg1, %dma_start3A, %dma_start3A_33, %dma_start3A_34] : memref<16x95x2x216xi32, #tpu.memory_space<hbm>> -> memref<1x1x2x216xi32, #tpu.memory_space<hbm>>
    %dma_start3A_36 = tpu.memref_squeeze %dma_start3A_35 : memref<1x1x2x216xi32, #tpu.memory_space<hbm>> -> memref<2x216xi32, #tpu.memory_space<hbm>>
    tpu.enqueue_dma source(%dma_start3A_36 : memref<2x216xi32, #tpu.memory_space<hbm>>) target(%arg12 : memref<2x216xi32, #tpu.memory_space<vmem>>) target_semaphore(%arg19 : memref<!tpu.dma_semaphore, #tpu.memory_space<semaphore_mem>>)
    %dma_start3A_37 = arith.constant 1 : i32
    %dma_start3A_38 = arith.constant 0 : i32
    %dma_start3A_39 = arith.constant 0 : i32
    %dma_start3A_40 = tpu.memref_slice %arg5[%arg1, %dma_start3A_37, %dma_start3A_38, %dma_start3A_39] : memref<16x95x2x216xi32, #tpu.memory_space<hbm>> -> memref<1x1x2x216xi32, #tpu.memory_space<hbm>>
    %dma_start3A_41 = tpu.memref_squeeze %dma_start3A_40 : memref<1x1x2x216xi32, #tpu.memory_space<hbm>> -> memref<2x216xi32, #tpu.memory_space<hbm>>
    %dma_start3A_42 = arith.constant 0 : i32
    %dma_start3A_43 = arith.constant 0 : i32
    %dma_start3A_44 = tpu.memref_slice %arg5[%arg1, %dma_start3A_37, %dma_start3A_42, %dma_start3A_43] : memref<16x95x2x216xi32, #tpu.memory_space<hbm>> -> memref<1x1x2x216xi32, #tpu.memory_space<hbm>>
    %dma_start3A_45 = tpu.memref_squeeze %dma_start3A_44 : memref<1x1x2x216xi32, #tpu.memory_space<hbm>> -> memref<2x216xi32, #tpu.memory_space<hbm>>
    tpu.enqueue_dma source(%dma_start3A_45 : memref<2x216xi32, #tpu.memory_space<hbm>>) target(%arg13 : memref<2x216xi32, #tpu.memory_space<vmem>>) target_semaphore(%arg20 : memref<!tpu.dma_semaphore, #tpu.memory_space<semaphore_mem>>)
    %dma_wait3A = arith.constant 0 : i32
    %dma_wait3A_46 = arith.constant 0 : i32
    %dma_wait3A_47 = arith.constant 0 : i32
    %dma_wait3A_48 = tpu.memref_slice %arg5[%arg1, %dma_wait3A, %dma_wait3A_46, %dma_wait3A_47] : memref<16x95x2x216xi32, #tpu.memory_space<hbm>> -> memref<1x1x2x216xi32, #tpu.memory_space<hbm>>
    %dma_wait3A_49 = tpu.memref_squeeze %dma_wait3A_48 : memref<1x1x2x216xi32, #tpu.memory_space<hbm>> -> memref<2x216xi32, #tpu.memory_space<hbm>>
    %dma_wait3A_50 = arith.constant 0 : i32
    %dma_wait3A_51 = arith.constant 0 : i32
    %dma_wait3A_52 = tpu.memref_slice %arg5[%arg1, %dma_wait3A, %dma_wait3A_50, %dma_wait3A_51] : memref<16x95x2x216xi32, #tpu.memory_space<hbm>> -> memref<1x1x2x216xi32, #tpu.memory_space<hbm>>
    %dma_wait3A_53 = tpu.memref_squeeze %dma_wait3A_52 : memref<1x1x2x216xi32, #tpu.memory_space<hbm>> -> memref<2x216xi32, #tpu.memory_space<hbm>>
    tpu.wait_dma2 semaphore(%arg19 : memref<!tpu.dma_semaphore, #tpu.memory_space<semaphore_mem>>) src(%dma_wait3A_53 : memref<2x216xi32, #tpu.memory_space<hbm>>) dst(%arg12 : memref<2x216xi32, #tpu.memory_space<vmem>>)
    %dma_start3A_54 = arith.constant 0 : i32
    %dma_start3A_55 = arith.constant 0 : i32
    %dma_start3A_56 = tpu.memref_slice %arg12[%dma_start3A_54, %dma_start3A_55] : memref<2x216xi32, #tpu.memory_space<vmem>> -> memref<1x216xi32, #tpu.memory_space<vmem>>
    %dma_start3A_57 = tpu.memref_squeeze %dma_start3A_56 : memref<1x216xi32, #tpu.memory_space<vmem>> -> memref<216xi32, #tpu.memory_space<vmem>>
    %dma_start3A_58 = arith.constant 0 : i32
    %dma_start3A_59 = arith.constant 0 : i32
    %dma_start3A_60 = tpu.memref_slice %arg6[%arg0, %dma_start3A_58, %dma_start3A_59] : memref<2x10112x64xf32, #tpu.memory_space<hbm>> -> memref<1x10112x64xf32, #tpu.memory_space<hbm>>
    %dma_start3A_61 = tpu.memref_squeeze %dma_start3A_60 : memref<1x10112x64xf32, #tpu.memory_space<hbm>> -> memref<10112x64xf32, #tpu.memory_space<hbm>>
    %dma_start3A_62 = arith.constant 0 : i32
    %dma_start3A_63 = arith.constant 0 : i32
    %dma_start3A_64 = tpu.memref_slice %dma_start3A_61[%dma_start3A_62, %dma_start3A_63] : memref<10112x64xf32, #tpu.memory_space<hbm>> -> memref<10112x64xf32, #tpu.memory_space<hbm>>
    tpu.enqueue_indirect_dma source(%dma_start3A_64 : memref<10112x64xf32, #tpu.memory_space<hbm>>) target(%arg14 : memref<216x64xf32, #tpu.memory_space<vmem>>) offsets(%dma_start3A_57 : memref<216xi32, #tpu.memory_space<vmem>>) semaphore(%arg17 : memref<!tpu.dma_semaphore, #tpu.memory_space<semaphore_mem>>)
    %scan3A_65 = arith.constant 0 : i32
    %scan3A_66 = arith.constant 0 : i32
    %scan3A_67 = arith.constant 46 : i32
    %scan3A_68 = arith.addi %scan3A_66, %scan3A_67 : i32
    %scan3A_69 = arith.constant 1 : i32
    scf.for %scan3A_188 = %scan3A_66 to %scan3A_68 step %scan3A_69  : i32 {
      %mul3A_189 = arith.constant 2 : i32
      %mul3A_190 = arith.muli %scan3A_188, %mul3A_189 : i32
      %add3A_191 = arith.constant 0 : i32
      %add3A_192 = arith.addi %mul3A_190, %add3A_191 : i32
      %add3A_193 = arith.constant 1 : i32
      %add3A_194 = arith.addi %add3A_192, %add3A_193 : i32
      %dma_wait3A_195 = arith.constant 0 : i32
      %dma_wait3A_196 = arith.constant 0 : i32
      %dma_wait3A_197 = tpu.memref_slice %arg5[%arg1, %add3A_194, %dma_wait3A_195, %dma_wait3A_196] : memref<16x95x2x216xi32, #tpu.memory_space<hbm>> -> memref<1x1x2x216xi32, #tpu.memory_space<hbm>>
      %dma_wait3A_198 = tpu.memref_squeeze %dma_wait3A_197 : memref<1x1x2x216xi32, #tpu.memory_space<hbm>> -> memref<2x216xi32, #tpu.memory_space<hbm>>
      %dma_wait3A_199 = arith.constant 0 : i32
      %dma_wait3A_200 = arith.constant 0 : i32
      %dma_wait3A_201 = tpu.memref_slice %arg5[%arg1, %add3A_194, %dma_wait3A_199, %dma_wait3A_200] : memref<16x95x2x216xi32, #tpu.memory_space<hbm>> -> memref<1x1x2x216xi32, #tpu.memory_space<hbm>>
      %dma_wait3A_202 = tpu.memref_squeeze %dma_wait3A_201 : memref<1x1x2x216xi32, #tpu.memory_space<hbm>> -> memref<2x216xi32, #tpu.memory_space<hbm>>
      tpu.wait_dma2 semaphore(%arg20 : memref<!tpu.dma_semaphore, #tpu.memory_space<semaphore_mem>>) src(%dma_wait3A_202 : memref<2x216xi32, #tpu.memory_space<hbm>>) dst(%arg13 : memref<2x216xi32, #tpu.memory_space<vmem>>)
      %dma_start3A_203 = arith.constant 0 : i32
      %dma_start3A_204 = arith.constant 0 : i32
      %dma_start3A_205 = tpu.memref_slice %arg13[%dma_start3A_203, %dma_start3A_204] : memref<2x216xi32, #tpu.memory_space<vmem>> -> memref<1x216xi32, #tpu.memory_space<vmem>>
      %dma_start3A_206 = tpu.memref_squeeze %dma_start3A_205 : memref<1x216xi32, #tpu.memory_space<vmem>> -> memref<216xi32, #tpu.memory_space<vmem>>
      %dma_start3A_207 = arith.constant 0 : i32
      %dma_start3A_208 = arith.constant 0 : i32
      %dma_start3A_209 = tpu.memref_slice %arg6[%arg0, %dma_start3A_207, %dma_start3A_208] : memref<2x10112x64xf32, #tpu.memory_space<hbm>> -> memref<1x10112x64xf32, #tpu.memory_space<hbm>>
      %dma_start3A_210 = tpu.memref_squeeze %dma_start3A_209 : memref<1x10112x64xf32, #tpu.memory_space<hbm>> -> memref<10112x64xf32, #tpu.memory_space<hbm>>
      %dma_start3A_211 = arith.constant 0 : i32
      %dma_start3A_212 = arith.constant 0 : i32
      %dma_start3A_213 = tpu.memref_slice %dma_start3A_210[%dma_start3A_211, %dma_start3A_212] : memref<10112x64xf32, #tpu.memory_space<hbm>> -> memref<10112x64xf32, #tpu.memory_space<hbm>>
      tpu.enqueue_indirect_dma source(%dma_start3A_213 : memref<10112x64xf32, #tpu.memory_space<hbm>>) target(%arg15 : memref<216x64xf32, #tpu.memory_space<vmem>>) offsets(%dma_start3A_206 : memref<216xi32, #tpu.memory_space<vmem>>) semaphore(%arg18 : memref<!tpu.dma_semaphore, #tpu.memory_space<semaphore_mem>>)
      %dma_wait3A_214 = arith.constant 0 : i32
      %dma_wait3A_215 = arith.constant 0 : i32
      %dma_wait3A_216 = tpu.memref_slice %arg12[%dma_wait3A_214, %dma_wait3A_215] : memref<2x216xi32, #tpu.memory_space<vmem>> -> memref<1x216xi32, #tpu.memory_space<vmem>>
      %dma_wait3A_217 = tpu.memref_squeeze %dma_wait3A_216 : memref<1x216xi32, #tpu.memory_space<vmem>> -> memref<216xi32, #tpu.memory_space<vmem>>
      %dma_wait3A_218 = arith.constant 0 : i32
      %dma_wait3A_219 = arith.constant 0 : i32
      %dma_wait3A_220 = tpu.memref_slice %arg6[%arg0, %dma_wait3A_218, %dma_wait3A_219] : memref<2x10112x64xf32, #tpu.memory_space<hbm>> -> memref<1x10112x64xf32, #tpu.memory_space<hbm>>
      %dma_wait3A_221 = tpu.memref_squeeze %dma_wait3A_220 : memref<1x10112x64xf32, #tpu.memory_space<hbm>> -> memref<10112x64xf32, #tpu.memory_space<hbm>>
      %dma_wait3A_222 = arith.constant 0 : i32
      %dma_wait3A_223 = arith.constant 0 : i32
      %dma_wait3A_224 = tpu.memref_slice %dma_wait3A_221[%dma_wait3A_222, %dma_wait3A_223] : memref<10112x64xf32, #tpu.memory_space<hbm>> -> memref<10112x64xf32, #tpu.memory_space<hbm>>
      tpu.wait_indirect_dma semaphore(%arg17 : memref<!tpu.dma_semaphore, #tpu.memory_space<semaphore_mem>>) src(%dma_wait3A_224 : memref<10112x64xf32, #tpu.memory_space<hbm>>) dst(%arg14 : memref<216x64xf32, #tpu.memory_space<vmem>>)
      %run_scoped3A_225 = arith.constant 1 : i32
      "tpu.region"() ({
        %run_scoped3A_283 = tpu.sem_alloc : memref<!tpu.dma_semaphore, #tpu.memory_space<semaphore_mem>>
        %dma_start3A_284 = arith.constant 0 : i32
        %dma_start3A_285 = tpu.memref_slice %arg12[%run_scoped3A_225, %dma_start3A_284] : memref<2x216xi32, #tpu.memory_space<vmem>> -> memref<1x216xi32, #tpu.memory_space<vmem>>
        %dma_start3A_286 = tpu.memref_squeeze %dma_start3A_285 : memref<1x216xi32, #tpu.memory_space<vmem>> -> memref<216xi32, #tpu.memory_space<vmem>>
        %dma_start3A_287 = arith.constant 0 : i32
        %dma_start3A_288 = arith.constant 0 : i32
        %dma_start3A_289 = tpu.memref_slice %arg9[%dma_start3A_287, %dma_start3A_288] : memref<10112x64xf32, #tpu.memory_space<vmem_shared>> -> memref<10112x64xf32, #tpu.memory_space<vmem_shared>>
        tpu.enqueue_indirect_dma source(%arg14 : memref<216x64xf32, #tpu.memory_space<vmem>>) target(%dma_start3A_289 : memref<10112x64xf32, #tpu.memory_space<vmem_shared>>) offsets(%dma_start3A_286 : memref<216xi32, #tpu.memory_space<vmem>>) semaphore(%run_scoped3A_283 : memref<!tpu.dma_semaphore, #tpu.memory_space<semaphore_mem>>) {add = true}
        %dma_wait3A_290 = arith.constant 0 : i32
        %dma_wait3A_291 = tpu.memref_slice %arg12[%run_scoped3A_225, %dma_wait3A_290] : memref<2x216xi32, #tpu.memory_space<vmem>> -> memref<1x216xi32, #tpu.memory_space<vmem>>
        %dma_wait3A_292 = tpu.memref_squeeze %dma_wait3A_291 : memref<1x216xi32, #tpu.memory_space<vmem>> -> memref<216xi32, #tpu.memory_space<vmem>>
        %dma_wait3A_293 = arith.constant 0 : i32
        %dma_wait3A_294 = arith.constant 0 : i32
        %dma_wait3A_295 = tpu.memref_slice %arg9[%dma_wait3A_293, %dma_wait3A_294] : memref<10112x64xf32, #tpu.memory_space<vmem_shared>> -> memref<10112x64xf32, #tpu.memory_space<vmem_shared>>
        tpu.wait_indirect_dma semaphore(%run_scoped3A_283 : memref<!tpu.dma_semaphore, #tpu.memory_space<semaphore_mem>>) src(%arg14 : memref<216x64xf32, #tpu.memory_space<vmem>>) dst(%dma_wait3A_295 : memref<10112x64xf32, #tpu.memory_space<vmem_shared>>)
        tpu.yield
      }) : () -> ()
      %add3A_226 = arith.constant 2 : i32
      %add3A_227 = arith.addi %add3A_192, %add3A_226 : i32
      %dma_start3A_228 = arith.constant 0 : i32
      %dma_start3A_229 = arith.constant 0 : i32
      %dma_start3A_230 = tpu.memref_slice %arg5[%arg1, %add3A_227, %dma_start3A_228, %dma_start3A_229] : memref<16x95x2x216xi32, #tpu.memory_space<hbm>> -> memref<1x1x2x216xi32, #tpu.memory_space<hbm>>
      %dma_start3A_231 = tpu.memref_squeeze %dma_start3A_230 : memref<1x1x2x216xi32, #tpu.memory_space<hbm>> -> memref<2x216xi32, #tpu.memory_space<hbm>>
      %dma_start3A_232 = arith.constant 0 : i32
      %dma_start3A_233 = arith.constant 0 : i32
      %dma_start3A_234 = tpu.memref_slice %arg5[%arg1, %add3A_227, %dma_start3A_232, %dma_start3A_233] : memref<16x95x2x216xi32, #tpu.memory_space<hbm>> -> memref<1x1x2x216xi32, #tpu.memory_space<hbm>>
      %dma_start3A_235 = tpu.memref_squeeze %dma_start3A_234 : memref<1x1x2x216xi32, #tpu.memory_space<hbm>> -> memref<2x216xi32, #tpu.memory_space<hbm>>
      tpu.enqueue_dma source(%dma_start3A_235 : memref<2x216xi32, #tpu.memory_space<hbm>>) target(%arg12 : memref<2x216xi32, #tpu.memory_space<vmem>>) target_semaphore(%arg19 : memref<!tpu.dma_semaphore, #tpu.memory_space<semaphore_mem>>)
      %mul3A_236 = arith.constant 2 : i32
      %mul3A_237 = arith.muli %scan3A_188, %mul3A_236 : i32
      %add3A_238 = arith.constant 1 : i32
      %add3A_239 = arith.addi %mul3A_237, %add3A_238 : i32
      %add3A_240 = arith.constant 1 : i32
      %add3A_241 = arith.addi %add3A_239, %add3A_240 : i32
      %dma_wait3A_242 = arith.constant 0 : i32
      %dma_wait3A_243 = arith.constant 0 : i32
      %dma_wait3A_244 = tpu.memref_slice %arg5[%arg1, %add3A_241, %dma_wait3A_242, %dma_wait3A_243] : memref<16x95x2x216xi32, #tpu.memory_space<hbm>> -> memref<1x1x2x216xi32, #tpu.memory_space<hbm>>
      %dma_wait3A_245 = tpu.memref_squeeze %dma_wait3A_244 : memref<1x1x2x216xi32, #tpu.memory_space<hbm>> -> memref<2x216xi32, #tpu.memory_space<hbm>>
      %dma_wait3A_246 = arith.constant 0 : i32
      %dma_wait3A_247 = arith.constant 0 : i32
      %dma_wait3A_248 = tpu.memref_slice %arg5[%arg1, %add3A_241, %dma_wait3A_246, %dma_wait3A_247] : memref<16x95x2x216xi32, #tpu.memory_space<hbm>> -> memref<1x1x2x216xi32, #tpu.memory_space<hbm>>
      %dma_wait3A_249 = tpu.memref_squeeze %dma_wait3A_248 : memref<1x1x2x216xi32, #tpu.memory_space<hbm>> -> memref<2x216xi32, #tpu.memory_space<hbm>>
      tpu.wait_dma2 semaphore(%arg19 : memref<!tpu.dma_semaphore, #tpu.memory_space<semaphore_mem>>) src(%dma_wait3A_249 : memref<2x216xi32, #tpu.memory_space<hbm>>) dst(%arg12 : memref<2x216xi32, #tpu.memory_space<vmem>>)
      %dma_start3A_250 = arith.constant 0 : i32
      %dma_start3A_251 = arith.constant 0 : i32
      %dma_start3A_252 = tpu.memref_slice %arg12[%dma_start3A_250, %dma_start3A_251] : memref<2x216xi32, #tpu.memory_space<vmem>> -> memref<1x216xi32, #tpu.memory_space<vmem>>
      %dma_start3A_253 = tpu.memref_squeeze %dma_start3A_252 : memref<1x216xi32, #tpu.memory_space<vmem>> -> memref<216xi32, #tpu.memory_space<vmem>>
      %dma_start3A_254 = arith.constant 0 : i32
      %dma_start3A_255 = arith.constant 0 : i32
      %dma_start3A_256 = tpu.memref_slice %arg6[%arg0, %dma_start3A_254, %dma_start3A_255] : memref<2x10112x64xf32, #tpu.memory_space<hbm>> -> memref<1x10112x64xf32, #tpu.memory_space<hbm>>
      %dma_start3A_257 = tpu.memref_squeeze %dma_start3A_256 : memref<1x10112x64xf32, #tpu.memory_space<hbm>> -> memref<10112x64xf32, #tpu.memory_space<hbm>>
      %dma_start3A_258 = arith.constant 0 : i32
      %dma_start3A_259 = arith.constant 0 : i32
      %dma_start3A_260 = tpu.memref_slice %dma_start3A_257[%dma_start3A_258, %dma_start3A_259] : memref<10112x64xf32, #tpu.memory_space<hbm>> -> memref<10112x64xf32, #tpu.memory_space<hbm>>
      tpu.enqueue_indirect_dma source(%dma_start3A_260 : memref<10112x64xf32, #tpu.memory_space<hbm>>) target(%arg14 : memref<216x64xf32, #tpu.memory_space<vmem>>) offsets(%dma_start3A_253 : memref<216xi32, #tpu.memory_space<vmem>>) semaphore(%arg17 : memref<!tpu.dma_semaphore, #tpu.memory_space<semaphore_mem>>)
      %dma_wait3A_261 = arith.constant 0 : i32
      %dma_wait3A_262 = arith.constant 0 : i32
      %dma_wait3A_263 = tpu.memref_slice %arg13[%dma_wait3A_261, %dma_wait3A_262] : memref<2x216xi32, #tpu.memory_space<vmem>> -> memref<1x216xi32, #tpu.memory_space<vmem>>
      %dma_wait3A_264 = tpu.memref_squeeze %dma_wait3A_263 : memref<1x216xi32, #tpu.memory_space<vmem>> -> memref<216xi32, #tpu.memory_space<vmem>>
      %dma_wait3A_265 = arith.constant 0 : i32
      %dma_wait3A_266 = arith.constant 0 : i32
      %dma_wait3A_267 = tpu.memref_slice %arg6[%arg0, %dma_wait3A_265, %dma_wait3A_266] : memref<2x10112x64xf32, #tpu.memory_space<hbm>> -> memref<1x10112x64xf32, #tpu.memory_space<hbm>>
      %dma_wait3A_268 = tpu.memref_squeeze %dma_wait3A_267 : memref<1x10112x64xf32, #tpu.memory_space<hbm>> -> memref<10112x64xf32, #tpu.memory_space<hbm>>
      %dma_wait3A_269 = arith.constant 0 : i32
      %dma_wait3A_270 = arith.constant 0 : i32
      %dma_wait3A_271 = tpu.memref_slice %dma_wait3A_268[%dma_wait3A_269, %dma_wait3A_270] : memref<10112x64xf32, #tpu.memory_space<hbm>> -> memref<10112x64xf32, #tpu.memory_space<hbm>>
      tpu.wait_indirect_dma semaphore(%arg18 : memref<!tpu.dma_semaphore, #tpu.memory_space<semaphore_mem>>) src(%dma_wait3A_271 : memref<10112x64xf32, #tpu.memory_space<hbm>>) dst(%arg15 : memref<216x64xf32, #tpu.memory_space<vmem>>)
      %run_scoped3A_272 = arith.constant 1 : i32
      "tpu.region"() ({
        %run_scoped3A_283 = tpu.sem_alloc : memref<!tpu.dma_semaphore, #tpu.memory_space<semaphore_mem>>
        %dma_start3A_284 = arith.constant 0 : i32
        %dma_start3A_285 = tpu.memref_slice %arg13[%run_scoped3A_272, %dma_start3A_284] : memref<2x216xi32, #tpu.memory_space<vmem>> -> memref<1x216xi32, #tpu.memory_space<vmem>>
        %dma_start3A_286 = tpu.memref_squeeze %dma_start3A_285 : memref<1x216xi32, #tpu.memory_space<vmem>> -> memref<216xi32, #tpu.memory_space<vmem>>
        %dma_start3A_287 = arith.constant 0 : i32
        %dma_start3A_288 = arith.constant 0 : i32
        %dma_start3A_289 = tpu.memref_slice %arg9[%dma_start3A_287, %dma_start3A_288] : memref<10112x64xf32, #tpu.memory_space<vmem_shared>> -> memref<10112x64xf32, #tpu.memory_space<vmem_shared>>
        tpu.enqueue_indirect_dma source(%arg15 : memref<216x64xf32, #tpu.memory_space<vmem>>) target(%dma_start3A_289 : memref<10112x64xf32, #tpu.memory_space<vmem_shared>>) offsets(%dma_start3A_286 : memref<216xi32, #tpu.memory_space<vmem>>) semaphore(%run_scoped3A_283 : memref<!tpu.dma_semaphore, #tpu.memory_space<semaphore_mem>>) {add = true}
        %dma_wait3A_290 = arith.constant 0 : i32
        %dma_wait3A_291 = tpu.memref_slice %arg13[%run_scoped3A_272, %dma_wait3A_290] : memref<2x216xi32, #tpu.memory_space<vmem>> -> memref<1x216xi32, #tpu.memory_space<vmem>>
        %dma_wait3A_292 = tpu.memref_squeeze %dma_wait3A_291 : memref<1x216xi32, #tpu.memory_space<vmem>> -> memref<216xi32, #tpu.memory_space<vmem>>
        %dma_wait3A_293 = arith.constant 0 : i32
        %dma_wait3A_294 = arith.constant 0 : i32
        %dma_wait3A_295 = tpu.memref_slice %arg9[%dma_wait3A_293, %dma_wait3A_294] : memref<10112x64xf32, #tpu.memory_space<vmem_shared>> -> memref<10112x64xf32, #tpu.memory_space<vmem_shared>>
        tpu.wait_indirect_dma semaphore(%run_scoped3A_283 : memref<!tpu.dma_semaphore, #tpu.memory_space<semaphore_mem>>) src(%arg15 : memref<216x64xf32, #tpu.memory_space<vmem>>) dst(%dma_wait3A_295 : memref<10112x64xf32, #tpu.memory_space<vmem_shared>>)
        tpu.yield
      }) : () -> ()
      %add3A_273 = arith.constant 2 : i32
      %add3A_274 = arith.addi %add3A_239, %add3A_273 : i32
      %dma_start3A_275 = arith.constant 0 : i32
      %dma_start3A_276 = arith.constant 0 : i32
      %dma_start3A_277 = tpu.memref_slice %arg5[%arg1, %add3A_274, %dma_start3A_275, %dma_start3A_276] : memref<16x95x2x216xi32, #tpu.memory_space<hbm>> -> memref<1x1x2x216xi32, #tpu.memory_space<hbm>>
      %dma_start3A_278 = tpu.memref_squeeze %dma_start3A_277 : memref<1x1x2x216xi32, #tpu.memory_space<hbm>> -> memref<2x216xi32, #tpu.memory_space<hbm>>
      %dma_start3A_279 = arith.constant 0 : i32
      %dma_start3A_280 = arith.constant 0 : i32
      %dma_start3A_281 = tpu.memref_slice %arg5[%arg1, %add3A_274, %dma_start3A_279, %dma_start3A_280] : memref<16x95x2x216xi32, #tpu.memory_space<hbm>> -> memref<1x1x2x216xi32, #tpu.memory_space<hbm>>
      %dma_start3A_282 = tpu.memref_squeeze %dma_start3A_281 : memref<1x1x2x216xi32, #tpu.memory_space<hbm>> -> memref<2x216xi32, #tpu.memory_space<hbm>>
      tpu.enqueue_dma source(%dma_start3A_282 : memref<2x216xi32, #tpu.memory_space<hbm>>) target(%arg13 : memref<2x216xi32, #tpu.memory_space<vmem>>) target_semaphore(%arg20 : memref<!tpu.dma_semaphore, #tpu.memory_space<semaphore_mem>>)
    }
    %scan3A_70 = arith.constant 46 : i32
    %dma_wait3A_71 = arith.constant 0 : i32
    %dma_wait3A_72 = arith.constant 0 : i32
    %dma_wait3A_73 = tpu.memref_slice %arg12[%dma_wait3A_71, %dma_wait3A_72] : memref<2x216xi32, #tpu.memory_space<vmem>> -> memref<1x216xi32, #tpu.memory_space<vmem>>
    %dma_wait3A_74 = tpu.memref_squeeze %dma_wait3A_73 : memref<1x216xi32, #tpu.memory_space<vmem>> -> memref<216xi32, #tpu.memory_space<vmem>>
    %dma_wait3A_75 = arith.constant 0 : i32
    %dma_wait3A_76 = arith.constant 0 : i32
    %dma_wait3A_77 = tpu.memref_slice %arg6[%arg0, %dma_wait3A_75, %dma_wait3A_76] : memref<2x10112x64xf32, #tpu.memory_space<hbm>> -> memref<1x10112x64xf32, #tpu.memory_space<hbm>>
    %dma_wait3A_78 = tpu.memref_squeeze %dma_wait3A_77 : memref<1x10112x64xf32, #tpu.memory_space<hbm>> -> memref<10112x64xf32, #tpu.memory_space<hbm>>
    %dma_wait3A_79 = arith.constant 0 : i32
    %dma_wait3A_80 = arith.constant 0 : i32
    %dma_wait3A_81 = tpu.memref_slice %dma_wait3A_78[%dma_wait3A_79, %dma_wait3A_80] : memref<10112x64xf32, #tpu.memory_space<hbm>> -> memref<10112x64xf32, #tpu.memory_space<hbm>>
    tpu.wait_indirect_dma semaphore(%arg17 : memref<!tpu.dma_semaphore, #tpu.memory_space<semaphore_mem>>) src(%dma_wait3A_81 : memref<10112x64xf32, #tpu.memory_space<hbm>>) dst(%arg14 : memref<216x64xf32, #tpu.memory_space<vmem>>)
    %run_scoped3A = arith.constant 1 : i32
    "tpu.region"() ({
      %run_scoped3A_188 = tpu.sem_alloc : memref<!tpu.dma_semaphore, #tpu.memory_space<semaphore_mem>>
      %dma_start3A_189 = arith.constant 0 : i32
      %dma_start3A_190 = tpu.memref_slice %arg12[%run_scoped3A, %dma_start3A_189] : memref<2x216xi32, #tpu.memory_space<vmem>> -> memref<1x216xi32, #tpu.memory_space<vmem>>
      %dma_start3A_191 = tpu.memref_squeeze %dma_start3A_190 : memref<1x216xi32, #tpu.memory_space<vmem>> -> memref<216xi32, #tpu.memory_space<vmem>>
      %dma_start3A_192 = arith.constant 0 : i32
      %dma_start3A_193 = arith.constant 0 : i32
      %dma_start3A_194 = tpu.memref_slice %arg9[%dma_start3A_192, %dma_start3A_193] : memref<10112x64xf32, #tpu.memory_space<vmem_shared>> -> memref<10112x64xf32, #tpu.memory_space<vmem_shared>>
      tpu.enqueue_indirect_dma source(%arg14 : memref<216x64xf32, #tpu.memory_space<vmem>>) target(%dma_start3A_194 : memref<10112x64xf32, #tpu.memory_space<vmem_shared>>) offsets(%dma_start3A_191 : memref<216xi32, #tpu.memory_space<vmem>>) semaphore(%run_scoped3A_188 : memref<!tpu.dma_semaphore, #tpu.memory_space<semaphore_mem>>) {add = true}
      %dma_wait3A_195 = arith.constant 0 : i32
      %dma_wait3A_196 = tpu.memref_slice %arg12[%run_scoped3A, %dma_wait3A_195] : memref<2x216xi32, #tpu.memory_space<vmem>> -> memref<1x216xi32, #tpu.memory_space<vmem>>
      %dma_wait3A_197 = tpu.memref_squeeze %dma_wait3A_196 : memref<1x216xi32, #tpu.memory_space<vmem>> -> memref<216xi32, #tpu.memory_space<vmem>>
      %dma_wait3A_198 = arith.constant 0 : i32
      %dma_wait3A_199 = arith.constant 0 : i32
      %dma_wait3A_200 = tpu.memref_slice %arg9[%dma_wait3A_198, %dma_wait3A_199] : memref<10112x64xf32, #tpu.memory_space<vmem_shared>> -> memref<10112x64xf32, #tpu.memory_space<vmem_shared>>
      tpu.wait_indirect_dma semaphore(%run_scoped3A_188 : memref<!tpu.dma_semaphore, #tpu.memory_space<semaphore_mem>>) src(%arg14 : memref<216x64xf32, #tpu.memory_space<vmem>>) dst(%dma_wait3A_200 : memref<10112x64xf32, #tpu.memory_space<vmem_shared>>)
      tpu.yield
    }) : () -> ()
    %dma_wait3A_82 = arith.constant 0 : i32
    %dma_wait3A_83 = arith.constant 0 : i32
    %dma_wait3A_84 = arith.constant 0 : i32
    %dma_wait3A_85 = tpu.memref_slice %arg5[%arg1, %dma_wait3A_82, %dma_wait3A_83, %dma_wait3A_84] : memref<16x95x2x216xi32, #tpu.memory_space<hbm>> -> memref<1x1x2x216xi32, #tpu.memory_space<hbm>>
    %dma_wait3A_86 = tpu.memref_squeeze %dma_wait3A_85 : memref<1x1x2x216xi32, #tpu.memory_space<hbm>> -> memref<2x216xi32, #tpu.memory_space<hbm>>
    %dma_wait3A_87 = arith.constant 0 : i32
    %dma_wait3A_88 = arith.constant 0 : i32
    %dma_wait3A_89 = tpu.memref_slice %arg5[%arg1, %dma_wait3A_82, %dma_wait3A_87, %dma_wait3A_88] : memref<16x95x2x216xi32, #tpu.memory_space<hbm>> -> memref<1x1x2x216xi32, #tpu.memory_space<hbm>>
    %dma_wait3A_90 = tpu.memref_squeeze %dma_wait3A_89 : memref<1x1x2x216xi32, #tpu.memory_space<hbm>> -> memref<2x216xi32, #tpu.memory_space<hbm>>
    tpu.wait_dma2 semaphore(%arg20 : memref<!tpu.dma_semaphore, #tpu.memory_space<semaphore_mem>>) src(%dma_wait3A_90 : memref<2x216xi32, #tpu.memory_space<hbm>>) dst(%arg13 : memref<2x216xi32, #tpu.memory_space<vmem>>)
    %barrier3A_91 = arith.constant 0 : index
    tpu.barrier barrier_id(%barrier3A_91)
    %mul3A_92 = arith.constant 320 : i32
    %mul3A_93 = arith.muli %arg1, %mul3A_92 : i32
    "tpu.region"() ({
      %run_scoped3A_188 = tpu.sem_alloc : memref<!tpu.dma_semaphore, #tpu.memory_space<semaphore_mem>>
      %dma_start3A_189 = tpu.memref_slice %arg4[%mul3A_93] : memref<5120xf32, #tpu.memory_space<hbm>> -> memref<320xf32, #tpu.memory_space<hbm>>
      %dma_start3A_190 = tpu.memref_slice %arg4[%mul3A_93] : memref<5120xf32, #tpu.memory_space<hbm>> -> memref<320xf32, #tpu.memory_space<hbm>>
      tpu.enqueue_dma source(%dma_start3A_190 : memref<320xf32, #tpu.memory_space<hbm>>) target(%arg16 : memref<320xf32, #tpu.memory_space<vmem>>) target_semaphore(%run_scoped3A_188 : memref<!tpu.dma_semaphore, #tpu.memory_space<semaphore_mem>>)
      %dma_wait3A_191 = tpu.memref_slice %arg4[%mul3A_93] : memref<5120xf32, #tpu.memory_space<hbm>> -> memref<320xf32, #tpu.memory_space<hbm>>
      %dma_wait3A_192 = tpu.memref_slice %arg4[%mul3A_93] : memref<5120xf32, #tpu.memory_space<hbm>> -> memref<320xf32, #tpu.memory_space<hbm>>
      tpu.wait_dma2 semaphore(%run_scoped3A_188 : memref<!tpu.dma_semaphore, #tpu.memory_space<semaphore_mem>>) src(%dma_wait3A_192 : memref<320xf32, #tpu.memory_space<hbm>>) dst(%arg16 : memref<320xf32, #tpu.memory_space<vmem>>)
      tpu.yield
    }) : () -> ()
    %mul3A_94 = arith.constant 320 : i32
    %mul3A_95 = arith.muli %arg1, %mul3A_94 : i32
    "tpu.region"() ({
      %run_scoped3A_188 = tpu.sem_alloc : memref<!tpu.dma_semaphore, #tpu.memory_space<semaphore_mem>>
      %dma_start3A_189 = arith.constant 0 : i32
      %dma_start3A_190 = tpu.memref_slice %arg9[%mul3A_95, %dma_start3A_189] : memref<10112x64xf32, #tpu.memory_space<vmem_shared>> -> memref<320x64xf32, #tpu.memory_space<vmem_shared>>
      %dma_start3A_191 = arith.constant 0 : i32
      %dma_start3A_192 = tpu.memref_slice %arg9[%mul3A_95, %dma_start3A_191] : memref<10112x64xf32, #tpu.memory_space<vmem_shared>> -> memref<320x64xf32, #tpu.memory_space<vmem_shared>>
      tpu.enqueue_dma source(%dma_start3A_192 : memref<320x64xf32, #tpu.memory_space<vmem_shared>>) target(%arg11 : memref<320x64xf32, #tpu.memory_space<vmem>>) target_semaphore(%run_scoped3A_188 : memref<!tpu.dma_semaphore, #tpu.memory_space<semaphore_mem>>)
      %dma_wait3A_193 = arith.constant 0 : i32
      %dma_wait3A_194 = tpu.memref_slice %arg9[%mul3A_95, %dma_wait3A_193] : memref<10112x64xf32, #tpu.memory_space<vmem_shared>> -> memref<320x64xf32, #tpu.memory_space<vmem_shared>>
      %dma_wait3A_195 = arith.constant 0 : i32
      %dma_wait3A_196 = tpu.memref_slice %arg9[%mul3A_95, %dma_wait3A_195] : memref<10112x64xf32, #tpu.memory_space<vmem_shared>> -> memref<320x64xf32, #tpu.memory_space<vmem_shared>>
      tpu.wait_dma2 semaphore(%run_scoped3A_188 : memref<!tpu.dma_semaphore, #tpu.memory_space<semaphore_mem>>) src(%dma_wait3A_196 : memref<320x64xf32, #tpu.memory_space<vmem_shared>>) dst(%arg11 : memref<320x64xf32, #tpu.memory_space<vmem>>)
      tpu.yield
    }) : () -> ()
    %scan3A_96 = arith.constant 0 : i32
    %scan3A_97 = arith.constant 0 : i32
    %scan3A_98 = arith.constant 20 : i32
    %scan3A_99 = arith.addi %scan3A_97, %scan3A_98 : i32
    %scan3A_100 = arith.constant 1 : i32
    scf.for %scan3A_188 = %scan3A_97 to %scan3A_99 step %scan3A_100  : i32 {
      %mul3A_189 = arith.constant 16 : i32
      %mul3A_190 = arith.muli %scan3A_188, %mul3A_189 : i32
      %get3A = arith.index_cast %mul3A_190 : i32 to index
      %get3A_191 = tpu.vector_load %arg16[%get3A] {strides = array<i32>} : memref<320xf32, #tpu.memory_space<vmem>>, vector<16xf32>,
      %get3A_192 = vector.shape_cast %get3A_191 : vector<16xf32> to vector<16xf32>
      %mul3A_193 = arith.constant 16 : i32
      %mul3A_194 = arith.muli %scan3A_188, %mul3A_193 : i32
      %add3A_195 = arith.constant 0 : i32
      %add3A_196 = arith.addi %mul3A_194, %add3A_195 : i32
      %slice3A = vector.extract_strided_slice %get3A_192 {offsets = [0], sizes = [1], strides = [1]} : vector<16xf32> to vector<1xf32>
      %squeeze3A = vector.extract %slice3A[0] : f32 from vector<1xf32>
      %get3A_197 = arith.index_cast %add3A_196 : i32 to index
      %get3A_198 = arith.constant 0 : index
      %get3A_199 = tpu.vector_load %arg11[%get3A_197, %get3A_198] {strides = array<i32>} : memref<320x64xf32, #tpu.memory_space<vmem>>, vector<1x16xf32>,
      %get3A_200 = vector.shape_cast %get3A_199 : vector<1x16xf32> to vector<16xf32>
      %mul3A_201 = vector.broadcast %squeeze3A : f32 to vector<16xf32>
      %mul3A_202 = arith.mulf %get3A_200, %mul3A_201 : vector<16xf32>
      %swap3A = arith.index_cast %add3A_196 : i32 to index
      %swap3A_203 = arith.constant 0 : index
      %swap3A_204 = tpu.vector_load %arg11[%swap3A, %swap3A_203] {strides = array<i32>} : memref<320x64xf32, #tpu.memory_space<vmem>>, vector<1x16xf32>,
      %swap3A_205 = vector.shape_cast %swap3A_204 : vector<1x16xf32> to vector<16xf32>
      %swap3A_206 = vector.shape_cast %mul3A_202 : vector<16xf32> to vector<1x16xf32>
      tpu.vector_store %arg11[%swap3A, %swap3A_203], %swap3A_206 {strides = array<i32>} : memref<320x64xf32, #tpu.memory_space<vmem>>, vector<1x16xf32>,
      %get3A_207 = arith.index_cast %add3A_196 : i32 to index
      %get3A_208 = arith.constant 16 : index
      %get3A_209 = tpu.vector_load %arg11[%get3A_207, %get3A_208] {strides = array<i32>} : memref<320x64xf32, #tpu.memory_space<vmem>>, vector<1x16xf32>,
      %get3A_210 = vector.shape_cast %get3A_209 : vector<1x16xf32> to vector<16xf32>
      %mul3A_211 = vector.broadcast %squeeze3A : f32 to vector<16xf32>
      %mul3A_212 = arith.mulf %get3A_210, %mul3A_211 : vector<16xf32>
      %swap3A_213 = arith.index_cast %add3A_196 : i32 to index
      %swap3A_214 = arith.constant 16 : index
      %swap3A_215 = tpu.vector_load %arg11[%swap3A_213, %swap3A_214] {strides = array<i32>} : memref<320x64xf32, #tpu.memory_space<vmem>>, vector<1x16xf32>,
      %swap3A_216 = vector.shape_cast %swap3A_215 : vector<1x16xf32> to vector<16xf32>
      %swap3A_217 = vector.shape_cast %mul3A_212 : vector<16xf32> to vector<1x16xf32>
      tpu.vector_store %arg11[%swap3A_213, %swap3A_214], %swap3A_217 {strides = array<i32>} : memref<320x64xf32, #tpu.memory_space<vmem>>, vector<1x16xf32>,
      %get3A_218 = arith.index_cast %add3A_196 : i32 to index
      %get3A_219 = arith.constant 32 : index
      %get3A_220 = tpu.vector_load %arg11[%get3A_218, %get3A_219] {strides = array<i32>} : memref<320x64xf32, #tpu.memory_space<vmem>>, vector<1x16xf32>,
      %get3A_221 = vector.shape_cast %get3A_220 : vector<1x16xf32> to vector<16xf32>
      %mul3A_222 = vector.broadcast %squeeze3A : f32 to vector<16xf32>
      %mul3A_223 = arith.mulf %get3A_221, %mul3A_222 : vector<16xf32>
      %swap3A_224 = arith.index_cast %add3A_196 : i32 to index
      %swap3A_225 = arith.constant 32 : index
      %swap3A_226 = tpu.vector_load %arg11[%swap3A_224, %swap3A_225] {strides = array<i32>} : memref<320x64xf32, #tpu.memory_space<vmem>>, vector<1x16xf32>,
      %swap3A_227 = vector.shape_cast %swap3A_226 : vector<1x16xf32> to vector<16xf32>
      %swap3A_228 = vector.shape_cast %mul3A_223 : vector<16xf32> to vector<1x16xf32>
      tpu.vector_store %arg11[%swap3A_224, %swap3A_225], %swap3A_228 {strides = array<i32>} : memref<320x64xf32, #tpu.memory_space<vmem>>, vector<1x16xf32>,
      %get3A_229 = arith.index_cast %add3A_196 : i32 to index
      %get3A_230 = arith.constant 48 : index
      %get3A_231 = tpu.vector_load %arg11[%get3A_229, %get3A_230] {strides = array<i32>} : memref<320x64xf32, #tpu.memory_space<vmem>>, vector<1x16xf32>,
      %get3A_232 = vector.shape_cast %get3A_231 : vector<1x16xf32> to vector<16xf32>
      %mul3A_233 = vector.broadcast %squeeze3A : f32 to vector<16xf32>
      %mul3A_234 = arith.mulf %get3A_232, %mul3A_233 : vector<16xf32>
      %swap3A_235 = arith.index_cast %add3A_196 : i32 to index
      %swap3A_236 = arith.constant 48 : index
      %swap3A_237 = tpu.vector_load %arg11[%swap3A_235, %swap3A_236] {strides = array<i32>} : memref<320x64xf32, #tpu.memory_space<vmem>>, vector<1x16xf32>,
      %swap3A_238 = vector.shape_cast %swap3A_237 : vector<1x16xf32> to vector<16xf32>
      %swap3A_239 = vector.shape_cast %mul3A_234 : vector<16xf32> to vector<1x16xf32>
      tpu.vector_store %arg11[%swap3A_235, %swap3A_236], %swap3A_239 {strides = array<i32>} : memref<320x64xf32, #tpu.memory_space<vmem>>, vector<1x16xf32>,
      %mul3A_240 = arith.constant 16 : i32
      %mul3A_241 = arith.muli %scan3A_188, %mul3A_240 : i32
      %add3A_242 = arith.constant 1 : i32
      %add3A_243 = arith.addi %mul3A_241, %add3A_242 : i32
      %slice3A_244 = vector.extract_strided_slice %get3A_192 {offsets = [1], sizes = [1], strides = [1]} : vector<16xf32> to vector<1xf32>
      %squeeze3A_245 = vector.extract %slice3A_244[0] : f32 from vector<1xf32>
      %get3A_246 = arith.index_cast %add3A_243 : i32 to index
      %get3A_247 = arith.constant 0 : index
      %get3A_248 = tpu.vector_load %arg11[%get3A_246, %get3A_247] {strides = array<i32>} : memref<320x64xf32, #tpu.memory_space<vmem>>, vector<1x16xf32>,
      %get3A_249 = vector.shape_cast %get3A_248 : vector<1x16xf32> to vector<16xf32>
      %mul3A_250 = vector.broadcast %squeeze3A_245 : f32 to vector<16xf32>
      %mul3A_251 = arith.mulf %get3A_249, %mul3A_250 : vector<16xf32>
      %swap3A_252 = arith.index_cast %add3A_243 : i32 to index
      %swap3A_253 = arith.constant 0 : index
      %swap3A_254 = tpu.vector_load %arg11[%swap3A_252, %swap3A_253] {strides = array<i32>} : memref<320x64xf32, #tpu.memory_space<vmem>>, vector<1x16xf32>,
      %swap3A_255 = vector.shape_cast %swap3A_254 : vector<1x16xf32> to vector<16xf32>
      %swap3A_256 = vector.shape_cast %mul3A_251 : vector<16xf32> to vector<1x16xf32>
      tpu.vector_store %arg11[%swap3A_252, %swap3A_253], %swap3A_256 {strides = array<i32>} : memref<320x64xf32, #tpu.memory_space<vmem>>, vector<1x16xf32>,
      %get3A_257 = arith.index_cast %add3A_243 : i32 to index
      %get3A_258 = arith.constant 16 : index
      %get3A_259 = tpu.vector_load %arg11[%get3A_257, %get3A_258] {strides = array<i32>} : memref<320x64xf32, #tpu.memory_space<vmem>>, vector<1x16xf32>,
      %get3A_260 = vector.shape_cast %get3A_259 : vector<1x16xf32> to vector<16xf32>
      %mul3A_261 = vector.broadcast %squeeze3A_245 : f32 to vector<16xf32>
      %mul3A_262 = arith.mulf %get3A_260, %mul3A_261 : vector<16xf32>
      %swap3A_263 = arith.index_cast %add3A_243 : i32 to index
      %swap3A_264 = arith.constant 16 : index
      %swap3A_265 = tpu.vector_load %arg11[%swap3A_263, %swap3A_264] {strides = array<i32>} : memref<320x64xf32, #tpu.memory_space<vmem>>, vector<1x16xf32>,
      %swap3A_266 = vector.shape_cast %swap3A_265 : vector<1x16xf32> to vector<16xf32>
      %swap3A_267 = vector.shape_cast %mul3A_262 : vector<16xf32> to vector<1x16xf32>
      tpu.vector_store %arg11[%swap3A_263, %swap3A_264], %swap3A_267 {strides = array<i32>} : memref<320x64xf32, #tpu.memory_space<vmem>>, vector<1x16xf32>,
      %get3A_268 = arith.index_cast %add3A_243 : i32 to index
      %get3A_269 = arith.constant 32 : index
      %get3A_270 = tpu.vector_load %arg11[%get3A_268, %get3A_269] {strides = array<i32>} : memref<320x64xf32, #tpu.memory_space<vmem>>, vector<1x16xf32>,
      %get3A_271 = vector.shape_cast %get3A_270 : vector<1x16xf32> to vector<16xf32>
      %mul3A_272 = vector.broadcast %squeeze3A_245 : f32 to vector<16xf32>
      %mul3A_273 = arith.mulf %get3A_271, %mul3A_272 : vector<16xf32>
      %swap3A_274 = arith.index_cast %add3A_243 : i32 to index
      %swap3A_275 = arith.constant 32 : index
      %swap3A_276 = tpu.vector_load %arg11[%swap3A_274, %swap3A_275] {strides = array<i32>} : memref<320x64xf32, #tpu.memory_space<vmem>>, vector<1x16xf32>,
      %swap3A_277 = vector.shape_cast %swap3A_276 : vector<1x16xf32> to vector<16xf32>
      %swap3A_278 = vector.shape_cast %mul3A_273 : vector<16xf32> to vector<1x16xf32>
      tpu.vector_store %arg11[%swap3A_274, %swap3A_275], %swap3A_278 {strides = array<i32>} : memref<320x64xf32, #tpu.memory_space<vmem>>, vector<1x16xf32>,
      %get3A_279 = arith.index_cast %add3A_243 : i32 to index
      %get3A_280 = arith.constant 48 : index
      %get3A_281 = tpu.vector_load %arg11[%get3A_279, %get3A_280] {strides = array<i32>} : memref<320x64xf32, #tpu.memory_space<vmem>>, vector<1x16xf32>,
      %get3A_282 = vector.shape_cast %get3A_281 : vector<1x16xf32> to vector<16xf32>
      %mul3A_283 = vector.broadcast %squeeze3A_245 : f32 to vector<16xf32>
      %mul3A_284 = arith.mulf %get3A_282, %mul3A_283 : vector<16xf32>
      %swap3A_285 = arith.index_cast %add3A_243 : i32 to index
      %swap3A_286 = arith.constant 48 : index
      %swap3A_287 = tpu.vector_load %arg11[%swap3A_285, %swap3A_286] {strides = array<i32>} : memref<320x64xf32, #tpu.memory_space<vmem>>, vector<1x16xf32>,
      %swap3A_288 = vector.shape_cast %swap3A_287 : vector<1x16xf32> to vector<16xf32>
      %swap3A_289 = vector.shape_cast %mul3A_284 : vector<16xf32> to vector<1x16xf32>
      tpu.vector_store %arg11[%swap3A_285, %swap3A_286], %swap3A_289 {strides = array<i32>} : memref<320x64xf32, #tpu.memory_space<vmem>>, vector<1x16xf32>,
      %mul3A_290 = arith.constant 16 : i32
      %mul3A_291 = arith.muli %scan3A_188, %mul3A_290 : i32
      %add3A_292 = arith.constant 2 : i32
      %add3A_293 = arith.addi %mul3A_291, %add3A_292 : i32
      %slice3A_294 = vector.extract_strided_slice %get3A_192 {offsets = [2], sizes = [1], strides = [1]} : vector<16xf32> to vector<1xf32>
      %squeeze3A_295 = vector.extract %slice3A_294[0] : f32 from vector<1xf32>
      %get3A_296 = arith.index_cast %add3A_293 : i32 to index
      %get3A_297 = arith.constant 0 : index
      %get3A_298 = tpu.vector_load %arg11[%get3A_296, %get3A_297] {strides = array<i32>} : memref<320x64xf32, #tpu.memory_space<vmem>>, vector<1x16xf32>,
      %get3A_299 = vector.shape_cast %get3A_298 : vector<1x16xf32> to vector<16xf32>
      %mul3A_300 = vector.broadcast %squeeze3A_295 : f32 to vector<16xf32>
      %mul3A_301 = arith.mulf %get3A_299, %mul3A_300 : vector<16xf32>
      %swap3A_302 = arith.index_cast %add3A_293 : i32 to index
      %swap3A_303 = arith.constant 0 : index
      %swap3A_304 = tpu.vector_load %arg11[%swap3A_302, %swap3A_303] {strides = array<i32>} : memref<320x64xf32, #tpu.memory_space<vmem>>, vector<1x16xf32>,
      %swap3A_305 = vector.shape_cast %swap3A_304 : vector<1x16xf32> to vector<16xf32>
      %swap3A_306 = vector.shape_cast %mul3A_301 : vector<16xf32> to vector<1x16xf32>
      tpu.vector_store %arg11[%swap3A_302, %swap3A_303], %swap3A_306 {strides = array<i32>} : memref<320x64xf32, #tpu.memory_space<vmem>>, vector<1x16xf32>,
      %get3A_307 = arith.index_cast %add3A_293 : i32 to index
      %get3A_308 = arith.constant 16 : index
      %get3A_309 = tpu.vector_load %arg11[%get3A_307, %get3A_308] {strides = array<i32>} : memref<320x64xf32, #tpu.memory_space<vmem>>, vector<1x16xf32>,
      %get3A_310 = vector.shape_cast %get3A_309 : vector<1x16xf32> to vector<16xf32>
      %mul3A_311 = vector.broadcast %squeeze3A_295 : f32 to vector<16xf32>
      %mul3A_312 = arith.mulf %get3A_310, %mul3A_311 : vector<16xf32>
      %swap3A_313 = arith.index_cast %add3A_293 : i32 to index
      %swap3A_314 = arith.constant 16 : index
      %swap3A_315 = tpu.vector_load %arg11[%swap3A_313, %swap3A_314] {strides = array<i32>} : memref<320x64xf32, #tpu.memory_space<vmem>>, vector<1x16xf32>,
      %swap3A_316 = vector.shape_cast %swap3A_315 : vector<1x16xf32> to vector<16xf32>
      %swap3A_317 = vector.shape_cast %mul3A_312 : vector<16xf32> to vector<1x16xf32>
      tpu.vector_store %arg11[%swap3A_313, %swap3A_314], %swap3A_317 {strides = array<i32>} : memref<320x64xf32, #tpu.memory_space<vmem>>, vector<1x16xf32>,
      %get3A_318 = arith.index_cast %add3A_293 : i32 to index
      %get3A_319 = arith.constant 32 : index
      %get3A_320 = tpu.vector_load %arg11[%get3A_318, %get3A_319] {strides = array<i32>} : memref<320x64xf32, #tpu.memory_space<vmem>>, vector<1x16xf32>,
      %get3A_321 = vector.shape_cast %get3A_320 : vector<1x16xf32> to vector<16xf32>
      %mul3A_322 = vector.broadcast %squeeze3A_295 : f32 to vector<16xf32>
      %mul3A_323 = arith.mulf %get3A_321, %mul3A_322 : vector<16xf32>
      %swap3A_324 = arith.index_cast %add3A_293 : i32 to index
      %swap3A_325 = arith.constant 32 : index
      %swap3A_326 = tpu.vector_load %arg11[%swap3A_324, %swap3A_325] {strides = array<i32>} : memref<320x64xf32, #tpu.memory_space<vmem>>, vector<1x16xf32>,
      %swap3A_327 = vector.shape_cast %swap3A_326 : vector<1x16xf32> to vector<16xf32>
      %swap3A_328 = vector.shape_cast %mul3A_323 : vector<16xf32> to vector<1x16xf32>
      tpu.vector_store %arg11[%swap3A_324, %swap3A_325], %swap3A_328 {strides = array<i32>} : memref<320x64xf32, #tpu.memory_space<vmem>>, vector<1x16xf32>,
      %get3A_329 = arith.index_cast %add3A_293 : i32 to index
      %get3A_330 = arith.constant 48 : index
      %get3A_331 = tpu.vector_load %arg11[%get3A_329, %get3A_330] {strides = array<i32>} : memref<320x64xf32, #tpu.memory_space<vmem>>, vector<1x16xf32>,
      %get3A_332 = vector.shape_cast %get3A_331 : vector<1x16xf32> to vector<16xf32>
      %mul3A_333 = vector.broadcast %squeeze3A_295 : f32 to vector<16xf32>
      %mul3A_334 = arith.mulf %get3A_332, %mul3A_333 : vector<16xf32>
      %swap3A_335 = arith.index_cast %add3A_293 : i32 to index
      %swap3A_336 = arith.constant 48 : index
      %swap3A_337 = tpu.vector_load %arg11[%swap3A_335, %swap3A_336] {strides = array<i32>} : memref<320x64xf32, #tpu.memory_space<vmem>>, vector<1x16xf32>,
      %swap3A_338 = vector.shape_cast %swap3A_337 : vector<1x16xf32> to vector<16xf32>
      %swap3A_339 = vector.shape_cast %mul3A_334 : vector<16xf32> to vector<1x16xf32>
      tpu.vector_store %arg11[%swap3A_335, %swap3A_336], %swap3A_339 {strides = array<i32>} : memref<320x64xf32, #tpu.memory_space<vmem>>, vector<1x16xf32>,
      %mul3A_340 = arith.constant 16 : i32
      %mul3A_341 = arith.muli %scan3A_188, %mul3A_340 : i32
      %add3A_342 = arith.constant 3 : i32
      %add3A_343 = arith.addi %mul3A_341, %add3A_342 : i32
      %slice3A_344 = vector.extract_strided_slice %get3A_192 {offsets = [3], sizes = [1], strides = [1]} : vector<16xf32> to vector<1xf32>
      %squeeze3A_345 = vector.extract %slice3A_344[0] : f32 from vector<1xf32>
      %get3A_346 = arith.index_cast %add3A_343 : i32 to index
      %get3A_347 = arith.constant 0 : index
      %get3A_348 = tpu.vector_load %arg11[%get3A_346, %get3A_347] {strides = array<i32>} : memref<320x64xf32, #tpu.memory_space<vmem>>, vector<1x16xf32>,
      %get3A_349 = vector.shape_cast %get3A_348 : vector<1x16xf32> to vector<16xf32>
      %mul3A_350 = vector.broadcast %squeeze3A_345 : f32 to vector<16xf32>
      %mul3A_351 = arith.mulf %get3A_349, %mul3A_350 : vector<16xf32>
      %swap3A_352 = arith.index_cast %add3A_343 : i32 to index
      %swap3A_353 = arith.constant 0 : index
      %swap3A_354 = tpu.vector_load %arg11[%swap3A_352, %swap3A_353] {strides = array<i32>} : memref<320x64xf32, #tpu.memory_space<vmem>>, vector<1x16xf32>,
      %swap3A_355 = vector.shape_cast %swap3A_354 : vector<1x16xf32> to vector<16xf32>
      %swap3A_356 = vector.shape_cast %mul3A_351 : vector<16xf32> to vector<1x16xf32>
      tpu.vector_store %arg11[%swap3A_352, %swap3A_353], %swap3A_356 {strides = array<i32>} : memref<320x64xf32, #tpu.memory_space<vmem>>, vector<1x16xf32>,
      %get3A_357 = arith.index_cast %add3A_343 : i32 to index
      %get3A_358 = arith.constant 16 : index
      %get3A_359 = tpu.vector_load %arg11[%get3A_357, %get3A_358] {strides = array<i32>} : memref<320x64xf32, #tpu.memory_space<vmem>>, vector<1x16xf32>,
      %get3A_360 = vector.shape_cast %get3A_359 : vector<1x16xf32> to vector<16xf32>
      %mul3A_361 = vector.broadcast %squeeze3A_345 : f32 to vector<16xf32>
      %mul3A_362 = arith.mulf %get3A_360, %mul3A_361 : vector<16xf32>
      %swap3A_363 = arith.index_cast %add3A_343 : i32 to index
      %swap3A_364 = arith.constant 16 : index
      %swap3A_365 = tpu.vector_load %arg11[%swap3A_363, %swap3A_364] {strides = array<i32>} : memref<320x64xf32, #tpu.memory_space<vmem>>, vector<1x16xf32>,
      %swap3A_366 = vector.shape_cast %swap3A_365 : vector<1x16xf32> to vector<16xf32>
      %swap3A_367 = vector.shape_cast %mul3A_362 : vector<16xf32> to vector<1x16xf32>
      tpu.vector_store %arg11[%swap3A_363, %swap3A_364], %swap3A_367 {strides = array<i32>} : memref<320x64xf32, #tpu.memory_space<vmem>>, vector<1x16xf32>,
      %get3A_368 = arith.index_cast %add3A_343 : i32 to index
      %get3A_369 = arith.constant 32 : index
      %get3A_370 = tpu.vector_load %arg11[%get3A_368, %get3A_369] {strides = array<i32>} : memref<320x64xf32, #tpu.memory_space<vmem>>, vector<1x16xf32>,
      %get3A_371 = vector.shape_cast %get3A_370 : vector<1x16xf32> to vector<16xf32>
      %mul3A_372 = vector.broadcast %squeeze3A_345 : f32 to vector<16xf32>
      %mul3A_373 = arith.mulf %get3A_371, %mul3A_372 : vector<16xf32>
      %swap3A_374 = arith.index_cast %add3A_343 : i32 to index
      %swap3A_375 = arith.constant 32 : index
      %swap3A_376 = tpu.vector_load %arg11[%swap3A_374, %swap3A_375] {strides = array<i32>} : memref<320x64xf32, #tpu.memory_space<vmem>>, vector<1x16xf32>,
      %swap3A_377 = vector.shape_cast %swap3A_376 : vector<1x16xf32> to vector<16xf32>
      %swap3A_378 = vector.shape_cast %mul3A_373 : vector<16xf32> to vector<1x16xf32>
      tpu.vector_store %arg11[%swap3A_374, %swap3A_375], %swap3A_378 {strides = array<i32>} : memref<320x64xf32, #tpu.memory_space<vmem>>, vector<1x16xf32>,
      %get3A_379 = arith.index_cast %add3A_343 : i32 to index
      %get3A_380 = arith.constant 48 : index
      %get3A_381 = tpu.vector_load %arg11[%get3A_379, %get3A_380] {strides = array<i32>} : memref<320x64xf32, #tpu.memory_space<vmem>>, vector<1x16xf32>,
      %get3A_382 = vector.shape_cast %get3A_381 : vector<1x16xf32> to vector<16xf32>
      %mul3A_383 = vector.broadcast %squeeze3A_345 : f32 to vector<16xf32>
      %mul3A_384 = arith.mulf %get3A_382, %mul3A_383 : vector<16xf32>
      %swap3A_385 = arith.index_cast %add3A_343 : i32 to index
      %swap3A_386 = arith.constant 48 : index
      %swap3A_387 = tpu.vector_load %arg11[%swap3A_385, %swap3A_386] {strides = array<i32>} : memref<320x64xf32, #tpu.memory_space<vmem>>, vector<1x16xf32>,
      %swap3A_388 = vector.shape_cast %swap3A_387 : vector<1x16xf32> to vector<16xf32>
      %swap3A_389 = vector.shape_cast %mul3A_384 : vector<16xf32> to vector<1x16xf32>
      tpu.vector_store %arg11[%swap3A_385, %swap3A_386], %swap3A_389 {strides = array<i32>} : memref<320x64xf32, #tpu.memory_space<vmem>>, vector<1x16xf32>,
      %mul3A_390 = arith.constant 16 : i32
      %mul3A_391 = arith.muli %scan3A_188, %mul3A_390 : i32
      %add3A_392 = arith.constant 4 : i32
      %add3A_393 = arith.addi %mul3A_391, %add3A_392 : i32
      %slice3A_394 = vector.extract_strided_slice %get3A_192 {offsets = [4], sizes = [1], strides = [1]} : vector<16xf32> to vector<1xf32>
      %squeeze3A_395 = vector.extract %slice3A_394[0] : f32 from vector<1xf32>
      %get3A_396 = arith.index_cast %add3A_393 : i32 to index
      %get3A_397 = arith.constant 0 : index
      %get3A_398 = tpu.vector_load %arg11[%get3A_396, %get3A_397] {strides = array<i32>} : memref<320x64xf32, #tpu.memory_space<vmem>>, vector<1x16xf32>,
      %get3A_399 = vector.shape_cast %get3A_398 : vector<1x16xf32> to vector<16xf32>
      %mul3A_400 = vector.broadcast %squeeze3A_395 : f32 to vector<16xf32>
      %mul3A_401 = arith.mulf %get3A_399, %mul3A_400 : vector<16xf32>
      %swap3A_402 = arith.index_cast %add3A_393 : i32 to index
      %swap3A_403 = arith.constant 0 : index
      %swap3A_404 = tpu.vector_load %arg11[%swap3A_402, %swap3A_403] {strides = array<i32>} : memref<320x64xf32, #tpu.memory_space<vmem>>, vector<1x16xf32>,
      %swap3A_405 = vector.shape_cast %swap3A_404 : vector<1x16xf32> to vector<16xf32>
      %swap3A_406 = vector.shape_cast %mul3A_401 : vector<16xf32> to vector<1x16xf32>
      tpu.vector_store %arg11[%swap3A_402, %swap3A_403], %swap3A_406 {strides = array<i32>} : memref<320x64xf32, #tpu.memory_space<vmem>>, vector<1x16xf32>,
      %get3A_407 = arith.index_cast %add3A_393 : i32 to index
      %get3A_408 = arith.constant 16 : index
      %get3A_409 = tpu.vector_load %arg11[%get3A_407, %get3A_408] {strides = array<i32>} : memref<320x64xf32, #tpu.memory_space<vmem>>, vector<1x16xf32>,
      %get3A_410 = vector.shape_cast %get3A_409 : vector<1x16xf32> to vector<16xf32>
      %mul3A_411 = vector.broadcast %squeeze3A_395 : f32 to vector<16xf32>
      %mul3A_412 = arith.mulf %get3A_410, %mul3A_411 : vector<16xf32>
      %swap3A_413 = arith.index_cast %add3A_393 : i32 to index
      %swap3A_414 = arith.constant 16 : index
      %swap3A_415 = tpu.vector_load %arg11[%swap3A_413, %swap3A_414] {strides = array<i32>} : memref<320x64xf32, #tpu.memory_space<vmem>>, vector<1x16xf32>,
      %swap3A_416 = vector.shape_cast %swap3A_415 : vector<1x16xf32> to vector<16xf32>
      %swap3A_417 = vector.shape_cast %mul3A_412 : vector<16xf32> to vector<1x16xf32>
      tpu.vector_store %arg11[%swap3A_413, %swap3A_414], %swap3A_417 {strides = array<i32>} : memref<320x64xf32, #tpu.memory_space<vmem>>, vector<1x16xf32>,
      %get3A_418 = arith.index_cast %add3A_393 : i32 to index
      %get3A_419 = arith.constant 32 : index
      %get3A_420 = tpu.vector_load %arg11[%get3A_418, %get3A_419] {strides = array<i32>} : memref<320x64xf32, #tpu.memory_space<vmem>>, vector<1x16xf32>,
      %get3A_421 = vector.shape_cast %get3A_420 : vector<1x16xf32> to vector<16xf32>
      %mul3A_422 = vector.broadcast %squeeze3A_395 : f32 to vector<16xf32>
      %mul3A_423 = arith.mulf %get3A_421, %mul3A_422 : vector<16xf32>
      %swap3A_424 = arith.index_cast %add3A_393 : i32 to index
      %swap3A_425 = arith.constant 32 : index
      %swap3A_426 = tpu.vector_load %arg11[%swap3A_424, %swap3A_425] {strides = array<i32>} : memref<320x64xf32, #tpu.memory_space<vmem>>, vector<1x16xf32>,
      %swap3A_427 = vector.shape_cast %swap3A_426 : vector<1x16xf32> to vector<16xf32>
      %swap3A_428 = vector.shape_cast %mul3A_423 : vector<16xf32> to vector<1x16xf32>
      tpu.vector_store %arg11[%swap3A_424, %swap3A_425], %swap3A_428 {strides = array<i32>} : memref<320x64xf32, #tpu.memory_space<vmem>>, vector<1x16xf32>,
      %get3A_429 = arith.index_cast %add3A_393 : i32 to index
      %get3A_430 = arith.constant 48 : index
      %get3A_431 = tpu.vector_load %arg11[%get3A_429, %get3A_430] {strides = array<i32>} : memref<320x64xf32, #tpu.memory_space<vmem>>, vector<1x16xf32>,
      %get3A_432 = vector.shape_cast %get3A_431 : vector<1x16xf32> to vector<16xf32>
      %mul3A_433 = vector.broadcast %squeeze3A_395 : f32 to vector<16xf32>
      %mul3A_434 = arith.mulf %get3A_432, %mul3A_433 : vector<16xf32>
      %swap3A_435 = arith.index_cast %add3A_393 : i32 to index
      %swap3A_436 = arith.constant 48 : index
      %swap3A_437 = tpu.vector_load %arg11[%swap3A_435, %swap3A_436] {strides = array<i32>} : memref<320x64xf32, #tpu.memory_space<vmem>>, vector<1x16xf32>,
      %swap3A_438 = vector.shape_cast %swap3A_437 : vector<1x16xf32> to vector<16xf32>
      %swap3A_439 = vector.shape_cast %mul3A_434 : vector<16xf32> to vector<1x16xf32>
      tpu.vector_store %arg11[%swap3A_435, %swap3A_436], %swap3A_439 {strides = array<i32>} : memref<320x64xf32, #tpu.memory_space<vmem>>, vector<1x16xf32>,
      %mul3A_440 = arith.constant 16 : i32
      %mul3A_441 = arith.muli %scan3A_188, %mul3A_440 : i32
      %add3A_442 = arith.constant 5 : i32
      %add3A_443 = arith.addi %mul3A_441, %add3A_442 : i32
      %slice3A_444 = vector.extract_strided_slice %get3A_192 {offsets = [5], sizes = [1], strides = [1]} : vector<16xf32> to vector<1xf32>
      %squeeze3A_445 = vector.extract %slice3A_444[0] : f32 from vector<1xf32>
      %get3A_446 = arith.index_cast %add3A_443 : i32 to index
      %get3A_447 = arith.constant 0 : index
      %get3A_448 = tpu.vector_load %arg11[%get3A_446, %get3A_447] {strides = array<i32>} : memref<320x64xf32, #tpu.memory_space<vmem>>, vector<1x16xf32>,
      %get3A_449 = vector.shape_cast %get3A_448 : vector<1x16xf32> to vector<16xf32>
      %mul3A_450 = vector.broadcast %squeeze3A_445 : f32 to vector<16xf32>
      %mul3A_451 = arith.mulf %get3A_449, %mul3A_450 : vector<16xf32>
      %swap3A_452 = arith.index_cast %add3A_443 : i32 to index
      %swap3A_453 = arith.constant 0 : index
      %swap3A_454 = tpu.vector_load %arg11[%swap3A_452, %swap3A_453] {strides = array<i32>} : memref<320x64xf32, #tpu.memory_space<vmem>>, vector<1x16xf32>,
      %swap3A_455 = vector.shape_cast %swap3A_454 : vector<1x16xf32> to vector<16xf32>
      %swap3A_456 = vector.shape_cast %mul3A_451 : vector<16xf32> to vector<1x16xf32>
      tpu.vector_store %arg11[%swap3A_452, %swap3A_453], %swap3A_456 {strides = array<i32>} : memref<320x64xf32, #tpu.memory_space<vmem>>, vector<1x16xf32>,
      %get3A_457 = arith.index_cast %add3A_443 : i32 to index
      %get3A_458 = arith.constant 16 : index
      %get3A_459 = tpu.vector_load %arg11[%get3A_457, %get3A_458] {strides = array<i32>} : memref<320x64xf32, #tpu.memory_space<vmem>>, vector<1x16xf32>,
      %get3A_460 = vector.shape_cast %get3A_459 : vector<1x16xf32> to vector<16xf32>
      %mul3A_461 = vector.broadcast %squeeze3A_445 : f32 to vector<16xf32>
      %mul3A_462 = arith.mulf %get3A_460, %mul3A_461 : vector<16xf32>
      %swap3A_463 = arith.index_cast %add3A_443 : i32 to index
      %swap3A_464 = arith.constant 16 : index
      %swap3A_465 = tpu.vector_load %arg11[%swap3A_463, %swap3A_464] {strides = array<i32>} : memref<320x64xf32, #tpu.memory_space<vmem>>, vector<1x16xf32>,
      %swap3A_466 = vector.shape_cast %swap3A_465 : vector<1x16xf32> to vector<16xf32>
      %swap3A_467 = vector.shape_cast %mul3A_462 : vector<16xf32> to vector<1x16xf32>
      tpu.vector_store %arg11[%swap3A_463, %swap3A_464], %swap3A_467 {strides = array<i32>} : memref<320x64xf32, #tpu.memory_space<vmem>>, vector<1x16xf32>,
      %get3A_468 = arith.index_cast %add3A_443 : i32 to index
      %get3A_469 = arith.constant 32 : index
      %get3A_470 = tpu.vector_load %arg11[%get3A_468, %get3A_469] {strides = array<i32>} : memref<320x64xf32, #tpu.memory_space<vmem>>, vector<1x16xf32>,
      %get3A_471 = vector.shape_cast %get3A_470 : vector<1x16xf32> to vector<16xf32>
      %mul3A_472 = vector.broadcast %squeeze3A_445 : f32 to vector<16xf32>
      %mul3A_473 = arith.mulf %get3A_471, %mul3A_472 : vector<16xf32>
      %swap3A_474 = arith.index_cast %add3A_443 : i32 to index
      %swap3A_475 = arith.constant 32 : index
      %swap3A_476 = tpu.vector_load %arg11[%swap3A_474, %swap3A_475] {strides = array<i32>} : memref<320x64xf32, #tpu.memory_space<vmem>>, vector<1x16xf32>,
      %swap3A_477 = vector.shape_cast %swap3A_476 : vector<1x16xf32> to vector<16xf32>
      %swap3A_478 = vector.shape_cast %mul3A_473 : vector<16xf32> to vector<1x16xf32>
      tpu.vector_store %arg11[%swap3A_474, %swap3A_475], %swap3A_478 {strides = array<i32>} : memref<320x64xf32, #tpu.memory_space<vmem>>, vector<1x16xf32>,
      %get3A_479 = arith.index_cast %add3A_443 : i32 to index
      %get3A_480 = arith.constant 48 : index
      %get3A_481 = tpu.vector_load %arg11[%get3A_479, %get3A_480] {strides = array<i32>} : memref<320x64xf32, #tpu.memory_space<vmem>>, vector<1x16xf32>,
      %get3A_482 = vector.shape_cast %get3A_481 : vector<1x16xf32> to vector<16xf32>
      %mul3A_483 = vector.broadcast %squeeze3A_445 : f32 to vector<16xf32>
      %mul3A_484 = arith.mulf %get3A_482, %mul3A_483 : vector<16xf32>
      %swap3A_485 = arith.index_cast %add3A_443 : i32 to index
      %swap3A_486 = arith.constant 48 : index
      %swap3A_487 = tpu.vector_load %arg11[%swap3A_485, %swap3A_486] {strides = array<i32>} : memref<320x64xf32, #tpu.memory_space<vmem>>, vector<1x16xf32>,
      %swap3A_488 = vector.shape_cast %swap3A_487 : vector<1x16xf32> to vector<16xf32>
      %swap3A_489 = vector.shape_cast %mul3A_484 : vector<16xf32> to vector<1x16xf32>
      tpu.vector_store %arg11[%swap3A_485, %swap3A_486], %swap3A_489 {strides = array<i32>} : memref<320x64xf32, #tpu.memory_space<vmem>>, vector<1x16xf32>,
      %mul3A_490 = arith.constant 16 : i32
      %mul3A_491 = arith.muli %scan3A_188, %mul3A_490 : i32
      %add3A_492 = arith.constant 6 : i32
      %add3A_493 = arith.addi %mul3A_491, %add3A_492 : i32
      %slice3A_494 = vector.extract_strided_slice %get3A_192 {offsets = [6], sizes = [1], strides = [1]} : vector<16xf32> to vector<1xf32>
      %squeeze3A_495 = vector.extract %slice3A_494[0] : f32 from vector<1xf32>
      %get3A_496 = arith.index_cast %add3A_493 : i32 to index
      %get3A_497 = arith.constant 0 : index
      %get3A_498 = tpu.vector_load %arg11[%get3A_496, %get3A_497] {strides = array<i32>} : memref<320x64xf32, #tpu.memory_space<vmem>>, vector<1x16xf32>,
      %get3A_499 = vector.shape_cast %get3A_498 : vector<1x16xf32> to vector<16xf32>
      %mul3A_500 = vector.broadcast %squeeze3A_495 : f32 to vector<16xf32>
      %mul3A_501 = arith.mulf %get3A_499, %mul3A_500 : vector<16xf32>
      %swap3A_502 = arith.index_cast %add3A_493 : i32 to index
      %swap3A_503 = arith.constant 0 : index
      %swap3A_504 = tpu.vector_load %arg11[%swap3A_502, %swap3A_503] {strides = array<i32>} : memref<320x64xf32, #tpu.memory_space<vmem>>, vector<1x16xf32>,
      %swap3A_505 = vector.shape_cast %swap3A_504 : vector<1x16xf32> to vector<16xf32>
      %swap3A_506 = vector.shape_cast %mul3A_501 : vector<16xf32> to vector<1x16xf32>
      tpu.vector_store %arg11[%swap3A_502, %swap3A_503], %swap3A_506 {strides = array<i32>} : memref<320x64xf32, #tpu.memory_space<vmem>>, vector<1x16xf32>,
      %get3A_507 = arith.index_cast %add3A_493 : i32 to index
      %get3A_508 = arith.constant 16 : index
      %get3A_509 = tpu.vector_load %arg11[%get3A_507, %get3A_508] {strides = array<i32>} : memref<320x64xf32, #tpu.memory_space<vmem>>, vector<1x16xf32>,
      %get3A_510 = vector.shape_cast %get3A_509 : vector<1x16xf32> to vector<16xf32>
      %mul3A_511 = vector.broadcast %squeeze3A_495 : f32 to vector<16xf32>
      %mul3A_512 = arith.mulf %get3A_510, %mul3A_511 : vector<16xf32>
      %swap3A_513 = arith.index_cast %add3A_493 : i32 to index
      %swap3A_514 = arith.constant 16 : index
      %swap3A_515 = tpu.vector_load %arg11[%swap3A_513, %swap3A_514] {strides = array<i32>} : memref<320x64xf32, #tpu.memory_space<vmem>>, vector<1x16xf32>,
      %swap3A_516 = vector.shape_cast %swap3A_515 : vector<1x16xf32> to vector<16xf32>
      %swap3A_517 = vector.shape_cast %mul3A_512 : vector<16xf32> to vector<1x16xf32>
      tpu.vector_store %arg11[%swap3A_513, %swap3A_514], %swap3A_517 {strides = array<i32>} : memref<320x64xf32, #tpu.memory_space<vmem>>, vector<1x16xf32>,
      %get3A_518 = arith.index_cast %add3A_493 : i32 to index
      %get3A_519 = arith.constant 32 : index
      %get3A_520 = tpu.vector_load %arg11[%get3A_518, %get3A_519] {strides = array<i32>} : memref<320x64xf32, #tpu.memory_space<vmem>>, vector<1x16xf32>,
      %get3A_521 = vector.shape_cast %get3A_520 : vector<1x16xf32> to vector<16xf32>
      %mul3A_522 = vector.broadcast %squeeze3A_495 : f32 to vector<16xf32>
      %mul3A_523 = arith.mulf %get3A_521, %mul3A_522 : vector<16xf32>
      %swap3A_524 = arith.index_cast %add3A_493 : i32 to index
      %swap3A_525 = arith.constant 32 : index
      %swap3A_526 = tpu.vector_load %arg11[%swap3A_524, %swap3A_525] {strides = array<i32>} : memref<320x64xf32, #tpu.memory_space<vmem>>, vector<1x16xf32>,
      %swap3A_527 = vector.shape_cast %swap3A_526 : vector<1x16xf32> to vector<16xf32>
      %swap3A_528 = vector.shape_cast %mul3A_523 : vector<16xf32> to vector<1x16xf32>
      tpu.vector_store %arg11[%swap3A_524, %swap3A_525], %swap3A_528 {strides = array<i32>} : memref<320x64xf32, #tpu.memory_space<vmem>>, vector<1x16xf32>,
      %get3A_529 = arith.index_cast %add3A_493 : i32 to index
      %get3A_530 = arith.constant 48 : index
      %get3A_531 = tpu.vector_load %arg11[%get3A_529, %get3A_530] {strides = array<i32>} : memref<320x64xf32, #tpu.memory_space<vmem>>, vector<1x16xf32>,
      %get3A_532 = vector.shape_cast %get3A_531 : vector<1x16xf32> to vector<16xf32>
      %mul3A_533 = vector.broadcast %squeeze3A_495 : f32 to vector<16xf32>
      %mul3A_534 = arith.mulf %get3A_532, %mul3A_533 : vector<16xf32>
      %swap3A_535 = arith.index_cast %add3A_493 : i32 to index
      %swap3A_536 = arith.constant 48 : index
      %swap3A_537 = tpu.vector_load %arg11[%swap3A_535, %swap3A_536] {strides = array<i32>} : memref<320x64xf32, #tpu.memory_space<vmem>>, vector<1x16xf32>,
      %swap3A_538 = vector.shape_cast %swap3A_537 : vector<1x16xf32> to vector<16xf32>
      %swap3A_539 = vector.shape_cast %mul3A_534 : vector<16xf32> to vector<1x16xf32>
      tpu.vector_store %arg11[%swap3A_535, %swap3A_536], %swap3A_539 {strides = array<i32>} : memref<320x64xf32, #tpu.memory_space<vmem>>, vector<1x16xf32>,
      %mul3A_540 = arith.constant 16 : i32
      %mul3A_541 = arith.muli %scan3A_188, %mul3A_540 : i32
      %add3A_542 = arith.constant 7 : i32
      %add3A_543 = arith.addi %mul3A_541, %add3A_542 : i32
      %slice3A_544 = vector.extract_strided_slice %get3A_192 {offsets = [7], sizes = [1], strides = [1]} : vector<16xf32> to vector<1xf32>
      %squeeze3A_545 = vector.extract %slice3A_544[0] : f32 from vector<1xf32>
      %get3A_546 = arith.index_cast %add3A_543 : i32 to index
      %get3A_547 = arith.constant 0 : index
      %get3A_548 = tpu.vector_load %arg11[%get3A_546, %get3A_547] {strides = array<i32>} : memref<320x64xf32, #tpu.memory_space<vmem>>, vector<1x16xf32>,
      %get3A_549 = vector.shape_cast %get3A_548 : vector<1x16xf32> to vector<16xf32>
      %mul3A_550 = vector.broadcast %squeeze3A_545 : f32 to vector<16xf32>
      %mul3A_551 = arith.mulf %get3A_549, %mul3A_550 : vector<16xf32>
      %swap3A_552 = arith.index_cast %add3A_543 : i32 to index
      %swap3A_553 = arith.constant 0 : index
      %swap3A_554 = tpu.vector_load %arg11[%swap3A_552, %swap3A_553] {strides = array<i32>} : memref<320x64xf32, #tpu.memory_space<vmem>>, vector<1x16xf32>,
      %swap3A_555 = vector.shape_cast %swap3A_554 : vector<1x16xf32> to vector<16xf32>
      %swap3A_556 = vector.shape_cast %mul3A_551 : vector<16xf32> to vector<1x16xf32>
      tpu.vector_store %arg11[%swap3A_552, %swap3A_553], %swap3A_556 {strides = array<i32>} : memref<320x64xf32, #tpu.memory_space<vmem>>, vector<1x16xf32>,
      %get3A_557 = arith.index_cast %add3A_543 : i32 to index
      %get3A_558 = arith.constant 16 : index
      %get3A_559 = tpu.vector_load %arg11[%get3A_557, %get3A_558] {strides = array<i32>} : memref<320x64xf32, #tpu.memory_space<vmem>>, vector<1x16xf32>,
      %get3A_560 = vector.shape_cast %get3A_559 : vector<1x16xf32> to vector<16xf32>
      %mul3A_561 = vector.broadcast %squeeze3A_545 : f32 to vector<16xf32>
      %mul3A_562 = arith.mulf %get3A_560, %mul3A_561 : vector<16xf32>
      %swap3A_563 = arith.index_cast %add3A_543 : i32 to index
      %swap3A_564 = arith.constant 16 : index
      %swap3A_565 = tpu.vector_load %arg11[%swap3A_563, %swap3A_564] {strides = array<i32>} : memref<320x64xf32, #tpu.memory_space<vmem>>, vector<1x16xf32>,
      %swap3A_566 = vector.shape_cast %swap3A_565 : vector<1x16xf32> to vector<16xf32>
      %swap3A_567 = vector.shape_cast %mul3A_562 : vector<16xf32> to vector<1x16xf32>
      tpu.vector_store %arg11[%swap3A_563, %swap3A_564], %swap3A_567 {strides = array<i32>} : memref<320x64xf32, #tpu.memory_space<vmem>>, vector<1x16xf32>,
      %get3A_568 = arith.index_cast %add3A_543 : i32 to index
      %get3A_569 = arith.constant 32 : index
      %get3A_570 = tpu.vector_load %arg11[%get3A_568, %get3A_569] {strides = array<i32>} : memref<320x64xf32, #tpu.memory_space<vmem>>, vector<1x16xf32>,
      %get3A_571 = vector.shape_cast %get3A_570 : vector<1x16xf32> to vector<16xf32>
      %mul3A_572 = vector.broadcast %squeeze3A_545 : f32 to vector<16xf32>
      %mul3A_573 = arith.mulf %get3A_571, %mul3A_572 : vector<16xf32>
      %swap3A_574 = arith.index_cast %add3A_543 : i32 to index
      %swap3A_575 = arith.constant 32 : index
      %swap3A_576 = tpu.vector_load %arg11[%swap3A_574, %swap3A_575] {strides = array<i32>} : memref<320x64xf32, #tpu.memory_space<vmem>>, vector<1x16xf32>,
      %swap3A_577 = vector.shape_cast %swap3A_576 : vector<1x16xf32> to vector<16xf32>
      %swap3A_578 = vector.shape_cast %mul3A_573 : vector<16xf32> to vector<1x16xf32>
      tpu.vector_store %arg11[%swap3A_574, %swap3A_575], %swap3A_578 {strides = array<i32>} : memref<320x64xf32, #tpu.memory_space<vmem>>, vector<1x16xf32>,
      %get3A_579 = arith.index_cast %add3A_543 : i32 to index
      %get3A_580 = arith.constant 48 : index
      %get3A_581 = tpu.vector_load %arg11[%get3A_579, %get3A_580] {strides = array<i32>} : memref<320x64xf32, #tpu.memory_space<vmem>>, vector<1x16xf32>,
      %get3A_582 = vector.shape_cast %get3A_581 : vector<1x16xf32> to vector<16xf32>
      %mul3A_583 = vector.broadcast %squeeze3A_545 : f32 to vector<16xf32>
      %mul3A_584 = arith.mulf %get3A_582, %mul3A_583 : vector<16xf32>
      %swap3A_585 = arith.index_cast %add3A_543 : i32 to index
      %swap3A_586 = arith.constant 48 : index
      %swap3A_587 = tpu.vector_load %arg11[%swap3A_585, %swap3A_586] {strides = array<i32>} : memref<320x64xf32, #tpu.memory_space<vmem>>, vector<1x16xf32>,
      %swap3A_588 = vector.shape_cast %swap3A_587 : vector<1x16xf32> to vector<16xf32>
      %swap3A_589 = vector.shape_cast %mul3A_584 : vector<16xf32> to vector<1x16xf32>
      tpu.vector_store %arg11[%swap3A_585, %swap3A_586], %swap3A_589 {strides = array<i32>} : memref<320x64xf32, #tpu.memory_space<vmem>>, vector<1x16xf32>,
      %mul3A_590 = arith.constant 16 : i32
      %mul3A_591 = arith.muli %scan3A_188, %mul3A_590 : i32
      %add3A_592 = arith.constant 8 : i32
      %add3A_593 = arith.addi %mul3A_591, %add3A_592 : i32
      %slice3A_594 = vector.extract_strided_slice %get3A_192 {offsets = [8], sizes = [1], strides = [1]} : vector<16xf32> to vector<1xf32>
      %squeeze3A_595 = vector.extract %slice3A_594[0] : f32 from vector<1xf32>
      %get3A_596 = arith.index_cast %add3A_593 : i32 to index
      %get3A_597 = arith.constant 0 : index
      %get3A_598 = tpu.vector_load %arg11[%get3A_596, %get3A_597] {strides = array<i32>} : memref<320x64xf32, #tpu.memory_space<vmem>>, vector<1x16xf32>,
      %get3A_599 = vector.shape_cast %get3A_598 : vector<1x16xf32> to vector<16xf32>
      %mul3A_600 = vector.broadcast %squeeze3A_595 : f32 to vector<16xf32>
      %mul3A_601 = arith.mulf %get3A_599, %mul3A_600 : vector<16xf32>
      %swap3A_602 = arith.index_cast %add3A_593 : i32 to index
      %swap3A_603 = arith.constant 0 : index
      %swap3A_604 = tpu.vector_load %arg11[%swap3A_602, %swap3A_603] {strides = array<i32>} : memref<320x64xf32, #tpu.memory_space<vmem>>, vector<1x16xf32>,
      %swap3A_605 = vector.shape_cast %swap3A_604 : vector<1x16xf32> to vector<16xf32>
      %swap3A_606 = vector.shape_cast %mul3A_601 : vector<16xf32> to vector<1x16xf32>
      tpu.vector_store %arg11[%swap3A_602, %swap3A_603], %swap3A_606 {strides = array<i32>} : memref<320x64xf32, #tpu.memory_space<vmem>>, vector<1x16xf32>,
      %get3A_607 = arith.index_cast %add3A_593 : i32 to index
      %get3A_608 = arith.constant 16 : index
      %get3A_609 = tpu.vector_load %arg11[%get3A_607, %get3A_608] {strides = array<i32>} : memref<320x64xf32, #tpu.memory_space<vmem>>, vector<1x16xf32>,
      %get3A_610 = vector.shape_cast %get3A_609 : vector<1x16xf32> to vector<16xf32>
      %mul3A_611 = vector.broadcast %squeeze3A_595 : f32 to vector<16xf32>
      %mul3A_612 = arith.mulf %get3A_610, %mul3A_611 : vector<16xf32>
      %swap3A_613 = arith.index_cast %add3A_593 : i32 to index
      %swap3A_614 = arith.constant 16 : index
      %swap3A_615 = tpu.vector_load %arg11[%swap3A_613, %swap3A_614] {strides = array<i32>} : memref<320x64xf32, #tpu.memory_space<vmem>>, vector<1x16xf32>,
      %swap3A_616 = vector.shape_cast %swap3A_615 : vector<1x16xf32> to vector<16xf32>
      %swap3A_617 = vector.shape_cast %mul3A_612 : vector<16xf32> to vector<1x16xf32>
      tpu.vector_store %arg11[%swap3A_613, %swap3A_614], %swap3A_617 {strides = array<i32>} : memref<320x64xf32, #tpu.memory_space<vmem>>, vector<1x16xf32>,
      %get3A_618 = arith.index_cast %add3A_593 : i32 to index
      %get3A_619 = arith.constant 32 : index
      %get3A_620 = tpu.vector_load %arg11[%get3A_618, %get3A_619] {strides = array<i32>} : memref<320x64xf32, #tpu.memory_space<vmem>>, vector<1x16xf32>,
      %get3A_621 = vector.shape_cast %get3A_620 : vector<1x16xf32> to vector<16xf32>
      %mul3A_622 = vector.broadcast %squeeze3A_595 : f32 to vector<16xf32>
      %mul3A_623 = arith.mulf %get3A_621, %mul3A_622 : vector<16xf32>
      %swap3A_624 = arith.index_cast %add3A_593 : i32 to index
      %swap3A_625 = arith.constant 32 : index
      %swap3A_626 = tpu.vector_load %arg11[%swap3A_624, %swap3A_625] {strides = array<i32>} : memref<320x64xf32, #tpu.memory_space<vmem>>, vector<1x16xf32>,
      %swap3A_627 = vector.shape_cast %swap3A_626 : vector<1x16xf32> to vector<16xf32>
      %swap3A_628 = vector.shape_cast %mul3A_623 : vector<16xf32> to vector<1x16xf32>
      tpu.vector_store %arg11[%swap3A_624, %swap3A_625], %swap3A_628 {strides = array<i32>} : memref<320x64xf32, #tpu.memory_space<vmem>>, vector<1x16xf32>,
      %get3A_629 = arith.index_cast %add3A_593 : i32 to index
      %get3A_630 = arith.constant 48 : index
      %get3A_631 = tpu.vector_load %arg11[%get3A_629, %get3A_630] {strides = array<i32>} : memref<320x64xf32, #tpu.memory_space<vmem>>, vector<1x16xf32>,
      %get3A_632 = vector.shape_cast %get3A_631 : vector<1x16xf32> to vector<16xf32>
      %mul3A_633 = vector.broadcast %squeeze3A_595 : f32 to vector<16xf32>
      %mul3A_634 = arith.mulf %get3A_632, %mul3A_633 : vector<16xf32>
      %swap3A_635 = arith.index_cast %add3A_593 : i32 to index
      %swap3A_636 = arith.constant 48 : index
      %swap3A_637 = tpu.vector_load %arg11[%swap3A_635, %swap3A_636] {strides = array<i32>} : memref<320x64xf32, #tpu.memory_space<vmem>>, vector<1x16xf32>,
      %swap3A_638 = vector.shape_cast %swap3A_637 : vector<1x16xf32> to vector<16xf32>
      %swap3A_639 = vector.shape_cast %mul3A_634 : vector<16xf32> to vector<1x16xf32>
      tpu.vector_store %arg11[%swap3A_635, %swap3A_636], %swap3A_639 {strides = array<i32>} : memref<320x64xf32, #tpu.memory_space<vmem>>, vector<1x16xf32>,
      %mul3A_640 = arith.constant 16 : i32
      %mul3A_641 = arith.muli %scan3A_188, %mul3A_640 : i32
      %add3A_642 = arith.constant 9 : i32
      %add3A_643 = arith.addi %mul3A_641, %add3A_642 : i32
      %slice3A_644 = vector.extract_strided_slice %get3A_192 {offsets = [9], sizes = [1], strides = [1]} : vector<16xf32> to vector<1xf32>
      %squeeze3A_645 = vector.extract %slice3A_644[0] : f32 from vector<1xf32>
      %get3A_646 = arith.index_cast %add3A_643 : i32 to index
      %get3A_647 = arith.constant 0 : index
      %get3A_648 = tpu.vector_load %arg11[%get3A_646, %get3A_647] {strides = array<i32>} : memref<320x64xf32, #tpu.memory_space<vmem>>, vector<1x16xf32>,
      %get3A_649 = vector.shape_cast %get3A_648 : vector<1x16xf32> to vector<16xf32>
      %mul3A_650 = vector.broadcast %squeeze3A_645 : f32 to vector<16xf32>
      %mul3A_651 = arith.mulf %get3A_649, %mul3A_650 : vector<16xf32>
      %swap3A_652 = arith.index_cast %add3A_643 : i32 to index
      %swap3A_653 = arith.constant 0 : index
      %swap3A_654 = tpu.vector_load %arg11[%swap3A_652, %swap3A_653] {strides = array<i32>} : memref<320x64xf32, #tpu.memory_space<vmem>>, vector<1x16xf32>,
      %swap3A_655 = vector.shape_cast %swap3A_654 : vector<1x16xf32> to vector<16xf32>
      %swap3A_656 = vector.shape_cast %mul3A_651 : vector<16xf32> to vector<1x16xf32>
      tpu.vector_store %arg11[%swap3A_652, %swap3A_653], %swap3A_656 {strides = array<i32>} : memref<320x64xf32, #tpu.memory_space<vmem>>, vector<1x16xf32>,
      %get3A_657 = arith.index_cast %add3A_643 : i32 to index
      %get3A_658 = arith.constant 16 : index
      %get3A_659 = tpu.vector_load %arg11[%get3A_657, %get3A_658] {strides = array<i32>} : memref<320x64xf32, #tpu.memory_space<vmem>>, vector<1x16xf32>,
      %get3A_660 = vector.shape_cast %get3A_659 : vector<1x16xf32> to vector<16xf32>
      %mul3A_661 = vector.broadcast %squeeze3A_645 : f32 to vector<16xf32>
      %mul3A_662 = arith.mulf %get3A_660, %mul3A_661 : vector<16xf32>
      %swap3A_663 = arith.index_cast %add3A_643 : i32 to index
      %swap3A_664 = arith.constant 16 : index
      %swap3A_665 = tpu.vector_load %arg11[%swap3A_663, %swap3A_664] {strides = array<i32>} : memref<320x64xf32, #tpu.memory_space<vmem>>, vector<1x16xf32>,
      %swap3A_666 = vector.shape_cast %swap3A_665 : vector<1x16xf32> to vector<16xf32>
      %swap3A_667 = vector.shape_cast %mul3A_662 : vector<16xf32> to vector<1x16xf32>
      tpu.vector_store %arg11[%swap3A_663, %swap3A_664], %swap3A_667 {strides = array<i32>} : memref<320x64xf32, #tpu.memory_space<vmem>>, vector<1x16xf32>,
      %get3A_668 = arith.index_cast %add3A_643 : i32 to index
      %get3A_669 = arith.constant 32 : index
      %get3A_670 = tpu.vector_load %arg11[%get3A_668, %get3A_669] {strides = array<i32>} : memref<320x64xf32, #tpu.memory_space<vmem>>, vector<1x16xf32>,
      %get3A_671 = vector.shape_cast %get3A_670 : vector<1x16xf32> to vector<16xf32>
      %mul3A_672 = vector.broadcast %squeeze3A_645 : f32 to vector<16xf32>
      %mul3A_673 = arith.mulf %get3A_671, %mul3A_672 : vector<16xf32>
      %swap3A_674 = arith.index_cast %add3A_643 : i32 to index
      %swap3A_675 = arith.constant 32 : index
      %swap3A_676 = tpu.vector_load %arg11[%swap3A_674, %swap3A_675] {strides = array<i32>} : memref<320x64xf32, #tpu.memory_space<vmem>>, vector<1x16xf32>,
      %swap3A_677 = vector.shape_cast %swap3A_676 : vector<1x16xf32> to vector<16xf32>
      %swap3A_678 = vector.shape_cast %mul3A_673 : vector<16xf32> to vector<1x16xf32>
      tpu.vector_store %arg11[%swap3A_674, %swap3A_675], %swap3A_678 {strides = array<i32>} : memref<320x64xf32, #tpu.memory_space<vmem>>, vector<1x16xf32>,
      %get3A_679 = arith.index_cast %add3A_643 : i32 to index
      %get3A_680 = arith.constant 48 : index
      %get3A_681 = tpu.vector_load %arg11[%get3A_679, %get3A_680] {strides = array<i32>} : memref<320x64xf32, #tpu.memory_space<vmem>>, vector<1x16xf32>,
      %get3A_682 = vector.shape_cast %get3A_681 : vector<1x16xf32> to vector<16xf32>
      %mul3A_683 = vector.broadcast %squeeze3A_645 : f32 to vector<16xf32>
      %mul3A_684 = arith.mulf %get3A_682, %mul3A_683 : vector<16xf32>
      %swap3A_685 = arith.index_cast %add3A_643 : i32 to index
      %swap3A_686 = arith.constant 48 : index
      %swap3A_687 = tpu.vector_load %arg11[%swap3A_685, %swap3A_686] {strides = array<i32>} : memref<320x64xf32, #tpu.memory_space<vmem>>, vector<1x16xf32>,
      %swap3A_688 = vector.shape_cast %swap3A_687 : vector<1x16xf32> to vector<16xf32>
      %swap3A_689 = vector.shape_cast %mul3A_684 : vector<16xf32> to vector<1x16xf32>
      tpu.vector_store %arg11[%swap3A_685, %swap3A_686], %swap3A_689 {strides = array<i32>} : memref<320x64xf32, #tpu.memory_space<vmem>>, vector<1x16xf32>,
      %mul3A_690 = arith.constant 16 : i32
      %mul3A_691 = arith.muli %scan3A_188, %mul3A_690 : i32
      %add3A_692 = arith.constant 10 : i32
      %add3A_693 = arith.addi %mul3A_691, %add3A_692 : i32
      %slice3A_694 = vector.extract_strided_slice %get3A_192 {offsets = [10], sizes = [1], strides = [1]} : vector<16xf32> to vector<1xf32>
      %squeeze3A_695 = vector.extract %slice3A_694[0] : f32 from vector<1xf32>
      %get3A_696 = arith.index_cast %add3A_693 : i32 to index
      %get3A_697 = arith.constant 0 : index
      %get3A_698 = tpu.vector_load %arg11[%get3A_696, %get3A_697] {strides = array<i32>} : memref<320x64xf32, #tpu.memory_space<vmem>>, vector<1x16xf32>,
      %get3A_699 = vector.shape_cast %get3A_698 : vector<1x16xf32> to vector<16xf32>
      %mul3A_700 = vector.broadcast %squeeze3A_695 : f32 to vector<16xf32>
      %mul3A_701 = arith.mulf %get3A_699, %mul3A_700 : vector<16xf32>
      %swap3A_702 = arith.index_cast %add3A_693 : i32 to index
      %swap3A_703 = arith.constant 0 : index
      %swap3A_704 = tpu.vector_load %arg11[%swap3A_702, %swap3A_703] {strides = array<i32>} : memref<320x64xf32, #tpu.memory_space<vmem>>, vector<1x16xf32>,
      %swap3A_705 = vector.shape_cast %swap3A_704 : vector<1x16xf32> to vector<16xf32>
      %swap3A_706 = vector.shape_cast %mul3A_701 : vector<16xf32> to vector<1x16xf32>
      tpu.vector_store %arg11[%swap3A_702, %swap3A_703], %swap3A_706 {strides = array<i32>} : memref<320x64xf32, #tpu.memory_space<vmem>>, vector<1x16xf32>,
      %get3A_707 = arith.index_cast %add3A_693 : i32 to index
      %get3A_708 = arith.constant 16 : index
      %get3A_709 = tpu.vector_load %arg11[%get3A_707, %get3A_708] {strides = array<i32>} : memref<320x64xf32, #tpu.memory_space<vmem>>, vector<1x16xf32>,
      %get3A_710 = vector.shape_cast %get3A_709 : vector<1x16xf32> to vector<16xf32>
      %mul3A_711 = vector.broadcast %squeeze3A_695 : f32 to vector<16xf32>
      %mul3A_712 = arith.mulf %get3A_710, %mul3A_711 : vector<16xf32>
      %swap3A_713 = arith.index_cast %add3A_693 : i32 to index
      %swap3A_714 = arith.constant 16 : index
      %swap3A_715 = tpu.vector_load %arg11[%swap3A_713, %swap3A_714] {strides = array<i32>} : memref<320x64xf32, #tpu.memory_space<vmem>>, vector<1x16xf32>,
      %swap3A_716 = vector.shape_cast %swap3A_715 : vector<1x16xf32> to vector<16xf32>
      %swap3A_717 = vector.shape_cast %mul3A_712 : vector<16xf32> to vector<1x16xf32>
      tpu.vector_store %arg11[%swap3A_713, %swap3A_714], %swap3A_717 {strides = array<i32>} : memref<320x64xf32, #tpu.memory_space<vmem>>, vector<1x16xf32>,
      %get3A_718 = arith.index_cast %add3A_693 : i32 to index
      %get3A_719 = arith.constant 32 : index
      %get3A_720 = tpu.vector_load %arg11[%get3A_718, %get3A_719] {strides = array<i32>} : memref<320x64xf32, #tpu.memory_space<vmem>>, vector<1x16xf32>,
      %get3A_721 = vector.shape_cast %get3A_720 : vector<1x16xf32> to vector<16xf32>
      %mul3A_722 = vector.broadcast %squeeze3A_695 : f32 to vector<16xf32>
      %mul3A_723 = arith.mulf %get3A_721, %mul3A_722 : vector<16xf32>
      %swap3A_724 = arith.index_cast %add3A_693 : i32 to index
      %swap3A_725 = arith.constant 32 : index
      %swap3A_726 = tpu.vector_load %arg11[%swap3A_724, %swap3A_725] {strides = array<i32>} : memref<320x64xf32, #tpu.memory_space<vmem>>, vector<1x16xf32>,
      %swap3A_727 = vector.shape_cast %swap3A_726 : vector<1x16xf32> to vector<16xf32>
      %swap3A_728 = vector.shape_cast %mul3A_723 : vector<16xf32> to vector<1x16xf32>
      tpu.vector_store %arg11[%swap3A_724, %swap3A_725], %swap3A_728 {strides = array<i32>} : memref<320x64xf32, #tpu.memory_space<vmem>>, vector<1x16xf32>,
      %get3A_729 = arith.index_cast %add3A_693 : i32 to index
      %get3A_730 = arith.constant 48 : index
      %get3A_731 = tpu.vector_load %arg11[%get3A_729, %get3A_730] {strides = array<i32>} : memref<320x64xf32, #tpu.memory_space<vmem>>, vector<1x16xf32>,
      %get3A_732 = vector.shape_cast %get3A_731 : vector<1x16xf32> to vector<16xf32>
      %mul3A_733 = vector.broadcast %squeeze3A_695 : f32 to vector<16xf32>
      %mul3A_734 = arith.mulf %get3A_732, %mul3A_733 : vector<16xf32>
      %swap3A_735 = arith.index_cast %add3A_693 : i32 to index
      %swap3A_736 = arith.constant 48 : index
      %swap3A_737 = tpu.vector_load %arg11[%swap3A_735, %swap3A_736] {strides = array<i32>} : memref<320x64xf32, #tpu.memory_space<vmem>>, vector<1x16xf32>,
      %swap3A_738 = vector.shape_cast %swap3A_737 : vector<1x16xf32> to vector<16xf32>
      %swap3A_739 = vector.shape_cast %mul3A_734 : vector<16xf32> to vector<1x16xf32>
      tpu.vector_store %arg11[%swap3A_735, %swap3A_736], %swap3A_739 {strides = array<i32>} : memref<320x64xf32, #tpu.memory_space<vmem>>, vector<1x16xf32>,
      %mul3A_740 = arith.constant 16 : i32
      %mul3A_741 = arith.muli %scan3A_188, %mul3A_740 : i32
      %add3A_742 = arith.constant 11 : i32
      %add3A_743 = arith.addi %mul3A_741, %add3A_742 : i32
      %slice3A_744 = vector.extract_strided_slice %get3A_192 {offsets = [11], sizes = [1], strides = [1]} : vector<16xf32> to vector<1xf32>
      %squeeze3A_745 = vector.extract %slice3A_744[0] : f32 from vector<1xf32>
      %get3A_746 = arith.index_cast %add3A_743 : i32 to index
      %get3A_747 = arith.constant 0 : index
      %get3A_748 = tpu.vector_load %arg11[%get3A_746, %get3A_747] {strides = array<i32>} : memref<320x64xf32, #tpu.memory_space<vmem>>, vector<1x16xf32>,
      %get3A_749 = vector.shape_cast %get3A_748 : vector<1x16xf32> to vector<16xf32>
      %mul3A_750 = vector.broadcast %squeeze3A_745 : f32 to vector<16xf32>
      %mul3A_751 = arith.mulf %get3A_749, %mul3A_750 : vector<16xf32>
      %swap3A_752 = arith.index_cast %add3A_743 : i32 to index
      %swap3A_753 = arith.constant 0 : index
      %swap3A_754 = tpu.vector_load %arg11[%swap3A_752, %swap3A_753] {strides = array<i32>} : memref<320x64xf32, #tpu.memory_space<vmem>>, vector<1x16xf32>,
      %swap3A_755 = vector.shape_cast %swap3A_754 : vector<1x16xf32> to vector<16xf32>
      %swap3A_756 = vector.shape_cast %mul3A_751 : vector<16xf32> to vector<1x16xf32>
      tpu.vector_store %arg11[%swap3A_752, %swap3A_753], %swap3A_756 {strides = array<i32>} : memref<320x64xf32, #tpu.memory_space<vmem>>, vector<1x16xf32>,
      %get3A_757 = arith.index_cast %add3A_743 : i32 to index
      %get3A_758 = arith.constant 16 : index
      %get3A_759 = tpu.vector_load %arg11[%get3A_757, %get3A_758] {strides = array<i32>} : memref<320x64xf32, #tpu.memory_space<vmem>>, vector<1x16xf32>,
      %get3A_760 = vector.shape_cast %get3A_759 : vector<1x16xf32> to vector<16xf32>
      %mul3A_761 = vector.broadcast %squeeze3A_745 : f32 to vector<16xf32>
      %mul3A_762 = arith.mulf %get3A_760, %mul3A_761 : vector<16xf32>
      %swap3A_763 = arith.index_cast %add3A_743 : i32 to index
      %swap3A_764 = arith.constant 16 : index
      %swap3A_765 = tpu.vector_load %arg11[%swap3A_763, %swap3A_764] {strides = array<i32>} : memref<320x64xf32, #tpu.memory_space<vmem>>, vector<1x16xf32>,
      %swap3A_766 = vector.shape_cast %swap3A_765 : vector<1x16xf32> to vector<16xf32>
      %swap3A_767 = vector.shape_cast %mul3A_762 : vector<16xf32> to vector<1x16xf32>
      tpu.vector_store %arg11[%swap3A_763, %swap3A_764], %swap3A_767 {strides = array<i32>} : memref<320x64xf32, #tpu.memory_space<vmem>>, vector<1x16xf32>,
      %get3A_768 = arith.index_cast %add3A_743 : i32 to index
      %get3A_769 = arith.constant 32 : index
      %get3A_770 = tpu.vector_load %arg11[%get3A_768, %get3A_769] {strides = array<i32>} : memref<320x64xf32, #tpu.memory_space<vmem>>, vector<1x16xf32>,
      %get3A_771 = vector.shape_cast %get3A_770 : vector<1x16xf32> to vector<16xf32>
      %mul3A_772 = vector.broadcast %squeeze3A_745 : f32 to vector<16xf32>
      %mul3A_773 = arith.mulf %get3A_771, %mul3A_772 : vector<16xf32>
      %swap3A_774 = arith.index_cast %add3A_743 : i32 to index
      %swap3A_775 = arith.constant 32 : index
      %swap3A_776 = tpu.vector_load %arg11[%swap3A_774, %swap3A_775] {strides = array<i32>} : memref<320x64xf32, #tpu.memory_space<vmem>>, vector<1x16xf32>,
      %swap3A_777 = vector.shape_cast %swap3A_776 : vector<1x16xf32> to vector<16xf32>
      %swap3A_778 = vector.shape_cast %mul3A_773 : vector<16xf32> to vector<1x16xf32>
      tpu.vector_store %arg11[%swap3A_774, %swap3A_775], %swap3A_778 {strides = array<i32>} : memref<320x64xf32, #tpu.memory_space<vmem>>, vector<1x16xf32>,
      %get3A_779 = arith.index_cast %add3A_743 : i32 to index
      %get3A_780 = arith.constant 48 : index
      %get3A_781 = tpu.vector_load %arg11[%get3A_779, %get3A_780] {strides = array<i32>} : memref<320x64xf32, #tpu.memory_space<vmem>>, vector<1x16xf32>,
      %get3A_782 = vector.shape_cast %get3A_781 : vector<1x16xf32> to vector<16xf32>
      %mul3A_783 = vector.broadcast %squeeze3A_745 : f32 to vector<16xf32>
      %mul3A_784 = arith.mulf %get3A_782, %mul3A_783 : vector<16xf32>
      %swap3A_785 = arith.index_cast %add3A_743 : i32 to index
      %swap3A_786 = arith.constant 48 : index
      %swap3A_787 = tpu.vector_load %arg11[%swap3A_785, %swap3A_786] {strides = array<i32>} : memref<320x64xf32, #tpu.memory_space<vmem>>, vector<1x16xf32>,
      %swap3A_788 = vector.shape_cast %swap3A_787 : vector<1x16xf32> to vector<16xf32>
      %swap3A_789 = vector.shape_cast %mul3A_784 : vector<16xf32> to vector<1x16xf32>
      tpu.vector_store %arg11[%swap3A_785, %swap3A_786], %swap3A_789 {strides = array<i32>} : memref<320x64xf32, #tpu.memory_space<vmem>>, vector<1x16xf32>,
      %mul3A_790 = arith.constant 16 : i32
      %mul3A_791 = arith.muli %scan3A_188, %mul3A_790 : i32
      %add3A_792 = arith.constant 12 : i32
      %add3A_793 = arith.addi %mul3A_791, %add3A_792 : i32
      %slice3A_794 = vector.extract_strided_slice %get3A_192 {offsets = [12], sizes = [1], strides = [1]} : vector<16xf32> to vector<1xf32>
      %squeeze3A_795 = vector.extract %slice3A_794[0] : f32 from vector<1xf32>
      %get3A_796 = arith.index_cast %add3A_793 : i32 to index
      %get3A_797 = arith.constant 0 : index
      %get3A_798 = tpu.vector_load %arg11[%get3A_796, %get3A_797] {strides = array<i32>} : memref<320x64xf32, #tpu.memory_space<vmem>>, vector<1x16xf32>,
      %get3A_799 = vector.shape_cast %get3A_798 : vector<1x16xf32> to vector<16xf32>
      %mul3A_800 = vector.broadcast %squeeze3A_795 : f32 to vector<16xf32>
      %mul3A_801 = arith.mulf %get3A_799, %mul3A_800 : vector<16xf32>
      %swap3A_802 = arith.index_cast %add3A_793 : i32 to index
      %swap3A_803 = arith.constant 0 : index
      %swap3A_804 = tpu.vector_load %arg11[%swap3A_802, %swap3A_803] {strides = array<i32>} : memref<320x64xf32, #tpu.memory_space<vmem>>, vector<1x16xf32>,
      %swap3A_805 = vector.shape_cast %swap3A_804 : vector<1x16xf32> to vector<16xf32>
      %swap3A_806 = vector.shape_cast %mul3A_801 : vector<16xf32> to vector<1x16xf32>
      tpu.vector_store %arg11[%swap3A_802, %swap3A_803], %swap3A_806 {strides = array<i32>} : memref<320x64xf32, #tpu.memory_space<vmem>>, vector<1x16xf32>,
      %get3A_807 = arith.index_cast %add3A_793 : i32 to index
      %get3A_808 = arith.constant 16 : index
      %get3A_809 = tpu.vector_load %arg11[%get3A_807, %get3A_808] {strides = array<i32>} : memref<320x64xf32, #tpu.memory_space<vmem>>, vector<1x16xf32>,
      %get3A_810 = vector.shape_cast %get3A_809 : vector<1x16xf32> to vector<16xf32>
      %mul3A_811 = vector.broadcast %squeeze3A_795 : f32 to vector<16xf32>
      %mul3A_812 = arith.mulf %get3A_810, %mul3A_811 : vector<16xf32>
      %swap3A_813 = arith.index_cast %add3A_793 : i32 to index
      %swap3A_814 = arith.constant 16 : index
      %swap3A_815 = tpu.vector_load %arg11[%swap3A_813, %swap3A_814] {strides = array<i32>} : memref<320x64xf32, #tpu.memory_space<vmem>>, vector<1x16xf32>,
      %swap3A_816 = vector.shape_cast %swap3A_815 : vector<1x16xf32> to vector<16xf32>
      %swap3A_817 = vector.shape_cast %mul3A_812 : vector<16xf32> to vector<1x16xf32>
      tpu.vector_store %arg11[%swap3A_813, %swap3A_814], %swap3A_817 {strides = array<i32>} : memref<320x64xf32, #tpu.memory_space<vmem>>, vector<1x16xf32>,
      %get3A_818 = arith.index_cast %add3A_793 : i32 to index
      %get3A_819 = arith.constant 32 : index
      %get3A_820 = tpu.vector_load %arg11[%get3A_818, %get3A_819] {strides = array<i32>} : memref<320x64xf32, #tpu.memory_space<vmem>>, vector<1x16xf32>,
      %get3A_821 = vector.shape_cast %get3A_820 : vector<1x16xf32> to vector<16xf32>
      %mul3A_822 = vector.broadcast %squeeze3A_795 : f32 to vector<16xf32>
      %mul3A_823 = arith.mulf %get3A_821, %mul3A_822 : vector<16xf32>
      %swap3A_824 = arith.index_cast %add3A_793 : i32 to index
      %swap3A_825 = arith.constant 32 : index
      %swap3A_826 = tpu.vector_load %arg11[%swap3A_824, %swap3A_825] {strides = array<i32>} : memref<320x64xf32, #tpu.memory_space<vmem>>, vector<1x16xf32>,
      %swap3A_827 = vector.shape_cast %swap3A_826 : vector<1x16xf32> to vector<16xf32>
      %swap3A_828 = vector.shape_cast %mul3A_823 : vector<16xf32> to vector<1x16xf32>
      tpu.vector_store %arg11[%swap3A_824, %swap3A_825], %swap3A_828 {strides = array<i32>} : memref<320x64xf32, #tpu.memory_space<vmem>>, vector<1x16xf32>,
      %get3A_829 = arith.index_cast %add3A_793 : i32 to index
      %get3A_830 = arith.constant 48 : index
      %get3A_831 = tpu.vector_load %arg11[%get3A_829, %get3A_830] {strides = array<i32>} : memref<320x64xf32, #tpu.memory_space<vmem>>, vector<1x16xf32>,
      %get3A_832 = vector.shape_cast %get3A_831 : vector<1x16xf32> to vector<16xf32>
      %mul3A_833 = vector.broadcast %squeeze3A_795 : f32 to vector<16xf32>
      %mul3A_834 = arith.mulf %get3A_832, %mul3A_833 : vector<16xf32>
      %swap3A_835 = arith.index_cast %add3A_793 : i32 to index
      %swap3A_836 = arith.constant 48 : index
      %swap3A_837 = tpu.vector_load %arg11[%swap3A_835, %swap3A_836] {strides = array<i32>} : memref<320x64xf32, #tpu.memory_space<vmem>>, vector<1x16xf32>,
      %swap3A_838 = vector.shape_cast %swap3A_837 : vector<1x16xf32> to vector<16xf32>
      %swap3A_839 = vector.shape_cast %mul3A_834 : vector<16xf32> to vector<1x16xf32>
      tpu.vector_store %arg11[%swap3A_835, %swap3A_836], %swap3A_839 {strides = array<i32>} : memref<320x64xf32, #tpu.memory_space<vmem>>, vector<1x16xf32>,
      %mul3A_840 = arith.constant 16 : i32
      %mul3A_841 = arith.muli %scan3A_188, %mul3A_840 : i32
      %add3A_842 = arith.constant 13 : i32
      %add3A_843 = arith.addi %mul3A_841, %add3A_842 : i32
      %slice3A_844 = vector.extract_strided_slice %get3A_192 {offsets = [13], sizes = [1], strides = [1]} : vector<16xf32> to vector<1xf32>
      %squeeze3A_845 = vector.extract %slice3A_844[0] : f32 from vector<1xf32>
      %get3A_846 = arith.index_cast %add3A_843 : i32 to index
      %get3A_847 = arith.constant 0 : index
      %get3A_848 = tpu.vector_load %arg11[%get3A_846, %get3A_847] {strides = array<i32>} : memref<320x64xf32, #tpu.memory_space<vmem>>, vector<1x16xf32>,
      %get3A_849 = vector.shape_cast %get3A_848 : vector<1x16xf32> to vector<16xf32>
      %mul3A_850 = vector.broadcast %squeeze3A_845 : f32 to vector<16xf32>
      %mul3A_851 = arith.mulf %get3A_849, %mul3A_850 : vector<16xf32>
      %swap3A_852 = arith.index_cast %add3A_843 : i32 to index
      %swap3A_853 = arith.constant 0 : index
      %swap3A_854 = tpu.vector_load %arg11[%swap3A_852, %swap3A_853] {strides = array<i32>} : memref<320x64xf32, #tpu.memory_space<vmem>>, vector<1x16xf32>,
      %swap3A_855 = vector.shape_cast %swap3A_854 : vector<1x16xf32> to vector<16xf32>
      %swap3A_856 = vector.shape_cast %mul3A_851 : vector<16xf32> to vector<1x16xf32>
      tpu.vector_store %arg11[%swap3A_852, %swap3A_853], %swap3A_856 {strides = array<i32>} : memref<320x64xf32, #tpu.memory_space<vmem>>, vector<1x16xf32>,
      %get3A_857 = arith.index_cast %add3A_843 : i32 to index
      %get3A_858 = arith.constant 16 : index
      %get3A_859 = tpu.vector_load %arg11[%get3A_857, %get3A_858] {strides = array<i32>} : memref<320x64xf32, #tpu.memory_space<vmem>>, vector<1x16xf32>,
      %get3A_860 = vector.shape_cast %get3A_859 : vector<1x16xf32> to vector<16xf32>
      %mul3A_861 = vector.broadcast %squeeze3A_845 : f32 to vector<16xf32>
      %mul3A_862 = arith.mulf %get3A_860, %mul3A_861 : vector<16xf32>
      %swap3A_863 = arith.index_cast %add3A_843 : i32 to index
      %swap3A_864 = arith.constant 16 : index
      %swap3A_865 = tpu.vector_load %arg11[%swap3A_863, %swap3A_864] {strides = array<i32>} : memref<320x64xf32, #tpu.memory_space<vmem>>, vector<1x16xf32>,
      %swap3A_866 = vector.shape_cast %swap3A_865 : vector<1x16xf32> to vector<16xf32>
      %swap3A_867 = vector.shape_cast %mul3A_862 : vector<16xf32> to vector<1x16xf32>
      tpu.vector_store %arg11[%swap3A_863, %swap3A_864], %swap3A_867 {strides = array<i32>} : memref<320x64xf32, #tpu.memory_space<vmem>>, vector<1x16xf32>,
      %get3A_868 = arith.index_cast %add3A_843 : i32 to index
      %get3A_869 = arith.constant 32 : index
      %get3A_870 = tpu.vector_load %arg11[%get3A_868, %get3A_869] {strides = array<i32>} : memref<320x64xf32, #tpu.memory_space<vmem>>, vector<1x16xf32>,
      %get3A_871 = vector.shape_cast %get3A_870 : vector<1x16xf32> to vector<16xf32>
      %mul3A_872 = vector.broadcast %squeeze3A_845 : f32 to vector<16xf32>
      %mul3A_873 = arith.mulf %get3A_871, %mul3A_872 : vector<16xf32>
      %swap3A_874 = arith.index_cast %add3A_843 : i32 to index
      %swap3A_875 = arith.constant 32 : index
      %swap3A_876 = tpu.vector_load %arg11[%swap3A_874, %swap3A_875] {strides = array<i32>} : memref<320x64xf32, #tpu.memory_space<vmem>>, vector<1x16xf32>,
      %swap3A_877 = vector.shape_cast %swap3A_876 : vector<1x16xf32> to vector<16xf32>
      %swap3A_878 = vector.shape_cast %mul3A_873 : vector<16xf32> to vector<1x16xf32>
      tpu.vector_store %arg11[%swap3A_874, %swap3A_875], %swap3A_878 {strides = array<i32>} : memref<320x64xf32, #tpu.memory_space<vmem>>, vector<1x16xf32>,
      %get3A_879 = arith.index_cast %add3A_843 : i32 to index
      %get3A_880 = arith.constant 48 : index
      %get3A_881 = tpu.vector_load %arg11[%get3A_879, %get3A_880] {strides = array<i32>} : memref<320x64xf32, #tpu.memory_space<vmem>>, vector<1x16xf32>,
      %get3A_882 = vector.shape_cast %get3A_881 : vector<1x16xf32> to vector<16xf32>
      %mul3A_883 = vector.broadcast %squeeze3A_845 : f32 to vector<16xf32>
      %mul3A_884 = arith.mulf %get3A_882, %mul3A_883 : vector<16xf32>
      %swap3A_885 = arith.index_cast %add3A_843 : i32 to index
      %swap3A_886 = arith.constant 48 : index
      %swap3A_887 = tpu.vector_load %arg11[%swap3A_885, %swap3A_886] {strides = array<i32>} : memref<320x64xf32, #tpu.memory_space<vmem>>, vector<1x16xf32>,
      %swap3A_888 = vector.shape_cast %swap3A_887 : vector<1x16xf32> to vector<16xf32>
      %swap3A_889 = vector.shape_cast %mul3A_884 : vector<16xf32> to vector<1x16xf32>
      tpu.vector_store %arg11[%swap3A_885, %swap3A_886], %swap3A_889 {strides = array<i32>} : memref<320x64xf32, #tpu.memory_space<vmem>>, vector<1x16xf32>,
      %mul3A_890 = arith.constant 16 : i32
      %mul3A_891 = arith.muli %scan3A_188, %mul3A_890 : i32
      %add3A_892 = arith.constant 14 : i32
      %add3A_893 = arith.addi %mul3A_891, %add3A_892 : i32
      %slice3A_894 = vector.extract_strided_slice %get3A_192 {offsets = [14], sizes = [1], strides = [1]} : vector<16xf32> to vector<1xf32>
      %squeeze3A_895 = vector.extract %slice3A_894[0] : f32 from vector<1xf32>
      %get3A_896 = arith.index_cast %add3A_893 : i32 to index
      %get3A_897 = arith.constant 0 : index
      %get3A_898 = tpu.vector_load %arg11[%get3A_896, %get3A_897] {strides = array<i32>} : memref<320x64xf32, #tpu.memory_space<vmem>>, vector<1x16xf32>,
      %get3A_899 = vector.shape_cast %get3A_898 : vector<1x16xf32> to vector<16xf32>
      %mul3A_900 = vector.broadcast %squeeze3A_895 : f32 to vector<16xf32>
      %mul3A_901 = arith.mulf %get3A_899, %mul3A_900 : vector<16xf32>
      %swap3A_902 = arith.index_cast %add3A_893 : i32 to index
      %swap3A_903 = arith.constant 0 : index
      %swap3A_904 = tpu.vector_load %arg11[%swap3A_902, %swap3A_903] {strides = array<i32>} : memref<320x64xf32, #tpu.memory_space<vmem>>, vector<1x16xf32>,
      %swap3A_905 = vector.shape_cast %swap3A_904 : vector<1x16xf32> to vector<16xf32>
      %swap3A_906 = vector.shape_cast %mul3A_901 : vector<16xf32> to vector<1x16xf32>
      tpu.vector_store %arg11[%swap3A_902, %swap3A_903], %swap3A_906 {strides = array<i32>} : memref<320x64xf32, #tpu.memory_space<vmem>>, vector<1x16xf32>,
      %get3A_907 = arith.index_cast %add3A_893 : i32 to index
      %get3A_908 = arith.constant 16 : index
      %get3A_909 = tpu.vector_load %arg11[%get3A_907, %get3A_908] {strides = array<i32>} : memref<320x64xf32, #tpu.memory_space<vmem>>, vector<1x16xf32>,
      %get3A_910 = vector.shape_cast %get3A_909 : vector<1x16xf32> to vector<16xf32>
      %mul3A_911 = vector.broadcast %squeeze3A_895 : f32 to vector<16xf32>
      %mul3A_912 = arith.mulf %get3A_910, %mul3A_911 : vector<16xf32>
      %swap3A_913 = arith.index_cast %add3A_893 : i32 to index
      %swap3A_914 = arith.constant 16 : index
      %swap3A_915 = tpu.vector_load %arg11[%swap3A_913, %swap3A_914] {strides = array<i32>} : memref<320x64xf32, #tpu.memory_space<vmem>>, vector<1x16xf32>,
      %swap3A_916 = vector.shape_cast %swap3A_915 : vector<1x16xf32> to vector<16xf32>
      %swap3A_917 = vector.shape_cast %mul3A_912 : vector<16xf32> to vector<1x16xf32>
      tpu.vector_store %arg11[%swap3A_913, %swap3A_914], %swap3A_917 {strides = array<i32>} : memref<320x64xf32, #tpu.memory_space<vmem>>, vector<1x16xf32>,
      %get3A_918 = arith.index_cast %add3A_893 : i32 to index
      %get3A_919 = arith.constant 32 : index
      %get3A_920 = tpu.vector_load %arg11[%get3A_918, %get3A_919] {strides = array<i32>} : memref<320x64xf32, #tpu.memory_space<vmem>>, vector<1x16xf32>,
      %get3A_921 = vector.shape_cast %get3A_920 : vector<1x16xf32> to vector<16xf32>
      %mul3A_922 = vector.broadcast %squeeze3A_895 : f32 to vector<16xf32>
      %mul3A_923 = arith.mulf %get3A_921, %mul3A_922 : vector<16xf32>
      %swap3A_924 = arith.index_cast %add3A_893 : i32 to index
      %swap3A_925 = arith.constant 32 : index
      %swap3A_926 = tpu.vector_load %arg11[%swap3A_924, %swap3A_925] {strides = array<i32>} : memref<320x64xf32, #tpu.memory_space<vmem>>, vector<1x16xf32>,
      %swap3A_927 = vector.shape_cast %swap3A_926 : vector<1x16xf32> to vector<16xf32>
      %swap3A_928 = vector.shape_cast %mul3A_923 : vector<16xf32> to vector<1x16xf32>
      tpu.vector_store %arg11[%swap3A_924, %swap3A_925], %swap3A_928 {strides = array<i32>} : memref<320x64xf32, #tpu.memory_space<vmem>>, vector<1x16xf32>,
      %get3A_929 = arith.index_cast %add3A_893 : i32 to index
      %get3A_930 = arith.constant 48 : index
      %get3A_931 = tpu.vector_load %arg11[%get3A_929, %get3A_930] {strides = array<i32>} : memref<320x64xf32, #tpu.memory_space<vmem>>, vector<1x16xf32>,
      %get3A_932 = vector.shape_cast %get3A_931 : vector<1x16xf32> to vector<16xf32>
      %mul3A_933 = vector.broadcast %squeeze3A_895 : f32 to vector<16xf32>
      %mul3A_934 = arith.mulf %get3A_932, %mul3A_933 : vector<16xf32>
      %swap3A_935 = arith.index_cast %add3A_893 : i32 to index
      %swap3A_936 = arith.constant 48 : index
      %swap3A_937 = tpu.vector_load %arg11[%swap3A_935, %swap3A_936] {strides = array<i32>} : memref<320x64xf32, #tpu.memory_space<vmem>>, vector<1x16xf32>,
      %swap3A_938 = vector.shape_cast %swap3A_937 : vector<1x16xf32> to vector<16xf32>
      %swap3A_939 = vector.shape_cast %mul3A_934 : vector<16xf32> to vector<1x16xf32>
      tpu.vector_store %arg11[%swap3A_935, %swap3A_936], %swap3A_939 {strides = array<i32>} : memref<320x64xf32, #tpu.memory_space<vmem>>, vector<1x16xf32>,
      %mul3A_940 = arith.constant 16 : i32
      %mul3A_941 = arith.muli %scan3A_188, %mul3A_940 : i32
      %add3A_942 = arith.constant 15 : i32
      %add3A_943 = arith.addi %mul3A_941, %add3A_942 : i32
      %slice3A_944 = vector.extract_strided_slice %get3A_192 {offsets = [15], sizes = [1], strides = [1]} : vector<16xf32> to vector<1xf32>
      %squeeze3A_945 = vector.extract %slice3A_944[0] : f32 from vector<1xf32>
      %get3A_946 = arith.index_cast %add3A_943 : i32 to index
      %get3A_947 = arith.constant 0 : index
      %get3A_948 = tpu.vector_load %arg11[%get3A_946, %get3A_947] {strides = array<i32>} : memref<320x64xf32, #tpu.memory_space<vmem>>, vector<1x16xf32>,
      %get3A_949 = vector.shape_cast %get3A_948 : vector<1x16xf32> to vector<16xf32>
      %mul3A_950 = vector.broadcast %squeeze3A_945 : f32 to vector<16xf32>
      %mul3A_951 = arith.mulf %get3A_949, %mul3A_950 : vector<16xf32>
      %swap3A_952 = arith.index_cast %add3A_943 : i32 to index
      %swap3A_953 = arith.constant 0 : index
      %swap3A_954 = tpu.vector_load %arg11[%swap3A_952, %swap3A_953] {strides = array<i32>} : memref<320x64xf32, #tpu.memory_space<vmem>>, vector<1x16xf32>,
      %swap3A_955 = vector.shape_cast %swap3A_954 : vector<1x16xf32> to vector<16xf32>
      %swap3A_956 = vector.shape_cast %mul3A_951 : vector<16xf32> to vector<1x16xf32>
      tpu.vector_store %arg11[%swap3A_952, %swap3A_953], %swap3A_956 {strides = array<i32>} : memref<320x64xf32, #tpu.memory_space<vmem>>, vector<1x16xf32>,
      %get3A_957 = arith.index_cast %add3A_943 : i32 to index
      %get3A_958 = arith.constant 16 : index
      %get3A_959 = tpu.vector_load %arg11[%get3A_957, %get3A_958] {strides = array<i32>} : memref<320x64xf32, #tpu.memory_space<vmem>>, vector<1x16xf32>,
      %get3A_960 = vector.shape_cast %get3A_959 : vector<1x16xf32> to vector<16xf32>
      %mul3A_961 = vector.broadcast %squeeze3A_945 : f32 to vector<16xf32>
      %mul3A_962 = arith.mulf %get3A_960, %mul3A_961 : vector<16xf32>
      %swap3A_963 = arith.index_cast %add3A_943 : i32 to index
      %swap3A_964 = arith.constant 16 : index
      %swap3A_965 = tpu.vector_load %arg11[%swap3A_963, %swap3A_964] {strides = array<i32>} : memref<320x64xf32, #tpu.memory_space<vmem>>, vector<1x16xf32>,
      %swap3A_966 = vector.shape_cast %swap3A_965 : vector<1x16xf32> to vector<16xf32>
      %swap3A_967 = vector.shape_cast %mul3A_962 : vector<16xf32> to vector<1x16xf32>
      tpu.vector_store %arg11[%swap3A_963, %swap3A_964], %swap3A_967 {strides = array<i32>} : memref<320x64xf32, #tpu.memory_space<vmem>>, vector<1x16xf32>,
      %get3A_968 = arith.index_cast %add3A_943 : i32 to index
      %get3A_969 = arith.constant 32 : index
      %get3A_970 = tpu.vector_load %arg11[%get3A_968, %get3A_969] {strides = array<i32>} : memref<320x64xf32, #tpu.memory_space<vmem>>, vector<1x16xf32>,
      %get3A_971 = vector.shape_cast %get3A_970 : vector<1x16xf32> to vector<16xf32>
      %mul3A_972 = vector.broadcast %squeeze3A_945 : f32 to vector<16xf32>
      %mul3A_973 = arith.mulf %get3A_971, %mul3A_972 : vector<16xf32>
      %swap3A_974 = arith.index_cast %add3A_943 : i32 to index
      %swap3A_975 = arith.constant 32 : index
      %swap3A_976 = tpu.vector_load %arg11[%swap3A_974, %swap3A_975] {strides = array<i32>} : memref<320x64xf32, #tpu.memory_space<vmem>>, vector<1x16xf32>,
      %swap3A_977 = vector.shape_cast %swap3A_976 : vector<1x16xf32> to vector<16xf32>
      %swap3A_978 = vector.shape_cast %mul3A_973 : vector<16xf32> to vector<1x16xf32>
      tpu.vector_store %arg11[%swap3A_974, %swap3A_975], %swap3A_978 {strides = array<i32>} : memref<320x64xf32, #tpu.memory_space<vmem>>, vector<1x16xf32>,
      %get3A_979 = arith.index_cast %add3A_943 : i32 to index
      %get3A_980 = arith.constant 48 : index
      %get3A_981 = tpu.vector_load %arg11[%get3A_979, %get3A_980] {strides = array<i32>} : memref<320x64xf32, #tpu.memory_space<vmem>>, vector<1x16xf32>,
      %get3A_982 = vector.shape_cast %get3A_981 : vector<1x16xf32> to vector<16xf32>
      %mul3A_983 = vector.broadcast %squeeze3A_945 : f32 to vector<16xf32>
      %mul3A_984 = arith.mulf %get3A_982, %mul3A_983 : vector<16xf32>
      %swap3A_985 = arith.index_cast %add3A_943 : i32 to index
      %swap3A_986 = arith.constant 48 : index
      %swap3A_987 = tpu.vector_load %arg11[%swap3A_985, %swap3A_986] {strides = array<i32>} : memref<320x64xf32, #tpu.memory_space<vmem>>, vector<1x16xf32>,
      %swap3A_988 = vector.shape_cast %swap3A_987 : vector<1x16xf32> to vector<16xf32>
      %swap3A_989 = vector.shape_cast %mul3A_984 : vector<16xf32> to vector<1x16xf32>
      tpu.vector_store %arg11[%swap3A_985, %swap3A_986], %swap3A_989 {strides = array<i32>} : memref<320x64xf32, #tpu.memory_space<vmem>>, vector<1x16xf32>,
    }
    %scan3A_101 = arith.constant 20 : i32
    %mul3A_102 = arith.constant 320 : i32
    %mul3A_103 = arith.muli %arg1, %mul3A_102 : i32
    "tpu.region"() ({
      %run_scoped3A_188 = tpu.sem_alloc : memref<!tpu.dma_semaphore, #tpu.memory_space<semaphore_mem>>
      %dma_start3A_189 = arith.constant 0 : i32
      %dma_start3A_190 = tpu.memref_slice %arg7[%arg0, %mul3A_103, %dma_start3A_189] : memref<2x5120x64xf32, #tpu.memory_space<hbm>> -> memref<1x320x64xf32, #tpu.memory_space<hbm>>
      %dma_start3A_191 = tpu.memref_squeeze %dma_start3A_190 : memref<1x320x64xf32, #tpu.memory_space<hbm>> -> memref<320x64xf32, #tpu.memory_space<hbm>>
      %dma_start3A_192 = arith.constant 0 : i32
      %dma_start3A_193 = tpu.memref_slice %arg7[%arg0, %mul3A_103, %dma_start3A_192] : memref<2x5120x64xf32, #tpu.memory_space<hbm>> -> memref<1x320x64xf32, #tpu.memory_space<hbm>>
      %dma_start3A_194 = tpu.memref_squeeze %dma_start3A_193 : memref<1x320x64xf32, #tpu.memory_space<hbm>> -> memref<320x64xf32, #tpu.memory_space<hbm>>
      tpu.enqueue_dma source(%arg11 : memref<320x64xf32, #tpu.memory_space<vmem>>) target(%dma_start3A_194 : memref<320x64xf32, #tpu.memory_space<hbm>>) target_semaphore(%run_scoped3A_188 : memref<!tpu.dma_semaphore, #tpu.memory_space<semaphore_mem>>)
      %dma_wait3A_195 = arith.constant 0 : i32
      %dma_wait3A_196 = tpu.memref_slice %arg7[%arg0, %mul3A_103, %dma_wait3A_195] : memref<2x5120x64xf32, #tpu.memory_space<hbm>> -> memref<1x320x64xf32, #tpu.memory_space<hbm>>
      %dma_wait3A_197 = tpu.memref_squeeze %dma_wait3A_196 : memref<1x320x64xf32, #tpu.memory_space<hbm>> -> memref<320x64xf32, #tpu.memory_space<hbm>>
      %dma_wait3A_198 = arith.constant 0 : i32
      %dma_wait3A_199 = tpu.memref_slice %arg7[%arg0, %mul3A_103, %dma_wait3A_198] : memref<2x5120x64xf32, #tpu.memory_space<hbm>> -> memref<1x320x64xf32, #tpu.memory_space<hbm>>
      %dma_wait3A_200 = tpu.memref_squeeze %dma_wait3A_199 : memref<1x320x64xf32, #tpu.memory_space<hbm>> -> memref<320x64xf32, #tpu.memory_space<hbm>>
      tpu.wait_dma2 semaphore(%run_scoped3A_188 : memref<!tpu.dma_semaphore, #tpu.memory_space<semaphore_mem>>) src(%arg11 : memref<320x64xf32, #tpu.memory_space<vmem>>) dst(%dma_wait3A_200 : memref<320x64xf32, #tpu.memory_space<hbm>>)
      tpu.yield
    }) : () -> ()
    %barrier3A_104 = arith.constant 0 : index
    tpu.barrier barrier_id(%barrier3A_104)
    %scan3A_105 = arith.constant 0 : i32
    %scan3A_106 = arith.constant 0 : i32
    %scan3A_107 = arith.constant 320 : i32
    %scan3A_108 = arith.addi %scan3A_106, %scan3A_107 : i32
    %scan3A_109 = arith.constant 1 : i32
    scf.for %scan3A_188 = %scan3A_106 to %scan3A_108 step %scan3A_109  : i32 {
      %broadcast_in_dim3A = arith.constant 0.000000e+00 : f32
      %broadcast_in_dim3A_189 = vector.broadcast %broadcast_in_dim3A : f32 to vector<16xf32>
      %swap3A = arith.index_cast %scan3A_188 : i32 to index
      %swap3A_190 = arith.constant 0 : index
      %swap3A_191 = tpu.vector_load %arg11[%swap3A, %swap3A_190] {strides = array<i32>} : memref<320x64xf32, #tpu.memory_space<vmem>>, vector<1x16xf32>,
      %swap3A_192 = vector.shape_cast %swap3A_191 : vector<1x16xf32> to vector<16xf32>
      %swap3A_193 = vector.shape_cast %broadcast_in_dim3A_189 : vector<16xf32> to vector<1x16xf32>
      tpu.vector_store %arg11[%swap3A, %swap3A_190], %swap3A_193 {strides = array<i32>} : memref<320x64xf32, #tpu.memory_space<vmem>>, vector<1x16xf32>,
      %broadcast_in_dim3A_194 = arith.constant 0.000000e+00 : f32
      %broadcast_in_dim3A_195 = vector.broadcast %broadcast_in_dim3A_194 : f32 to vector<16xf32>
      %swap3A_196 = arith.index_cast %scan3A_188 : i32 to index
      %swap3A_197 = arith.constant 16 : index
      %swap3A_198 = tpu.vector_load %arg11[%swap3A_196, %swap3A_197] {strides = array<i32>} : memref<320x64xf32, #tpu.memory_space<vmem>>, vector<1x16xf32>,
      %swap3A_199 = vector.shape_cast %swap3A_198 : vector<1x16xf32> to vector<16xf32>
      %swap3A_200 = vector.shape_cast %broadcast_in_dim3A_195 : vector<16xf32> to vector<1x16xf32>
      tpu.vector_store %arg11[%swap3A_196, %swap3A_197], %swap3A_200 {strides = array<i32>} : memref<320x64xf32, #tpu.memory_space<vmem>>, vector<1x16xf32>,
      %broadcast_in_dim3A_201 = arith.constant 0.000000e+00 : f32
      %broadcast_in_dim3A_202 = vector.broadcast %broadcast_in_dim3A_201 : f32 to vector<16xf32>
      %swap3A_203 = arith.index_cast %scan3A_188 : i32 to index
      %swap3A_204 = arith.constant 32 : index
      %swap3A_205 = tpu.vector_load %arg11[%swap3A_203, %swap3A_204] {strides = array<i32>} : memref<320x64xf32, #tpu.memory_space<vmem>>, vector<1x16xf32>,
      %swap3A_206 = vector.shape_cast %swap3A_205 : vector<1x16xf32> to vector<16xf32>
      %swap3A_207 = vector.shape_cast %broadcast_in_dim3A_202 : vector<16xf32> to vector<1x16xf32>
      tpu.vector_store %arg11[%swap3A_203, %swap3A_204], %swap3A_207 {strides = array<i32>} : memref<320x64xf32, #tpu.memory_space<vmem>>, vector<1x16xf32>,
      %broadcast_in_dim3A_208 = arith.constant 0.000000e+00 : f32
      %broadcast_in_dim3A_209 = vector.broadcast %broadcast_in_dim3A_208 : f32 to vector<16xf32>
      %swap3A_210 = arith.index_cast %scan3A_188 : i32 to index
      %swap3A_211 = arith.constant 48 : index
      %swap3A_212 = tpu.vector_load %arg11[%swap3A_210, %swap3A_211] {strides = array<i32>} : memref<320x64xf32, #tpu.memory_space<vmem>>, vector<1x16xf32>,
      %swap3A_213 = vector.shape_cast %swap3A_212 : vector<1x16xf32> to vector<16xf32>
      %swap3A_214 = vector.shape_cast %broadcast_in_dim3A_209 : vector<16xf32> to vector<1x16xf32>
      tpu.vector_store %arg11[%swap3A_210, %swap3A_211], %swap3A_214 {strides = array<i32>} : memref<320x64xf32, #tpu.memory_space<vmem>>, vector<1x16xf32>,
    }
    %scan3A_110 = arith.constant 320 : i32
    %mul3A_111 = arith.constant 632 : i32
    %mul3A_112 = arith.muli %arg1, %mul3A_111 : i32
    "tpu.region"() ({
      %run_scoped3A_188 = tpu.sem_alloc : memref<!tpu.dma_semaphore, #tpu.memory_space<semaphore_mem>>
      %dma_start3A_189 = arith.constant 0 : i32
      %dma_start3A_190 = tpu.memref_slice %arg9[%mul3A_112, %dma_start3A_189] : memref<10112x64xf32, #tpu.memory_space<vmem_shared>> -> memref<320x64xf32, #tpu.memory_space<vmem_shared>>
      %dma_start3A_191 = arith.constant 0 : i32
      %dma_start3A_192 = tpu.memref_slice %arg9[%mul3A_112, %dma_start3A_191] : memref<10112x64xf32, #tpu.memory_space<vmem_shared>> -> memref<320x64xf32, #tpu.memory_space<vmem_shared>>
      tpu.enqueue_dma source(%arg11 : memref<320x64xf32, #tpu.memory_space<vmem>>) target(%dma_start3A_192 : memref<320x64xf32, #tpu.memory_space<vmem_shared>>) target_semaphore(%run_scoped3A_188 : memref<!tpu.dma_semaphore, #tpu.memory_space<semaphore_mem>>)
      %dma_wait3A_193 = arith.constant 0 : i32
      %dma_wait3A_194 = tpu.memref_slice %arg9[%mul3A_112, %dma_wait3A_193] : memref<10112x64xf32, #tpu.memory_space<vmem_shared>> -> memref<320x64xf32, #tpu.memory_space<vmem_shared>>
      %dma_wait3A_195 = arith.constant 0 : i32
      %dma_wait3A_196 = tpu.memref_slice %arg9[%mul3A_112, %dma_wait3A_195] : memref<10112x64xf32, #tpu.memory_space<vmem_shared>> -> memref<320x64xf32, #tpu.memory_space<vmem_shared>>
      tpu.wait_dma2 semaphore(%run_scoped3A_188 : memref<!tpu.dma_semaphore, #tpu.memory_space<semaphore_mem>>) src(%arg11 : memref<320x64xf32, #tpu.memory_space<vmem>>) dst(%dma_wait3A_196 : memref<320x64xf32, #tpu.memory_space<vmem_shared>>)
      tpu.yield
    }) : () -> ()
    %mul3A_113 = arith.constant 632 : i32
    %mul3A_114 = arith.muli %arg1, %mul3A_113 : i32
    %add3A_115 = arith.constant 320 : i32
    %add3A_116 = arith.addi %mul3A_114, %add3A_115 : i32
    "tpu.region"() ({
      %run_scoped3A_188 = tpu.sem_alloc : memref<!tpu.dma_semaphore, #tpu.memory_space<semaphore_mem>>
      %dma_start3A_189 = arith.constant 0 : i32
      %dma_start3A_190 = arith.constant 0 : i32
      %dma_start3A_191 = tpu.memref_slice %arg11[%dma_start3A_189, %dma_start3A_190] : memref<320x64xf32, #tpu.memory_space<vmem>> -> memref<312x64xf32, #tpu.memory_space<vmem>>
      %dma_start3A_192 = arith.constant 0 : i32
      %dma_start3A_193 = tpu.memref_slice %arg9[%add3A_116, %dma_start3A_192] : memref<10112x64xf32, #tpu.memory_space<vmem_shared>> -> memref<312x64xf32, #tpu.memory_space<vmem_shared>>
      %dma_start3A_194 = arith.constant 0 : i32
      %dma_start3A_195 = tpu.memref_slice %arg9[%add3A_116, %dma_start3A_194] : memref<10112x64xf32, #tpu.memory_space<vmem_shared>> -> memref<312x64xf32, #tpu.memory_space<vmem_shared>>
      %dma_start3A_196 = arith.constant 0 : i32
      %dma_start3A_197 = arith.constant 0 : i32
      %dma_start3A_198 = tpu.memref_slice %arg11[%dma_start3A_196, %dma_start3A_197] : memref<320x64xf32, #tpu.memory_space<vmem>> -> memref<312x64xf32, #tpu.memory_space<vmem>>
      tpu.enqueue_dma source(%dma_start3A_198 : memref<312x64xf32, #tpu.memory_space<vmem>>) target(%dma_start3A_195 : memref<312x64xf32, #tpu.memory_space<vmem_shared>>) target_semaphore(%run_scoped3A_188 : memref<!tpu.dma_semaphore, #tpu.memory_space<semaphore_mem>>)
      %dma_wait3A_199 = arith.constant 0 : i32
      %dma_wait3A_200 = arith.constant 0 : i32
      %dma_wait3A_201 = tpu.memref_slice %arg11[%dma_wait3A_199, %dma_wait3A_200] : memref<320x64xf32, #tpu.memory_space<vmem>> -> memref<312x64xf32, #tpu.memory_space<vmem>>
      %dma_wait3A_202 = arith.constant 0 : i32
      %dma_wait3A_203 = tpu.memref_slice %arg9[%add3A_116, %dma_wait3A_202] : memref<10112x64xf32, #tpu.memory_space<vmem_shared>> -> memref<312x64xf32, #tpu.memory_space<vmem_shared>>
      %dma_wait3A_204 = arith.constant 0 : i32
      %dma_wait3A_205 = tpu.memref_slice %arg9[%add3A_116, %dma_wait3A_204] : memref<10112x64xf32, #tpu.memory_space<vmem_shared>> -> memref<312x64xf32, #tpu.memory_space<vmem_shared>>
      %dma_wait3A_206 = arith.constant 0 : i32
      %dma_wait3A_207 = arith.constant 0 : i32
      %dma_wait3A_208 = tpu.memref_slice %arg11[%dma_wait3A_206, %dma_wait3A_207] : memref<320x64xf32, #tpu.memory_space<vmem>> -> memref<312x64xf32, #tpu.memory_space<vmem>>
      tpu.wait_dma2 semaphore(%run_scoped3A_188 : memref<!tpu.dma_semaphore, #tpu.memory_space<semaphore_mem>>) src(%dma_wait3A_208 : memref<312x64xf32, #tpu.memory_space<vmem>>) dst(%dma_wait3A_205 : memref<312x64xf32, #tpu.memory_space<vmem_shared>>)
      tpu.yield
    }) : () -> ()
    %barrier3A_117 = arith.constant 0 : index
    tpu.barrier barrier_id(%barrier3A_117)
    %dma_start3A_118 = arith.constant 0 : i32
    %dma_start3A_119 = arith.constant 0 : i32
    %dma_start3A_120 = arith.constant 0 : i32
    %dma_start3A_121 = tpu.memref_slice %arg5[%arg1, %dma_start3A_118, %dma_start3A_119, %dma_start3A_120] : memref<16x95x2x216xi32, #tpu.memory_space<hbm>> -> memref<1x1x2x216xi32, #tpu.memory_space<hbm>>
    %dma_start3A_122 = tpu.memref_squeeze %dma_start3A_121 : memref<1x1x2x216xi32, #tpu.memory_space<hbm>> -> memref<2x216xi32, #tpu.memory_space<hbm>>
    %dma_start3A_123 = arith.constant 0 : i32
    %dma_start3A_124 = arith.constant 0 : i32
    %dma_start3A_125 = tpu.memref_slice %arg5[%arg1, %dma_start3A_118, %dma_start3A_123, %dma_start3A_124] : memref<16x95x2x216xi32, #tpu.memory_space<hbm>> -> memref<1x1x2x216xi32, #tpu.memory_space<hbm>>
    %dma_start3A_126 = tpu.memref_squeeze %dma_start3A_125 : memref<1x1x2x216xi32, #tpu.memory_space<hbm>> -> memref<2x216xi32, #tpu.memory_space<hbm>>
    tpu.enqueue_dma source(%dma_start3A_126 : memref<2x216xi32, #tpu.memory_space<hbm>>) target(%arg12 : memref<2x216xi32, #tpu.memory_space<vmem>>) target_semaphore(%arg19 : memref<!tpu.dma_semaphore, #tpu.memory_space<semaphore_mem>>)
    %dma_start3A_127 = arith.constant 1 : i32
    %dma_start3A_128 = arith.constant 0 : i32
    %dma_start3A_129 = arith.constant 0 : i32
    %dma_start3A_130 = tpu.memref_slice %arg5[%arg1, %dma_start3A_127, %dma_start3A_128, %dma_start3A_129] : memref<16x95x2x216xi32, #tpu.memory_space<hbm>> -> memref<1x1x2x216xi32, #tpu.memory_space<hbm>>
    %dma_start3A_131 = tpu.memref_squeeze %dma_start3A_130 : memref<1x1x2x216xi32, #tpu.memory_space<hbm>> -> memref<2x216xi32, #tpu.memory_space<hbm>>
    %dma_start3A_132 = arith.constant 0 : i32
    %dma_start3A_133 = arith.constant 0 : i32
    %dma_start3A_134 = tpu.memref_slice %arg5[%arg1, %dma_start3A_127, %dma_start3A_132, %dma_start3A_133] : memref<16x95x2x216xi32, #tpu.memory_space<hbm>> -> memref<1x1x2x216xi32, #tpu.memory_space<hbm>>
    %dma_start3A_135 = tpu.memref_squeeze %dma_start3A_134 : memref<1x1x2x216xi32, #tpu.memory_space<hbm>> -> memref<2x216xi32, #tpu.memory_space<hbm>>
    tpu.enqueue_dma source(%dma_start3A_135 : memref<2x216xi32, #tpu.memory_space<hbm>>) target(%arg13 : memref<2x216xi32, #tpu.memory_space<vmem>>) target_semaphore(%arg20 : memref<!tpu.dma_semaphore, #tpu.memory_space<semaphore_mem>>)
    %dma_wait3A_136 = arith.constant 0 : i32
    %dma_wait3A_137 = arith.constant 0 : i32
    %dma_wait3A_138 = arith.constant 0 : i32
    %dma_wait3A_139 = tpu.memref_slice %arg5[%arg1, %dma_wait3A_136, %dma_wait3A_137, %dma_wait3A_138] : memref<16x95x2x216xi32, #tpu.memory_space<hbm>> -> memref<1x1x2x216xi32, #tpu.memory_space<hbm>>
    %dma_wait3A_140 = tpu.memref_squeeze %dma_wait3A_139 : memref<1x1x2x216xi32, #tpu.memory_space<hbm>> -> memref<2x216xi32, #tpu.memory_space<hbm>>
    %dma_wait3A_141 = arith.constant 0 : i32
    %dma_wait3A_142 = arith.constant 0 : i32
    %dma_wait3A_143 = tpu.memref_slice %arg5[%arg1, %dma_wait3A_136, %dma_wait3A_141, %dma_wait3A_142] : memref<16x95x2x216xi32, #tpu.memory_space<hbm>> -> memref<1x1x2x216xi32, #tpu.memory_space<hbm>>
    %dma_wait3A_144 = tpu.memref_squeeze %dma_wait3A_143 : memref<1x1x2x216xi32, #tpu.memory_space<hbm>> -> memref<2x216xi32, #tpu.memory_space<hbm>>
    tpu.wait_dma2 semaphore(%arg19 : memref<!tpu.dma_semaphore, #tpu.memory_space<semaphore_mem>>) src(%dma_wait3A_144 : memref<2x216xi32, #tpu.memory_space<hbm>>) dst(%arg12 : memref<2x216xi32, #tpu.memory_space<vmem>>)
    %dma_start3A_145 = arith.constant 1 : i32
    %dma_start3A_146 = arith.constant 0 : i32
    %dma_start3A_147 = tpu.memref_slice %arg12[%dma_start3A_145, %dma_start3A_146] : memref<2x216xi32, #tpu.memory_space<vmem>> -> memref<1x216xi32, #tpu.memory_space<vmem>>
    %dma_start3A_148 = tpu.memref_squeeze %dma_start3A_147 : memref<1x216xi32, #tpu.memory_space<vmem>> -> memref<216xi32, #tpu.memory_space<vmem>>
    %dma_start3A_149 = arith.constant 0 : i32
    %dma_start3A_150 = arith.constant 0 : i32
    %dma_start3A_151 = tpu.memref_slice %arg7[%arg0, %dma_start3A_149, %dma_start3A_150] : memref<2x5120x64xf32, #tpu.memory_space<hbm>> -> memref<1x5120x64xf32, #tpu.memory_space<hbm>>
    %dma_start3A_152 = tpu.memref_squeeze %dma_start3A_151 : memref<1x5120x64xf32, #tpu.memory_space<hbm>> -> memref<5120x64xf32, #tpu.memory_space<hbm>>
    %dma_start3A_153 = arith.constant 0 : i32
    %dma_start3A_154 = arith.constant 0 : i32
    %dma_start3A_155 = tpu.memref_slice %dma_start3A_152[%dma_start3A_153, %dma_start3A_154] : memref<5120x64xf32, #tpu.memory_space<hbm>> -> memref<5120x64xf32, #tpu.memory_space<hbm>>
    tpu.enqueue_indirect_dma source(%dma_start3A_155 : memref<5120x64xf32, #tpu.memory_space<hbm>>) target(%arg14 : memref<216x64xf32, #tpu.memory_space<vmem>>) offsets(%dma_start3A_148 : memref<216xi32, #tpu.memory_space<vmem>>) semaphore(%arg17 : memref<!tpu.dma_semaphore, #tpu.memory_space<semaphore_mem>>)
    %scan3A_156 = arith.constant 0 : i32
    %scan3A_157 = arith.constant 0 : i32
    %scan3A_158 = arith.constant 46 : i32
    %scan3A_159 = arith.addi %scan3A_157, %scan3A_158 : i32
    %scan3A_160 = arith.constant 1 : i32
    scf.for %scan3A_188 = %scan3A_157 to %scan3A_159 step %scan3A_160  : i32 {
      %mul3A_189 = arith.constant 2 : i32
      %mul3A_190 = arith.muli %scan3A_188, %mul3A_189 : i32
      %add3A_191 = arith.constant 0 : i32
      %add3A_192 = arith.addi %mul3A_190, %add3A_191 : i32
      %add3A_193 = arith.constant 1 : i32
      %add3A_194 = arith.addi %add3A_192, %add3A_193 : i32
      %dma_wait3A_195 = arith.constant 0 : i32
      %dma_wait3A_196 = arith.constant 0 : i32
      %dma_wait3A_197 = tpu.memref_slice %arg5[%arg1, %add3A_194, %dma_wait3A_195, %dma_wait3A_196] : memref<16x95x2x216xi32, #tpu.memory_space<hbm>> -> memref<1x1x2x216xi32, #tpu.memory_space<hbm>>
      %dma_wait3A_198 = tpu.memref_squeeze %dma_wait3A_197 : memref<1x1x2x216xi32, #tpu.memory_space<hbm>> -> memref<2x216xi32, #tpu.memory_space<hbm>>
      %dma_wait3A_199 = arith.constant 0 : i32
      %dma_wait3A_200 = arith.constant 0 : i32
      %dma_wait3A_201 = tpu.memref_slice %arg5[%arg1, %add3A_194, %dma_wait3A_199, %dma_wait3A_200] : memref<16x95x2x216xi32, #tpu.memory_space<hbm>> -> memref<1x1x2x216xi32, #tpu.memory_space<hbm>>
      %dma_wait3A_202 = tpu.memref_squeeze %dma_wait3A_201 : memref<1x1x2x216xi32, #tpu.memory_space<hbm>> -> memref<2x216xi32, #tpu.memory_space<hbm>>
      tpu.wait_dma2 semaphore(%arg20 : memref<!tpu.dma_semaphore, #tpu.memory_space<semaphore_mem>>) src(%dma_wait3A_202 : memref<2x216xi32, #tpu.memory_space<hbm>>) dst(%arg13 : memref<2x216xi32, #tpu.memory_space<vmem>>)
      %dma_start3A_203 = arith.constant 1 : i32
      %dma_start3A_204 = arith.constant 0 : i32
      %dma_start3A_205 = tpu.memref_slice %arg13[%dma_start3A_203, %dma_start3A_204] : memref<2x216xi32, #tpu.memory_space<vmem>> -> memref<1x216xi32, #tpu.memory_space<vmem>>
      %dma_start3A_206 = tpu.memref_squeeze %dma_start3A_205 : memref<1x216xi32, #tpu.memory_space<vmem>> -> memref<216xi32, #tpu.memory_space<vmem>>
      %dma_start3A_207 = arith.constant 0 : i32
      %dma_start3A_208 = arith.constant 0 : i32
      %dma_start3A_209 = tpu.memref_slice %arg7[%arg0, %dma_start3A_207, %dma_start3A_208] : memref<2x5120x64xf32, #tpu.memory_space<hbm>> -> memref<1x5120x64xf32, #tpu.memory_space<hbm>>
      %dma_start3A_210 = tpu.memref_squeeze %dma_start3A_209 : memref<1x5120x64xf32, #tpu.memory_space<hbm>> -> memref<5120x64xf32, #tpu.memory_space<hbm>>
      %dma_start3A_211 = arith.constant 0 : i32
      %dma_start3A_212 = arith.constant 0 : i32
      %dma_start3A_213 = tpu.memref_slice %dma_start3A_210[%dma_start3A_211, %dma_start3A_212] : memref<5120x64xf32, #tpu.memory_space<hbm>> -> memref<5120x64xf32, #tpu.memory_space<hbm>>
      tpu.enqueue_indirect_dma source(%dma_start3A_213 : memref<5120x64xf32, #tpu.memory_space<hbm>>) target(%arg15 : memref<216x64xf32, #tpu.memory_space<vmem>>) offsets(%dma_start3A_206 : memref<216xi32, #tpu.memory_space<vmem>>) semaphore(%arg18 : memref<!tpu.dma_semaphore, #tpu.memory_space<semaphore_mem>>)
      %dma_wait3A_214 = arith.constant 1 : i32
      %dma_wait3A_215 = arith.constant 0 : i32
      %dma_wait3A_216 = tpu.memref_slice %arg12[%dma_wait3A_214, %dma_wait3A_215] : memref<2x216xi32, #tpu.memory_space<vmem>> -> memref<1x216xi32, #tpu.memory_space<vmem>>
      %dma_wait3A_217 = tpu.memref_squeeze %dma_wait3A_216 : memref<1x216xi32, #tpu.memory_space<vmem>> -> memref<216xi32, #tpu.memory_space<vmem>>
      %dma_wait3A_218 = arith.constant 0 : i32
      %dma_wait3A_219 = arith.constant 0 : i32
      %dma_wait3A_220 = tpu.memref_slice %arg7[%arg0, %dma_wait3A_218, %dma_wait3A_219] : memref<2x5120x64xf32, #tpu.memory_space<hbm>> -> memref<1x5120x64xf32, #tpu.memory_space<hbm>>
      %dma_wait3A_221 = tpu.memref_squeeze %dma_wait3A_220 : memref<1x5120x64xf32, #tpu.memory_space<hbm>> -> memref<5120x64xf32, #tpu.memory_space<hbm>>
      %dma_wait3A_222 = arith.constant 0 : i32
      %dma_wait3A_223 = arith.constant 0 : i32
      %dma_wait3A_224 = tpu.memref_slice %dma_wait3A_221[%dma_wait3A_222, %dma_wait3A_223] : memref<5120x64xf32, #tpu.memory_space<hbm>> -> memref<5120x64xf32, #tpu.memory_space<hbm>>
      tpu.wait_indirect_dma semaphore(%arg17 : memref<!tpu.dma_semaphore, #tpu.memory_space<semaphore_mem>>) src(%dma_wait3A_224 : memref<5120x64xf32, #tpu.memory_space<hbm>>) dst(%arg14 : memref<216x64xf32, #tpu.memory_space<vmem>>)
      %run_scoped3A_225 = arith.constant 0 : i32
      "tpu.region"() ({
        %run_scoped3A_283 = tpu.sem_alloc : memref<!tpu.dma_semaphore, #tpu.memory_space<semaphore_mem>>
        %dma_start3A_284 = arith.constant 0 : i32
        %dma_start3A_285 = tpu.memref_slice %arg12[%run_scoped3A_225, %dma_start3A_284] : memref<2x216xi32, #tpu.memory_space<vmem>> -> memref<1x216xi32, #tpu.memory_space<vmem>>
        %dma_start3A_286 = tpu.memref_squeeze %dma_start3A_285 : memref<1x216xi32, #tpu.memory_space<vmem>> -> memref<216xi32, #tpu.memory_space<vmem>>
        %dma_start3A_287 = arith.constant 0 : i32
        %dma_start3A_288 = arith.constant 0 : i32
        %dma_start3A_289 = tpu.memref_slice %arg9[%dma_start3A_287, %dma_start3A_288] : memref<10112x64xf32, #tpu.memory_space<vmem_shared>> -> memref<10112x64xf32, #tpu.memory_space<vmem_shared>>
        tpu.enqueue_indirect_dma source(%arg14 : memref<216x64xf32, #tpu.memory_space<vmem>>) target(%dma_start3A_289 : memref<10112x64xf32, #tpu.memory_space<vmem_shared>>) offsets(%dma_start3A_286 : memref<216xi32, #tpu.memory_space<vmem>>) semaphore(%run_scoped3A_283 : memref<!tpu.dma_semaphore, #tpu.memory_space<semaphore_mem>>) {add = true}
        %dma_wait3A_290 = arith.constant 0 : i32
        %dma_wait3A_291 = tpu.memref_slice %arg12[%run_scoped3A_225, %dma_wait3A_290] : memref<2x216xi32, #tpu.memory_space<vmem>> -> memref<1x216xi32, #tpu.memory_space<vmem>>
        %dma_wait3A_292 = tpu.memref_squeeze %dma_wait3A_291 : memref<1x216xi32, #tpu.memory_space<vmem>> -> memref<216xi32, #tpu.memory_space<vmem>>
        %dma_wait3A_293 = arith.constant 0 : i32
        %dma_wait3A_294 = arith.constant 0 : i32
        %dma_wait3A_295 = tpu.memref_slice %arg9[%dma_wait3A_293, %dma_wait3A_294] : memref<10112x64xf32, #tpu.memory_space<vmem_shared>> -> memref<10112x64xf32, #tpu.memory_space<vmem_shared>>
        tpu.wait_indirect_dma semaphore(%run_scoped3A_283 : memref<!tpu.dma_semaphore, #tpu.memory_space<semaphore_mem>>) src(%arg14 : memref<216x64xf32, #tpu.memory_space<vmem>>) dst(%dma_wait3A_295 : memref<10112x64xf32, #tpu.memory_space<vmem_shared>>)
        tpu.yield
      }) : () -> ()
      %add3A_226 = arith.constant 2 : i32
      %add3A_227 = arith.addi %add3A_192, %add3A_226 : i32
      %dma_start3A_228 = arith.constant 0 : i32
      %dma_start3A_229 = arith.constant 0 : i32
      %dma_start3A_230 = tpu.memref_slice %arg5[%arg1, %add3A_227, %dma_start3A_228, %dma_start3A_229] : memref<16x95x2x216xi32, #tpu.memory_space<hbm>> -> memref<1x1x2x216xi32, #tpu.memory_space<hbm>>
      %dma_start3A_231 = tpu.memref_squeeze %dma_start3A_230 : memref<1x1x2x216xi32, #tpu.memory_space<hbm>> -> memref<2x216xi32, #tpu.memory_space<hbm>>
      %dma_start3A_232 = arith.constant 0 : i32
      %dma_start3A_233 = arith.constant 0 : i32
      %dma_start3A_234 = tpu.memref_slice %arg5[%arg1, %add3A_227, %dma_start3A_232, %dma_start3A_233] : memref<16x95x2x216xi32, #tpu.memory_space<hbm>> -> memref<1x1x2x216xi32, #tpu.memory_space<hbm>>
      %dma_start3A_235 = tpu.memref_squeeze %dma_start3A_234 : memref<1x1x2x216xi32, #tpu.memory_space<hbm>> -> memref<2x216xi32, #tpu.memory_space<hbm>>
      tpu.enqueue_dma source(%dma_start3A_235 : memref<2x216xi32, #tpu.memory_space<hbm>>) target(%arg12 : memref<2x216xi32, #tpu.memory_space<vmem>>) target_semaphore(%arg19 : memref<!tpu.dma_semaphore, #tpu.memory_space<semaphore_mem>>)
      %mul3A_236 = arith.constant 2 : i32
      %mul3A_237 = arith.muli %scan3A_188, %mul3A_236 : i32
      %add3A_238 = arith.constant 1 : i32
      %add3A_239 = arith.addi %mul3A_237, %add3A_238 : i32
      %add3A_240 = arith.constant 1 : i32
      %add3A_241 = arith.addi %add3A_239, %add3A_240 : i32
      %dma_wait3A_242 = arith.constant 0 : i32
      %dma_wait3A_243 = arith.constant 0 : i32
      %dma_wait3A_244 = tpu.memref_slice %arg5[%arg1, %add3A_241, %dma_wait3A_242, %dma_wait3A_243] : memref<16x95x2x216xi32, #tpu.memory_space<hbm>> -> memref<1x1x2x216xi32, #tpu.memory_space<hbm>>
      %dma_wait3A_245 = tpu.memref_squeeze %dma_wait3A_244 : memref<1x1x2x216xi32, #tpu.memory_space<hbm>> -> memref<2x216xi32, #tpu.memory_space<hbm>>
      %dma_wait3A_246 = arith.constant 0 : i32
      %dma_wait3A_247 = arith.constant 0 : i32
      %dma_wait3A_248 = tpu.memref_slice %arg5[%arg1, %add3A_241, %dma_wait3A_246, %dma_wait3A_247] : memref<16x95x2x216xi32, #tpu.memory_space<hbm>> -> memref<1x1x2x216xi32, #tpu.memory_space<hbm>>
      %dma_wait3A_249 = tpu.memref_squeeze %dma_wait3A_248 : memref<1x1x2x216xi32, #tpu.memory_space<hbm>> -> memref<2x216xi32, #tpu.memory_space<hbm>>
      tpu.wait_dma2 semaphore(%arg19 : memref<!tpu.dma_semaphore, #tpu.memory_space<semaphore_mem>>) src(%dma_wait3A_249 : memref<2x216xi32, #tpu.memory_space<hbm>>) dst(%arg12 : memref<2x216xi32, #tpu.memory_space<vmem>>)
      %dma_start3A_250 = arith.constant 1 : i32
      %dma_start3A_251 = arith.constant 0 : i32
      %dma_start3A_252 = tpu.memref_slice %arg12[%dma_start3A_250, %dma_start3A_251] : memref<2x216xi32, #tpu.memory_space<vmem>> -> memref<1x216xi32, #tpu.memory_space<vmem>>
      %dma_start3A_253 = tpu.memref_squeeze %dma_start3A_252 : memref<1x216xi32, #tpu.memory_space<vmem>> -> memref<216xi32, #tpu.memory_space<vmem>>
      %dma_start3A_254 = arith.constant 0 : i32
      %dma_start3A_255 = arith.constant 0 : i32
      %dma_start3A_256 = tpu.memref_slice %arg7[%arg0, %dma_start3A_254, %dma_start3A_255] : memref<2x5120x64xf32, #tpu.memory_space<hbm>> -> memref<1x5120x64xf32, #tpu.memory_space<hbm>>
      %dma_start3A_257 = tpu.memref_squeeze %dma_start3A_256 : memref<1x5120x64xf32, #tpu.memory_space<hbm>> -> memref<5120x64xf32, #tpu.memory_space<hbm>>
      %dma_start3A_258 = arith.constant 0 : i32
      %dma_start3A_259 = arith.constant 0 : i32
      %dma_start3A_260 = tpu.memref_slice %dma_start3A_257[%dma_start3A_258, %dma_start3A_259] : memref<5120x64xf32, #tpu.memory_space<hbm>> -> memref<5120x64xf32, #tpu.memory_space<hbm>>
      tpu.enqueue_indirect_dma source(%dma_start3A_260 : memref<5120x64xf32, #tpu.memory_space<hbm>>) target(%arg14 : memref<216x64xf32, #tpu.memory_space<vmem>>) offsets(%dma_start3A_253 : memref<216xi32, #tpu.memory_space<vmem>>) semaphore(%arg17 : memref<!tpu.dma_semaphore, #tpu.memory_space<semaphore_mem>>)
      %dma_wait3A_261 = arith.constant 1 : i32
      %dma_wait3A_262 = arith.constant 0 : i32
      %dma_wait3A_263 = tpu.memref_slice %arg13[%dma_wait3A_261, %dma_wait3A_262] : memref<2x216xi32, #tpu.memory_space<vmem>> -> memref<1x216xi32, #tpu.memory_space<vmem>>
      %dma_wait3A_264 = tpu.memref_squeeze %dma_wait3A_263 : memref<1x216xi32, #tpu.memory_space<vmem>> -> memref<216xi32, #tpu.memory_space<vmem>>
      %dma_wait3A_265 = arith.constant 0 : i32
      %dma_wait3A_266 = arith.constant 0 : i32
      %dma_wait3A_267 = tpu.memref_slice %arg7[%arg0, %dma_wait3A_265, %dma_wait3A_266] : memref<2x5120x64xf32, #tpu.memory_space<hbm>> -> memref<1x5120x64xf32, #tpu.memory_space<hbm>>
      %dma_wait3A_268 = tpu.memref_squeeze %dma_wait3A_267 : memref<1x5120x64xf32, #tpu.memory_space<hbm>> -> memref<5120x64xf32, #tpu.memory_space<hbm>>
      %dma_wait3A_269 = arith.constant 0 : i32
      %dma_wait3A_270 = arith.constant 0 : i32
      %dma_wait3A_271 = tpu.memref_slice %dma_wait3A_268[%dma_wait3A_269, %dma_wait3A_270] : memref<5120x64xf32, #tpu.memory_space<hbm>> -> memref<5120x64xf32, #tpu.memory_space<hbm>>
      tpu.wait_indirect_dma semaphore(%arg18 : memref<!tpu.dma_semaphore, #tpu.memory_space<semaphore_mem>>) src(%dma_wait3A_271 : memref<5120x64xf32, #tpu.memory_space<hbm>>) dst(%arg15 : memref<216x64xf32, #tpu.memory_space<vmem>>)
      %run_scoped3A_272 = arith.constant 0 : i32
      "tpu.region"() ({
        %run_scoped3A_283 = tpu.sem_alloc : memref<!tpu.dma_semaphore, #tpu.memory_space<semaphore_mem>>
        %dma_start3A_284 = arith.constant 0 : i32
        %dma_start3A_285 = tpu.memref_slice %arg13[%run_scoped3A_272, %dma_start3A_284] : memref<2x216xi32, #tpu.memory_space<vmem>> -> memref<1x216xi32, #tpu.memory_space<vmem>>
        %dma_start3A_286 = tpu.memref_squeeze %dma_start3A_285 : memref<1x216xi32, #tpu.memory_space<vmem>> -> memref<216xi32, #tpu.memory_space<vmem>>
        %dma_start3A_287 = arith.constant 0 : i32
        %dma_start3A_288 = arith.constant 0 : i32
        %dma_start3A_289 = tpu.memref_slice %arg9[%dma_start3A_287, %dma_start3A_288] : memref<10112x64xf32, #tpu.memory_space<vmem_shared>> -> memref<10112x64xf32, #tpu.memory_space<vmem_shared>>
        tpu.enqueue_indirect_dma source(%arg15 : memref<216x64xf32, #tpu.memory_space<vmem>>) target(%dma_start3A_289 : memref<10112x64xf32, #tpu.memory_space<vmem_shared>>) offsets(%dma_start3A_286 : memref<216xi32, #tpu.memory_space<vmem>>) semaphore(%run_scoped3A_283 : memref<!tpu.dma_semaphore, #tpu.memory_space<semaphore_mem>>) {add = true}
        %dma_wait3A_290 = arith.constant 0 : i32
        %dma_wait3A_291 = tpu.memref_slice %arg13[%run_scoped3A_272, %dma_wait3A_290] : memref<2x216xi32, #tpu.memory_space<vmem>> -> memref<1x216xi32, #tpu.memory_space<vmem>>
        %dma_wait3A_292 = tpu.memref_squeeze %dma_wait3A_291 : memref<1x216xi32, #tpu.memory_space<vmem>> -> memref<216xi32, #tpu.memory_space<vmem>>
        %dma_wait3A_293 = arith.constant 0 : i32
        %dma_wait3A_294 = arith.constant 0 : i32
        %dma_wait3A_295 = tpu.memref_slice %arg9[%dma_wait3A_293, %dma_wait3A_294] : memref<10112x64xf32, #tpu.memory_space<vmem_shared>> -> memref<10112x64xf32, #tpu.memory_space<vmem_shared>>
        tpu.wait_indirect_dma semaphore(%run_scoped3A_283 : memref<!tpu.dma_semaphore, #tpu.memory_space<semaphore_mem>>) src(%arg15 : memref<216x64xf32, #tpu.memory_space<vmem>>) dst(%dma_wait3A_295 : memref<10112x64xf32, #tpu.memory_space<vmem_shared>>)
        tpu.yield
      }) : () -> ()
      %add3A_273 = arith.constant 2 : i32
      %add3A_274 = arith.addi %add3A_239, %add3A_273 : i32
      %dma_start3A_275 = arith.constant 0 : i32
      %dma_start3A_276 = arith.constant 0 : i32
      %dma_start3A_277 = tpu.memref_slice %arg5[%arg1, %add3A_274, %dma_start3A_275, %dma_start3A_276] : memref<16x95x2x216xi32, #tpu.memory_space<hbm>> -> memref<1x1x2x216xi32, #tpu.memory_space<hbm>>
      %dma_start3A_278 = tpu.memref_squeeze %dma_start3A_277 : memref<1x1x2x216xi32, #tpu.memory_space<hbm>> -> memref<2x216xi32, #tpu.memory_space<hbm>>
      %dma_start3A_279 = arith.constant 0 : i32
      %dma_start3A_280 = arith.constant 0 : i32
      %dma_start3A_281 = tpu.memref_slice %arg5[%arg1, %add3A_274, %dma_start3A_279, %dma_start3A_280] : memref<16x95x2x216xi32, #tpu.memory_space<hbm>> -> memref<1x1x2x216xi32, #tpu.memory_space<hbm>>
      %dma_start3A_282 = tpu.memref_squeeze %dma_start3A_281 : memref<1x1x2x216xi32, #tpu.memory_space<hbm>> -> memref<2x216xi32, #tpu.memory_space<hbm>>
      tpu.enqueue_dma source(%dma_start3A_282 : memref<2x216xi32, #tpu.memory_space<hbm>>) target(%arg13 : memref<2x216xi32, #tpu.memory_space<vmem>>) target_semaphore(%arg20 : memref<!tpu.dma_semaphore, #tpu.memory_space<semaphore_mem>>)
    }
    %scan3A_161 = arith.constant 46 : i32
    %dma_wait3A_162 = arith.constant 1 : i32
    %dma_wait3A_163 = arith.constant 0 : i32
    %dma_wait3A_164 = tpu.memref_slice %arg12[%dma_wait3A_162, %dma_wait3A_163] : memref<2x216xi32, #tpu.memory_space<vmem>> -> memref<1x216xi32, #tpu.memory_space<vmem>>
    %dma_wait3A_165 = tpu.memref_squeeze %dma_wait3A_164 : memref<1x216xi32, #tpu.memory_space<vmem>> -> memref<216xi32, #tpu.memory_space<vmem>>
    %dma_wait3A_166 = arith.constant 0 : i32
    %dma_wait3A_167 = arith.constant 0 : i32
    %dma_wait3A_168 = tpu.memref_slice %arg7[%arg0, %dma_wait3A_166, %dma_wait3A_167] : memref<2x5120x64xf32, #tpu.memory_space<hbm>> -> memref<1x5120x64xf32, #tpu.memory_space<hbm>>
    %dma_wait3A_169 = tpu.memref_squeeze %dma_wait3A_168 : memref<1x5120x64xf32, #tpu.memory_space<hbm>> -> memref<5120x64xf32, #tpu.memory_space<hbm>>
    %dma_wait3A_170 = arith.constant 0 : i32
    %dma_wait3A_171 = arith.constant 0 : i32
    %dma_wait3A_172 = tpu.memref_slice %dma_wait3A_169[%dma_wait3A_170, %dma_wait3A_171] : memref<5120x64xf32, #tpu.memory_space<hbm>> -> memref<5120x64xf32, #tpu.memory_space<hbm>>
    tpu.wait_indirect_dma semaphore(%arg17 : memref<!tpu.dma_semaphore, #tpu.memory_space<semaphore_mem>>) src(%dma_wait3A_172 : memref<5120x64xf32, #tpu.memory_space<hbm>>) dst(%arg14 : memref<216x64xf32, #tpu.memory_space<vmem>>)
    %run_scoped3A_173 = arith.constant 0 : i32
    "tpu.region"() ({
      %run_scoped3A_188 = tpu.sem_alloc : memref<!tpu.dma_semaphore, #tpu.memory_space<semaphore_mem>>
      %dma_start3A_189 = arith.constant 0 : i32
      %dma_start3A_190 = tpu.memref_slice %arg12[%run_scoped3A_173, %dma_start3A_189] : memref<2x216xi32, #tpu.memory_space<vmem>> -> memref<1x216xi32, #tpu.memory_space<vmem>>
      %dma_start3A_191 = tpu.memref_squeeze %dma_start3A_190 : memref<1x216xi32, #tpu.memory_space<vmem>> -> memref<216xi32, #tpu.memory_space<vmem>>
      %dma_start3A_192 = arith.constant 0 : i32
      %dma_start3A_193 = arith.constant 0 : i32
      %dma_start3A_194 = tpu.memref_slice %arg9[%dma_start3A_192, %dma_start3A_193] : memref<10112x64xf32, #tpu.memory_space<vmem_shared>> -> memref<10112x64xf32, #tpu.memory_space<vmem_shared>>
      tpu.enqueue_indirect_dma source(%arg14 : memref<216x64xf32, #tpu.memory_space<vmem>>) target(%dma_start3A_194 : memref<10112x64xf32, #tpu.memory_space<vmem_shared>>) offsets(%dma_start3A_191 : memref<216xi32, #tpu.memory_space<vmem>>) semaphore(%run_scoped3A_188 : memref<!tpu.dma_semaphore, #tpu.memory_space<semaphore_mem>>) {add = true}
      %dma_wait3A_195 = arith.constant 0 : i32
      %dma_wait3A_196 = tpu.memref_slice %arg12[%run_scoped3A_173, %dma_wait3A_195] : memref<2x216xi32, #tpu.memory_space<vmem>> -> memref<1x216xi32, #tpu.memory_space<vmem>>
      %dma_wait3A_197 = tpu.memref_squeeze %dma_wait3A_196 : memref<1x216xi32, #tpu.memory_space<vmem>> -> memref<216xi32, #tpu.memory_space<vmem>>
      %dma_wait3A_198 = arith.constant 0 : i32
      %dma_wait3A_199 = arith.constant 0 : i32
      %dma_wait3A_200 = tpu.memref_slice %arg9[%dma_wait3A_198, %dma_wait3A_199] : memref<10112x64xf32, #tpu.memory_space<vmem_shared>> -> memref<10112x64xf32, #tpu.memory_space<vmem_shared>>
      tpu.wait_indirect_dma semaphore(%run_scoped3A_188 : memref<!tpu.dma_semaphore, #tpu.memory_space<semaphore_mem>>) src(%arg14 : memref<216x64xf32, #tpu.memory_space<vmem>>) dst(%dma_wait3A_200 : memref<10112x64xf32, #tpu.memory_space<vmem_shared>>)
      tpu.yield
    }) : () -> ()
    %dma_wait3A_174 = arith.constant 0 : i32
    %dma_wait3A_175 = arith.constant 0 : i32
    %dma_wait3A_176 = arith.constant 0 : i32
    %dma_wait3A_177 = tpu.memref_slice %arg5[%arg1, %dma_wait3A_174, %dma_wait3A_175, %dma_wait3A_176] : memref<16x95x2x216xi32, #tpu.memory_space<hbm>> -> memref<1x1x2x216xi32, #tpu.memory_space<hbm>>
    %dma_wait3A_178 = tpu.memref_squeeze %dma_wait3A_177 : memref<1x1x2x216xi32, #tpu.memory_space<hbm>> -> memref<2x216xi32, #tpu.memory_space<hbm>>
    %dma_wait3A_179 = arith.constant 0 : i32
    %dma_wait3A_180 = arith.constant 0 : i32
    %dma_wait3A_181 = tpu.memref_slice %arg5[%arg1, %dma_wait3A_174, %dma_wait3A_179, %dma_wait3A_180] : memref<16x95x2x216xi32, #tpu.memory_space<hbm>> -> memref<1x1x2x216xi32, #tpu.memory_space<hbm>>
    %dma_wait3A_182 = tpu.memref_squeeze %dma_wait3A_181 : memref<1x1x2x216xi32, #tpu.memory_space<hbm>> -> memref<2x216xi32, #tpu.memory_space<hbm>>
    tpu.wait_dma2 semaphore(%arg20 : memref<!tpu.dma_semaphore, #tpu.memory_space<semaphore_mem>>) src(%dma_wait3A_182 : memref<2x216xi32, #tpu.memory_space<hbm>>) dst(%arg13 : memref<2x216xi32, #tpu.memory_space<vmem>>)
    %barrier3A_183 = arith.constant 0 : index
    tpu.barrier barrier_id(%barrier3A_183)
    %mul3A_184 = arith.constant 632 : i32
    %mul3A_185 = arith.muli %arg1, %mul3A_184 : i32
    %mul3A_186 = arith.constant 632 : i32
    %mul3A_187 = arith.muli %arg1, %mul3A_186 : i32
    "tpu.region"() ({
      %run_scoped3A_188 = tpu.sem_alloc : memref<!tpu.dma_semaphore, #tpu.memory_space<semaphore_mem>>
      %dma_start3A_189 = arith.constant 0 : i32
      %dma_start3A_190 = tpu.memref_slice %arg8[%arg0, %mul3A_187, %dma_start3A_189] : memref<2x10112x64xf32, #tpu.memory_space<hbm>> -> memref<1x632x64xf32, #tpu.memory_space<hbm>>
      %dma_start3A_191 = tpu.memref_squeeze %dma_start3A_190 : memref<1x632x64xf32, #tpu.memory_space<hbm>> -> memref<632x64xf32, #tpu.memory_space<hbm>>
      %dma_start3A_192 = arith.constant 0 : i32
      %dma_start3A_193 = tpu.memref_slice %arg9[%mul3A_185, %dma_start3A_192] : memref<10112x64xf32, #tpu.memory_space<vmem_shared>> -> memref<632x64xf32, #tpu.memory_space<vmem_shared>>
      tpu.enqueue_dma source(%dma_start3A_193 : memref<632x64xf32, #tpu.memory_space<vmem_shared>>) target(%dma_start3A_191 : memref<632x64xf32, #tpu.memory_space<hbm>>) target_semaphore(%run_scoped3A_188 : memref<!tpu.dma_semaphore, #tpu.memory_space<semaphore_mem>>)
      %dma_wait3A_194 = arith.constant 0 : i32
      %dma_wait3A_195 = tpu.memref_slice %arg8[%arg0, %mul3A_187, %dma_wait3A_194] : memref<2x10112x64xf32, #tpu.memory_space<hbm>> -> memref<1x632x64xf32, #tpu.memory_space<hbm>>
      %dma_wait3A_196 = tpu.memref_squeeze %dma_wait3A_195 : memref<1x632x64xf32, #tpu.memory_space<hbm>> -> memref<632x64xf32, #tpu.memory_space<hbm>>
      %dma_wait3A_197 = arith.constant 0 : i32
      %dma_wait3A_198 = tpu.memref_slice %arg9[%mul3A_185, %dma_wait3A_197] : memref<10112x64xf32, #tpu.memory_space<vmem_shared>> -> memref<632x64xf32, #tpu.memory_space<vmem_shared>>
      tpu.wait_dma2 semaphore(%run_scoped3A_188 : memref<!tpu.dma_semaphore, #tpu.memory_space<semaphore_mem>>) src(%dma_wait3A_198 : memref<632x64xf32, #tpu.memory_space<vmem_shared>>) dst(%dma_wait3A_196 : memref<632x64xf32, #tpu.memory_space<hbm>>)
      tpu.yield
    }) : () -> ()
    return
  }
}

module attributes {stable_mosaic.version = 14 : i64} {
  func.func @_fin_body(%arg0: i32, %arg1: memref<2x2000x64xf32, #tpu.memory_space<vmem>>, %arg2: memref<2000x1xf32, #tpu.memory_space<vmem>>, %arg3: memref<128x128xf32, #tpu.memory_space<vmem>>, %arg4: memref<1x128xf32, #tpu.memory_space<vmem>>, %arg5: memref<2000x128xf32, #tpu.memory_space<vmem>>) attributes {dimension_semantics = [#tpu.dimension_semantics<arbitrary>], iteration_bounds = array<i64: 5>, scalar_prefetch = 0 : i64, scratch_operands = 0 : i64, tpu.core_type = #tpu.core_type<tc>, window_params = [{transform_indices = @transform_0, window_bounds = array<i64: 2, 2000, 64>}, {transform_indices = @transform_1, window_bounds = array<i64: 2000, 1>}, {pipeline_mode = #tpu.pipeline_mode<synchronous>, transform_indices = @transform_2, window_bounds = array<i64: 128, 128>}, {pipeline_mode = #tpu.pipeline_mode<synchronous>, transform_indices = @transform_3, window_bounds = array<i64: 1, 128>}, {transform_indices = @transform_4, window_bounds = array<i64: 2000, 128>}]} {
    %get3A = arith.constant 0 : index
    %get3A_0 = arith.constant 0 : index
    %get3A_1 = arith.constant 0 : index
    %get3A_2 = vector.load %arg1[%get3A, %get3A_0, %get3A_1] : memref<2x2000x64xf32, #tpu.memory_space<vmem>>, vector<2x2000x64xf32>
    %slice3A = vector.extract_strided_slice %get3A_2 {offsets = [0, 0, 0], sizes = [1, 2000, 64], strides = [1, 1, 1]} : vector<2x2000x64xf32> to vector<1x2000x64xf32>
    %squeeze3A = vector.shape_cast %slice3A : vector<1x2000x64xf32> to vector<2000x64xf32>
    %slice3A_3 = vector.extract_strided_slice %get3A_2 {offsets = [1, 0, 0], sizes = [1, 2000, 64], strides = [1, 1, 1]} : vector<2x2000x64xf32> to vector<1x2000x64xf32>
    %squeeze3A_4 = vector.shape_cast %slice3A_3 : vector<1x2000x64xf32> to vector<2000x64xf32>
    %concatenate3A = tpu.concatenate %squeeze3A, %squeeze3A_4 in 1 : vector<2000x64xf32>, vector<2000x64xf32> -> vector<2000x128xf32>
    %get3A_5 = arith.constant 0 : index
    %get3A_6 = arith.constant 0 : index
    %get3A_7 = vector.load %arg2[%get3A_5, %get3A_6] : memref<2000x1xf32, #tpu.memory_space<vmem>>, vector<2000x1xf32>
    %mul3A = vector.broadcast %get3A_7 : vector<2000x1xf32> to vector<2000x128xf32>
    %mul3A_8 = arith.mulf %concatenate3A, %mul3A : vector<2000x128xf32>
    %get3A_9 = arith.constant 0 : index
    %get3A_10 = arith.constant 0 : index
    %get3A_11 = vector.load %arg3[%get3A_9, %get3A_10] : memref<128x128xf32, #tpu.memory_space<vmem>>, vector<128x128xf32>
    %dot_general3A = arith.constant dense<0.000000e+00> : vector<2000x128xf32>
    %dot_general3A_12 = tpu.matmul %mul3A_8, %get3A_11, %dot_general3A {dimension_numbers = #tpu.dot_dimension_numbers<[1], [1], [0], [0], [0, 0, 1, 0], [], []>, transpose_lhs_hint = false} : vector<2000x128xf32>, vector<128x128xf32>, vector<2000x128xf32> -> vector<2000x128xf32>
    %get3A_13 = arith.constant 0 : index
    %get3A_14 = arith.constant 0 : index
    %get3A_15 = vector.load %arg4[%get3A_13, %get3A_14] : memref<1x128xf32, #tpu.memory_space<vmem>>, vector<1x128xf32>
    %add3A = vector.broadcast %get3A_15 : vector<1x128xf32> to vector<2000x128xf32>
    %add3A_16 = arith.addf %dot_general3A_12, %add3A : vector<2000x128xf32>
    %swap3A = arith.constant 0 : index
    %swap3A_17 = arith.constant 0 : index
    %swap3A_18 = vector.load %arg5[%swap3A, %swap3A_17] : memref<2000x128xf32, #tpu.memory_space<vmem>>, vector<2000x128xf32>
    tpu.vector_store %arg5[%swap3A, %swap3A_17], %add3A_16 {strides = array<i32>} : memref<2000x128xf32, #tpu.memory_space<vmem>>, vector<2000x128xf32>,
    return
  }
  func.func @transform_0(%arg0: i32) -> (i32, i32, i32) {
    %c0_i32 = arith.constant 0 : i32
    %c0_i32_0 = arith.constant 0 : i32
    %c0_i32_1 = arith.constant 0 : i32
    return %c0_i32, %arg0, %c0_i32_0 : i32, i32, i32
  }
  func.func @transform_1(%arg0: i32) -> (i32, i32) {
    %c0_i32 = arith.constant 0 : i32
    %c0_i32_0 = arith.constant 0 : i32
    return %arg0, %c0_i32 : i32, i32
  }
  func.func @transform_2(%arg0: i32) -> (i32, i32) {
    %c0_i32 = arith.constant 0 : i32
    %c0_i32_0 = arith.constant 0 : i32
    %c0_i32_1 = arith.constant 0 : i32
    return %c0_i32, %c0_i32_0 : i32, i32
  }
  func.func @transform_3(%arg0: i32) -> (i32, i32) {
    %c0_i32 = arith.constant 0 : i32
    %c0_i32_0 = arith.constant 0 : i32
    %c0_i32_1 = arith.constant 0 : i32
    return %c0_i32, %c0_i32_0 : i32, i32
  }
  func.func @transform_4(%arg0: i32) -> (i32, i32) {
    %c0_i32 = arith.constant 0 : i32
    %c0_i32_0 = arith.constant 0 : i32
    return %arg0, %c0_i32 : i32, i32
  }
}

</mosaic_0001>

<sc_bundles>
// kernel: kernel.4.cloned.1.call-start
scs
__scs_entry_jumppad:
0x0: {  	(pc) =	sbr.rel $0x88, $3  }
0x1: {  	(tag) =	ssettag $0x0;
	lr =	simm.s32 $0x1  }
0x2: {  	[smem:$0x3F9A] =	sst lr;
	_ =	strace $0xD0000000  }
0x3: {  	_ = 	snop  }
0x4: {  	_ = 	snop  }
0x5: {  	_ = 	snop  }
0x6: {  	_ = 	snop  }
0x7: {  	_ = 	snop  }
__scs_overlays_trampoline_lowered:
0x8: {  	[smem:$0x3FA9] =	sst s0  }
0x9: {  	[smem:$0x3FAA] =	sst s1  }
0xa: {  	[smem:$0x3FAB] =	sst s2  }
0xb: {  	[smem:$0x3FAC] =	sst s3  }
0xc: {  	[smem:$0x3FAD] =	sst s4  }
0xd: {  	[smem:$0x3FAE] =	sst s5  }
0xe: {  	[smem:$0x3FAF] =	sst s6  }
0xf: {  	[smem:$0x3FB0] =	sst s7  }
0x10: {  	[smem:$0x3FB1] =	sst s8  }
0x11: {  	[smem:$0x3FB2] =	sst s9;
	s0 =	simm.s32 @!p0 $0x0  }
0x12: {  	s1 =	sld [smem:$0x3F98];
	s0 =	simm.s32 @p0 $0x1  }
0x13: {  	[smem:$0x3FB3] =	sst s0;
	s0 =	simm.s32 @!p1 $0x0  }
0x14: {  	s2 =	sld [smem:$0x3F97];
	s0 =	simm.s32 @p1 $0x1  }
0x15: {  	[smem:$0x3FB4] =	sst s0;
	s0 =	simm.s32 @!p2 $0x0  }
0x16: {  	s3 =	sld [smem:$0x3FDB];
	s0 =	simm.s32 @p2 $0x1  }
0x17: {  	s4 =	simm.s32 $0x1BF5;
	[smem:$0x3FB6] =	sst s0  }
0x18: {  	s0 =	sld [smem:$0x3F99];
	_ =	swait.ge [sflag:s4], $0x0  }
0x19: {  	s7 =	sld [smem:$0x3F9A]  }
0x1a: {  	s8 =	sadd.s32 $0xFFFFE003, lr  }
0x1b: {  	s9 =	sadd.s32 $0xFFFFFEF7, lr;
	s5 =	simm.s32 $0xFFFFFFFF;
	p2 =	slt.u32 s8, $0xFFFFF086  }
0x1c: {  	p1 =	slt.u32 s9, $0xF7A;
	s5 =	simm.s32 @!p2 $0x0  }
0x1d: {  	s5 =	simm.s32 @p1 $0x1;
	p0 =	seq.s32 s7, s2  }
0x1e: {  	s7 =	smul.u32 @!p0 $0xF7A, s2;
	p2 =	seq.s32 @!p0 s5, $0x0  }
0x1f: {  	s9 =	smul.u32 $0xF7A, s1;
	s8 =	simm.s32 @!p0 $0x1BF5;
	p2 =	por !p2, p0  }
0x20: {  	[sflag:s8] =	ssyncset.s32 @!p0 $0xFFFFF086;
	s6 =	sadd.s32 @!p0 s3, s7;
	s7 =	simm.s32 @!p0 $0x108  }
0x21: {  	s3 =	sadd.s32 s3, s9;
	s6 =	sadd.s32 @!p0 $0x88, s6;
	s7 =	simm.s32 @p2 $0x1082  }
0x22: {  	[simem:s7], [sflag:s8] =	dma.local @!p0 [hbm:s6], $0xF7A  }
0x23: {  	s9 =	sor.u32 $0xD0000000, s2;
	s6 =	simm.s32 $0x108;
	_ =	swait.ge @!p0 [sflag:s8], $0x0  }
0x24: {  	s3 =	sadd.s32 $0x88, s3;
	s6 =	simm.s32 @!p1 $0x1082;
	[sflag:s4] =	ssyncset.s32 $0xFFFFF086  }
0x25: {  	[simem:s6], [sflag:s4] =	dma.local [hbm:s3], $0xF7A  }
0x26: {  	[smem:$0x3F9A] =	sst s1;
	(tag) =	ssettag s2;
	_ =	strace s9  }
0x27: {  	s1 =	sld [smem:$0x3FAA]  }
0x28: {  	s2 =	sld [smem:$0x3FAB]  }
0x29: {  	s4 =	sld [smem:$0x3FAD]  }
0x2a: {  	p0 =	seq.s32 s5, $0x0;
	s5 =	sld [smem:$0x3FAE]  }
0x2b: {  	s6 =	sld [smem:$0x3FAF]  }
0x2c: {  	s7 =	sld [smem:$0x3FB0]  }
0x2d: {  	s3 =	simm.s32 $0x108;
	s8 =	sld [smem:$0x3FB1]  }
0x2e: {  	s3 =	simm.s32 @!p0 $0x1082;
	s9 =	sld [smem:$0x3FB2]  }
0x2f: {  	lr =	sadd.s32 s0, s3;
	s0 =	sld [smem:$0x3FA9]  }
0x30: {  	s3 =	sld [smem:$0x3FAC]  }
0x31: {  	[smem:$0x3FB5] =	sst s10  }
0x32: {  	s10 =	sld [smem:$0x3FB3];
	_ =	sdelay $0x3  }
0x33: {  	p0 =	seq.s32 s10, $0x1;
	s10 =	sld [smem:$0x3FB5];
	_ =	sdelay $0x3  }
0x34: {  	[smem:$0x3FB5] =	sst s10  }
0x35: {  	s10 =	sld [smem:$0x3FB4];
	_ =	sdelay $0x3  }
0x36: {  	p1 =	seq.s32 s10, $0x1;
	s10 =	sld [smem:$0x3FB5];
	_ =	sdelay $0x3  }
0x37: {  	[smem:$0x3FB5] =	sst s10  }
0x38: {  	s10 =	sld [smem:$0x3FB6]  }
0x39: {  	_ = 	snop;
	(pc) =	sbr.ind lr, $3  }
0x3a: {  	_ = 	snop  }
0x3b: {  	_ = 	snop  }
0x3c: {  	p2 =	seq.s32 s10, $0x1;
	s10 =	sld [smem:$0x3FB5]  }
0x3d: {  	_ =	shalt  }
0x3e: {  	_ =	shalt  }
0x3f: {  	_ =	shalt  }
0x40: {  	_ =	shalt  }
0x41: {  	_ =	shalt  }
0x42: {  	_ =	shalt  }
0x43: {  	_ =	shalt  }
0x44: {  	_ =	shalt  }
0x45: {  	_ =	shalt  }
0x46: {  	_ =	shalt  }
0x47: {  	_ =	shalt  }
0x48: {  	_ =	shalt  }
0x49: {  	_ =	shalt  }
0x4a: {  	_ =	shalt  }
0x4b: {  	_ =	shalt  }
0x4c: {  	_ =	shalt  }
0x4d: {  	_ =	shalt  }
0x4e: {  	_ =	shalt  }
0x4f: {  	_ =	shalt  }
0x50: {  	_ =	shalt  }
0x51: {  	_ =	shalt  }
0x52: {  	_ =	shalt  }
0x53: {  	_ =	shalt  }
0x54: {  	_ =	shalt  }
0x55: {  	_ =	shalt  }
0x56: {  	_ =	shalt  }
0x57: {  	_ =	shalt  }
0x58: {  	_ =	shalt  }
0x59: {  	_ =	shalt  }
0x5a: {  	_ =	shalt  }
0x5b: {  	_ =	shalt  }
0x5c: {  	_ =	shalt  }
0x5d: {  	_ =	shalt  }
0x5e: {  	_ =	shalt  }
0x5f: {  	_ =	shalt  }
0x60: {  	_ =	shalt  }
0x61: {  	_ =	shalt  }
0x62: {  	_ =	shalt  }
0x63: {  	_ =	shalt  }
0x64: {  	_ =	shalt  }
0x65: {  	_ =	shalt  }
0x66: {  	_ =	shalt  }
0x67: {  	_ =	shalt  }
0x68: {  	_ =	shalt  }
0x69: {  	_ =	shalt  }
0x6a: {  	_ =	shalt  }
0x6b: {  	_ =	shalt  }
0x6c: {  	_ =	shalt  }
0x6d: {  	_ =	shalt  }
0x6e: {  	_ =	shalt  }
0x6f: {  	_ =	shalt  }
0x70: {  	_ =	shalt  }
0x71: {  	_ =	shalt  }
0x72: {  	_ =	shalt  }
0x73: {  	_ =	shalt  }
0x74: {  	_ =	shalt  }
0x75: {  	_ =	shalt  }
0x76: {  	_ =	shalt  }
0x77: {  	_ =	shalt  }
0x78: {  	_ =	shalt  }
0x79: {  	_ =	shalt  }
0x7a: {  	_ =	shalt  }
0x7b: {  	_ =	shalt  }
0x7c: {  	_ =	shalt  }
0x7d: {  	_ =	shalt  }
0x7e: {  	_ =	shalt  }
0x7f: {  	_ =	shalt  }
0x80: {  	_ =	shalt  }
0x81: {  	_ =	shalt  }
0x82: {  	_ =	shalt  }
0x83: {  	_ =	shalt  }
0x84: {  	_ =	shalt  }
0x85: {  	_ =	shalt  }
0x86: {  	_ =	shalt  }
0x87: {  	_ =	shalt  }
.Lfunc_end0:
.L_simem_size_0:
called_computation_lowered:
.L_overlay_start_0:
0x88: {  	s2 =	sld [smem:$0x3FD9]  }
0x89: {  	s3 =	sld [smem:$0x3FFE];
	_ =	sdelay $0x1  }
0x8a: {  	s1 =	srdreg.scid  }
0x8b: {  	s0 =	sand.u32 $0x1, s1  }
0x8c: {  	s17 =	sshll.u32 s0, $0xA;
	s2 =	sadd.s32 s3, s2  }
0x8d: {  	s2 =	sadd.s32 s2, s17  }
0x8e: {  	[smem:$0x3FC1] =	sst s2  }
0x8f: {  	_ = 	snop  }
0x90: {  	s2 =	sld [smem:$0x3FD0];
	(tm) =	ssettm $0x1  }
0x91: {  	s18 =	sld [smem:$0x3FFB];
	_ =	sdelay $0x3  }
0x92: {  	_ =	strace s18  }
0x93: {  	s3 =	sld [smem:$0x3FFC];
	_ =	sdelay $0x3  }
0x94: {  	_ =	strace s3  }
0x95: {  	s3 =	sld [smem:$0x3FFD];
	_ =	sdelay $0x3  }
0x96: {  	_ =	strace s3  }
0x97: {  	_ =	strace $0x8FFFFFFF  }
0x98: {  	s19 =	sld [smem:$0x3FDB];
	_ =	sdelay $0x1  }
0x99: {  	s4 =	simm.s32 $_scs_section_size  }
0x9a: {  	s5 =	simm.s32 $_size__tile_overlayer_lowered;
	s6 =	simm.s32 $_tile_overlayer_lowered  }
0x9b: {  	s22 =	simm.s32 $0x1BFF;
	s21 =	sshll.u32 s6, $0x1;
	s3 =	sadd.s32 s4, s19  }
0x9c: {  	s7 =	simm.s32 $0x0;
	s20 =	sshll.u32 s5, $0x1;
	s5 =	sadd.s32 s21, s3  }
0x9d: {  	[timem:s7], [sflag:s22] =	dma.local [hbm:s5], s20  }
0x9e: {  	_ =	swait.ge [sflag:s22], s20  }
0x9f: {  	s4 =	ssub.s32 $0x0, s20;
	[sflag:s22] =	ssyncset.done $0x0  }
0xa0: {  	[sflag:s22] =	ssyncadd.s32 s4;
	_ =	sdelay $0x1  }
0xa1: {  	s23 =	simm.s32 $0x1B8B  }
0xa2: {  	_ =	swait.ge [sflag:s23], $0x1  }
0xa3: {  	[sflag:s23] =	ssyncset.done $0x0  }
0xa4: {  	s25 =	simm.s32 $0x1B8E;
	s24 =	sld [smem:$0x3FFE];
	[sflag:s23] =	ssyncadd.s32 $0xFFFFFFFF  }
0xa5: {  	s26 =	simm.s32 $execute0_lowered;
	[smem:$0x3FD2] =	sst s25  }
0xa6: {  	s5 =	sshll.u32 s26, $0x1;
	_ =	strace $0x80000046;
	[dreg:$0x1] =	wrdreg $0xFFFFFFFF  }
0xa7: {  	s28 =	simm.s32 $_size_execute0_lowered;
	s3 =	sadd.s32 s3, s5;
	[dreg:$0x0] =	wrdreg $0x0  }
0xa8: {  	s5 =	sshll.u32 s28, $0x1;
	[dreg:$0x2] =	wrdreg s3  }
0xa9: {  	[dreg:$0x3] =	wrdreg s5  }
0xaa: {  	[dreg:$0x4] =	wrdreg $0xC0  }
0xab: {  	_ =	task [dreg:s7], $0x5FFFF  }
0xac: {  	[dreg:$0x1] =	wrdreg $0xFFFFFFFF  }
0xad: {  	[dreg:$0x0] =	wrdreg $0x60  }
0xae: {  	[dreg:$0x2] =	wrdreg s24  }
0xaf: {  	[dreg:$0x3] =	wrdreg s2  }
0xb0: {  	[dreg:$0x4] =	wrdreg $0x0  }
0xb1: {  	[dreg:$0x5] =	wrdreg $0x9  }
0xb2: {  	_ =	task.clear_ibuf [dreg:s7], $0x6FFFF;
	_ =	strace $0x90000046  }
0xb3: {  	s29 =	simm.s32 $0x9;
	_ =	strace $0x80000048  }
0xb4: {  	_ =	swait.ge [sflag:s29], $0x1  }
0xb5: {  	[sflag:s29] =	ssyncadd.s32 $0xFFFFFFFF  }
0xb6: {  	_ =	strace $0x90000048  }
0xb7: {  	_ =	sfence  }
0xb8: {  	s30 =	sld [smem:$0x0];
	_ =	sdelay $0x2  }
0xb9: {  	s31 =	sshll.u32 s1, $0xD;
	s1 =	sshrl.u32 s1, $0x2  }
0xba: {  	s3 =	sand.u32 $0x4000, s31;
	s1 =	sadd.s32 s1, s30  }
0xbb: {  	s0 =	sor.u32 s3, s0;
	s1 =	sshll.u32 s1, $0x11  }
0xbc: {  	s0 =	sor.u32 s1, s0  }
0xbd: {  	s0 =	sadd.s32 $0x8F2B, s0  }
0xbe: {  	[sflag:s0] =	ssyncadd.remote.s32 $0x1  }
0xbf: {  	_ =	sfence.sel $0xFFFF  }
0xc0: {  	[dreg:$0x0] =	wrdreg $0xFFFFFFFF;
	(pc) =	sbr.abs _section_cstart, $3  }
0xc1: {  	[dreg:$0x1] =	wrdreg $0xFFFFFFFF  }
0xc2: {  	_ =	task.clear_ibuf [dreg:s7], $0x2FFFF;
	_ =	strace $0x9FFFFFFF  }
0xc3: {  	(tm) =	ssettm $0x7FFFFFFF  }
tec
execute0_lowered:
.L_overlay_start_1:
0x0: {  	(tag) =	ssettag $0x1  }
0x1: {  	s1 =	rddreg [dreg:$0x0]  }
0x2: {  	s0 =	rddreg [dreg:$0x1]  }
0x3: {  	s20 =	stileid.u32;
	s3 =	srdreg.scid  }
0x4: {  	s2 =	rddreg [dreg:$0x2];
	s4 =	smul.u32 $0x28, s20  }
0x5: {  	s28 =	simm.s32 $0x13E00;
	s29 =	simm.s32 $0x13FB0;
	s7 =	smul.u32 $0x9E00, s20  }
0x6: {  	s30 =	simm.s32 $0x3;
	s31 =	simm.s32 $0xD8;
	s11 =	smul.u32 $0x278, s20  }
0x7: {  	s5 =	sand.u32 $0x1, s3;
	s3 =	simm.s32 $0x0;
	s12 =	smul.u32 $0x13C00, s20  }
0x8: {  	s8 =	sadd.s32 $0x1A00, s1;
	s9 =	sadd.s32 $0x29200, s1;
	s21 =	smul.u32 $0x5000, s20  }
0x9: {  	s13 =	sadd.s32 $0x29C00, s1;
	s14 =	sadd.s32 $0x51400, s1;
	s6 =	smul.u32 $0x9E000, s5  }
0xa: {  	[smem:$0x7FF] =	sst s3;
	s15 =	ssub.s32 $0x2, s5;
	s16 =	sshll.u32 s5, $0x6  }
0xb: {  	s5 =	smul.u32 $0x50000, s5;
	_ =	strace $0x80000047;
	s4 =	sadd.s32 s4, s1  }
0xc: {  	s17 =	sadd.s32 $0x140, s11;
	s18 =	sshrl.u32 s15, $0x1;
	s12 =	sor.u32 s16, s12  }
0xd: {  	s11 =	sshrl.u32 s11, $0x3;
	s10 =	sadd.s32 s7, s6;
	s19 =	sshll.u32 s17, $0x7  }
0xe: {  	s15 =	ssub.s32 s15, s18;
	s12 =	sshrl.u32 s12, $0x3;
	s11 =	sadd.s32 s9, s11  }
0xf: {  	s18 =	smul.u32 $0xA050, s20;
	s23 =	sadd.s32 s21, s5;
	s4 =	sadd.s32 $0x29800, s4  }
0x10: {  	s25 =	sshrl.u32 s5, $0x3;
	s5 =	simm.s32 $0x1;
	s10 =	sshrl.u32 s10, $0x3  }
0x11: {  	s16 =	sor.u32 s16, s19;
	s12 =	sadd.s32 s8, s12;
	[dreg:$0x5] =	wrdreg s11  }
0x12: {  	[dreg:$0xa] =	wrdreg s4;
	s24 =	sshrl.u32 s23, $0x3;
	s23 =	simm.s32 $0x0  }
0x13: {  	s1 =	sadd.s32 s10, s1;
	[dreg:$0x4] =	wrdreg s12;
	s26 =	sshrl.u32 s16, $0x3  }
0x14: {  	s10 =	sadd.s32 s13, s10;
	s16 =	sshrl.u32 s17, $0x3;
	s17 =	sshll.u32 s17, $0x6  }
0x15: {  	s22 =	sshrl.u32 s18, $0x3;
	s4 =	sadd.s32 s14, s24;
	s18 =	sadd.s32 s14, s25  }
0x16: {  	s25 =	simm.s32 $0x5;
	[dreg:$0x6] =	wrdreg s10;
	s8 =	sadd.s32 s8, s26  }
0x17: {  	s19 =	sadd.s32 s6, s17;
	s10 =	sadd.s32 s21, s2;
	s11 =	sadd.s32 s0, s22  }
0x18: {  	s6 =	sshrl.u32 s6, $0x3;
	[dreg:$0xb] =	wrdreg s4;
	s26 =	smul.u32 $0x140A, s20  }
0x19: {  	s17 =	sadd.s32 s17, s2;
	s20 =	smax.u32 s15, $0x1;
	s4 =	simm.s32 $0x17760  }
0x1a: {  	s22 =	simm.s32 $0x14088;
	[dreg:$0x7] =	wrdreg s8;
	s8 =	sadd.s32 s9, s16  }
0x1b: {  	s12 =	sadd.s32 $0x36, s11;
	s16 =	sadd.s32 s7, s2;
	s7 =	simm.s32 $0x2  }
0x1c: {  	[dreg:$0x8] =	wrdreg s8;
	s8 =	sshrl.u32 s19, $0x3;
	s19 =	sadd.s32 $0x65400, s1  }
0x1d: {  	s21 =	sadd.s32 s26, s0;
	s26 =	simm.s32 $0xEE00;
	s1 =	simm.s32 $0x14160  }
0x1e: {  	s0 =	simm.s32 $0x4;
	s8 =	sadd.s32 s13, s8;
	s13 =	sadd.s32 s13, s6  }
0x1f: {  	v0 =	vimm.f32 $0.0e+00;
	s6 =	simm.s32 $0x13ED8;
	[dreg:$0x9] =	wrdreg s8;
	s8 =	simm.s32 $0x1AD60  }
.LBB2_1:
0x20: {  	s9 =	rddreg [dreg:$0x4]  }
0x21: {  	s14 =	simm.s32 $0x40;
	s15 =	simm.s32 $0x80;
	s24 =	simm.s32 $0x9E00  }
0x22: {  	[tilespmem:s24], [sflag:$0x5] =	stream.strided.gather [hbm4b:s9+s14], $0x5000, s15, s14, $0x38;
	[tilespmem:$0x1AEA0] =	vst v63  }
0x23: {  	_ =	swait.ge [sflag:s25], $0x5000  }
0x24: {  	[sflag:s25] =	ssyncset.done $0x0  }
0x25: {  	s24 =	rddreg [dreg:$0x5];
	[sflag:s25] =	ssyncadd.s32 $0xFFFFB000  }
0x26: {  	[tilespmem:s8], [sflag:$0x5] =	stream.linear.gather [hbm4b:s24+s3], $0x140, $0x38;
	[tilespmem:$0x1AEA0] =	vst v63  }
0x27: {  	_ =	swait.ge [sflag:s25], $0x140  }
0x28: {  	[sflag:s25] =	ssyncset.done $0x0  }
0x29: {  	s24 =	simm.s32 $0x3F0;
	[sflag:s25] =	ssyncadd.s32 $0xFFFFFEC0  }
0x2a: {  	v25 =	vld [tilespmem:s24+$0x9A10]  }
0x2b: {  	v26 =	vld [tilespmem:s24+$0x9A20]  }
0x2c: {  	v24 =	vld [tilespmem:s24+$0x9A30]  }
0x2d: {  	v23 =	vld [tilespmem:s24+$0x9A40]  }
0x2e: {  	v21 =	vld [tilespmem:s24+$0x9A50]  }
0x2f: {  	v22 =	vld [tilespmem:s24+$0x9A60]  }
0x30: {  	v20 =	vld [tilespmem:s24+$0x9A70]  }
0x31: {  	v19 =	vld [tilespmem:s24+$0x9A80]  }
0x32: {  	v17 =	vld [tilespmem:s24+$0x9A90]  }
0x33: {  	v18 =	vld [tilespmem:s24+$0x9AA0]  }
0x34: {  	v16 =	vld [tilespmem:s24+$0x9AB0]  }
0x35: {  	v15 =	vld [tilespmem:s24+$0x9AC0]  }
0x36: {  	v13 =	vld [tilespmem:s24+$0x9AD0]  }
0x37: {  	v14 =	vld [tilespmem:s24+$0x9AE0]  }
0x38: {  	v11 =	vld [tilespmem:s24+$0x9AF0]  }
0x39: {  	v12 =	vld [tilespmem:s24+$0x9B00]  }
0x3a: {  	v9 =	vld [tilespmem:s24+$0x9B10]  }
0x3b: {  	v10 =	vld [tilespmem:s24+$0x9B20]  }
0x3c: {  	v8 =	vld [tilespmem:s24+$0x9B30]  }
0x3d: {  	v7 =	vld [tilespmem:s24+$0x9B40]  }
0x3e: {  	v5 =	vld [tilespmem:s24+$0x9B50]  }
0x3f: {  	v6 =	vld [tilespmem:s24+$0x9B60]  }
0x40: {  	v4 =	vld [tilespmem:s24+$0x9B70]  }
0x41: {  	v3 =	vld [tilespmem:s24+$0x9B80]  }
0x42: {  	v2 =	vld [tilespmem:s24+$0x9B90]  }
0x43: {  	s9 =	simm.s32 $0x1FC0;
	s14 =	simm.s32 $0x1AD60;
	v1 =	vld [tilespmem:s8+$0x0]  }
.LBB2_2:
0x44: {  	p0 =	sne.s32 s9, $0x13FC0;
	v27 =	vld [tilespmem:s24+$0x9BA0]  }
0x45: {  	v28 =	vld [tilespmem:s24+$0x9BB0]  }
0x46: {  	v29 =	vld [tilespmem:s24+$0x9BC0]  }
0x47: {  	v30 =	vld [tilespmem:s24+$0x9BD0]  }
0x48: {  	v31 =	vbroadcast v1, $0x0;
	v32 =	vbroadcast v1, $0x1;
	v33 =	vld [tilespmem:s24+$0x9BE0]  }
0x49: {  	v34 =	vbroadcast v1, $0x2;
	v35 =	vbroadcast v1, $0x3;
	v36 =	vld [tilespmem:s24+$0x9BF0]  }
0x4a: {  	v25 =	vmul.f32 v31, v25;
	v26 =	vmul.f32 v26, v31;
	v37 =	vld [tilespmem:s24+$0x9C00]  }
0x4b: {  	v24 =	vmul.f32 v24, v31;
	v23 =	vmul.f32 v23, v31;
	v31 =	vld [tilespmem:s24+$0x9C10]  }
0x4c: {  	v21 =	vmul.f32 v21, v32;
	v22 =	vmul.f32 v22, v32;
	[tilespmem:s24+$0xEA10] =	vst v25;
	v25 =	vld [tilespmem:s24+$0x9C20]  }
0x4d: {  	v20 =	vmul.f32 v20, v32;
	v19 =	vmul.f32 v19, v32;
	[tilespmem:s24+$0xEA20] =	vst v26;
	v26 =	vld [tilespmem:s24+$0x9C30]  }
0x4e: {  	v17 =	vmul.f32 v17, v34;
	v18 =	vmul.f32 v18, v34;
	[tilespmem:s24+$0xEA30] =	vst v24;
	v24 =	vld [tilespmem:s24+$0x9C40]  }
0x4f: {  	v16 =	vmul.f32 v16, v34;
	v15 =	vmul.f32 v15, v34;
	[tilespmem:s24+$0xEA40] =	vst v23;
	v23 =	vld [tilespmem:s24+$0x9C50]  }
0x50: {  	v13 =	vmul.f32 v13, v35;
	v14 =	vmul.f32 v14, v35;
	[tilespmem:s24+$0xEA50] =	vst v21;
	v21 =	vld [tilespmem:s24+$0x9C60]  }
0x51: {  	v11 =	vmul.f32 v11, v35;
	v12 =	vmul.f32 v12, v35;
	[tilespmem:s24+$0xEA60] =	vst v22;
	v22 =	vld [tilespmem:s24+$0x9C70]  }
0x52: {  	v32 =	vbroadcast v1, $0x5;
	[tilespmem:s24+$0xEA70] =	vst v20;
	v20 =	vbroadcast v1, $0x4;
	v34 =	vld [tilespmem:s24+$0x9C80]  }
0x53: {  	v35 =	vbroadcast v1, $0x7;
	[tilespmem:s24+$0xEA80] =	vst v19;
	v19 =	vbroadcast v1, $0x6;
	v38 =	vld [tilespmem:s24+$0x9C90]  }
0x54: {  	[tilespmem:s24+$0xEA90] =	vst v17;
	v9 =	vmul.f32 v9, v20;
	v10 =	vmul.f32 v10, v20;
	v17 =	vld [tilespmem:s24+$0x9CA0]  }
0x55: {  	v8 =	vmul.f32 v8, v20;
	v7 =	vmul.f32 v7, v20;
	[tilespmem:s24+$0xEAA0] =	vst v18;
	v18 =	vld [tilespmem:s24+$0x9CB0]  }
0x56: {  	v5 =	vmul.f32 v5, v32;
	v6 =	vmul.f32 v6, v32;
	[tilespmem:s24+$0xEAB0] =	vst v16;
	v16 =	vld [tilespmem:s24+$0x9CC0]  }
0x57: {  	v4 =	vmul.f32 v4, v32;
	v3 =	vmul.f32 v3, v32;
	[tilespmem:s24+$0xEAC0] =	vst v15;
	v15 =	vld [tilespmem:s24+$0x9CD0]  }
0x58: {  	v2 =	vmul.f32 v2, v19;
	[tilespmem:s24+$0xEAD0] =	vst v13;
	v13 =	vmul.f32 v27, v19;
	v20 =	vld [tilespmem:s24+$0x9CE0]  }
0x59: {  	[tilespmem:s24+$0xEAE0] =	vst v14;
	v14 =	vmul.f32 v28, v19;
	v19 =	vmul.f32 v29, v19;
	v27 =	vld [tilespmem:s24+$0x9CF0]  }
0x5a: {  	v28 =	vmul.f32 v33, v35;
	[tilespmem:s24+$0xEAF0] =	vst v11;
	v11 =	vmul.f32 v30, v35;
	v29 =	vld [tilespmem:s24+$0x9D00]  }
0x5b: {  	v30 =	vmul.f32 v37, v35;
	[tilespmem:s24+$0xEB00] =	vst v12;
	v12 =	vmul.f32 v36, v35;
	v32 =	vld [tilespmem:s24+$0x9D10]  }
0x5c: {  	v33 =	vbroadcast v1, $0x9;
	[tilespmem:s24+$0xEB10] =	vst v9;
	v9 =	vbroadcast v1, $0x8;
	v35 =	vld [tilespmem:s24+$0x9D20]  }
0x5d: {  	v36 =	vbroadcast v1, $0xB;
	[tilespmem:s24+$0xEB20] =	vst v10;
	v10 =	vbroadcast v1, $0xA;
	v37 =	vld [tilespmem:s24+$0x9D30]  }
0x5e: {  	[tilespmem:s24+$0xEB30] =	vst v8;
	v8 =	vmul.f32 v31, v9;
	v25 =	vmul.f32 v25, v9;
	v31 =	vld [tilespmem:s24+$0x9D40]  }
0x5f: {  	[tilespmem:s24+$0xEB40] =	vst v7;
	v7 =	vmul.f32 v26, v9;
	v9 =	vmul.f32 v24, v9;
	v24 =	vld [tilespmem:s24+$0x9D50]  }
0x60: {  	v21 =	vmul.f32 v21, v33;
	[tilespmem:s24+$0xEB50] =	vst v5;
	v5 =	vmul.f32 v23, v33;
	v23 =	vld [tilespmem:s24+$0x9D60]  }
0x61: {  	[tilespmem:s24+$0xEB60] =	vst v6;
	v6 =	vmul.f32 v22, v33;
	v22 =	vmul.f32 v34, v33;
	v26 =	vld [tilespmem:s24+$0x9D70]  }
0x62: {  	v17 =	vmul.f32 v17, v10;
	[tilespmem:s24+$0xEB70] =	vst v4;
	v4 =	vmul.f32 v38, v10;
	v33 =	vld [tilespmem:s24+$0x9D80]  }
0x63: {  	[tilespmem:s24+$0xEB80] =	vst v3;
	v3 =	vmul.f32 v18, v10;
	v10 =	vmul.f32 v16, v10;
	v16 =	vld [tilespmem:s24+$0x9D90]  }
0x64: {  	[tilespmem:s24+$0xEB90] =	vst v2;
	v2 =	vmul.f32 v15, v36;
	v15 =	vmul.f32 v20, v36;
	v18 =	vld [tilespmem:s24+$0x9DA0]  }
0x65: {  	[tilespmem:s24+$0xEBA0] =	vst v13;
	v13 =	vmul.f32 v27, v36;
	v27 =	vmul.f32 v29, v36;
	v20 =	vld [tilespmem:s24+$0x9DB0]  }
0x66: {  	v29 =	vbroadcast v1, $0xD;
	[tilespmem:s24+$0xEBB0] =	vst v14;
	v14 =	vbroadcast v1, $0xC;
	v34 =	vld [tilespmem:s24+$0x9DC0]  }
0x67: {  	[tilespmem:s24+$0xEBC0] =	vst v19;
	v19 =	vbroadcast v1, $0xE;
	v36 =	vld [tilespmem:s24+$0x9DD0];
	v1 =	vbroadcast v1, $0xF  }
0x68: {  	[tilespmem:s24+$0xEBD0] =	vst v11;
	v11 =	vmul.f32 v32, v14;
	v32 =	vmul.f32 v35, v14;
	v35 =	vld [tilespmem:s24+$0x9DE0]  }
0x69: {  	[tilespmem:s24+$0xEBE0] =	vst v28;
	v28 =	vmul.f32 v37, v14;
	v14 =	vmul.f32 v31, v14;
	v31 =	vld [tilespmem:s24+$0x9DF0]  }
0x6a: {  	v37 =	vmul.f32 v23, v29;
	[tilespmem:s24+$0xEBF0] =	vst v12;
	v12 =	vmul.f32 v24, v29;
	v23 =	vld [tilespmem:s24+$0x9E00]  }
0x6b: {  	[tilespmem:s24+$0xEC00] =	vst v30;
	v30 =	vmul.f32 v26, v29;
	v29 =	vmul.f32 v33, v29  }
0x6c: {  	v33 =	vmul.f32 v18, v19;
	[tilespmem:s24+$0xEC10] =	vst v8;
	v8 =	vmul.f32 v16, v19  }
0x6d: {  	v38 =	vmul.f32 v20, v19;
	v34 =	vmul.f32 v34, v19;
	[tilespmem:s24+$0xEC20] =	vst v25  }
0x6e: {  	v36 =	vmul.f32 v36, v1;
	v35 =	vmul.f32 v35, v1;
	[tilespmem:s24+$0xEC30] =	vst v7  }
0x6f: {  	v31 =	vmul.f32 v31, v1;
	[tilespmem:s24+$0xEC40] =	vst v9;
	v1 =	vmul.f32 v23, v1  }
0x70: {  	[tilespmem:s24+$0xEC50] =	vst v5  }
0x71: {  	[tilespmem:s24+$0xEC60] =	vst v21  }
0x72: {  	s15 =	sshra.s32 s9, $0x2;
	[tilespmem:s24+$0xEC70] =	vst v6  }
0x73: {  	v25 =	vld [tilespmem:s15+$0x9A10];
	[tilespmem:s24+$0xEC80] =	vst v22  }
0x74: {  	v26 =	vld [tilespmem:s15+$0x9A20];
	[tilespmem:s24+$0xEC90] =	vst v4  }
0x75: {  	v24 =	vld [tilespmem:s15+$0x9A30];
	[tilespmem:s24+$0xECA0] =	vst v17  }
0x76: {  	v23 =	vld [tilespmem:s15+$0x9A40];
	[tilespmem:s24+$0xECB0] =	vst v3  }
0x77: {  	v21 =	vld [tilespmem:s15+$0x9A50];
	[tilespmem:s24+$0xECC0] =	vst v10  }
0x78: {  	v22 =	vld [tilespmem:s15+$0x9A60];
	[tilespmem:s24+$0xECD0] =	vst v2  }
0x79: {  	v20 =	vld [tilespmem:s15+$0x9A70];
	[tilespmem:s24+$0xECE0] =	vst v15  }
0x7a: {  	v19 =	vld [tilespmem:s15+$0x9A80];
	[tilespmem:s24+$0xECF0] =	vst v13  }
0x7b: {  	v17 =	vld [tilespmem:s15+$0x9A90];
	[tilespmem:s24+$0xED00] =	vst v27  }
0x7c: {  	v18 =	vld [tilespmem:s15+$0x9AA0];
	[tilespmem:s24+$0xED10] =	vst v11  }
0x7d: {  	v16 =	vld [tilespmem:s15+$0x9AB0];
	[tilespmem:s24+$0xED20] =	vst v32  }
0x7e: {  	v15 =	vld [tilespmem:s15+$0x9AC0];
	[tilespmem:s24+$0xED30] =	vst v28  }
0x7f: {  	v13 =	vld [tilespmem:s15+$0x9AD0];
	[tilespmem:s24+$0xED40] =	vst v14  }
0x80: {  	v14 =	vld [tilespmem:s15+$0x9AE0];
	[tilespmem:s24+$0xED50] =	vst v12  }
0x81: {  	v11 =	vld [tilespmem:s15+$0x9AF0];
	[tilespmem:s24+$0xED60] =	vst v37  }
0x82: {  	v12 =	vld [tilespmem:s15+$0x9B00];
	[tilespmem:s24+$0xED70] =	vst v30  }
0x83: {  	v9 =	vld [tilespmem:s15+$0x9B10];
	[tilespmem:s24+$0xED80] =	vst v29  }
0x84: {  	v10 =	vld [tilespmem:s15+$0x9B20];
	[tilespmem:s24+$0xED90] =	vst v8  }
0x85: {  	v8 =	vld [tilespmem:s15+$0x9B30];
	[tilespmem:s24+$0xEDA0] =	vst v33  }
0x86: {  	v7 =	vld [tilespmem:s15+$0x9B40];
	[tilespmem:s24+$0xEDB0] =	vst v38  }
0x87: {  	v5 =	vld [tilespmem:s15+$0x9B50];
	[tilespmem:s24+$0xEDC0] =	vst v34  }
.Ltmp0:
0x88: {  	v6 =	vld [tilespmem:s15+$0x9B60];
	[tilespmem:s24+$0xEDD0] =	vst v36;
	(pc) =	sbr.rel @p0 .LBB2_2-.Ltmp0, $4  }
0x89: {  	v4 =	vld [tilespmem:s15+$0x9B70];
	[tilespmem:s24+$0xEDE0] =	vst v35  }
0x8a: {  	v3 =	vld [tilespmem:s15+$0x9B80];
	[tilespmem:s24+$0xEDF0] =	vst v31  }
0x8b: {  	s14 =	sadd.s32 $0x10, s14;
	v2 =	vld [tilespmem:s15+$0x9B90];
	[tilespmem:s24+$0xEE00] =	vst v1;
	s24 =	smov.u32 s15  }
0x8c: {  	s9 =	sadd.s32 $0x1000, s9;
	v1 =	vld [tilespmem:s14+$0x0]  }
0x8d: {  	_ =	sdelay $0x3  }
0x8e: {  	v31 =	vbroadcast v1, $0x0;
	_ =	sdelay $0x1  }
0x8f: {  	v25 =	vmul.f32 v31, v25  }
0x90: {  	v26 =	vmul.f32 v26, v31  }
0x91: {  	v36 =	vbroadcast v1, $0x1;
	v24 =	vmul.f32 v24, v31;
	[tilespmem:s24+$0xEA10] =	vst v25  }
0x92: {  	v23 =	vmul.f32 v23, v31;
	[tilespmem:s24+$0xEA20] =	vst v26  }
0x93: {  	v21 =	vmul.f32 v21, v36;
	[tilespmem:s24+$0xEA30] =	vst v24  }
0x94: {  	v22 =	vmul.f32 v22, v36;
	[tilespmem:s24+$0xEA40] =	vst v23  }
0x95: {  	v48 =	vbroadcast v1, $0x2;
	v20 =	vmul.f32 v20, v36;
	[tilespmem:s24+$0xEA50] =	vst v21  }
0x96: {  	v19 =	vmul.f32 v19, v36;
	[tilespmem:s24+$0xEA60] =	vst v22  }
0x97: {  	v17 =	vmul.f32 v17, v48;
	[tilespmem:s24+$0xEA70] =	vst v20  }
0x98: {  	v18 =	vmul.f32 v18, v48;
	[tilespmem:s24+$0xEA80] =	vst v19  }
0x99: {  	v49 =	vbroadcast v1, $0x3;
	v16 =	vmul.f32 v16, v48;
	[tilespmem:s24+$0xEA90] =	vst v17  }
0x9a: {  	v15 =	vmul.f32 v15, v48;
	[tilespmem:s24+$0xEAA0] =	vst v18  }
0x9b: {  	v13 =	vmul.f32 v13, v49;
	[tilespmem:s24+$0xEAB0] =	vst v16  }
0x9c: {  	v14 =	vmul.f32 v14, v49;
	[tilespmem:s24+$0xEAC0] =	vst v15  }
0x9d: {  	v50 =	vbroadcast v1, $0x4;
	v11 =	vmul.f32 v11, v49;
	[tilespmem:s24+$0xEAD0] =	vst v13  }
0x9e: {  	v12 =	vmul.f32 v12, v49;
	[tilespmem:s24+$0xEAE0] =	vst v14  }
0x9f: {  	v9 =	vmul.f32 v9, v50;
	[tilespmem:s24+$0xEAF0] =	vst v11  }
0xa0: {  	v10 =	vmul.f32 v10, v50;
	[tilespmem:s24+$0xEB00] =	vst v12  }
0xa1: {  	v51 =	vbroadcast v1, $0x5;
	v8 =	vmul.f32 v8, v50;
	[tilespmem:s24+$0xEB10] =	vst v9  }
0xa2: {  	v7 =	vmul.f32 v7, v50;
	[tilespmem:s24+$0xEB20] =	vst v10  }
0xa3: {  	v27 =	vld [tilespmem:s24+$0x9BA0];
	v5 =	vmul.f32 v5, v51;
	[tilespmem:s24+$0xEB30] =	vst v8  }
0xa4: {  	v28 =	vld [tilespmem:s24+$0x9BB0];
	v6 =	vmul.f32 v6, v51;
	[tilespmem:s24+$0xEB40] =	vst v7  }
0xa5: {  	v29 =	vld [tilespmem:s24+$0x9BC0];
	v52 =	vbroadcast v1, $0x6;
	v4 =	vmul.f32 v4, v51;
	[tilespmem:s24+$0xEB50] =	vst v5  }
0xa6: {  	v30 =	vld [tilespmem:s24+$0x9BD0];
	v3 =	vmul.f32 v3, v51;
	[tilespmem:s24+$0xEB60] =	vst v6  }
0xa7: {  	v32 =	vld [tilespmem:s24+$0x9BE0];
	v2 =	vmul.f32 v2, v52;
	[tilespmem:s24+$0xEB70] =	vst v4  }
0xa8: {  	v33 =	vld [tilespmem:s24+$0x9BF0];
	v27 =	vmul.f32 v27, v52;
	[tilespmem:s24+$0xEB80] =	vst v3  }
0xa9: {  	v34 =	vld [tilespmem:s24+$0x9C00];
	v53 =	vbroadcast v1, $0x7;
	v28 =	vmul.f32 v28, v52;
	[tilespmem:s24+$0xEB90] =	vst v2  }
0xaa: {  	v35 =	vld [tilespmem:s24+$0x9C10];
	v29 =	vmul.f32 v29, v52;
	[tilespmem:s24+$0xEBA0] =	vst v27  }
0xab: {  	v30 =	vmul.f32 v30, v53;
	v25 =	vld [tilespmem:s24+$0x9C20];
	[tilespmem:s24+$0xEBB0] =	vst v28  }
0xac: {  	v56 =	vmul.f32 v32, v53;
	v26 =	vld [tilespmem:s24+$0x9C30];
	[tilespmem:s24+$0xEBC0] =	vst v29  }
0xad: {  	v59 =	vbroadcast v1, $0x8;
	v58 =	vmul.f32 v33, v53;
	v24 =	vld [tilespmem:s24+$0x9C40];
	[tilespmem:s24+$0xEBD0] =	vst v30  }
0xae: {  	v34 =	vmul.f32 v34, v53;
	v23 =	vld [tilespmem:s24+$0x9C50];
	[tilespmem:s24+$0xEBE0] =	vst v56  }
0xaf: {  	v61 =	vmul.f32 v35, v59;
	v21 =	vld [tilespmem:s24+$0x9C60];
	[tilespmem:s24+$0xEBF0] =	vst v58  }
0xb0: {  	v22 =	vld [tilespmem:s24+$0x9C70];
	[tilespmem:s24+$0xEC00] =	vst v34;
	v25 =	vmul.f32 v25, v59  }
0xb1: {  	v63 =	vbroadcast v1, $0x9;
	v20 =	vld [tilespmem:s24+$0x9C80];
	[tilespmem:s24+$0xEC10] =	vst v61;
	v26 =	vmul.f32 v26, v59  }
0xb2: {  	v19 =	vld [tilespmem:s24+$0x9C90];
	v24 =	vmul.f32 v24, v59;
	[tilespmem:s24+$0xEC20] =	vst v25  }
0xb3: {  	v17 =	vld [tilespmem:s24+$0x9CA0];
	v23 =	vmul.f32 v23, v63;
	[tilespmem:s24+$0xEC30] =	vst v26  }
0xb4: {  	v18 =	vld [tilespmem:s24+$0x9CB0];
	v21 =	vmul.f32 v21, v63;
	[tilespmem:s24+$0xEC40] =	vst v24  }
0xb5: {  	v16 =	vld [tilespmem:s24+$0x9CC0];
	v22 =	vmul.f32 v22, v63;
	v24 =	vbroadcast v1, $0xA;
	[tilespmem:s24+$0xEC50] =	vst v23  }
0xb6: {  	v15 =	vld [tilespmem:s24+$0x9CD0];
	v20 =	vmul.f32 v20, v63;
	[tilespmem:s24+$0xEC60] =	vst v21  }
0xb7: {  	v13 =	vld [tilespmem:s24+$0x9CE0];
	[tilespmem:s24+$0xEC70] =	vst v22;
	v19 =	vmul.f32 v19, v24  }
0xb8: {  	v14 =	vld [tilespmem:s24+$0x9CF0];
	[tilespmem:s24+$0xEC80] =	vst v20;
	v17 =	vmul.f32 v17, v24  }
0xb9: {  	v11 =	vld [tilespmem:s24+$0x9D00];
	v20 =	vbroadcast v1, $0xB;
	v18 =	vmul.f32 v18, v24;
	[tilespmem:s24+$0xEC90] =	vst v19  }
0xba: {  	v12 =	vld [tilespmem:s24+$0x9D10];
	v16 =	vmul.f32 v16, v24;
	[tilespmem:s24+$0xECA0] =	vst v17  }
0xbb: {  	v9 =	vld [tilespmem:s24+$0x9D20];
	v15 =	vmul.f32 v15, v20;
	[tilespmem:s24+$0xECB0] =	vst v18  }
0xbc: {  	v10 =	vld [tilespmem:s24+$0x9D30];
	v13 =	vmul.f32 v13, v20;
	[tilespmem:s24+$0xECC0] =	vst v16  }
0xbd: {  	v8 =	vld [tilespmem:s24+$0x9D40];
	v14 =	vmul.f32 v14, v20;
	v16 =	vbroadcast v1, $0xC;
	[tilespmem:s24+$0xECD0] =	vst v15  }
0xbe: {  	v7 =	vld [tilespmem:s24+$0x9D50];
	v11 =	vmul.f32 v11, v20;
	[tilespmem:s24+$0xECE0] =	vst v13  }
0xbf: {  	v5 =	vld [tilespmem:s24+$0x9D60];
	[tilespmem:s24+$0xECF0] =	vst v14;
	v12 =	vmul.f32 v12, v16  }
0xc0: {  	v6 =	vld [tilespmem:s24+$0x9D70];
	[tilespmem:s24+$0xED00] =	vst v11;
	v9 =	vmul.f32 v9, v16  }
0xc1: {  	v4 =	vld [tilespmem:s24+$0x9D80];
	v11 =	vbroadcast v1, $0xD;
	v10 =	vmul.f32 v10, v16;
	[tilespmem:s24+$0xED10] =	vst v12  }
0xc2: {  	v3 =	vld [tilespmem:s24+$0x9D90];
	v8 =	vmul.f32 v8, v16;
	[tilespmem:s24+$0xED20] =	vst v9  }
0xc3: {  	v2 =	vld [tilespmem:s24+$0x9DA0];
	v7 =	vmul.f32 v7, v11;
	[tilespmem:s24+$0xED30] =	vst v10  }
0xc4: {  	v27 =	vld [tilespmem:s24+$0x9DB0];
	v5 =	vmul.f32 v5, v11;
	[tilespmem:s24+$0xED40] =	vst v8  }
0xc5: {  	v54 =	vld [tilespmem:s24+$0x9DC0];
	v6 =	vmul.f32 v6, v11;
	v8 =	vbroadcast v1, $0xE;
	[tilespmem:s24+$0xED50] =	vst v7  }
0xc6: {  	v55 =	vld [tilespmem:s24+$0x9DD0];
	v4 =	vmul.f32 v4, v11;
	[tilespmem:s24+$0xED60] =	vst v5  }
0xc7: {  	v57 =	vld [tilespmem:s24+$0x9DE0];
	[tilespmem:s24+$0xED70] =	vst v6;
	v3 =	vmul.f32 v3, v8  }
0xc8: {  	v60 =	vld [tilespmem:s24+$0x9DF0];
	[tilespmem:s24+$0xED80] =	vst v4;
	v2 =	vmul.f32 v2, v8  }
0xc9: {  	v62 =	vld [tilespmem:s24+$0x9E00];
	v1 =	vbroadcast v1, $0xF;
	v4 =	vmul.f32 v27, v8;
	[tilespmem:s24+$0xED90] =	vst v3  }
0xca: {  	v3 =	vmul.f32 v54, v8;
	[tilespmem:s24+$0xEDA0] =	vst v2  }
0xcb: {  	v2 =	vmul.f32 v55, v1;
	[tilespmem:s24+$0xEDB0] =	vst v4  }
0xcc: {  	v4 =	vmul.f32 v57, v1;
	[tilespmem:s24+$0xEDC0] =	vst v3  }
0xcd: {  	v3 =	vmul.f32 v60, v1;
	[tilespmem:s24+$0xEDD0] =	vst v2  }
0xce: {  	v1 =	vmul.f32 v62, v1;
	[tilespmem:s24+$0xEDE0] =	vst v4  }
0xcf: {  	[tilespmem:s24+$0xEDF0] =	vst v3  }
0xd0: {  	s9 =	rddreg [dreg:$0x6];
	[tilespmem:s24+$0xEE00] =	vst v1  }
0xd1: {  	[hbm4b:s9+s3] =	stream.linear.scatter [tilespmem:s26], [sflag:$0x5], $0x5000, $0x38;
	[tilespmem:$0x1AEA0] =	vst v63  }
0xd2: {  	_ =	swait.ge [sflag:s25], $0x5000  }
0xd3: {  	s14 =	simm.s32 $0x40;
	s15 =	simm.s32 $0x80;
	[sflag:s25] =	ssyncset.done $0x0  }
0xd4: {  	s24 =	simm.s32 $0x9E00;
	s9 =	rddreg [dreg:$0x7];
	[sflag:s25] =	ssyncadd.s32 $0xFFFFB000  }
0xd5: {  	[tilespmem:s24], [sflag:$0x5] =	stream.strided.gather [hbm4b:s9+s14], $0x4E00, s15, s14, $0x38;
	[tilespmem:$0x1AEA0] =	vst v63  }
0xd6: {  	_ =	swait.ge [sflag:s25], $0x4E00  }
0xd7: {  	[sflag:s25] =	ssyncset.done $0x0  }
0xd8: {  	s9 =	simm.s32 $0x1AD60;
	s24 =	rddreg [dreg:$0x8];
	[sflag:s25] =	ssyncadd.s32 $0xFFFFB200  }
0xd9: {  	[tilespmem:s9], [sflag:$0x5] =	stream.linear.gather [hbm4b:s24+s3], $0x138, $0x38;
	[tilespmem:$0x1AEA0] =	vst v63  }
0xda: {  	_ =	swait.ge [sflag:s25], $0x138  }
0xdb: {  	[sflag:s25] =	ssyncset.done $0x0  }
0xdc: {  	s24 =	simm.s32 $0x3F0;
	[sflag:s25] =	ssyncadd.s32 $0xFFFFFEC8  }
0xdd: {  	v25 =	vld [tilespmem:s24+$0x9A10]  }
0xde: {  	v26 =	vld [tilespmem:s24+$0x9A20]  }
0xdf: {  	v24 =	vld [tilespmem:s24+$0x9A30]  }
0xe0: {  	v23 =	vld [tilespmem:s24+$0x9A40]  }
0xe1: {  	v21 =	vld [tilespmem:s24+$0x9A50]  }
0xe2: {  	v22 =	vld [tilespmem:s24+$0x9A60]  }
0xe3: {  	v20 =	vld [tilespmem:s24+$0x9A70]  }
0xe4: {  	v19 =	vld [tilespmem:s24+$0x9A80]  }
0xe5: {  	v17 =	vld [tilespmem:s24+$0x9A90]  }
0xe6: {  	v18 =	vld [tilespmem:s24+$0x9AA0]  }
0xe7: {  	v16 =	vld [tilespmem:s24+$0x9AB0]  }
0xe8: {  	v15 =	vld [tilespmem:s24+$0x9AC0]  }
0xe9: {  	v13 =	vld [tilespmem:s24+$0x9AD0]  }
0xea: {  	v14 =	vld [tilespmem:s24+$0x9AE0]  }
0xeb: {  	v11 =	vld [tilespmem:s24+$0x9AF0]  }
0xec: {  	v12 =	vld [tilespmem:s24+$0x9B00]  }
0xed: {  	v9 =	vld [tilespmem:s24+$0x9B10]  }
0xee: {  	v10 =	vld [tilespmem:s24+$0x9B20]  }
0xef: {  	v8 =	vld [tilespmem:s24+$0x9B30]  }
0xf0: {  	v7 =	vld [tilespmem:s24+$0x9B40]  }
0xf1: {  	v5 =	vld [tilespmem:s24+$0x9B50]  }
0xf2: {  	v6 =	vld [tilespmem:s24+$0x9B60]  }
0xf3: {  	v4 =	vld [tilespmem:s24+$0x9B70]  }
0xf4: {  	v3 =	vld [tilespmem:s24+$0x9B80]  }
0xf5: {  	v2 =	vld [tilespmem:s24+$0x9B90]  }
0xf6: {  	s14 =	simm.s32 $0x1FC0;
	v1 =	vld [tilespmem:s9+$0x0]  }
.LBB2_4:
0xf7: {  	p0 =	sne.s32 s14, $0x13FC0;
	v27 =	vld [tilespmem:s24+$0x9BA0]  }
0xf8: {  	v28 =	vld [tilespmem:s24+$0x9BB0]  }
0xf9: {  	v29 =	vld [tilespmem:s24+$0x9BC0]  }
0xfa: {  	v30 =	vld [tilespmem:s24+$0x9BD0]  }
0xfb: {  	v31 =	vbroadcast v1, $0x0;
	v32 =	vbroadcast v1, $0x1;
	v33 =	vld [tilespmem:s24+$0x9BE0]  }
0xfc: {  	v34 =	vbroadcast v1, $0x2;
	v35 =	vbroadcast v1, $0x3;
	v36 =	vld [tilespmem:s24+$0x9BF0]  }
0xfd: {  	v25 =	vmul.f32 v31, v25;
	v26 =	vmul.f32 v26, v31;
	v37 =	vld [tilespmem:s24+$0x9C00]  }
0xfe: {  	v24 =	vmul.f32 v24, v31;
	v23 =	vmul.f32 v23, v31;
	v31 =	vld [tilespmem:s24+$0x9C10]  }
0xff: {  	v21 =	vmul.f32 v21, v32;
	v22 =	vmul.f32 v22, v32;
	[tilespmem:s24+$0xEA10] =	vst v25;
	v25 =	vld [tilespmem:s24+$0x9C20]  }
0x100: {  	v20 =	vmul.f32 v20, v32;
	v19 =	vmul.f32 v19, v32;
	[tilespmem:s24+$0xEA20] =	vst v26;
	v26 =	vld [tilespmem:s24+$0x9C30]  }
0x101: {  	v17 =	vmul.f32 v17, v34;
	v18 =	vmul.f32 v18, v34;
	[tilespmem:s24+$0xEA30] =	vst v24;
	v24 =	vld [tilespmem:s24+$0x9C40]  }
0x102: {  	v16 =	vmul.f32 v16, v34;
	v15 =	vmul.f32 v15, v34;
	[tilespmem:s24+$0xEA40] =	vst v23;
	v23 =	vld [tilespmem:s24+$0x9C50]  }
0x103: {  	v13 =	vmul.f32 v13, v35;
	v14 =	vmul.f32 v14, v35;
	[tilespmem:s24+$0xEA50] =	vst v21;
	v21 =	vld [tilespmem:s24+$0x9C60]  }
0x104: {  	v11 =	vmul.f32 v11, v35;
	v12 =	vmul.f32 v12, v35;
	[tilespmem:s24+$0xEA60] =	vst v22;
	v22 =	vld [tilespmem:s24+$0x9C70]  }
0x105: {  	v32 =	vbroadcast v1, $0x5;
	[tilespmem:s24+$0xEA70] =	vst v20;
	v20 =	vbroadcast v1, $0x4;
	v34 =	vld [tilespmem:s24+$0x9C80]  }
0x106: {  	v35 =	vbroadcast v1, $0x7;
	[tilespmem:s24+$0xEA80] =	vst v19;
	v19 =	vbroadcast v1, $0x6;
	v38 =	vld [tilespmem:s24+$0x9C90]  }
0x107: {  	[tilespmem:s24+$0xEA90] =	vst v17;
	v9 =	vmul.f32 v9, v20;
	v10 =	vmul.f32 v10, v20;
	v17 =	vld [tilespmem:s24+$0x9CA0]  }
0x108: {  	v8 =	vmul.f32 v8, v20;
	v7 =	vmul.f32 v7, v20;
	[tilespmem:s24+$0xEAA0] =	vst v18;
	v18 =	vld [tilespmem:s24+$0x9CB0]  }
0x109: {  	v5 =	vmul.f32 v5, v32;
	v6 =	vmul.f32 v6, v32;
	[tilespmem:s24+$0xEAB0] =	vst v16;
	v16 =	vld [tilespmem:s24+$0x9CC0]  }
0x10a: {  	v4 =	vmul.f32 v4, v32;
	v3 =	vmul.f32 v3, v32;
	[tilespmem:s24+$0xEAC0] =	vst v15;
	v15 =	vld [tilespmem:s24+$0x9CD0]  }
0x10b: {  	v2 =	vmul.f32 v2, v19;
	[tilespmem:s24+$0xEAD0] =	vst v13;
	v13 =	vmul.f32 v27, v19;
	v20 =	vld [tilespmem:s24+$0x9CE0]  }
0x10c: {  	[tilespmem:s24+$0xEAE0] =	vst v14;
	v14 =	vmul.f32 v28, v19;
	v19 =	vmul.f32 v29, v19;
	v27 =	vld [tilespmem:s24+$0x9CF0]  }
0x10d: {  	v28 =	vmul.f32 v33, v35;
	[tilespmem:s24+$0xEAF0] =	vst v11;
	v11 =	vmul.f32 v30, v35;
	v29 =	vld [tilespmem:s24+$0x9D00]  }
0x10e: {  	v30 =	vmul.f32 v37, v35;
	[tilespmem:s24+$0xEB00] =	vst v12;
	v12 =	vmul.f32 v36, v35;
	v32 =	vld [tilespmem:s24+$0x9D10]  }
0x10f: {  	v33 =	vbroadcast v1, $0x9;
	[tilespmem:s24+$0xEB10] =	vst v9;
	v9 =	vbroadcast v1, $0x8;
	v35 =	vld [tilespmem:s24+$0x9D20]  }
0x110: {  	v36 =	vbroadcast v1, $0xB;
	[tilespmem:s24+$0xEB20] =	vst v10;
	v10 =	vbroadcast v1, $0xA;
	v37 =	vld [tilespmem:s24+$0x9D30]  }
0x111: {  	[tilespmem:s24+$0xEB30] =	vst v8;
	v8 =	vmul.f32 v31, v9;
	v25 =	vmul.f32 v25, v9;
	v31 =	vld [tilespmem:s24+$0x9D40]  }
0x112: {  	[tilespmem:s24+$0xEB40] =	vst v7;
	v7 =	vmul.f32 v26, v9;
	v9 =	vmul.f32 v24, v9;
	v24 =	vld [tilespmem:s24+$0x9D50]  }
0x113: {  	v21 =	vmul.f32 v21, v33;
	[tilespmem:s24+$0xEB50] =	vst v5;
	v5 =	vmul.f32 v23, v33;
	v23 =	vld [tilespmem:s24+$0x9D60]  }
0x114: {  	[tilespmem:s24+$0xEB60] =	vst v6;
	v6 =	vmul.f32 v22, v33;
	v22 =	vmul.f32 v34, v33;
	v26 =	vld [tilespmem:s24+$0x9D70]  }
0x115: {  	v17 =	vmul.f32 v17, v10;
	[tilespmem:s24+$0xEB70] =	vst v4;
	v4 =	vmul.f32 v38, v10;
	v33 =	vld [tilespmem:s24+$0x9D80]  }
0x116: {  	[tilespmem:s24+$0xEB80] =	vst v3;
	v3 =	vmul.f32 v18, v10;
	v10 =	vmul.f32 v16, v10;
	v16 =	vld [tilespmem:s24+$0x9D90]  }
0x117: {  	[tilespmem:s24+$0xEB90] =	vst v2;
	v2 =	vmul.f32 v15, v36;
	v15 =	vmul.f32 v20, v36;
	v18 =	vld [tilespmem:s24+$0x9DA0]  }
0x118: {  	[tilespmem:s24+$0xEBA0] =	vst v13;
	v13 =	vmul.f32 v27, v36;
	v27 =	vmul.f32 v29, v36;
	v20 =	vld [tilespmem:s24+$0x9DB0]  }
0x119: {  	v29 =	vbroadcast v1, $0xD;
	[tilespmem:s24+$0xEBB0] =	vst v14;
	v14 =	vbroadcast v1, $0xC;
	v34 =	vld [tilespmem:s24+$0x9DC0]  }
0x11a: {  	[tilespmem:s24+$0xEBC0] =	vst v19;
	v19 =	vbroadcast v1, $0xE;
	v36 =	vld [tilespmem:s24+$0x9DD0];
	v1 =	vbroadcast v1, $0xF  }
0x11b: {  	[tilespmem:s24+$0xEBD0] =	vst v11;
	v11 =	vmul.f32 v32, v14;
	v32 =	vmul.f32 v35, v14;
	v35 =	vld [tilespmem:s24+$0x9DE0]  }
0x11c: {  	[tilespmem:s24+$0xEBE0] =	vst v28;
	v28 =	vmul.f32 v37, v14;
	v14 =	vmul.f32 v31, v14;
	v31 =	vld [tilespmem:s24+$0x9DF0]  }
0x11d: {  	v37 =	vmul.f32 v23, v29;
	[tilespmem:s24+$0xEBF0] =	vst v12;
	v12 =	vmul.f32 v24, v29;
	v23 =	vld [tilespmem:s24+$0x9E00]  }
0x11e: {  	[tilespmem:s24+$0xEC00] =	vst v30;
	v30 =	vmul.f32 v26, v29;
	v29 =	vmul.f32 v33, v29  }
0x11f: {  	v33 =	vmul.f32 v18, v19;
	[tilespmem:s24+$0xEC10] =	vst v8;
	v8 =	vmul.f32 v16, v19  }
0x120: {  	v38 =	vmul.f32 v20, v19;
	v34 =	vmul.f32 v34, v19;
	[tilespmem:s24+$0xEC20] =	vst v25  }
0x121: {  	v36 =	vmul.f32 v36, v1;
	v35 =	vmul.f32 v35, v1;
	[tilespmem:s24+$0xEC30] =	vst v7  }
0x122: {  	v31 =	vmul.f32 v31, v1;
	[tilespmem:s24+$0xEC40] =	vst v9;
	v1 =	vmul.f32 v23, v1  }
0x123: {  	[tilespmem:s24+$0xEC50] =	vst v5  }
0x124: {  	[tilespmem:s24+$0xEC60] =	vst v21  }
0x125: {  	s15 =	sshra.s32 s14, $0x2;
	[tilespmem:s24+$0xEC70] =	vst v6  }
0x126: {  	v25 =	vld [tilespmem:s15+$0x9A10];
	[tilespmem:s24+$0xEC80] =	vst v22  }
0x127: {  	v26 =	vld [tilespmem:s15+$0x9A20];
	[tilespmem:s24+$0xEC90] =	vst v4  }
0x128: {  	v24 =	vld [tilespmem:s15+$0x9A30];
	[tilespmem:s24+$0xECA0] =	vst v17  }
0x129: {  	v23 =	vld [tilespmem:s15+$0x9A40];
	[tilespmem:s24+$0xECB0] =	vst v3  }
0x12a: {  	v21 =	vld [tilespmem:s15+$0x9A50];
	[tilespmem:s24+$0xECC0] =	vst v10  }
0x12b: {  	v22 =	vld [tilespmem:s15+$0x9A60];
	[tilespmem:s24+$0xECD0] =	vst v2  }
0x12c: {  	v20 =	vld [tilespmem:s15+$0x9A70];
	[tilespmem:s24+$0xECE0] =	vst v15  }
0x12d: {  	v19 =	vld [tilespmem:s15+$0x9A80];
	[tilespmem:s24+$0xECF0] =	vst v13  }
0x12e: {  	v17 =	vld [tilespmem:s15+$0x9A90];
	[tilespmem:s24+$0xED00] =	vst v27  }
0x12f: {  	v18 =	vld [tilespmem:s15+$0x9AA0];
	[tilespmem:s24+$0xED10] =	vst v11  }
0x130: {  	v16 =	vld [tilespmem:s15+$0x9AB0];
	[tilespmem:s24+$0xED20] =	vst v32  }
0x131: {  	v15 =	vld [tilespmem:s15+$0x9AC0];
	[tilespmem:s24+$0xED30] =	vst v28  }
0x132: {  	v13 =	vld [tilespmem:s15+$0x9AD0];
	[tilespmem:s24+$0xED40] =	vst v14  }
0x133: {  	v14 =	vld [tilespmem:s15+$0x9AE0];
	[tilespmem:s24+$0xED50] =	vst v12  }
0x134: {  	v11 =	vld [tilespmem:s15+$0x9AF0];
	[tilespmem:s24+$0xED60] =	vst v37  }
0x135: {  	v12 =	vld [tilespmem:s15+$0x9B00];
	[tilespmem:s24+$0xED70] =	vst v30  }
0x136: {  	v9 =	vld [tilespmem:s15+$0x9B10];
	[tilespmem:s24+$0xED80] =	vst v29  }
0x137: {  	v10 =	vld [tilespmem:s15+$0x9B20];
	[tilespmem:s24+$0xED90] =	vst v8  }
0x138: {  	v8 =	vld [tilespmem:s15+$0x9B30];
	[tilespmem:s24+$0xEDA0] =	vst v33  }
0x139: {  	v7 =	vld [tilespmem:s15+$0x9B40];
	[tilespmem:s24+$0xEDB0] =	vst v38  }
0x13a: {  	v5 =	vld [tilespmem:s15+$0x9B50];
	[tilespmem:s24+$0xEDC0] =	vst v34  }
.Ltmp1:
0x13b: {  	v6 =	vld [tilespmem:s15+$0x9B60];
	[tilespmem:s24+$0xEDD0] =	vst v36;
	(pc) =	sbr.rel @p0 .LBB2_4-.Ltmp1, $4  }
0x13c: {  	v4 =	vld [tilespmem:s15+$0x9B70];
	[tilespmem:s24+$0xEDE0] =	vst v35  }
0x13d: {  	v3 =	vld [tilespmem:s15+$0x9B80];
	[tilespmem:s24+$0xEDF0] =	vst v31  }
0x13e: {  	s9 =	sadd.s32 $0x10, s9;
	v2 =	vld [tilespmem:s15+$0x9B90];
	[tilespmem:s24+$0xEE00] =	vst v1;
	s24 =	smov.u32 s15  }
0x13f: {  	s14 =	sadd.s32 $0x1000, s14;
	v1 =	vld [tilespmem:s9+$0x0]  }
0x140: {  	_ =	sdelay $0x3  }
0x141: {  	v31 =	vbroadcast v1, $0x0;
	_ =	sdelay $0x1  }
0x142: {  	v25 =	vmul.f32 v31, v25  }
0x143: {  	v26 =	vmul.f32 v26, v31  }
0x144: {  	v36 =	vbroadcast v1, $0x1;
	v24 =	vmul.f32 v24, v31;
	[tilespmem:s24+$0xEA10] =	vst v25  }
0x145: {  	v23 =	vmul.f32 v23, v31;
	[tilespmem:s24+$0xEA20] =	vst v26  }
0x146: {  	v21 =	vmul.f32 v21, v36;
	[tilespmem:s24+$0xEA30] =	vst v24  }
0x147: {  	v22 =	vmul.f32 v22, v36;
	[tilespmem:s24+$0xEA40] =	vst v23  }
0x148: {  	v57 =	vbroadcast v1, $0x2;
	v20 =	vmul.f32 v20, v36;
	[tilespmem:s24+$0xEA50] =	vst v21  }
0x149: {  	v19 =	vmul.f32 v19, v36;
	[tilespmem:s24+$0xEA60] =	vst v22  }
0x14a: {  	v17 =	vmul.f32 v17, v57;
	[tilespmem:s24+$0xEA70] =	vst v20  }
0x14b: {  	v18 =	vmul.f32 v18, v57;
	[tilespmem:s24+$0xEA80] =	vst v19  }
0x14c: {  	v58 =	vbroadcast v1, $0x3;
	v16 =	vmul.f32 v16, v57;
	[tilespmem:s24+$0xEA90] =	vst v17  }
0x14d: {  	v15 =	vmul.f32 v15, v57;
	[tilespmem:s24+$0xEAA0] =	vst v18  }
0x14e: {  	v13 =	vmul.f32 v13, v58;
	[tilespmem:s24+$0xEAB0] =	vst v16  }
0x14f: {  	v14 =	vmul.f32 v14, v58;
	[tilespmem:s24+$0xEAC0] =	vst v15  }
0x150: {  	v59 =	vbroadcast v1, $0x4;
	v11 =	vmul.f32 v11, v58;
	[tilespmem:s24+$0xEAD0] =	vst v13  }
0x151: {  	v12 =	vmul.f32 v12, v58;
	[tilespmem:s24+$0xEAE0] =	vst v14  }
0x152: {  	v9 =	vmul.f32 v9, v59;
	[tilespmem:s24+$0xEAF0] =	vst v11  }
0x153: {  	v10 =	vmul.f32 v10, v59;
	[tilespmem:s24+$0xEB00] =	vst v12  }
0x154: {  	v62 =	vbroadcast v1, $0x5;
	v8 =	vmul.f32 v8, v59;
	[tilespmem:s24+$0xEB10] =	vst v9  }
0x155: {  	v7 =	vmul.f32 v7, v59;
	[tilespmem:s24+$0xEB20] =	vst v10  }
0x156: {  	v27 =	vld [tilespmem:s24+$0x9BA0];
	v5 =	vmul.f32 v5, v62;
	[tilespmem:s24+$0xEB30] =	vst v8  }
0x157: {  	v28 =	vld [tilespmem:s24+$0x9BB0];
	v6 =	vmul.f32 v6, v62;
	[tilespmem:s24+$0xEB40] =	vst v7  }
0x158: {  	v29 =	vld [tilespmem:s24+$0x9BC0];
	v43 =	vbroadcast v1, $0x6;
	v4 =	vmul.f32 v4, v62;
	[tilespmem:s24+$0xEB50] =	vst v5  }
0x159: {  	v30 =	vld [tilespmem:s24+$0x9BD0];
	v3 =	vmul.f32 v3, v62;
	[tilespmem:s24+$0xEB60] =	vst v6  }
0x15a: {  	v32 =	vld [tilespmem:s24+$0x9BE0];
	v2 =	vmul.f32 v2, v43;
	[tilespmem:s24+$0xEB70] =	vst v4  }
0x15b: {  	v33 =	vld [tilespmem:s24+$0x9BF0];
	v27 =	vmul.f32 v27, v43;
	[tilespmem:s24+$0xEB80] =	vst v3  }
0x15c: {  	v34 =	vld [tilespmem:s24+$0x9C00];
	v46 =	vbroadcast v1, $0x7;
	v28 =	vmul.f32 v28, v43;
	[tilespmem:s24+$0xEB90] =	vst v2  }
0x15d: {  	v35 =	vld [tilespmem:s24+$0x9C10];
	v29 =	vmul.f32 v29, v43;
	[tilespmem:s24+$0xEBA0] =	vst v27  }
0x15e: {  	v56 =	vld [tilespmem:s24+$0x9C20];
	v30 =	vmul.f32 v30, v46;
	[tilespmem:s24+$0xEBB0] =	vst v28  }
0x15f: {  	v60 =	vld [tilespmem:s24+$0x9D20];
	v49 =	vmul.f32 v32, v46;
	[tilespmem:s24+$0xEBC0] =	vst v29  }
0x160: {  	v61 =	vld [tilespmem:s24+$0x9D30];
	v52 =	vbroadcast v1, $0x8;
	v51 =	vmul.f32 v33, v46;
	[tilespmem:s24+$0xEBD0] =	vst v30  }
0x161: {  	v63 =	vld [tilespmem:s24+$0x9D40];
	v34 =	vmul.f32 v34, v46;
	[tilespmem:s24+$0xEBE0] =	vst v49  }
0x162: {  	v40 =	vld [tilespmem:s24+$0x9D50];
	v54 =	vmul.f32 v35, v52;
	v59 =	vbroadcast v1, $0xC;
	[tilespmem:s24+$0xEBF0] =	vst v51  }
0x163: {  	v41 =	vld [tilespmem:s24+$0x9D60];
	v25 =	vmul.f32 v56, v52;
	[tilespmem:s24+$0xEC00] =	vst v34  }
0x164: {  	v42 =	vld [tilespmem:s24+$0x9D70];
	[tilespmem:s24+$0xEC10] =	vst v54;
	v9 =	vmul.f32 v60, v59  }
0x165: {  	v44 =	vld [tilespmem:s24+$0x9D80];
	v60 =	vbroadcast v1, $0xD;
	v10 =	vmul.f32 v61, v59;
	[tilespmem:s24+$0xEC20] =	vst v25  }
0x166: {  	v45 =	vld [tilespmem:s24+$0x9DB0];
	v57 =	vbroadcast v1, $0xA;
	v8 =	vmul.f32 v63, v59;
	[tilespmem:s24+$0xED20] =	vst v9  }
0x167: {  	v50 =	vld [tilespmem:s24+$0x9DE0];
	v58 =	vbroadcast v1, $0xB;
	v7 =	vmul.f32 v40, v60;
	[tilespmem:s24+$0xED30] =	vst v10  }
0x168: {  	v26 =	vld [tilespmem:s24+$0x9C30];
	v56 =	vbroadcast v1, $0x9;
	v5 =	vmul.f32 v41, v60;
	[tilespmem:s24+$0xED40] =	vst v8  }
0x169: {  	v24 =	vld [tilespmem:s24+$0x9C40];
	v61 =	vbroadcast v1, $0xE;
	v6 =	vmul.f32 v42, v60;
	[tilespmem:s24+$0xED50] =	vst v7  }
0x16a: {  	v23 =	vld [tilespmem:s24+$0x9C50];
	v1 =	vbroadcast v1, $0xF;
	v4 =	vmul.f32 v44, v60;
	[tilespmem:s24+$0xED60] =	vst v5  }
0x16b: {  	v21 =	vld [tilespmem:s24+$0x9C60];
	v62 =	vmul.f32 v45, v61;
	[tilespmem:s24+$0xED70] =	vst v6  }
0x16c: {  	v22 =	vld [tilespmem:s24+$0x9C70];
	v63 =	vmul.f32 v50, v1;
	[tilespmem:s24+$0xED80] =	vst v4  }
0x16d: {  	v20 =	vld [tilespmem:s24+$0x9C80];
	[tilespmem:s24+$0xEDB0] =	vst v62;
	v26 =	vmul.f32 v26, v52  }
0x16e: {  	v19 =	vld [tilespmem:s24+$0x9C90];
	[tilespmem:s24+$0xEDE0] =	vst v63;
	v24 =	vmul.f32 v24, v52  }
0x16f: {  	v17 =	vld [tilespmem:s24+$0x9CA0];
	v23 =	vmul.f32 v23, v56;
	[tilespmem:s24+$0xEC30] =	vst v26  }
0x170: {  	v18 =	vld [tilespmem:s24+$0x9CB0];
	v21 =	vmul.f32 v21, v56;
	[tilespmem:s24+$0xEC40] =	vst v24  }
0x171: {  	v16 =	vld [tilespmem:s24+$0x9CC0];
	v22 =	vmul.f32 v22, v56;
	[tilespmem:s24+$0xEC50] =	vst v23  }
0x172: {  	v15 =	vld [tilespmem:s24+$0x9CD0];
	v20 =	vmul.f32 v20, v56;
	[tilespmem:s24+$0xEC60] =	vst v21  }
0x173: {  	v13 =	vld [tilespmem:s24+$0x9CE0];
	v19 =	vmul.f32 v19, v57;
	[tilespmem:s24+$0xEC70] =	vst v22  }
0x174: {  	v14 =	vld [tilespmem:s24+$0x9CF0];
	v17 =	vmul.f32 v17, v57;
	[tilespmem:s24+$0xEC80] =	vst v20  }
0x175: {  	v11 =	vld [tilespmem:s24+$0x9D00];
	v18 =	vmul.f32 v18, v57;
	[tilespmem:s24+$0xEC90] =	vst v19  }
0x176: {  	v12 =	vld [tilespmem:s24+$0x9D10];
	v16 =	vmul.f32 v16, v57;
	[tilespmem:s24+$0xECA0] =	vst v17  }
0x177: {  	v3 =	vld [tilespmem:s24+$0x9D90];
	v15 =	vmul.f32 v15, v58;
	[tilespmem:s24+$0xECB0] =	vst v18  }
0x178: {  	v2 =	vld [tilespmem:s24+$0x9DA0];
	v13 =	vmul.f32 v13, v58;
	[tilespmem:s24+$0xECC0] =	vst v16  }
0x179: {  	v47 =	vld [tilespmem:s24+$0x9DC0];
	v14 =	vmul.f32 v14, v58;
	[tilespmem:s24+$0xECD0] =	vst v15  }
0x17a: {  	v48 =	vld [tilespmem:s24+$0x9DD0];
	v11 =	vmul.f32 v11, v58;
	[tilespmem:s24+$0xECE0] =	vst v13  }
0x17b: {  	v53 =	vld [tilespmem:s24+$0x9DF0];
	v12 =	vmul.f32 v12, v59;
	[tilespmem:s24+$0xECF0] =	vst v14  }
0x17c: {  	v55 =	vld [tilespmem:s24+$0x9E00];
	v3 =	vmul.f32 v3, v61;
	[tilespmem:s24+$0xED00] =	vst v11  }
0x17d: {  	v2 =	vmul.f32 v2, v61;
	[tilespmem:s24+$0xED10] =	vst v12  }
0x17e: {  	[tilespmem:s24+$0xED90] =	vst v3;
	v3 =	vmul.f32 v47, v61  }
0x17f: {  	[tilespmem:s24+$0xEDA0] =	vst v2;
	v2 =	vmul.f32 v48, v1  }
0x180: {  	[tilespmem:s24+$0xEDC0] =	vst v3;
	v3 =	vmul.f32 v53, v1  }
0x181: {  	[tilespmem:s24+$0xEDD0] =	vst v2;
	v1 =	vmul.f32 v55, v1  }
0x182: {  	[tilespmem:s24+$0xEDF0] =	vst v3  }
0x183: {  	s9 =	simm.s32 $0x0;
	s14 =	rddreg [dreg:$0x9];
	[tilespmem:s24+$0xEE00] =	vst v1  }
0x184: {  	[hbm4b:s14+s9] =	stream.linear.scatter [tilespmem:s26], [sflag:$0x5], $0x4E00, $0x38;
	[tilespmem:$0x1AEA0] =	vst v63  }
0x185: {  	_ =	swait.ge [sflag:s25], $0x4E00  }
0x186: {  	[sflag:s25] =	ssyncset.done $0x0  }
0x187: {  	s14 =	simm.s32 $0x100;
	s9 =	simm.s32 $0x0;
	[sflag:s25] =	ssyncadd.s32 $0xFFFFB200  }
.LBB2_6:
0x188: {  	p0 =	sne.s32 s14, $0x13F00;
	[tilespmem:s9+$0xEE30] =	vst v0;
	s15 =	smov.u32 s14;
	s14 =	sadd.s32 $0x100, s14  }
.Ltmp2:
0x189: {  	[tilespmem:s9+$0xEE20] =	vst v0;
	(pc) =	sbr.rel @p0 .LBB2_6-.Ltmp2, $3  }
0x18a: {  	[tilespmem:s9+$0xEE00] =	vst v0  }
0x18b: {  	[tilespmem:s9+$0xEE10] =	vst v0;
	_ =	sdelay $0x1  }
0x18c: {  	s9 =	sshra.s32 s15, $0x2  }
0x18d: {  	[tilespmem:s9+$0xEE30] =	vst v0  }
0x18e: {  	[tilespmem:s9+$0xEE20] =	vst v0  }
0x18f: {  	[tilespmem:s9+$0xEE00] =	vst v0  }
0x190: {  	[tilespmem:s9+$0xEE10] =	vst v0  }
0x191: {  	[spmem:s10] =	stream.linear.scatter [tilespmem:s26], [sflag:$0x5], $0x5000, $0x38;
	[tilespmem:$0x1AEA0] =	vst v63  }
0x192: {  	_ =	swait.ge [sflag:s25], $0x5000  }
0x193: {  	[sflag:s25] =	ssyncset.done $0x0  }
0x194: {  	[sflag:s25] =	ssyncadd.s32 $0xFFFFB000  }
0x195: {  	[bflag:$0x0] =	sbarrier.arrive $0xFFFF  }
0x196: {  	[tilespmem:s28], [sflag:$0x3] =	stream.linear.gather [hbm4b:s11+s3], $0x1B0, $0x38;
	[tilespmem:$0x1AEA0] =	vst v63  }
0x197: {  	_ = 	snop  }
0x198: {  	[tilespmem:s29], [sflag:$0x4] =	stream.linear.gather [hbm4b:s12+s3], $0x1B0, $0x38;
	[tilespmem:$0x1AEA0] =	vst v63  }
0x199: {  	_ =	swait.ge [sflag:s30], $0x1B0  }
0x19a: {  	[sflag:s30] =	ssyncset.done $0x0  }
0x19b: {  	[sflag:s30] =	ssyncadd.s32 $0xFFFFFE50  }
0x19c: {  	[tilespmem:s1], [sflag:$0x1] =	stream.indirect.gather [hbm4b:s13+s31], $0x40, s28, s31, $0xb8;
	[tilespmem:$0x1AEA0] =	vst v63  }
0x19d: {  	_ =	swait.ge [sflag:s0], $0x1B0  }
0x19e: {  	[sflag:s0] =	ssyncset.done $0x0  }
0x19f: {  	[sflag:s0] =	ssyncadd.s32 $0xFFFFFE50  }
0x1a0: {  	[tilespmem:s4], [sflag:$0x2] =	stream.indirect.gather [hbm4b:s13+s31], $0x40, s29, s31, $0xb8;
	[tilespmem:$0x1AEA0] =	vst v63  }
0x1a1: {  	_ =	swait.ge [sflag:s5], $0x3600  }
0x1a2: {  	[sflag:s5] =	ssyncset.done $0x0  }
0x1a3: {  	[sflag:s5] =	ssyncadd.s32 $0xFFFFCA00  }
0x1a4: {  	[spmem:s2] =	stream.indirect.scatter.add.f32 [tilespmem:s1], [sflag:$0x5], $0x40, s6, s31, $0xb8;
	[tilespmem:$0x1AEA0] =	vst v63  }
0x1a5: {  	_ =	swait.ge [sflag:s25], $0x3600  }
0x1a6: {  	s14 =	sadd.s32 $0xFFFFEC98, s21;
	[sflag:s25] =	ssyncset.done $0x0  }
0x1a7: {  	s24 =	sadd.s32 $0x13D4, s14;
	[sflag:s25] =	ssyncadd.s32 $0xFFFFCA00  }
0x1a8: {  	[tilespmem:s28], [sflag:$0x3] =	stream.linear.gather [hbm4b:s24+s3], $0x1B0, $0x38;
	[tilespmem:$0x1AEA0] =	vst v63  }
0x1a9: {  	_ =	swait.ge [sflag:s30], $0x1B0  }
0x1aa: {  	[sflag:s30] =	ssyncset.done $0x0  }
0x1ab: {  	[sflag:s30] =	ssyncadd.s32 $0xFFFFFE50  }
0x1ac: {  	[tilespmem:s1], [sflag:$0x1] =	stream.indirect.gather [hbm4b:s13+s31], $0x40, s28, s31, $0xb8;
	[tilespmem:$0x1AEA0] =	vst v63  }
0x1ad: {  	_ =	swait.ge [sflag:s7], $0x3600  }
0x1ae: {  	[sflag:s7] =	ssyncset.done $0x0  }
0x1af: {  	[sflag:s7] =	ssyncadd.s32 $0xFFFFCA00  }
0x1b0: {  	[spmem:s2] =	stream.indirect.scatter.add.f32 [tilespmem:s4], [sflag:$0x5], $0x40, s22, s31, $0xb8;
	[tilespmem:$0x1AEA0] =	vst v63  }
0x1b1: {  	_ =	swait.ge [sflag:s25], $0x3600  }
0x1b2: {  	[sflag:s25] =	ssyncset.done $0x0  }
0x1b3: {  	s9 =	simm.s32 $0xFFFFED04;
	s14 =	sadd.s32 $0x140A, s14;
	[sflag:s25] =	ssyncadd.s32 $0xFFFFCA00  }
.LBB2_8:
0x1b4: {  	[tilespmem:s29], [sflag:$0x4] =	stream.linear.gather [hbm4b:s14+s3], $0x1B0, $0x38;
	[tilespmem:$0x1AEA0] =	vst v63  }
0x1b5: {  	s14 =	smov.u32 s9  }
0x1b6: {  	p0 =	sne.s32 s9, $0xFFFFFF94;
	s9 =	sadd.s32 $0x6C, s9;
	_ =	swait.ge [sflag:s0], $0x1B0  }
0x1b7: {  	[sflag:s0] =	ssyncset.done $0x0  }
0x1b8: {  	[sflag:s0] =	ssyncadd.s32 $0xFFFFFE50  }
0x1b9: {  	[tilespmem:s4], [sflag:$0x2] =	stream.indirect.gather [hbm4b:s13+s31], $0x40, s29, s31, $0xb8;
	[tilespmem:$0x1AEA0] =	vst v63  }
0x1ba: {  	_ =	swait.ge [sflag:s5], $0x3600  }
0x1bb: {  	[sflag:s5] =	ssyncset.done $0x0  }
0x1bc: {  	[sflag:s5] =	ssyncadd.s32 $0xFFFFCA00  }
0x1bd: {  	[spmem:s2] =	stream.indirect.scatter.add.f32 [tilespmem:s1], [sflag:$0x5], $0x40, s6, s31, $0xb8;
	[tilespmem:$0x1AEA0] =	vst v63  }
0x1be: {  	_ =	swait.ge [sflag:s25], $0x3600  }
0x1bf: {  	s14 =	sadd.s32 s14, s21;
	[sflag:s25] =	ssyncset.done $0x0  }
0x1c0: {  	s15 =	sadd.s32 $0x13D4, s14;
	[sflag:s25] =	ssyncadd.s32 $0xFFFFCA00  }
0x1c1: {  	[tilespmem:s28], [sflag:$0x3] =	stream.linear.gather [hbm4b:s15+s3], $0x1B0, $0x38;
	[tilespmem:$0x1AEA0] =	vst v63  }
0x1c2: {  	_ =	swait.ge [sflag:s30], $0x1B0  }
0x1c3: {  	[sflag:s30] =	ssyncset.done $0x0  }
0x1c4: {  	[sflag:s30] =	ssyncadd.s32 $0xFFFFFE50  }
0x1c5: {  	[tilespmem:s1], [sflag:$0x1] =	stream.indirect.gather [hbm4b:s13+s31], $0x40, s28, s31, $0xb8;
	[tilespmem:$0x1AEA0] =	vst v63  }
0x1c6: {  	_ =	swait.ge [sflag:s7], $0x3600  }
0x1c7: {  	[sflag:s7] =	ssyncset.done $0x0  }
.Ltmp3:
0x1c8: {  	[sflag:s7] =	ssyncadd.s32 $0xFFFFCA00;
	(pc) =	sbr.rel @p0 .LBB2_8-.Ltmp3, $4  }
0x1c9: {  	[spmem:s2] =	stream.indirect.scatter.add.f32 [tilespmem:s4], [sflag:$0x5], $0x40, s22, s31, $0xb8;
	[tilespmem:$0x1AEA0] =	vst v63  }
0x1ca: {  	_ =	swait.ge [sflag:s25], $0x3600  }
0x1cb: {  	[sflag:s25] =	ssyncset.done $0x0  }
0x1cc: {  	s14 =	sadd.s32 $0x140A, s14;
	[sflag:s25] =	ssyncadd.s32 $0xFFFFCA00  }
0x1cd: {  	[tilespmem:s29], [sflag:$0x4] =	stream.linear.gather [hbm4b:s14+s3], $0x1B0, $0x38;
	[tilespmem:$0x1AEA0] =	vst v63  }
0x1ce: {  	_ =	swait.ge [sflag:s5], $0x3600  }
0x1cf: {  	[sflag:s5] =	ssyncset.done $0x0  }
0x1d0: {  	[sflag:s5] =	ssyncadd.s32 $0xFFFFCA00  }
0x1d1: {  	[spmem:s2] =	stream.indirect.scatter.add.f32 [tilespmem:s1], [sflag:$0x5], $0x40, s6, s31, $0xb8;
	[tilespmem:$0x1AEA0] =	vst v63  }
0x1d2: {  	_ =	swait.ge [sflag:s25], $0x3600  }
0x1d3: {  	[sflag:s25] =	ssyncset.done $0x0  }
0x1d4: {  	[sflag:s25] =	ssyncadd.s32 $0xFFFFCA00  }
0x1d5: {  	_ =	swait.ge [sflag:s0], $0x1B0  }
0x1d6: {  	[sflag:s0] =	ssyncset.done $0x0  }
0x1d7: {  	[sflag:s0] =	ssyncadd.s32 $0xFFFFFE50  }
0x1d8: {  	[bflag:$0x0] =	sbarrier.arrive $0xFFFF  }
0x1d9: {  	s9 =	simm.s32 $0x0;
	s24 =	rddreg [dreg:$0xa]  }
0x1da: {  	[tilespmem:s8], [sflag:$0x5] =	stream.linear.gather [hbm4b:s24+s9], $0x140, $0x38;
	[tilespmem:$0x1AEA0] =	vst v63  }
0x1db: {  	_ =	swait.ge [sflag:s25], $0x140  }
0x1dc: {  	[sflag:s25] =	ssyncset.done $0x0  }
0x1dd: {  	[sflag:s25] =	ssyncadd.s32 $0xFFFFFEC0  }
0x1de: {  	[tilespmem:s26], [sflag:$0x5] =	stream.linear.gather [spmem:s10], $0x5000, $0x38;
	[tilespmem:$0x1AEA0] =	vst v63  }
0x1df: {  	_ =	swait.ge [sflag:s25], $0x5000  }
0x1e0: {  	[sflag:s25] =	ssyncset.done $0x0  }
0x1e1: {  	s14 =	simm.s32 $0xF000;
	[sflag:s25] =	ssyncadd.s32 $0xFFFFB000  }
.LBB2_10:
0x1e2: {  	s15 =	sshra.s32 s9, $0x2  }
0x1e3: {  	v1 =	vld [tilespmem:s15+$0x1AD60];
	_ =	sdelay $0x1  }
0x1e4: {  	v2 =	vld [tilespmem:s14+$0xFFFFFE00];
	_ =	sdelay $0x2  }
0x1e5: {  	v3 =	vbroadcast v1, $0x0;
	_ =	sdelay $0x1  }
0x1e6: {  	v2 =	vmul.f32 v3, v2;
	_ =	sdelay $0x1  }
0x1e7: {  	[tilespmem:s14+$0xFFFFFE00] =	vst v2;
	v2 =	vld [tilespmem:s14+$0xFFFFFE10];
	_ =	sdelay $0x4  }
0x1e8: {  	v2 =	vmul.f32 v2, v3;
	_ =	sdelay $0x1  }
0x1e9: {  	[tilespmem:s14+$0xFFFFFE10] =	vst v2;
	v2 =	vld [tilespmem:s14+$0xFFFFFE20];
	_ =	sdelay $0x4  }
0x1ea: {  	v2 =	vmul.f32 v2, v3;
	_ =	sdelay $0x1  }
0x1eb: {  	[tilespmem:s14+$0xFFFFFE20] =	vst v2;
	v2 =	vld [tilespmem:s14+$0xFFFFFE30];
	_ =	sdelay $0x4  }
0x1ec: {  	v2 =	vmul.f32 v2, v3;
	_ =	sdelay $0x1  }
0x1ed: {  	[tilespmem:s14+$0xFFFFFE30] =	vst v2;
	v2 =	vld [tilespmem:s14+$0xFFFFFE40];
	_ =	sdelay $0x2  }
0x1ee: {  	v3 =	vbroadcast v1, $0x1;
	_ =	sdelay $0x1  }
0x1ef: {  	v2 =	vmul.f32 v2, v3;
	_ =	sdelay $0x1  }
0x1f0: {  	[tilespmem:s14+$0xFFFFFE40] =	vst v2;
	v2 =	vld [tilespmem:s14+$0xFFFFFE50];
	_ =	sdelay $0x4  }
0x1f1: {  	v2 =	vmul.f32 v2, v3;
	_ =	sdelay $0x1  }
0x1f2: {  	[tilespmem:s14+$0xFFFFFE50] =	vst v2;
	v2 =	vld [tilespmem:s14+$0xFFFFFE60];
	_ =	sdelay $0x4  }
0x1f3: {  	v2 =	vmul.f32 v2, v3;
	_ =	sdelay $0x1  }
0x1f4: {  	[tilespmem:s14+$0xFFFFFE60] =	vst v2;
	v2 =	vld [tilespmem:s14+$0xFFFFFE70];
	_ =	sdelay $0x4  }
0x1f5: {  	v2 =	vmul.f32 v2, v3;
	_ =	sdelay $0x1  }
0x1f6: {  	[tilespmem:s14+$0xFFFFFE70] =	vst v2;
	v2 =	vld [tilespmem:s14+$0xFFFFFE80];
	_ =	sdelay $0x2  }
0x1f7: {  	v3 =	vbroadcast v1, $0x2;
	_ =	sdelay $0x1  }
0x1f8: {  	v2 =	vmul.f32 v2, v3;
	_ =	sdelay $0x1  }
0x1f9: {  	[tilespmem:s14+$0xFFFFFE80] =	vst v2;
	v2 =	vld [tilespmem:s14+$0xFFFFFE90];
	_ =	sdelay $0x4  }
0x1fa: {  	v2 =	vmul.f32 v2, v3;
	_ =	sdelay $0x1  }
0x1fb: {  	[tilespmem:s14+$0xFFFFFE90] =	vst v2;
	v2 =	vld [tilespmem:s14+$0xFFFFFEA0];
	_ =	sdelay $0x4  }
0x1fc: {  	v2 =	vmul.f32 v2, v3;
	_ =	sdelay $0x1  }
0x1fd: {  	[tilespmem:s14+$0xFFFFFEA0] =	vst v2;
	v2 =	vld [tilespmem:s14+$0xFFFFFEB0];
	_ =	sdelay $0x4  }
0x1fe: {  	v2 =	vmul.f32 v2, v3;
	_ =	sdelay $0x1  }
0x1ff: {  	[tilespmem:s14+$0xFFFFFEB0] =	vst v2;
	v2 =	vld [tilespmem:s14+$0xFFFFFEC0];
	_ =	sdelay $0x2  }
0x200: {  	v3 =	vbroadcast v1, $0x3;
	_ =	sdelay $0x1  }
0x201: {  	v2 =	vmul.f32 v2, v3;
	_ =	sdelay $0x1  }
0x202: {  	[tilespmem:s14+$0xFFFFFEC0] =	vst v2;
	v2 =	vld [tilespmem:s14+$0xFFFFFED0];
	_ =	sdelay $0x4  }
0x203: {  	v2 =	vmul.f32 v2, v3;
	_ =	sdelay $0x1  }
0x204: {  	[tilespmem:s14+$0xFFFFFED0] =	vst v2;
	v2 =	vld [tilespmem:s14+$0xFFFFFEE0];
	_ =	sdelay $0x4  }
0x205: {  	v2 =	vmul.f32 v2, v3;
	_ =	sdelay $0x1  }
0x206: {  	[tilespmem:s14+$0xFFFFFEE0] =	vst v2;
	v2 =	vld [tilespmem:s14+$0xFFFFFEF0];
	_ =	sdelay $0x4  }
0x207: {  	v2 =	vmul.f32 v2, v3;
	_ =	sdelay $0x1  }
0x208: {  	[tilespmem:s14+$0xFFFFFEF0] =	vst v2;
	v2 =	vld [tilespmem:s14+$0xFFFFFF00];
	_ =	sdelay $0x2  }
0x209: {  	v3 =	vbroadcast v1, $0x4;
	_ =	sdelay $0x1  }
0x20a: {  	v2 =	vmul.f32 v2, v3;
	_ =	sdelay $0x1  }
0x20b: {  	[tilespmem:s14+$0xFFFFFF00] =	vst v2;
	v2 =	vld [tilespmem:s14+$0xFFFFFF10];
	_ =	sdelay $0x4  }
0x20c: {  	v2 =	vmul.f32 v2, v3;
	_ =	sdelay $0x1  }
0x20d: {  	[tilespmem:s14+$0xFFFFFF10] =	vst v2;
	v2 =	vld [tilespmem:s14+$0xFFFFFF20];
	_ =	sdelay $0x4  }
0x20e: {  	v2 =	vmul.f32 v2, v3;
	_ =	sdelay $0x1  }
0x20f: {  	[tilespmem:s14+$0xFFFFFF20] =	vst v2;
	v2 =	vld [tilespmem:s14+$0xFFFFFF30];
	_ =	sdelay $0x4  }
0x210: {  	v2 =	vmul.f32 v2, v3;
	_ =	sdelay $0x1  }
0x211: {  	[tilespmem:s14+$0xFFFFFF30] =	vst v2;
	v2 =	vld [tilespmem:s14+$0xFFFFFF40];
	_ =	sdelay $0x2  }
0x212: {  	v3 =	vbroadcast v1, $0x5;
	_ =	sdelay $0x1  }
0x213: {  	v2 =	vmul.f32 v2, v3;
	_ =	sdelay $0x1  }
0x214: {  	[tilespmem:s14+$0xFFFFFF40] =	vst v2;
	v2 =	vld [tilespmem:s14+$0xFFFFFF50];
	_ =	sdelay $0x4  }
0x215: {  	v2 =	vmul.f32 v2, v3;
	_ =	sdelay $0x1  }
0x216: {  	[tilespmem:s14+$0xFFFFFF50] =	vst v2;
	v2 =	vld [tilespmem:s14+$0xFFFFFF60];
	_ =	sdelay $0x4  }
0x217: {  	v2 =	vmul.f32 v2, v3;
	_ =	sdelay $0x1  }
0x218: {  	[tilespmem:s14+$0xFFFFFF60] =	vst v2;
	v2 =	vld [tilespmem:s14+$0xFFFFFF70];
	_ =	sdelay $0x4  }
0x219: {  	v2 =	vmul.f32 v2, v3;
	_ =	sdelay $0x1  }
0x21a: {  	[tilespmem:s14+$0xFFFFFF70] =	vst v2;
	v2 =	vld [tilespmem:s14+$0xFFFFFF80];
	_ =	sdelay $0x2  }
0x21b: {  	v3 =	vbroadcast v1, $0x6;
	_ =	sdelay $0x1  }
0x21c: {  	v2 =	vmul.f32 v2, v3;
	_ =	sdelay $0x1  }
0x21d: {  	[tilespmem:s14+$0xFFFFFF80] =	vst v2;
	v2 =	vld [tilespmem:s14+$0xFFFFFF90];
	_ =	sdelay $0x4  }
0x21e: {  	v2 =	vmul.f32 v2, v3;
	_ =	sdelay $0x1  }
0x21f: {  	[tilespmem:s14+$0xFFFFFF90] =	vst v2;
	v2 =	vld [tilespmem:s14+$0xFFFFFFA0];
	_ =	sdelay $0x4  }
0x220: {  	v2 =	vmul.f32 v2, v3;
	_ =	sdelay $0x1  }
0x221: {  	[tilespmem:s14+$0xFFFFFFA0] =	vst v2;
	v2 =	vld [tilespmem:s14+$0xFFFFFFB0];
	_ =	sdelay $0x4  }
0x222: {  	v2 =	vmul.f32 v2, v3;
	_ =	sdelay $0x1  }
0x223: {  	[tilespmem:s14+$0xFFFFFFB0] =	vst v2;
	v2 =	vld [tilespmem:s14+$0xFFFFFFC0];
	_ =	sdelay $0x2  }
0x224: {  	v3 =	vbroadcast v1, $0x7;
	_ =	sdelay $0x1  }
0x225: {  	v2 =	vmul.f32 v2, v3;
	_ =	sdelay $0x1  }
0x226: {  	[tilespmem:s14+$0xFFFFFFC0] =	vst v2;
	v2 =	vld [tilespmem:s14+$0xFFFFFFD0];
	_ =	sdelay $0x4  }
0x227: {  	v2 =	vmul.f32 v2, v3;
	_ =	sdelay $0x1  }
0x228: {  	[tilespmem:s14+$0xFFFFFFD0] =	vst v2;
	v2 =	vld [tilespmem:s14+$0xFFFFFFE0];
	_ =	sdelay $0x4  }
0x229: {  	v2 =	vmul.f32 v2, v3;
	_ =	sdelay $0x1  }
0x22a: {  	[tilespmem:s14+$0xFFFFFFE0] =	vst v2;
	v2 =	vld [tilespmem:s14+$0xFFFFFFF0];
	_ =	sdelay $0x4  }
0x22b: {  	v2 =	vmul.f32 v2, v3;
	_ =	sdelay $0x1  }
0x22c: {  	[tilespmem:s14+$0xFFFFFFF0] =	vst v2;
	v2 =	vld [tilespmem:s14+$0x0];
	_ =	sdelay $0x2  }
0x22d: {  	v3 =	vbroadcast v1, $0x8;
	_ =	sdelay $0x1  }
0x22e: {  	v2 =	vmul.f32 v2, v3;
	_ =	sdelay $0x1  }
0x22f: {  	[tilespmem:s14+$0x0] =	vst v2;
	v2 =	vld [tilespmem:s14+$0x10];
	_ =	sdelay $0x4  }
0x230: {  	v2 =	vmul.f32 v2, v3;
	_ =	sdelay $0x1  }
0x231: {  	[tilespmem:s14+$0x10] =	vst v2;
	v2 =	vld [tilespmem:s14+$0x20];
	_ =	sdelay $0x4  }
0x232: {  	v2 =	vmul.f32 v2, v3;
	_ =	sdelay $0x1  }
0x233: {  	[tilespmem:s14+$0x20] =	vst v2;
	v2 =	vld [tilespmem:s14+$0x30];
	_ =	sdelay $0x4  }
0x234: {  	v2 =	vmul.f32 v2, v3;
	_ =	sdelay $0x1  }
0x235: {  	[tilespmem:s14+$0x30] =	vst v2;
	v2 =	vld [tilespmem:s14+$0x40];
	_ =	sdelay $0x2  }
0x236: {  	v3 =	vbroadcast v1, $0x9;
	_ =	sdelay $0x1  }
0x237: {  	v2 =	vmul.f32 v2, v3;
	_ =	sdelay $0x1  }
0x238: {  	[tilespmem:s14+$0x40] =	vst v2;
	v2 =	vld [tilespmem:s14+$0x50];
	_ =	sdelay $0x4  }
0x239: {  	v2 =	vmul.f32 v2, v3;
	_ =	sdelay $0x1  }
0x23a: {  	[tilespmem:s14+$0x50] =	vst v2;
	v2 =	vld [tilespmem:s14+$0x60];
	_ =	sdelay $0x4  }
0x23b: {  	v2 =	vmul.f32 v2, v3;
	_ =	sdelay $0x1  }
0x23c: {  	[tilespmem:s14+$0x60] =	vst v2;
	v2 =	vld [tilespmem:s14+$0x70];
	_ =	sdelay $0x4  }
0x23d: {  	v2 =	vmul.f32 v2, v3;
	_ =	sdelay $0x1  }
0x23e: {  	[tilespmem:s14+$0x70] =	vst v2;
	v2 =	vld [tilespmem:s14+$0x80];
	_ =	sdelay $0x2  }
0x23f: {  	v3 =	vbroadcast v1, $0xA;
	_ =	sdelay $0x1  }
0x240: {  	v2 =	vmul.f32 v2, v3;
	_ =	sdelay $0x1  }
0x241: {  	[tilespmem:s14+$0x80] =	vst v2;
	v2 =	vld [tilespmem:s14+$0x90];
	_ =	sdelay $0x4  }
0x242: {  	v2 =	vmul.f32 v2, v3;
	_ =	sdelay $0x1  }
0x243: {  	[tilespmem:s14+$0x90] =	vst v2;
	v2 =	vld [tilespmem:s14+$0xA0];
	_ =	sdelay $0x4  }
0x244: {  	v2 =	vmul.f32 v2, v3;
	_ =	sdelay $0x1  }
0x245: {  	[tilespmem:s14+$0xA0] =	vst v2;
	v2 =	vld [tilespmem:s14+$0xB0];
	_ =	sdelay $0x4  }
0x246: {  	v2 =	vmul.f32 v2, v3;
	_ =	sdelay $0x1  }
0x247: {  	[tilespmem:s14+$0xB0] =	vst v2;
	v2 =	vld [tilespmem:s14+$0xC0];
	_ =	sdelay $0x2  }
0x248: {  	v3 =	vbroadcast v1, $0xB;
	_ =	sdelay $0x1  }
0x249: {  	v2 =	vmul.f32 v2, v3;
	_ =	sdelay $0x1  }
0x24a: {  	[tilespmem:s14+$0xC0] =	vst v2;
	v2 =	vld [tilespmem:s14+$0xD0];
	_ =	sdelay $0x4  }
0x24b: {  	v2 =	vmul.f32 v2, v3;
	_ =	sdelay $0x1  }
0x24c: {  	[tilespmem:s14+$0xD0] =	vst v2;
	v2 =	vld [tilespmem:s14+$0xE0];
	_ =	sdelay $0x4  }
0x24d: {  	v2 =	vmul.f32 v2, v3;
	_ =	sdelay $0x1  }
0x24e: {  	[tilespmem:s14+$0xE0] =	vst v2;
	v2 =	vld [tilespmem:s14+$0xF0];
	_ =	sdelay $0x4  }
0x24f: {  	v2 =	vmul.f32 v2, v3;
	_ =	sdelay $0x1  }
0x250: {  	[tilespmem:s14+$0xF0] =	vst v2;
	v2 =	vld [tilespmem:s14+$0x100];
	_ =	sdelay $0x2  }
0x251: {  	v3 =	vbroadcast v1, $0xC;
	_ =	sdelay $0x1  }
0x252: {  	v2 =	vmul.f32 v2, v3;
	_ =	sdelay $0x1  }
0x253: {  	[tilespmem:s14+$0x100] =	vst v2;
	v2 =	vld [tilespmem:s14+$0x110];
	_ =	sdelay $0x4  }
0x254: {  	v2 =	vmul.f32 v2, v3;
	_ =	sdelay $0x1  }
0x255: {  	[tilespmem:s14+$0x110] =	vst v2;
	v2 =	vld [tilespmem:s14+$0x120];
	_ =	sdelay $0x4  }
0x256: {  	v2 =	vmul.f32 v2, v3;
	_ =	sdelay $0x1  }
0x257: {  	[tilespmem:s14+$0x120] =	vst v2;
	v2 =	vld [tilespmem:s14+$0x130];
	_ =	sdelay $0x4  }
0x258: {  	v2 =	vmul.f32 v2, v3;
	_ =	sdelay $0x1  }
0x259: {  	[tilespmem:s14+$0x130] =	vst v2;
	v2 =	vld [tilespmem:s14+$0x140];
	_ =	sdelay $0x2  }
0x25a: {  	v3 =	vbroadcast v1, $0xD;
	_ =	sdelay $0x1  }
0x25b: {  	v2 =	vmul.f32 v2, v3;
	_ =	sdelay $0x1  }
0x25c: {  	[tilespmem:s14+$0x140] =	vst v2;
	v2 =	vld [tilespmem:s14+$0x150];
	_ =	sdelay $0x4  }
0x25d: {  	v2 =	vmul.f32 v2, v3;
	_ =	sdelay $0x1  }
0x25e: {  	[tilespmem:s14+$0x150] =	vst v2;
	v2 =	vld [tilespmem:s14+$0x160];
	_ =	sdelay $0x4  }
0x25f: {  	v2 =	vmul.f32 v2, v3;
	_ =	sdelay $0x1  }
0x260: {  	[tilespmem:s14+$0x160] =	vst v2;
	v2 =	vld [tilespmem:s14+$0x170];
	_ =	sdelay $0x4  }
0x261: {  	v2 =	vmul.f32 v2, v3;
	_ =	sdelay $0x1  }
0x262: {  	[tilespmem:s14+$0x170] =	vst v2;
	v2 =	vld [tilespmem:s14+$0x180];
	_ =	sdelay $0x2  }
0x263: {  	v3 =	vbroadcast v1, $0xE;
	_ =	sdelay $0x1  }
0x264: {  	v2 =	vmul.f32 v2, v3;
	_ =	sdelay $0x1  }
0x265: {  	[tilespmem:s14+$0x180] =	vst v2;
	v2 =	vld [tilespmem:s14+$0x190];
	_ =	sdelay $0x4  }
0x266: {  	v2 =	vmul.f32 v2, v3;
	_ =	sdelay $0x1  }
0x267: {  	[tilespmem:s14+$0x190] =	vst v2;
	v2 =	vld [tilespmem:s14+$0x1A0];
	_ =	sdelay $0x4  }
0x268: {  	v2 =	vmul.f32 v2, v3;
	_ =	sdelay $0x1  }
0x269: {  	[tilespmem:s14+$0x1A0] =	vst v2;
	v2 =	vld [tilespmem:s14+$0x1B0];
	_ =	sdelay $0x4  }
0x26a: {  	v2 =	vmul.f32 v2, v3;
	_ =	sdelay $0x1  }
0x26b: {  	[tilespmem:s14+$0x1B0] =	vst v2;
	v2 =	vld [tilespmem:s14+$0x1C0];
	_ =	sdelay $0x2  }
0x26c: {  	v1 =	vbroadcast v1, $0xF;
	_ =	sdelay $0x1  }
0x26d: {  	v2 =	vmul.f32 v2, v1;
	_ =	sdelay $0x1  }
0x26e: {  	[tilespmem:s14+$0x1C0] =	vst v2;
	v2 =	vld [tilespmem:s14+$0x1D0];
	_ =	sdelay $0x4  }
0x26f: {  	v2 =	vmul.f32 v2, v1;
	_ =	sdelay $0x1  }
0x270: {  	[tilespmem:s14+$0x1D0] =	vst v2;
	v2 =	vld [tilespmem:s14+$0x1E0];
	_ =	sdelay $0x4  }
0x271: {  	v2 =	vmul.f32 v2, v1;
	_ =	sdelay $0x1  }
0x272: {  	[tilespmem:s14+$0x1E0] =	vst v2;
	v2 =	vld [tilespmem:s14+$0x1F0];
	_ =	sdelay $0x1  }
0x273: {  	p0 =	sne.s32 s9, $0x4C0  }
.Ltmp4:
0x274: {  	_ = 	snop;
	(pc) =	sbr.rel @p0 .LBB2_10-.Ltmp4, $3  }
0x275: {  	_ = 	snop  }
0x276: {  	v1 =	vmul.f32 v2, v1;
	_ =	sdelay $0x1  }
0x277: {  	s9 =	sadd.s32 $0x40, s9;
	[tilespmem:s14+$0x1F0] =	vst v1;
	s14 =	sadd.s32 $0x400, s14  }
0x278: {  	s9 =	simm.s32 $0x0;
	s14 =	rddreg [dreg:$0xb]  }
0x279: {  	[hbm4b:s14+s9] =	stream.linear.scatter [tilespmem:s26], [sflag:$0x5], $0x5000, $0x38;
	[tilespmem:$0x1AEA0] =	vst v63  }
0x27a: {  	_ =	swait.ge [sflag:s25], $0x5000  }
0x27b: {  	[sflag:s25] =	ssyncset.done $0x0  }
0x27c: {  	[sflag:s25] =	ssyncadd.s32 $0xFFFFB000  }
0x27d: {  	s14 =	simm.s32 $0x100;
	s9 =	simm.s32 $0x0;
	[bflag:$0x0] =	sbarrier.arrive $0xFFFF  }
.LBB2_12:
0x27e: {  	p0 =	sne.s32 s14, $0x13F00;
	[tilespmem:s9+$0xEE30] =	vst v0;
	s15 =	smov.u32 s14;
	s14 =	sadd.s32 $0x100, s14  }
.Ltmp5:
0x27f: {  	[tilespmem:s9+$0xEE20] =	vst v0;
	(pc) =	sbr.rel @p0 .LBB2_12-.Ltmp5, $3  }
0x280: {  	[tilespmem:s9+$0xEE00] =	vst v0  }
0x281: {  	[tilespmem:s9+$0xEE10] =	vst v0;
	_ =	sdelay $0x1  }
0x282: {  	s9 =	sshra.s32 s15, $0x2  }
0x283: {  	[tilespmem:s9+$0xEE30] =	vst v0  }
0x284: {  	[tilespmem:s9+$0xEE20] =	vst v0  }
0x285: {  	[tilespmem:s9+$0xEE00] =	vst v0  }
0x286: {  	[tilespmem:s9+$0xEE10] =	vst v0  }
0x287: {  	[spmem:s16] =	stream.linear.scatter [tilespmem:s26], [sflag:$0x5], $0x5000, $0x38;
	[tilespmem:$0x1AEA0] =	vst v63  }
0x288: {  	_ =	swait.ge [sflag:s25], $0x5000  }
0x289: {  	[sflag:s25] =	ssyncset.done $0x0  }
0x28a: {  	[sflag:s25] =	ssyncadd.s32 $0xFFFFB000  }
0x28b: {  	[spmem:s17] =	stream.linear.scatter [tilespmem:s26], [sflag:$0x5], $0x4E00, $0x38;
	[tilespmem:$0x1AEA0] =	vst v63  }
0x28c: {  	_ =	swait.ge [sflag:s25], $0x4E00  }
0x28d: {  	[sflag:s25] =	ssyncset.done $0x0  }
0x28e: {  	[sflag:s25] =	ssyncadd.s32 $0xFFFFB200  }
0x28f: {  	[bflag:$0x0] =	sbarrier.arrive $0xFFFF  }
0x290: {  	[tilespmem:s28], [sflag:$0x3] =	stream.linear.gather [hbm4b:s11+s3], $0x1B0, $0x38;
	[tilespmem:$0x1AEA0] =	vst v63  }
0x291: {  	_ = 	snop  }
0x292: {  	[tilespmem:s29], [sflag:$0x4] =	stream.linear.gather [hbm4b:s12+s3], $0x1B0, $0x38;
	[tilespmem:$0x1AEA0] =	vst v63  }
0x293: {  	_ =	swait.ge [sflag:s30], $0x1B0  }
0x294: {  	[sflag:s30] =	ssyncset.done $0x0  }
0x295: {  	[sflag:s30] =	ssyncadd.s32 $0xFFFFFE50  }
0x296: {  	[tilespmem:s1], [sflag:$0x1] =	stream.indirect.gather [hbm4b:s18+s31], $0x40, s6, s31, $0xb8;
	[tilespmem:$0x1AEA0] =	vst v63  }
0x297: {  	_ =	swait.ge [sflag:s0], $0x1B0  }
0x298: {  	[sflag:s0] =	ssyncset.done $0x0  }
0x299: {  	[sflag:s0] =	ssyncadd.s32 $0xFFFFFE50  }
0x29a: {  	[tilespmem:s4], [sflag:$0x2] =	stream.indirect.gather [hbm4b:s18+s31], $0x40, s22, s31, $0xb8;
	[tilespmem:$0x1AEA0] =	vst v63  }
0x29b: {  	_ =	swait.ge [sflag:s5], $0x3600  }
0x29c: {  	[sflag:s5] =	ssyncset.done $0x0  }
0x29d: {  	[sflag:s5] =	ssyncadd.s32 $0xFFFFCA00  }
0x29e: {  	[spmem:s2] =	stream.indirect.scatter.add.f32 [tilespmem:s1], [sflag:$0x5], $0x40, s28, s31, $0xb8;
	[tilespmem:$0x1AEA0] =	vst v63  }
0x29f: {  	_ =	swait.ge [sflag:s25], $0x3600  }
0x2a0: {  	s14 =	sadd.s32 $0xFFFFEC98, s21;
	[sflag:s25] =	ssyncset.done $0x0  }
0x2a1: {  	s24 =	sadd.s32 $0x13D4, s14;
	[sflag:s25] =	ssyncadd.s32 $0xFFFFCA00  }
0x2a2: {  	[tilespmem:s28], [sflag:$0x3] =	stream.linear.gather [hbm4b:s24+s3], $0x1B0, $0x38;
	[tilespmem:$0x1AEA0] =	vst v63  }
0x2a3: {  	_ =	swait.ge [sflag:s30], $0x1B0  }
0x2a4: {  	[sflag:s30] =	ssyncset.done $0x0  }
0x2a5: {  	[sflag:s30] =	ssyncadd.s32 $0xFFFFFE50  }
0x2a6: {  	[tilespmem:s1], [sflag:$0x1] =	stream.indirect.gather [hbm4b:s18+s31], $0x40, s6, s31, $0xb8;
	[tilespmem:$0x1AEA0] =	vst v63  }
0x2a7: {  	_ =	swait.ge [sflag:s7], $0x3600  }
0x2a8: {  	[sflag:s7] =	ssyncset.done $0x0  }
0x2a9: {  	[sflag:s7] =	ssyncadd.s32 $0xFFFFCA00  }
0x2aa: {  	[spmem:s2] =	stream.indirect.scatter.add.f32 [tilespmem:s4], [sflag:$0x5], $0x40, s29, s31, $0xb8;
	[tilespmem:$0x1AEA0] =	vst v63  }
0x2ab: {  	_ =	swait.ge [sflag:s25], $0x3600  }
0x2ac: {  	[sflag:s25] =	ssyncset.done $0x0  }
0x2ad: {  	s9 =	simm.s32 $0xFFFFED04;
	s14 =	sadd.s32 $0x140A, s14;
	[sflag:s25] =	ssyncadd.s32 $0xFFFFCA00  }
.LBB2_14:
0x2ae: {  	[tilespmem:s29], [sflag:$0x4] =	stream.linear.gather [hbm4b:s14+s3], $0x1B0, $0x38;
	[tilespmem:$0x1AEA0] =	vst v63  }
0x2af: {  	s14 =	smov.u32 s9  }
0x2b0: {  	p0 =	sne.s32 s9, $0xFFFFFF94;
	s9 =	sadd.s32 $0x6C, s9;
	_ =	swait.ge [sflag:s0], $0x1B0  }
0x2b1: {  	[sflag:s0] =	ssyncset.done $0x0  }
0x2b2: {  	[sflag:s0] =	ssyncadd.s32 $0xFFFFFE50  }
0x2b3: {  	[tilespmem:s4], [sflag:$0x2] =	stream.indirect.gather [hbm4b:s18+s31], $0x40, s22, s31, $0xb8;
	[tilespmem:$0x1AEA0] =	vst v63  }
0x2b4: {  	_ =	swait.ge [sflag:s5], $0x3600  }
0x2b5: {  	[sflag:s5] =	ssyncset.done $0x0  }
0x2b6: {  	[sflag:s5] =	ssyncadd.s32 $0xFFFFCA00  }
0x2b7: {  	[spmem:s2] =	stream.indirect.scatter.add.f32 [tilespmem:s1], [sflag:$0x5], $0x40, s28, s31, $0xb8;
	[tilespmem:$0x1AEA0] =	vst v63  }
0x2b8: {  	_ =	swait.ge [sflag:s25], $0x3600  }
0x2b9: {  	s14 =	sadd.s32 s14, s21;
	[sflag:s25] =	ssyncset.done $0x0  }
0x2ba: {  	s15 =	sadd.s32 $0x13D4, s14;
	[sflag:s25] =	ssyncadd.s32 $0xFFFFCA00  }
0x2bb: {  	[tilespmem:s28], [sflag:$0x3] =	stream.linear.gather [hbm4b:s15+s3], $0x1B0, $0x38;
	[tilespmem:$0x1AEA0] =	vst v63  }
0x2bc: {  	_ =	swait.ge [sflag:s30], $0x1B0  }
0x2bd: {  	[sflag:s30] =	ssyncset.done $0x0  }
0x2be: {  	[sflag:s30] =	ssyncadd.s32 $0xFFFFFE50  }
0x2bf: {  	[tilespmem:s1], [sflag:$0x1] =	stream.indirect.gather [hbm4b:s18+s31], $0x40, s6, s31, $0xb8;
	[tilespmem:$0x1AEA0] =	vst v63  }
0x2c0: {  	_ =	swait.ge [sflag:s7], $0x3600  }
0x2c1: {  	[sflag:s7] =	ssyncset.done $0x0  }
.Ltmp6:
0x2c2: {  	[sflag:s7] =	ssyncadd.s32 $0xFFFFCA00;
	(pc) =	sbr.rel @p0 .LBB2_14-.Ltmp6, $4  }
0x2c3: {  	[spmem:s2] =	stream.indirect.scatter.add.f32 [tilespmem:s4], [sflag:$0x5], $0x40, s29, s31, $0xb8;
	[tilespmem:$0x1AEA0] =	vst v63  }
0x2c4: {  	_ =	swait.ge [sflag:s25], $0x3600  }
0x2c5: {  	[sflag:s25] =	ssyncset.done $0x0  }
0x2c6: {  	s14 =	sadd.s32 $0x140A, s14;
	[sflag:s25] =	ssyncadd.s32 $0xFFFFCA00  }
0x2c7: {  	[tilespmem:s29], [sflag:$0x4] =	stream.linear.gather [hbm4b:s14+s3], $0x1B0, $0x38;
	[tilespmem:$0x1AEA0] =	vst v63  }
0x2c8: {  	_ =	swait.ge [sflag:s5], $0x3600  }
0x2c9: {  	[sflag:s5] =	ssyncset.done $0x0  }
0x2ca: {  	[sflag:s5] =	ssyncadd.s32 $0xFFFFCA00  }
0x2cb: {  	[spmem:s2] =	stream.indirect.scatter.add.f32 [tilespmem:s1], [sflag:$0x5], $0x40, s28, s31, $0xb8;
	[tilespmem:$0x1AEA0] =	vst v63  }
0x2cc: {  	_ =	swait.ge [sflag:s25], $0x3600  }
0x2cd: {  	[sflag:s25] =	ssyncset.done $0x0  }
0x2ce: {  	[sflag:s25] =	ssyncadd.s32 $0xFFFFCA00  }
0x2cf: {  	s9 =	stileid.u32;
	_ =	swait.ge [sflag:s0], $0x1B0  }
0x2d0: {  	s24 =	sshrl.u32 s16, $0x3;
	s23 =	sadd.s32 $0x1, s23;
	[sflag:s0] =	ssyncset.done $0x0  }
0x2d1: {  	s9 =	sshll.u32 s9, $0x6;
	p0 =	sne.s32 s23, s20;
	[sflag:s0] =	ssyncadd.s32 $0xFFFFFE50  }
.Ltmp7:
0x2d2: {  	s9 =	sor.u32 $0x1C05, s9;
	[bflag:$0x0] =	sbarrier.arrive $0xFFFF;
	(pc) =	sbr.rel @p0 .LBB2_1-.Ltmp7, $4  }
0x2d3: {  	[hbm:s19], [sflag:s9] =	dma.local [spmem:s24], $0x13C0  }
0x2d4: {  	_ =	swait.ge [sflag:s25], $0x13C0  }
0x2d5: {  	[sflag:s25] =	ssyncset.done $0x0  }
0x2d6: {  	[sflag:s25] =	ssyncadd.s32 $0xFFFFEC40  }
0x2d7: {  	_ =	sfence.sel $0x180000  }
0x2d8: {  	[bflag:$0x0] =	sbarrier.arrive $0xFFFF  }
0x2d9: {  	_ =	strace $0x90000047  }
0x2da: {  	s0 =	stileid.u32;
	[bflag:$0x2] =	sbarrier.arrive $0xFFFF  }
0x2db: {  	p0 =	sne.s32 s0, $0x0;
	s0 =	rddreg [dreg:$0x3]  }
0x2dc: {  	s0 =	sadd.s32 @!p0 $0x100000, s0  }
0x2dd: {  	[sflag:s0] =	ssyncadd.tile.s32 @!p0 $0x1;
	_ =	shalt  }
.Lfunc_end2:
_tile_overlayer_lowered:
.L_overlay_start_2:
0x2de: {  	(tag) =	ssettag $0x2  }
0x2df: {  	s0 =	rddreg [dreg:$0x0];
	s2 =	stileid.u32  }
0x2e0: {  	s1 =	rddreg [dreg:$0x1];
	p0 =	sne.s32 s2, $0x0  }
0x2e1: {  	s3 =	rddreg [dreg:$0x2];
	[bflag:$0x3] =	sbarrier.arrive $0xFFFF;
	s2 =	simm.s32 @!p0 $0x1C05  }
0x2e2: {  	[timem:s3], [sflag:s2] =	dma.local @!p0 [hbm:s0], s1  }
0x2e3: {  	s0 =	simm.s32 @!p0 $0x5  }
0x2e4: {  	_ =	swait.ge @!p0 [sflag:s0], s1  }
0x2e5: {  	s1 =	ssub.s32 @!p0 $0x0, s1;
	[sflag:s0] =	ssyncset.done @!p0 $0x0  }
0x2e6: {  	[sflag:s0] =	ssyncadd.s32 @!p0 s1  }
0x2e7: {  	[bflag:$0x3] =	sbarrier.arrive $0xFFFF  }
0x2e8: {  	_ =	shalt  }

</sc_bundles>
